<compile_context>
chip_gen: v7x
topology: tpu7x:2x2x1
jax: 0.10.2.dev20260603
libtpu: 0.0.44.dev20260713+nightly
codegen_flags: <defaults>
</compile_context>

<pallas_src>
import functools

import jax
import jax.numpy as jnp
from jax import lax
from jax.experimental import pallas as pl
from jax.experimental.pallas import tpu as pltpu
from jax.experimental.pallas import tpu_sc as plsc

N_NODES = 100000
D = 128
MSG = 256
B = 16384
G3 = 3 * D

NC, NS, L = 2, 16, 16
NW = NC * NS
BPW = B // NW
IDR = BPW // L // 8

RANGE = 3128
LAST_RANGE = N_NODES - (NW - 1) * RANGE
RT = 3136
NG_SCAN = B // L
NG_W = RT // L
CH = 128
NCH = 26
CPR = 256

_MESH = dict(core_axis_name="c", subcore_axis_name="s", num_cores=NC,
             num_subcores=NS)
_SC_PARAMS = pltpu.CompilerParams(needs_layout_passes=False)


@functools.partial(
    pl.kernel,
    out_type=jax.ShapeDtypeStruct((B, D), jnp.float32),
    mesh=plsc.VectorSubcoreMesh(**_MESH),
    compiler_params=_SC_PARAMS,
    scratch_types=[
        pltpu.VMEM((IDR, 128), jnp.int32),
        pltpu.VMEM((BPW, D), jnp.float32),
        pltpu.SemaphoreType.DMA,
    ],
)
def _gather_rows(ids2d_hbm, table_hbm, out_hbm, idx_v, rows_v, sem):
    wid = lax.axis_index("s") * NC + lax.axis_index("c")
    pltpu.sync_copy(ids2d_hbm.at[pl.ds(wid * IDR, IDR)], idx_v)
    descs = [pltpu.make_async_copy(table_hbm.at[idx_v.at[c]],
                                   rows_v.at[pl.ds(c * 128, 128)], sem)
             for c in range(IDR)]
    for d in descs:
        d.start()
    for d in descs:
        d.wait()
    pltpu.sync_copy(rows_v, out_hbm.at[pl.ds(wid * BPW, BPW)])


def _gru_body(msg_ref, hp_ref, wih_ref, whh_ref, bih_ref, bhh_ref, out_ref):
    h = hp_ref[...]
    gx = lax.dot_general(msg_ref[...], wih_ref[...], (((1,), (1,)), ((), ())),
                         preferred_element_type=jnp.float32)
    gh = lax.dot_general(h, whh_ref[...], (((1,), (1,)), ((), ())),
                         preferred_element_type=jnp.float32)
    gx = gx + bih_ref[0:1, :]
    gh = gh + bhh_ref[0:1, :]
    r = jax.nn.sigmoid(gx[:, 0:D] + gh[:, 0:D])
    z = jax.nn.sigmoid(gx[:, D:2 * D] + gh[:, D:2 * D])
    n = jnp.tanh(gx[:, 2 * D:G3] + r * gh[:, 2 * D:G3])
    out_ref[...] = (1.0 - z) * n + z * h


def _run_gru(messages, h_prev, W_ih, W_hh, b_ih8, b_hh8):
    BM = 1024
    return pl.pallas_call(
        _gru_body,
        grid=(B // BM,),
        in_specs=[
            pl.BlockSpec((BM, MSG), lambda i: (i, 0)),
            pl.BlockSpec((BM, D), lambda i: (i, 0)),
            pl.BlockSpec((G3, MSG), lambda i: (0, 0)),
            pl.BlockSpec((G3, D), lambda i: (0, 0)),
            pl.BlockSpec((8, G3), lambda i: (0, 0)),
            pl.BlockSpec((8, G3), lambda i: (0, 0)),
        ],
        out_specs=pl.BlockSpec((BM, D), lambda i: (i, 0)),
        out_shape=jax.ShapeDtypeStruct((B, D), jnp.float32),
    )(messages, h_prev, W_ih, W_hh, b_ih8, b_hh8)


def _copy_body(in_ref, out_ref):
    out_ref[...] = in_ref[...]


def _tc_copy(table):
    BR = 4000
    return pl.pallas_call(
        _copy_body,
        grid=(N_NODES // BR,),
        in_specs=[pl.BlockSpec((BR, D), lambda i: (i, 0))],
        out_specs=pl.BlockSpec((BR, D), lambda i: (i, 0)),
        out_shape=jax.ShapeDtypeStruct((N_NODES, D), jnp.float32),
    )(table)


@functools.partial(
    pl.kernel,
    out_type=(),
    mesh=plsc.VectorSubcoreMesh(**_MESH),
    compiler_params=_SC_PARAMS,
    scratch_types=[
        pltpu.VMEM((L,), jnp.int32),
        pltpu.VMEM((B,), jnp.int32),
        pltpu.VMEM((B,), jnp.int32),
        pltpu.VMEM((RT,), jnp.int32),
        pltpu.VMEM((RT,), jnp.int32),
        pltpu.VMEM((NCH, CH), jnp.int32),
        pltpu.VMEM((NCH, CH), jnp.int32),
        pltpu.SemaphoreType.DMA,
        pltpu.SemaphoreType.DMA,
    ],
)
def _prep_updates(ids_hbm, ts_hbm, lu_hbm,
                  outlu_hbm, rows_hbm, bats_hbm, cnt_hbm,
                  cnt_v, ids_v, ts_v, winner_v, lu_v, rows_l, bats_l,
                  sem_st, sem_lu):
    wid = lax.axis_index("s") * NC + lax.axis_index("c")
    base = wid * RANGE
    is_last_w = wid == NW - 1
    rend = base + jnp.where(is_last_w, LAST_RANGE, RANGE)

    iota = lax.iota(jnp.int32, L)
    neg1 = jnp.full((L,), -1, jnp.int32)

    def scan(g, c):
        v = ids_v[pl.ds(g * L, L)]
        bb = g * L + iota
        sk, sb = plsc.sort_key_val(v * B + bb, bb)
        sid = lax.shift_right_logical(sk, 14)
        nxt = sid.at[jnp.minimum(iota + 1, L - 1)].get(
            mode="promise_in_bounds")
        m = ((iota == L - 1) | (sid != nxt)) & (sid >= base) & (sid < rend)
        loc = jnp.where(m, sid - base, 0)
        plsc.store_scatter(winner_v, [loc], sb, mask=m)
        return c

    def stage(rng):
        lu_d = pltpu.make_async_copy(lu_hbm.at[pl.ds(base, rng)],
                                     lu_v.at[pl.ds(0, rng)], sem_lu)
        lu_d.start()
        ids_d = pltpu.make_async_copy(ids_hbm, ids_v, sem_st)
        ids_d.start()
        ts_d = pltpu.make_async_copy(ts_hbm, ts_v, sem_st)
        ts_d.start()

        def ini(g, c):
            winner_v[pl.ds(g * L, L)] = neg1
            return c

        lax.fori_loop(0, NG_W, ini, 0)
        ids_d.wait()
        lax.fori_loop(0, NG_SCAN, scan, 0)
        ts_d.wait()
        lu_d.wait()

    @pl.when(jnp.logical_not(is_last_w))
    def _():
        stage(RANGE)

    @pl.when(is_last_w)
    def _():
        stage(LAST_RANGE)

    def lug(g, c):
        w = winner_v[pl.ds(g * L, L)]
        m = w >= 0
        tv = plsc.load_gather(ts_v, [jnp.where(m, w, 0)], mask=m)
        cur = lu_v[pl.ds(g * L, L)]
        lu_v[pl.ds(g * L, L)] = jnp.where(m, tv, cur)
        return c

    lax.fori_loop(0, NG_W, lug, 0)

    def comp(g, off):
        w = winner_v[pl.ds(g * L, L)]
        m = w >= 0
        mi = m.astype(jnp.int32)
        pos = off + plsc.cumsum(mi) - mi
        pr, pc = pos // CH, pos % CH
        plsc.store_scatter(rows_l, [pr, pc], base + g * L + iota, mask=m)
        plsc.store_scatter(bats_l, [pr, pc], w, mask=m)
        return off + jnp.sum(mi)

    off = lax.fori_loop(0, NG_W, comp, jnp.int32(0))

    @pl.when(off > 0)
    def _():
        last = jnp.broadcast_to(off - 1, (L,)).astype(jnp.int32)
        padr = plsc.load_gather(rows_l, [last // CH, last % CH])
        padb = plsc.load_gather(bats_l, [last // CH, last % CH])
        for j in range(CH // L):
            pos = off + j * L + iota
            plsc.store_scatter(rows_l, [pos // CH, pos % CH], padr)
            plsc.store_scatter(bats_l, [pos // CH, pos % CH], padb)

    @pl.when(jnp.logical_not(is_last_w))
    def _():
        pltpu.sync_copy(lu_v.at[pl.ds(0, RANGE)],
                        outlu_hbm.at[pl.ds(base, RANGE)])

    @pl.when(is_last_w)
    def _():
        pltpu.sync_copy(lu_v.at[pl.ds(0, LAST_RANGE)],
                        outlu_hbm.at[pl.ds(base, LAST_RANGE)])

    pltpu.sync_copy(rows_l, rows_hbm.at[wid])
    pltpu.sync_copy(bats_l, bats_hbm.at[wid])
    cnt_v[pl.ds(0, L)] = jnp.where(iota == 0, off, 0)
    pltpu.sync_copy(cnt_v, cnt_hbm.at[wid])


@functools.partial(
    pl.kernel,
    out_type=(),
    mesh=plsc.VectorSubcoreMesh(**_MESH),
    compiler_params=_SC_PARAMS,
    scratch_types=[
        pltpu.VMEM((L,), jnp.int32),
        pltpu.VMEM((NCH, CH), jnp.int32),
        pltpu.VMEM((NCH, CH), jnp.int32),
        pltpu.VMEM((CH, D), jnp.float32),
        pltpu.VMEM((CH, D), jnp.float32),
        pltpu.SemaphoreType.DMA,
        pltpu.SemaphoreType.DMA,
        pltpu.SemaphoreType.DMA,
        pltpu.SemaphoreType.DMA,
        pltpu.SemaphoreType.DMA,
    ],
)
def _apply_rows(hnew_hbm, outmem_hbm, rows_hbm, bats_hbm, cnt_hbm,
                cnt_v, rows_v, bats_v, buf_a, buf_b,
                sem_ga, sem_gb, sem_sa, sem_sb, sem_st):
    wid = lax.axis_index("s") * NC + lax.axis_index("c")
    cd = pltpu.make_async_copy(cnt_hbm.at[wid], cnt_v, sem_st)
    cd.start()
    pltpu.sync_copy(rows_hbm.at[wid], rows_v)
    pltpu.sync_copy(bats_hbm.at[wid], bats_v)
    cd.wait()
    nch = (jnp.sum(cnt_v[pl.ds(0, L)]) + CH - 1) // CH

    bufs = (buf_a, buf_b)
    gsems = (sem_ga, sem_gb)
    ssems = (sem_sa, sem_sb)

    def g(j):
        return pltpu.make_async_copy(hnew_hbm.at[bats_v.at[j]],
                                     bufs[j % 2], gsems[j % 2])

    def s(j):
        return pltpu.make_async_copy(bufs[j % 2],
                                     outmem_hbm.at[rows_v.at[j]],
                                     ssems[j % 2])

    for j in range(NCH):
        @pl.when(j < nch)
        def _(j=j):
            if j >= 2:
                s(j - 2).wait()
            g(j).start()
            if j >= 1:
                g(j - 1).wait()
                s(j - 1).start()

    def tail(j):
        @pl.when(nch == j)
        def _():
            if j >= 2:
                s(j - 2).wait()
            g(j - 1).wait()
            s(j - 1).start()
            s(j - 1).wait()

    for j in range(1, NCH + 1):
        tail(j)


def kernel(unique_node_ids, unique_messages, timestamps, memory_table,
           last_update, W_ih, W_hh, b_ih, b_hh):
    ids = unique_node_ids.astype(jnp.int32)
    ts = timestamps.astype(jnp.int32)
    ids2d = ids.reshape(NW * IDR, 128)
    h_prev = _gather_rows(ids2d, memory_table)
    b_ih8 = jnp.broadcast_to(b_ih.reshape(1, G3), (8, G3))
    b_hh8 = jnp.broadcast_to(b_hh.reshape(1, G3), (8, G3))
    mem_ref = jax.new_ref(_tc_copy(memory_table))
    lu_ref = jax.new_ref(lax.empty((N_NODES,), jnp.int32))
    rows_ref = jax.new_ref(lax.empty((NW, NCH, CH), jnp.int32))
    bats_ref = jax.new_ref(lax.empty((NW, NCH, CH), jnp.int32))
    cnt_ref = jax.new_ref(lax.empty((NW, L), jnp.int32))
    _prep_updates(ids, ts, last_update.astype(jnp.int32),
                  lu_ref, rows_ref, bats_ref, cnt_ref)
    h_new = _run_gru(unique_messages, h_prev, W_ih, W_hh, b_ih8, b_hh8)
    _apply_rows(h_new, mem_ref, rows_ref, bats_ref, cnt_ref)
    return mem_ref[...], lu_ref[...]

# --- scband reference (transcript-rebuilt; emitter-appended) ---
"""Pipeline reference for scband-sequence-memory-updater-91242285236968 (READ-ONLY COPY).

The authoritative reference and input builder live on the scoring server;
editing this copy changes nothing except your own understanding.
"""

import jax, jax.numpy as jnp
import numpy as np

N_NODES = 100000
MEMORY_DIM = 128
MESSAGE_DIM = 256
BATCH = 16384


def setup_inputs(seed: int = 0) -> dict:
    key = jax.random.key(seed)
    ks = jax.random.split(key, 8)
    unique_node_ids = jax.random.randint(ks[0], (BATCH,), 0, N_NODES)
    unique_messages = jax.random.normal(ks[1], (BATCH, MESSAGE_DIM), dtype=jnp.float32)
    # last_update starts at 0 so any positive timestamp satisfies the monotonicity assert
    timestamps = jax.random.randint(ks[2], (BATCH,), 1, 1000000)
    # persistent state of the Memory module
    memory_table = jax.random.normal(ks[3], (N_NODES, MEMORY_DIM), dtype=jnp.float32) * 0.1
    last_update = jnp.zeros((N_NODES,), dtype=jnp.int32)
    # GRUCell parameters (self.memory_updater = nn.GRUCell(message_dim, memory_dim))
    s = 1.0 / np.sqrt(MEMORY_DIM)
    W_ih = jax.random.uniform(ks[4], (3 * MEMORY_DIM, MESSAGE_DIM), minval=-s, maxval=s, dtype=jnp.float32)
    W_hh = jax.random.uniform(ks[5], (3 * MEMORY_DIM, MEMORY_DIM), minval=-s, maxval=s, dtype=jnp.float32)
    b_ih = jax.random.uniform(ks[6], (3 * MEMORY_DIM,), minval=-s, maxval=s, dtype=jnp.float32)
    b_hh = jax.random.uniform(ks[7], (3 * MEMORY_DIM,), minval=-s, maxval=s, dtype=jnp.float32)
    return {
        "unique_node_ids": unique_node_ids,
        "unique_messages": unique_messages,
        "timestamps": timestamps,
        "memory_table": memory_table,
        "last_update": last_update,
        "W_ih": W_ih,
        "W_hh": W_hh,
        "b_ih": b_ih,
        "b_hh": b_hh,
    }


def _gru_cell(x, h, W_ih, W_hh, b_ih, b_hh):
    # torch.nn.GRUCell gate ordering: r, z, n
    gx = x @ W_ih.T + b_ih
    gh = h @ W_hh.T + b_hh
    xr, xz, xn = jnp.split(gx, 3, axis=1)
    hr, hz, hn = jnp.split(gh, 3, axis=1)
    r = jax.nn.sigmoid(xr + hr)
    z = jax.nn.sigmoid(xz + hz)
    n = jnp.tanh(xn + r * hn)
    return (1.0 - z) * n + z * h


def reference(unique_node_ids, unique_messages, timestamps, memory_table, last_update, W_ih, W_hh, b_ih, b_hh):
    # get_updated_memory: clone memory, run GRU cell on gathered rows, scatter-overwrite back
    h_prev = memory_table[unique_node_ids]              # gather [B, memory_dim]
    h_new = _gru_cell(unique_messages, h_prev, W_ih, W_hh, b_ih, b_hh)
    updated_memory = memory_table.at[unique_node_ids].set(h_new)      # scatter-overwrite
    updated_last_update = last_update.at[unique_node_ids].set(timestamps.astype(last_update.dtype))
    return (updated_memory, updated_last_update)

if __name__ == "__main__":
    import jax
    _d = setup_inputs()
    print(jax.jit(kernel)(*tuple(_d.values())))

</pallas_src>

<mosaic_0001>
#map = affine_map<(d0, d1) -> (0, 0)>
#map1 = affine_map<(d0, d1) -> (0, 0, 0)>
module attributes {stable_mosaic.version = 14 : i64} {
  func.func @new_body(%arg0: i32, %arg1: i32, %arg2: memref<16384x128xf32, #tpu.memory_space<hbm>>, %arg3: memref<100000x128xf32, #tpu.memory_space<hbm>>, %arg4: memref<32x26x128xi32, #tpu.memory_space<hbm>>, %arg5: memref<32x26x128xi32, #tpu.memory_space<hbm>>, %arg6: memref<32x16xi32, #tpu.memory_space<hbm>>, %arg7: memref<100000x128xf32, #tpu.memory_space<hbm>>, %arg8: memref<32x26x128xi32, #tpu.memory_space<hbm>>, %arg9: memref<32x26x128xi32, #tpu.memory_space<hbm>>, %arg10: memref<32x16xi32, #tpu.memory_space<hbm>>, %arg11: memref<16xi32, #tpu.memory_space<vmem>>, %arg12: memref<26x128xi32, #tpu.memory_space<vmem>>, %arg13: memref<26x128xi32, #tpu.memory_space<vmem>>, %arg14: memref<128x128xf32, #tpu.memory_space<vmem>>, %arg15: memref<128x128xf32, #tpu.memory_space<vmem>>, %arg16: memref<!tpu.dma_semaphore, #tpu.memory_space<semaphore_mem>>, %arg17: memref<!tpu.dma_semaphore, #tpu.memory_space<semaphore_mem>>, %arg18: memref<!tpu.dma_semaphore, #tpu.memory_space<semaphore_mem>>, %arg19: memref<!tpu.dma_semaphore, #tpu.memory_space<semaphore_mem>>, %arg20: memref<!tpu.dma_semaphore, #tpu.memory_space<semaphore_mem>>) attributes {dimension_semantics = [#tpu.dimension_semantics<core_parallel>, #tpu.dimension_semantics<subcore_parallel>], iteration_bounds = array<i64: 2, 16>, scalar_prefetch = 0 : i64, scratch_operands = 10 : i64, tpu.core_type = #tpu.core_type<sc_vector_subcore>, window_params = [{transform_indices = #map}, {transform_indices = #map}, {transform_indices = #map1}, {transform_indices = #map1}, {transform_indices = #map}, {transform_indices = #map}, {transform_indices = #map1}, {transform_indices = #map1}, {transform_indices = #map}]} {
    %mul3A = arith.constant 2 : i32
    %mul3A_0 = arith.muli %arg1, %mul3A : i32
    %add3A = arith.addi %mul3A_0, %arg0 : i32
    %dma_start3A = arith.constant 0 : i32
    %dma_start3A_1 = tpu.memref_slice %arg6[%add3A, %dma_start3A] : memref<32x16xi32, #tpu.memory_space<hbm>> -> memref<1x16xi32, #tpu.memory_space<hbm>>
    %dma_start3A_2 = tpu.memref_squeeze %dma_start3A_1 : memref<1x16xi32, #tpu.memory_space<hbm>> -> memref<16xi32, #tpu.memory_space<hbm>>
    %dma_start3A_3 = arith.constant 0 : i32
    %dma_start3A_4 = tpu.memref_slice %arg6[%add3A, %dma_start3A_3] : memref<32x16xi32, #tpu.memory_space<hbm>> -> memref<1x16xi32, #tpu.memory_space<hbm>>
    %dma_start3A_5 = tpu.memref_squeeze %dma_start3A_4 : memref<1x16xi32, #tpu.memory_space<hbm>> -> memref<16xi32, #tpu.memory_space<hbm>>
    tpu.enqueue_dma source(%dma_start3A_5 : memref<16xi32, #tpu.memory_space<hbm>>) target(%arg11 : memref<16xi32, #tpu.memory_space<vmem>>) target_semaphore(%arg20 : memref<!tpu.dma_semaphore, #tpu.memory_space<semaphore_mem>>)
    "tpu.region"() ({
      %run_scoped3A = tpu.sem_alloc : memref<!tpu.dma_semaphore, #tpu.memory_space<semaphore_mem>>
      %dma_start3A_291 = arith.constant 0 : i32
      %dma_start3A_292 = arith.constant 0 : i32
      %dma_start3A_293 = tpu.memref_slice %arg4[%add3A, %dma_start3A_291, %dma_start3A_292] : memref<32x26x128xi32, #tpu.memory_space<hbm>> -> memref<1x26x128xi32, #tpu.memory_space<hbm>>
      %dma_start3A_294 = tpu.memref_squeeze %dma_start3A_293 : memref<1x26x128xi32, #tpu.memory_space<hbm>> -> memref<26x128xi32, #tpu.memory_space<hbm>>
      %dma_start3A_295 = arith.constant 0 : i32
      %dma_start3A_296 = arith.constant 0 : i32
      %dma_start3A_297 = tpu.memref_slice %arg4[%add3A, %dma_start3A_295, %dma_start3A_296] : memref<32x26x128xi32, #tpu.memory_space<hbm>> -> memref<1x26x128xi32, #tpu.memory_space<hbm>>
      %dma_start3A_298 = tpu.memref_squeeze %dma_start3A_297 : memref<1x26x128xi32, #tpu.memory_space<hbm>> -> memref<26x128xi32, #tpu.memory_space<hbm>>
      tpu.enqueue_dma source(%dma_start3A_298 : memref<26x128xi32, #tpu.memory_space<hbm>>) target(%arg12 : memref<26x128xi32, #tpu.memory_space<vmem>>) target_semaphore(%run_scoped3A : memref<!tpu.dma_semaphore, #tpu.memory_space<semaphore_mem>>)
      %dma_wait3A_299 = arith.constant 0 : i32
      %dma_wait3A_300 = arith.constant 0 : i32
      %dma_wait3A_301 = tpu.memref_slice %arg4[%add3A, %dma_wait3A_299, %dma_wait3A_300] : memref<32x26x128xi32, #tpu.memory_space<hbm>> -> memref<1x26x128xi32, #tpu.memory_space<hbm>>
      %dma_wait3A_302 = tpu.memref_squeeze %dma_wait3A_301 : memref<1x26x128xi32, #tpu.memory_space<hbm>> -> memref<26x128xi32, #tpu.memory_space<hbm>>
      %dma_wait3A_303 = arith.constant 0 : i32
      %dma_wait3A_304 = arith.constant 0 : i32
      %dma_wait3A_305 = tpu.memref_slice %arg4[%add3A, %dma_wait3A_303, %dma_wait3A_304] : memref<32x26x128xi32, #tpu.memory_space<hbm>> -> memref<1x26x128xi32, #tpu.memory_space<hbm>>
      %dma_wait3A_306 = tpu.memref_squeeze %dma_wait3A_305 : memref<1x26x128xi32, #tpu.memory_space<hbm>> -> memref<26x128xi32, #tpu.memory_space<hbm>>
      tpu.wait_dma2 semaphore(%run_scoped3A : memref<!tpu.dma_semaphore, #tpu.memory_space<semaphore_mem>>) src(%dma_wait3A_306 : memref<26x128xi32, #tpu.memory_space<hbm>>) dst(%arg12 : memref<26x128xi32, #tpu.memory_space<vmem>>)
      tpu.yield
    }) : () -> ()
    "tpu.region"() ({
      %run_scoped3A = tpu.sem_alloc : memref<!tpu.dma_semaphore, #tpu.memory_space<semaphore_mem>>
      %dma_start3A_291 = arith.constant 0 : i32
      %dma_start3A_292 = arith.constant 0 : i32
      %dma_start3A_293 = tpu.memref_slice %arg5[%add3A, %dma_start3A_291, %dma_start3A_292] : memref<32x26x128xi32, #tpu.memory_space<hbm>> -> memref<1x26x128xi32, #tpu.memory_space<hbm>>
      %dma_start3A_294 = tpu.memref_squeeze %dma_start3A_293 : memref<1x26x128xi32, #tpu.memory_space<hbm>> -> memref<26x128xi32, #tpu.memory_space<hbm>>
      %dma_start3A_295 = arith.constant 0 : i32
      %dma_start3A_296 = arith.constant 0 : i32
      %dma_start3A_297 = tpu.memref_slice %arg5[%add3A, %dma_start3A_295, %dma_start3A_296] : memref<32x26x128xi32, #tpu.memory_space<hbm>> -> memref<1x26x128xi32, #tpu.memory_space<hbm>>
      %dma_start3A_298 = tpu.memref_squeeze %dma_start3A_297 : memref<1x26x128xi32, #tpu.memory_space<hbm>> -> memref<26x128xi32, #tpu.memory_space<hbm>>
      tpu.enqueue_dma source(%dma_start3A_298 : memref<26x128xi32, #tpu.memory_space<hbm>>) target(%arg13 : memref<26x128xi32, #tpu.memory_space<vmem>>) target_semaphore(%run_scoped3A : memref<!tpu.dma_semaphore, #tpu.memory_space<semaphore_mem>>)
      %dma_wait3A_299 = arith.constant 0 : i32
      %dma_wait3A_300 = arith.constant 0 : i32
      %dma_wait3A_301 = tpu.memref_slice %arg5[%add3A, %dma_wait3A_299, %dma_wait3A_300] : memref<32x26x128xi32, #tpu.memory_space<hbm>> -> memref<1x26x128xi32, #tpu.memory_space<hbm>>
      %dma_wait3A_302 = tpu.memref_squeeze %dma_wait3A_301 : memref<1x26x128xi32, #tpu.memory_space<hbm>> -> memref<26x128xi32, #tpu.memory_space<hbm>>
      %dma_wait3A_303 = arith.constant 0 : i32
      %dma_wait3A_304 = arith.constant 0 : i32
      %dma_wait3A_305 = tpu.memref_slice %arg5[%add3A, %dma_wait3A_303, %dma_wait3A_304] : memref<32x26x128xi32, #tpu.memory_space<hbm>> -> memref<1x26x128xi32, #tpu.memory_space<hbm>>
      %dma_wait3A_306 = tpu.memref_squeeze %dma_wait3A_305 : memref<1x26x128xi32, #tpu.memory_space<hbm>> -> memref<26x128xi32, #tpu.memory_space<hbm>>
      tpu.wait_dma2 semaphore(%run_scoped3A : memref<!tpu.dma_semaphore, #tpu.memory_space<semaphore_mem>>) src(%dma_wait3A_306 : memref<26x128xi32, #tpu.memory_space<hbm>>) dst(%arg13 : memref<26x128xi32, #tpu.memory_space<vmem>>)
      tpu.yield
    }) : () -> ()
    %dma_wait3A = arith.constant 0 : i32
    %dma_wait3A_6 = tpu.memref_slice %arg6[%add3A, %dma_wait3A] : memref<32x16xi32, #tpu.memory_space<hbm>> -> memref<1x16xi32, #tpu.memory_space<hbm>>
    %dma_wait3A_7 = tpu.memref_squeeze %dma_wait3A_6 : memref<1x16xi32, #tpu.memory_space<hbm>> -> memref<16xi32, #tpu.memory_space<hbm>>
    %dma_wait3A_8 = arith.constant 0 : i32
    %dma_wait3A_9 = tpu.memref_slice %arg6[%add3A, %dma_wait3A_8] : memref<32x16xi32, #tpu.memory_space<hbm>> -> memref<1x16xi32, #tpu.memory_space<hbm>>
    %dma_wait3A_10 = tpu.memref_squeeze %dma_wait3A_9 : memref<1x16xi32, #tpu.memory_space<hbm>> -> memref<16xi32, #tpu.memory_space<hbm>>
    tpu.wait_dma2 semaphore(%arg20 : memref<!tpu.dma_semaphore, #tpu.memory_space<semaphore_mem>>) src(%dma_wait3A_10 : memref<16xi32, #tpu.memory_space<hbm>>) dst(%arg11 : memref<16xi32, #tpu.memory_space<vmem>>)
    %get3A = arith.constant 0 : index
    %get3A_11 = tpu.vector_load %arg11[%get3A] {strides = array<i32>} : memref<16xi32, #tpu.memory_space<vmem>>, vector<16xi32>,
    %reduce_sum3A = arith.constant true
    %reduce_sum3A_12 = vector.broadcast %reduce_sum3A : i1 to vector<16xi1>
    %reduce_sum3A_13 = tpu.scan <sum>, %get3A_11 masked %reduce_sum3A_12 : vector<16xi32>, vector<16xi1> -> vector<16xi32>
    %reduce_sum3A_14 = vector.extract %reduce_sum3A_13[15] : i32 from vector<16xi32>
    %add3A_15 = arith.constant 128 : i32
    %add3A_16 = arith.addi %reduce_sum3A_14, %add3A_15 : i32
    %sub3A = arith.constant 1 : i32
    %sub3A_17 = arith.subi %add3A_16, %sub3A : i32
    %jit3A = arith.constant 128 : i32
    %div3A = arith.divsi %sub3A_17, %jit3A : i32
    %sign3A = arith.constant 0 : i32
    %sign3A_18 = arith.cmpi sgt, %sub3A_17, %sign3A : i32
    %sign3A_19 = arith.extui %sign3A_18 : i1 to i32
    %sign3A_20 = arith.constant 0 : i32
    %sign3A_21 = arith.cmpi slt, %sub3A_17, %sign3A_20 : i32
    %sign3A_22 = arith.extui %sign3A_21 : i1 to i32
    %sign3A_23 = arith.subi %sign3A_19, %sign3A_22 : i32
    %sign3A_24 = arith.constant 0 : i32
    %sign3A_25 = arith.cmpi sgt, %jit3A, %sign3A_24 : i32
    %sign3A_26 = arith.extui %sign3A_25 : i1 to i32
    %sign3A_27 = arith.constant 0 : i32
    %sign3A_28 = arith.cmpi slt, %jit3A, %sign3A_27 : i32
    %sign3A_29 = arith.extui %sign3A_28 : i1 to i32
    %sign3A_30 = arith.subi %sign3A_26, %sign3A_29 : i32
    %ne3A = arith.cmpi ne, %sign3A_23, %sign3A_30 : i32
    %rem3A = arith.remsi %sub3A_17, %jit3A : i32
    %ne3A_31 = arith.constant 0 : i32
    %ne3A_32 = arith.cmpi ne, %rem3A, %ne3A_31 : i32
    %and3A = arith.andi %ne3A, %ne3A_32 : i1
    %sub3A_33 = arith.constant 1 : i32
    %sub3A_34 = arith.subi %div3A, %sub3A_33 : i32
    %select_n3A = arith.select %and3A, %sub3A_34, %div3A : i32
    %gt3A = arith.constant 0 : i32
    %gt3A_35 = arith.cmpi sgt, %select_n3A, %gt3A : i32
    %convert_element_type3A = arith.extui %gt3A_35 : i1 to i32
    %cond3A = arith.constant 0 : i32
    %cond3A_36 = arith.cmpi ne, %convert_element_type3A, %cond3A : i32
    scf.if %cond3A_36 {
      %dma_start3A_291 = arith.constant 0 : i32
      %dma_start3A_292 = arith.constant 0 : i32
      %dma_start3A_293 = tpu.memref_slice %arg13[%dma_start3A_291, %dma_start3A_292] : memref<26x128xi32, #tpu.memory_space<vmem>> -> memref<1x128xi32, #tpu.memory_space<vmem>>
      %dma_start3A_294 = tpu.memref_squeeze %dma_start3A_293 : memref<1x128xi32, #tpu.memory_space<vmem>> -> memref<128xi32, #tpu.memory_space<vmem>>
      %dma_start3A_295 = arith.constant 0 : i32
      %dma_start3A_296 = arith.constant 0 : i32
      %dma_start3A_297 = tpu.memref_slice %arg2[%dma_start3A_295, %dma_start3A_296] : memref<16384x128xf32, #tpu.memory_space<hbm>> -> memref<16384x128xf32, #tpu.memory_space<hbm>>
      tpu.enqueue_indirect_dma source(%dma_start3A_297 : memref<16384x128xf32, #tpu.memory_space<hbm>>) target(%arg14 : memref<128x128xf32, #tpu.memory_space<vmem>>) offsets(%dma_start3A_294 : memref<128xi32, #tpu.memory_space<vmem>>) semaphore(%arg16 : memref<!tpu.dma_semaphore, #tpu.memory_space<semaphore_mem>>)
    } else {
    }
    %gt3A_37 = arith.constant 1 : i32
    %gt3A_38 = arith.cmpi sgt, %select_n3A, %gt3A_37 : i32
    %convert_element_type3A_39 = arith.extui %gt3A_38 : i1 to i32
    %cond3A_40 = arith.constant 0 : i32
    %cond3A_41 = arith.cmpi ne, %convert_element_type3A_39, %cond3A_40 : i32
    scf.if %cond3A_41 {
      %dma_start3A_291 = arith.constant 1 : i32
      %dma_start3A_292 = arith.constant 0 : i32
      %dma_start3A_293 = tpu.memref_slice %arg13[%dma_start3A_291, %dma_start3A_292] : memref<26x128xi32, #tpu.memory_space<vmem>> -> memref<1x128xi32, #tpu.memory_space<vmem>>
      %dma_start3A_294 = tpu.memref_squeeze %dma_start3A_293 : memref<1x128xi32, #tpu.memory_space<vmem>> -> memref<128xi32, #tpu.memory_space<vmem>>
      %dma_start3A_295 = arith.constant 0 : i32
      %dma_start3A_296 = arith.constant 0 : i32
      %dma_start3A_297 = tpu.memref_slice %arg2[%dma_start3A_295, %dma_start3A_296] : memref<16384x128xf32, #tpu.memory_space<hbm>> -> memref<16384x128xf32, #tpu.memory_space<hbm>>
      tpu.enqueue_indirect_dma source(%dma_start3A_297 : memref<16384x128xf32, #tpu.memory_space<hbm>>) target(%arg15 : memref<128x128xf32, #tpu.memory_space<vmem>>) offsets(%dma_start3A_294 : memref<128xi32, #tpu.memory_space<vmem>>) semaphore(%arg17 : memref<!tpu.dma_semaphore, #tpu.memory_space<semaphore_mem>>)
      %dma_wait3A_298 = arith.constant 0 : i32
      %dma_wait3A_299 = arith.constant 0 : i32
      %dma_wait3A_300 = tpu.memref_slice %arg13[%dma_wait3A_298, %dma_wait3A_299] : memref<26x128xi32, #tpu.memory_space<vmem>> -> memref<1x128xi32, #tpu.memory_space<vmem>>
      %dma_wait3A_301 = tpu.memref_squeeze %dma_wait3A_300 : memref<1x128xi32, #tpu.memory_space<vmem>> -> memref<128xi32, #tpu.memory_space<vmem>>
      %dma_wait3A_302 = arith.constant 0 : i32
      %dma_wait3A_303 = arith.constant 0 : i32
      %dma_wait3A_304 = tpu.memref_slice %arg2[%dma_wait3A_302, %dma_wait3A_303] : memref<16384x128xf32, #tpu.memory_space<hbm>> -> memref<16384x128xf32, #tpu.memory_space<hbm>>
      tpu.wait_indirect_dma semaphore(%arg16 : memref<!tpu.dma_semaphore, #tpu.memory_space<semaphore_mem>>) src(%dma_wait3A_304 : memref<16384x128xf32, #tpu.memory_space<hbm>>) dst(%arg14 : memref<128x128xf32, #tpu.memory_space<vmem>>)
      %dma_start3A_305 = arith.constant 0 : i32
      %dma_start3A_306 = arith.constant 0 : i32
      %dma_start3A_307 = tpu.memref_slice %arg12[%dma_start3A_305, %dma_start3A_306] : memref<26x128xi32, #tpu.memory_space<vmem>> -> memref<1x128xi32, #tpu.memory_space<vmem>>
      %dma_start3A_308 = tpu.memref_squeeze %dma_start3A_307 : memref<1x128xi32, #tpu.memory_space<vmem>> -> memref<128xi32, #tpu.memory_space<vmem>>
      %dma_start3A_309 = arith.constant 0 : i32
      %dma_start3A_310 = arith.constant 0 : i32
      %dma_start3A_311 = tpu.memref_slice %arg3[%dma_start3A_309, %dma_start3A_310] : memref<100000x128xf32, #tpu.memory_space<hbm>> -> memref<100000x128xf32, #tpu.memory_space<hbm>>
      tpu.enqueue_indirect_dma source(%arg14 : memref<128x128xf32, #tpu.memory_space<vmem>>) target(%dma_start3A_311 : memref<100000x128xf32, #tpu.memory_space<hbm>>) offsets(%dma_start3A_308 : memref<128xi32, #tpu.memory_space<vmem>>) semaphore(%arg18 : memref<!tpu.dma_semaphore, #tpu.memory_space<semaphore_mem>>)
    } else {
    }
    %gt3A_42 = arith.constant 2 : i32
    %gt3A_43 = arith.cmpi sgt, %select_n3A, %gt3A_42 : i32
    %convert_element_type3A_44 = arith.extui %gt3A_43 : i1 to i32
    %cond3A_45 = arith.constant 0 : i32
    %cond3A_46 = arith.cmpi ne, %convert_element_type3A_44, %cond3A_45 : i32
    scf.if %cond3A_46 {
      %dma_wait3A_291 = arith.constant 0 : i32
      %dma_wait3A_292 = arith.constant 0 : i32
      %dma_wait3A_293 = tpu.memref_slice %arg12[%dma_wait3A_291, %dma_wait3A_292] : memref<26x128xi32, #tpu.memory_space<vmem>> -> memref<1x128xi32, #tpu.memory_space<vmem>>
      %dma_wait3A_294 = tpu.memref_squeeze %dma_wait3A_293 : memref<1x128xi32, #tpu.memory_space<vmem>> -> memref<128xi32, #tpu.memory_space<vmem>>
      %dma_wait3A_295 = arith.constant 0 : i32
      %dma_wait3A_296 = arith.constant 0 : i32
      %dma_wait3A_297 = tpu.memref_slice %arg3[%dma_wait3A_295, %dma_wait3A_296] : memref<100000x128xf32, #tpu.memory_space<hbm>> -> memref<100000x128xf32, #tpu.memory_space<hbm>>
      tpu.wait_indirect_dma semaphore(%arg18 : memref<!tpu.dma_semaphore, #tpu.memory_space<semaphore_mem>>) src(%arg14 : memref<128x128xf32, #tpu.memory_space<vmem>>) dst(%dma_wait3A_297 : memref<100000x128xf32, #tpu.memory_space<hbm>>)
      %dma_start3A_298 = arith.constant 2 : i32
      %dma_start3A_299 = arith.constant 0 : i32
      %dma_start3A_300 = tpu.memref_slice %arg13[%dma_start3A_298, %dma_start3A_299] : memref<26x128xi32, #tpu.memory_space<vmem>> -> memref<1x128xi32, #tpu.memory_space<vmem>>
      %dma_start3A_301 = tpu.memref_squeeze %dma_start3A_300 : memref<1x128xi32, #tpu.memory_space<vmem>> -> memref<128xi32, #tpu.memory_space<vmem>>
      %dma_start3A_302 = arith.constant 0 : i32
      %dma_start3A_303 = arith.constant 0 : i32
      %dma_start3A_304 = tpu.memref_slice %arg2[%dma_start3A_302, %dma_start3A_303] : memref<16384x128xf32, #tpu.memory_space<hbm>> -> memref<16384x128xf32, #tpu.memory_space<hbm>>
      tpu.enqueue_indirect_dma source(%dma_start3A_304 : memref<16384x128xf32, #tpu.memory_space<hbm>>) target(%arg14 : memref<128x128xf32, #tpu.memory_space<vmem>>) offsets(%dma_start3A_301 : memref<128xi32, #tpu.memory_space<vmem>>) semaphore(%arg16 : memref<!tpu.dma_semaphore, #tpu.memory_space<semaphore_mem>>)
      %dma_wait3A_305 = arith.constant 1 : i32
      %dma_wait3A_306 = arith.constant 0 : i32
      %dma_wait3A_307 = tpu.memref_slice %arg13[%dma_wait3A_305, %dma_wait3A_306] : memref<26x128xi32, #tpu.memory_space<vmem>> -> memref<1x128xi32, #tpu.memory_space<vmem>>
      %dma_wait3A_308 = tpu.memref_squeeze %dma_wait3A_307 : memref<1x128xi32, #tpu.memory_space<vmem>> -> memref<128xi32, #tpu.memory_space<vmem>>
      %dma_wait3A_309 = arith.constant 0 : i32
      %dma_wait3A_310 = arith.constant 0 : i32
      %dma_wait3A_311 = tpu.memref_slice %arg2[%dma_wait3A_309, %dma_wait3A_310] : memref<16384x128xf32, #tpu.memory_space<hbm>> -> memref<16384x128xf32, #tpu.memory_space<hbm>>
      tpu.wait_indirect_dma semaphore(%arg17 : memref<!tpu.dma_semaphore, #tpu.memory_space<semaphore_mem>>) src(%dma_wait3A_311 : memref<16384x128xf32, #tpu.memory_space<hbm>>) dst(%arg15 : memref<128x128xf32, #tpu.memory_space<vmem>>)
      %dma_start3A_312 = arith.constant 1 : i32
      %dma_start3A_313 = arith.constant 0 : i32
      %dma_start3A_314 = tpu.memref_slice %arg12[%dma_start3A_312, %dma_start3A_313] : memref<26x128xi32, #tpu.memory_space<vmem>> -> memref<1x128xi32, #tpu.memory_space<vmem>>
      %dma_start3A_315 = tpu.memref_squeeze %dma_start3A_314 : memref<1x128xi32, #tpu.memory_space<vmem>> -> memref<128xi32, #tpu.memory_space<vmem>>
      %dma_start3A_316 = arith.constant 0 : i32
      %dma_start3A_317 = arith.constant 0 : i32
      %dma_start3A_318 = tpu.memref_slice %arg3[%dma_start3A_316, %dma_start3A_317] : memref<100000x128xf32, #tpu.memory_space<hbm>> -> memref<100000x128xf32, #tpu.memory_space<hbm>>
      tpu.enqueue_indirect_dma source(%arg15 : memref<128x128xf32, #tpu.memory_space<vmem>>) target(%dma_start3A_318 : memref<100000x128xf32, #tpu.memory_space<hbm>>) offsets(%dma_start3A_315 : memref<128xi32, #tpu.memory_space<vmem>>) semaphore(%arg19 : memref<!tpu.dma_semaphore, #tpu.memory_space<semaphore_mem>>)
    } else {
    }
    %gt3A_47 = arith.constant 3 : i32
    %gt3A_48 = arith.cmpi sgt, %select_n3A, %gt3A_47 : i32
    %convert_element_type3A_49 = arith.extui %gt3A_48 : i1 to i32
    %cond3A_50 = arith.constant 0 : i32
    %cond3A_51 = arith.cmpi ne, %convert_element_type3A_49, %cond3A_50 : i32
    scf.if %cond3A_51 {
      %dma_wait3A_291 = arith.constant 1 : i32
      %dma_wait3A_292 = arith.constant 0 : i32
      %dma_wait3A_293 = tpu.memref_slice %arg12[%dma_wait3A_291, %dma_wait3A_292] : memref<26x128xi32, #tpu.memory_space<vmem>> -> memref<1x128xi32, #tpu.memory_space<vmem>>
      %dma_wait3A_294 = tpu.memref_squeeze %dma_wait3A_293 : memref<1x128xi32, #tpu.memory_space<vmem>> -> memref<128xi32, #tpu.memory_space<vmem>>
      %dma_wait3A_295 = arith.constant 0 : i32
      %dma_wait3A_296 = arith.constant 0 : i32
      %dma_wait3A_297 = tpu.memref_slice %arg3[%dma_wait3A_295, %dma_wait3A_296] : memref<100000x128xf32, #tpu.memory_space<hbm>> -> memref<100000x128xf32, #tpu.memory_space<hbm>>
      tpu.wait_indirect_dma semaphore(%arg19 : memref<!tpu.dma_semaphore, #tpu.memory_space<semaphore_mem>>) src(%arg15 : memref<128x128xf32, #tpu.memory_space<vmem>>) dst(%dma_wait3A_297 : memref<100000x128xf32, #tpu.memory_space<hbm>>)
      %dma_start3A_298 = arith.constant 3 : i32
      %dma_start3A_299 = arith.constant 0 : i32
      %dma_start3A_300 = tpu.memref_slice %arg13[%dma_start3A_298, %dma_start3A_299] : memref<26x128xi32, #tpu.memory_space<vmem>> -> memref<1x128xi32, #tpu.memory_space<vmem>>
      %dma_start3A_301 = tpu.memref_squeeze %dma_start3A_300 : memref<1x128xi32, #tpu.memory_space<vmem>> -> memref<128xi32, #tpu.memory_space<vmem>>
      %dma_start3A_302 = arith.constant 0 : i32
      %dma_start3A_303 = arith.constant 0 : i32
      %dma_start3A_304 = tpu.memref_slice %arg2[%dma_start3A_302, %dma_start3A_303] : memref<16384x128xf32, #tpu.memory_space<hbm>> -> memref<16384x128xf32, #tpu.memory_space<hbm>>
      tpu.enqueue_indirect_dma source(%dma_start3A_304 : memref<16384x128xf32, #tpu.memory_space<hbm>>) target(%arg15 : memref<128x128xf32, #tpu.memory_space<vmem>>) offsets(%dma_start3A_301 : memref<128xi32, #tpu.memory_space<vmem>>) semaphore(%arg17 : memref<!tpu.dma_semaphore, #tpu.memory_space<semaphore_mem>>)
      %dma_wait3A_305 = arith.constant 2 : i32
      %dma_wait3A_306 = arith.constant 0 : i32
      %dma_wait3A_307 = tpu.memref_slice %arg13[%dma_wait3A_305, %dma_wait3A_306] : memref<26x128xi32, #tpu.memory_space<vmem>> -> memref<1x128xi32, #tpu.memory_space<vmem>>
      %dma_wait3A_308 = tpu.memref_squeeze %dma_wait3A_307 : memref<1x128xi32, #tpu.memory_space<vmem>> -> memref<128xi32, #tpu.memory_space<vmem>>
      %dma_wait3A_309 = arith.constant 0 : i32
      %dma_wait3A_310 = arith.constant 0 : i32
      %dma_wait3A_311 = tpu.memref_slice %arg2[%dma_wait3A_309, %dma_wait3A_310] : memref<16384x128xf32, #tpu.memory_space<hbm>> -> memref<16384x128xf32, #tpu.memory_space<hbm>>
      tpu.wait_indirect_dma semaphore(%arg16 : memref<!tpu.dma_semaphore, #tpu.memory_space<semaphore_mem>>) src(%dma_wait3A_311 : memref<16384x128xf32, #tpu.memory_space<hbm>>) dst(%arg14 : memref<128x128xf32, #tpu.memory_space<vmem>>)
      %dma_start3A_312 = arith.constant 2 : i32
      %dma_start3A_313 = arith.constant 0 : i32
      %dma_start3A_314 = tpu.memref_slice %arg12[%dma_start3A_312, %dma_start3A_313] : memref<26x128xi32, #tpu.memory_space<vmem>> -> memref<1x128xi32, #tpu.memory_space<vmem>>
      %dma_start3A_315 = tpu.memref_squeeze %dma_start3A_314 : memref<1x128xi32, #tpu.memory_space<vmem>> -> memref<128xi32, #tpu.memory_space<vmem>>
      %dma_start3A_316 = arith.constant 0 : i32
      %dma_start3A_317 = arith.constant 0 : i32
      %dma_start3A_318 = tpu.memref_slice %arg3[%dma_start3A_316, %dma_start3A_317] : memref<100000x128xf32, #tpu.memory_space<hbm>> -> memref<100000x128xf32, #tpu.memory_space<hbm>>
      tpu.enqueue_indirect_dma source(%arg14 : memref<128x128xf32, #tpu.memory_space<vmem>>) target(%dma_start3A_318 : memref<100000x128xf32, #tpu.memory_space<hbm>>) offsets(%dma_start3A_315 : memref<128xi32, #tpu.memory_space<vmem>>) semaphore(%arg18 : memref<!tpu.dma_semaphore, #tpu.memory_space<semaphore_mem>>)
    } else {
    }
    %gt3A_52 = arith.constant 4 : i32
    %gt3A_53 = arith.cmpi sgt, %select_n3A, %gt3A_52 : i32
    %convert_element_type3A_54 = arith.extui %gt3A_53 : i1 to i32
    %cond3A_55 = arith.constant 0 : i32
    %cond3A_56 = arith.cmpi ne, %convert_element_type3A_54, %cond3A_55 : i32
    scf.if %cond3A_56 {
      %dma_wait3A_291 = arith.constant 2 : i32
      %dma_wait3A_292 = arith.constant 0 : i32
      %dma_wait3A_293 = tpu.memref_slice %arg12[%dma_wait3A_291, %dma_wait3A_292] : memref<26x128xi32, #tpu.memory_space<vmem>> -> memref<1x128xi32, #tpu.memory_space<vmem>>
      %dma_wait3A_294 = tpu.memref_squeeze %dma_wait3A_293 : memref<1x128xi32, #tpu.memory_space<vmem>> -> memref<128xi32, #tpu.memory_space<vmem>>
      %dma_wait3A_295 = arith.constant 0 : i32
      %dma_wait3A_296 = arith.constant 0 : i32
      %dma_wait3A_297 = tpu.memref_slice %arg3[%dma_wait3A_295, %dma_wait3A_296] : memref<100000x128xf32, #tpu.memory_space<hbm>> -> memref<100000x128xf32, #tpu.memory_space<hbm>>
      tpu.wait_indirect_dma semaphore(%arg18 : memref<!tpu.dma_semaphore, #tpu.memory_space<semaphore_mem>>) src(%arg14 : memref<128x128xf32, #tpu.memory_space<vmem>>) dst(%dma_wait3A_297 : memref<100000x128xf32, #tpu.memory_space<hbm>>)
      %dma_start3A_298 = arith.constant 4 : i32
      %dma_start3A_299 = arith.constant 0 : i32
      %dma_start3A_300 = tpu.memref_slice %arg13[%dma_start3A_298, %dma_start3A_299] : memref<26x128xi32, #tpu.memory_space<vmem>> -> memref<1x128xi32, #tpu.memory_space<vmem>>
      %dma_start3A_301 = tpu.memref_squeeze %dma_start3A_300 : memref<1x128xi32, #tpu.memory_space<vmem>> -> memref<128xi32, #tpu.memory_space<vmem>>
      %dma_start3A_302 = arith.constant 0 : i32
      %dma_start3A_303 = arith.constant 0 : i32
      %dma_start3A_304 = tpu.memref_slice %arg2[%dma_start3A_302, %dma_start3A_303] : memref<16384x128xf32, #tpu.memory_space<hbm>> -> memref<16384x128xf32, #tpu.memory_space<hbm>>
      tpu.enqueue_indirect_dma source(%dma_start3A_304 : memref<16384x128xf32, #tpu.memory_space<hbm>>) target(%arg14 : memref<128x128xf32, #tpu.memory_space<vmem>>) offsets(%dma_start3A_301 : memref<128xi32, #tpu.memory_space<vmem>>) semaphore(%arg16 : memref<!tpu.dma_semaphore, #tpu.memory_space<semaphore_mem>>)
      %dma_wait3A_305 = arith.constant 3 : i32
      %dma_wait3A_306 = arith.constant 0 : i32
      %dma_wait3A_307 = tpu.memref_slice %arg13[%dma_wait3A_305, %dma_wait3A_306] : memref<26x128xi32, #tpu.memory_space<vmem>> -> memref<1x128xi32, #tpu.memory_space<vmem>>
      %dma_wait3A_308 = tpu.memref_squeeze %dma_wait3A_307 : memref<1x128xi32, #tpu.memory_space<vmem>> -> memref<128xi32, #tpu.memory_space<vmem>>
      %dma_wait3A_309 = arith.constant 0 : i32
      %dma_wait3A_310 = arith.constant 0 : i32
      %dma_wait3A_311 = tpu.memref_slice %arg2[%dma_wait3A_309, %dma_wait3A_310] : memref<16384x128xf32, #tpu.memory_space<hbm>> -> memref<16384x128xf32, #tpu.memory_space<hbm>>
      tpu.wait_indirect_dma semaphore(%arg17 : memref<!tpu.dma_semaphore, #tpu.memory_space<semaphore_mem>>) src(%dma_wait3A_311 : memref<16384x128xf32, #tpu.memory_space<hbm>>) dst(%arg15 : memref<128x128xf32, #tpu.memory_space<vmem>>)
      %dma_start3A_312 = arith.constant 3 : i32
      %dma_start3A_313 = arith.constant 0 : i32
      %dma_start3A_314 = tpu.memref_slice %arg12[%dma_start3A_312, %dma_start3A_313] : memref<26x128xi32, #tpu.memory_space<vmem>> -> memref<1x128xi32, #tpu.memory_space<vmem>>
      %dma_start3A_315 = tpu.memref_squeeze %dma_start3A_314 : memref<1x128xi32, #tpu.memory_space<vmem>> -> memref<128xi32, #tpu.memory_space<vmem>>
      %dma_start3A_316 = arith.constant 0 : i32
      %dma_start3A_317 = arith.constant 0 : i32
      %dma_start3A_318 = tpu.memref_slice %arg3[%dma_start3A_316, %dma_start3A_317] : memref<100000x128xf32, #tpu.memory_space<hbm>> -> memref<100000x128xf32, #tpu.memory_space<hbm>>
      tpu.enqueue_indirect_dma source(%arg15 : memref<128x128xf32, #tpu.memory_space<vmem>>) target(%dma_start3A_318 : memref<100000x128xf32, #tpu.memory_space<hbm>>) offsets(%dma_start3A_315 : memref<128xi32, #tpu.memory_space<vmem>>) semaphore(%arg19 : memref<!tpu.dma_semaphore, #tpu.memory_space<semaphore_mem>>)
    } else {
    }
    %gt3A_57 = arith.constant 5 : i32
    %gt3A_58 = arith.cmpi sgt, %select_n3A, %gt3A_57 : i32
    %convert_element_type3A_59 = arith.extui %gt3A_58 : i1 to i32
    %cond3A_60 = arith.constant 0 : i32
    %cond3A_61 = arith.cmpi ne, %convert_element_type3A_59, %cond3A_60 : i32
    scf.if %cond3A_61 {
      %dma_wait3A_291 = arith.constant 3 : i32
      %dma_wait3A_292 = arith.constant 0 : i32
      %dma_wait3A_293 = tpu.memref_slice %arg12[%dma_wait3A_291, %dma_wait3A_292] : memref<26x128xi32, #tpu.memory_space<vmem>> -> memref<1x128xi32, #tpu.memory_space<vmem>>
      %dma_wait3A_294 = tpu.memref_squeeze %dma_wait3A_293 : memref<1x128xi32, #tpu.memory_space<vmem>> -> memref<128xi32, #tpu.memory_space<vmem>>
      %dma_wait3A_295 = arith.constant 0 : i32
      %dma_wait3A_296 = arith.constant 0 : i32
      %dma_wait3A_297 = tpu.memref_slice %arg3[%dma_wait3A_295, %dma_wait3A_296] : memref<100000x128xf32, #tpu.memory_space<hbm>> -> memref<100000x128xf32, #tpu.memory_space<hbm>>
      tpu.wait_indirect_dma semaphore(%arg19 : memref<!tpu.dma_semaphore, #tpu.memory_space<semaphore_mem>>) src(%arg15 : memref<128x128xf32, #tpu.memory_space<vmem>>) dst(%dma_wait3A_297 : memref<100000x128xf32, #tpu.memory_space<hbm>>)
      %dma_start3A_298 = arith.constant 5 : i32
      %dma_start3A_299 = arith.constant 0 : i32
      %dma_start3A_300 = tpu.memref_slice %arg13[%dma_start3A_298, %dma_start3A_299] : memref<26x128xi32, #tpu.memory_space<vmem>> -> memref<1x128xi32, #tpu.memory_space<vmem>>
      %dma_start3A_301 = tpu.memref_squeeze %dma_start3A_300 : memref<1x128xi32, #tpu.memory_space<vmem>> -> memref<128xi32, #tpu.memory_space<vmem>>
      %dma_start3A_302 = arith.constant 0 : i32
      %dma_start3A_303 = arith.constant 0 : i32
      %dma_start3A_304 = tpu.memref_slice %arg2[%dma_start3A_302, %dma_start3A_303] : memref<16384x128xf32, #tpu.memory_space<hbm>> -> memref<16384x128xf32, #tpu.memory_space<hbm>>
      tpu.enqueue_indirect_dma source(%dma_start3A_304 : memref<16384x128xf32, #tpu.memory_space<hbm>>) target(%arg15 : memref<128x128xf32, #tpu.memory_space<vmem>>) offsets(%dma_start3A_301 : memref<128xi32, #tpu.memory_space<vmem>>) semaphore(%arg17 : memref<!tpu.dma_semaphore, #tpu.memory_space<semaphore_mem>>)
      %dma_wait3A_305 = arith.constant 4 : i32
      %dma_wait3A_306 = arith.constant 0 : i32
      %dma_wait3A_307 = tpu.memref_slice %arg13[%dma_wait3A_305, %dma_wait3A_306] : memref<26x128xi32, #tpu.memory_space<vmem>> -> memref<1x128xi32, #tpu.memory_space<vmem>>
      %dma_wait3A_308 = tpu.memref_squeeze %dma_wait3A_307 : memref<1x128xi32, #tpu.memory_space<vmem>> -> memref<128xi32, #tpu.memory_space<vmem>>
      %dma_wait3A_309 = arith.constant 0 : i32
      %dma_wait3A_310 = arith.constant 0 : i32
      %dma_wait3A_311 = tpu.memref_slice %arg2[%dma_wait3A_309, %dma_wait3A_310] : memref<16384x128xf32, #tpu.memory_space<hbm>> -> memref<16384x128xf32, #tpu.memory_space<hbm>>
      tpu.wait_indirect_dma semaphore(%arg16 : memref<!tpu.dma_semaphore, #tpu.memory_space<semaphore_mem>>) src(%dma_wait3A_311 : memref<16384x128xf32, #tpu.memory_space<hbm>>) dst(%arg14 : memref<128x128xf32, #tpu.memory_space<vmem>>)
      %dma_start3A_312 = arith.constant 4 : i32
      %dma_start3A_313 = arith.constant 0 : i32
      %dma_start3A_314 = tpu.memref_slice %arg12[%dma_start3A_312, %dma_start3A_313] : memref<26x128xi32, #tpu.memory_space<vmem>> -> memref<1x128xi32, #tpu.memory_space<vmem>>
      %dma_start3A_315 = tpu.memref_squeeze %dma_start3A_314 : memref<1x128xi32, #tpu.memory_space<vmem>> -> memref<128xi32, #tpu.memory_space<vmem>>
      %dma_start3A_316 = arith.constant 0 : i32
      %dma_start3A_317 = arith.constant 0 : i32
      %dma_start3A_318 = tpu.memref_slice %arg3[%dma_start3A_316, %dma_start3A_317] : memref<100000x128xf32, #tpu.memory_space<hbm>> -> memref<100000x128xf32, #tpu.memory_space<hbm>>
      tpu.enqueue_indirect_dma source(%arg14 : memref<128x128xf32, #tpu.memory_space<vmem>>) target(%dma_start3A_318 : memref<100000x128xf32, #tpu.memory_space<hbm>>) offsets(%dma_start3A_315 : memref<128xi32, #tpu.memory_space<vmem>>) semaphore(%arg18 : memref<!tpu.dma_semaphore, #tpu.memory_space<semaphore_mem>>)
    } else {
    }
    %gt3A_62 = arith.constant 6 : i32
    %gt3A_63 = arith.cmpi sgt, %select_n3A, %gt3A_62 : i32
    %convert_element_type3A_64 = arith.extui %gt3A_63 : i1 to i32
    %cond3A_65 = arith.constant 0 : i32
    %cond3A_66 = arith.cmpi ne, %convert_element_type3A_64, %cond3A_65 : i32
    scf.if %cond3A_66 {
      %dma_wait3A_291 = arith.constant 4 : i32
      %dma_wait3A_292 = arith.constant 0 : i32
      %dma_wait3A_293 = tpu.memref_slice %arg12[%dma_wait3A_291, %dma_wait3A_292] : memref<26x128xi32, #tpu.memory_space<vmem>> -> memref<1x128xi32, #tpu.memory_space<vmem>>
      %dma_wait3A_294 = tpu.memref_squeeze %dma_wait3A_293 : memref<1x128xi32, #tpu.memory_space<vmem>> -> memref<128xi32, #tpu.memory_space<vmem>>
      %dma_wait3A_295 = arith.constant 0 : i32
      %dma_wait3A_296 = arith.constant 0 : i32
      %dma_wait3A_297 = tpu.memref_slice %arg3[%dma_wait3A_295, %dma_wait3A_296] : memref<100000x128xf32, #tpu.memory_space<hbm>> -> memref<100000x128xf32, #tpu.memory_space<hbm>>
      tpu.wait_indirect_dma semaphore(%arg18 : memref<!tpu.dma_semaphore, #tpu.memory_space<semaphore_mem>>) src(%arg14 : memref<128x128xf32, #tpu.memory_space<vmem>>) dst(%dma_wait3A_297 : memref<100000x128xf32, #tpu.memory_space<hbm>>)
      %dma_start3A_298 = arith.constant 6 : i32
      %dma_start3A_299 = arith.constant 0 : i32
      %dma_start3A_300 = tpu.memref_slice %arg13[%dma_start3A_298, %dma_start3A_299] : memref<26x128xi32, #tpu.memory_space<vmem>> -> memref<1x128xi32, #tpu.memory_space<vmem>>
      %dma_start3A_301 = tpu.memref_squeeze %dma_start3A_300 : memref<1x128xi32, #tpu.memory_space<vmem>> -> memref<128xi32, #tpu.memory_space<vmem>>
      %dma_start3A_302 = arith.constant 0 : i32
      %dma_start3A_303 = arith.constant 0 : i32
      %dma_start3A_304 = tpu.memref_slice %arg2[%dma_start3A_302, %dma_start3A_303] : memref<16384x128xf32, #tpu.memory_space<hbm>> -> memref<16384x128xf32, #tpu.memory_space<hbm>>
      tpu.enqueue_indirect_dma source(%dma_start3A_304 : memref<16384x128xf32, #tpu.memory_space<hbm>>) target(%arg14 : memref<128x128xf32, #tpu.memory_space<vmem>>) offsets(%dma_start3A_301 : memref<128xi32, #tpu.memory_space<vmem>>) semaphore(%arg16 : memref<!tpu.dma_semaphore, #tpu.memory_space<semaphore_mem>>)
      %dma_wait3A_305 = arith.constant 5 : i32
      %dma_wait3A_306 = arith.constant 0 : i32
      %dma_wait3A_307 = tpu.memref_slice %arg13[%dma_wait3A_305, %dma_wait3A_306] : memref<26x128xi32, #tpu.memory_space<vmem>> -> memref<1x128xi32, #tpu.memory_space<vmem>>
      %dma_wait3A_308 = tpu.memref_squeeze %dma_wait3A_307 : memref<1x128xi32, #tpu.memory_space<vmem>> -> memref<128xi32, #tpu.memory_space<vmem>>
      %dma_wait3A_309 = arith.constant 0 : i32
      %dma_wait3A_310 = arith.constant 0 : i32
      %dma_wait3A_311 = tpu.memref_slice %arg2[%dma_wait3A_309, %dma_wait3A_310] : memref<16384x128xf32, #tpu.memory_space<hbm>> -> memref<16384x128xf32, #tpu.memory_space<hbm>>
      tpu.wait_indirect_dma semaphore(%arg17 : memref<!tpu.dma_semaphore, #tpu.memory_space<semaphore_mem>>) src(%dma_wait3A_311 : memref<16384x128xf32, #tpu.memory_space<hbm>>) dst(%arg15 : memref<128x128xf32, #tpu.memory_space<vmem>>)
      %dma_start3A_312 = arith.constant 5 : i32
      %dma_start3A_313 = arith.constant 0 : i32
      %dma_start3A_314 = tpu.memref_slice %arg12[%dma_start3A_312, %dma_start3A_313] : memref<26x128xi32, #tpu.memory_space<vmem>> -> memref<1x128xi32, #tpu.memory_space<vmem>>
      %dma_start3A_315 = tpu.memref_squeeze %dma_start3A_314 : memref<1x128xi32, #tpu.memory_space<vmem>> -> memref<128xi32, #tpu.memory_space<vmem>>
      %dma_start3A_316 = arith.constant 0 : i32
      %dma_start3A_317 = arith.constant 0 : i32
      %dma_start3A_318 = tpu.memref_slice %arg3[%dma_start3A_316, %dma_start3A_317] : memref<100000x128xf32, #tpu.memory_space<hbm>> -> memref<100000x128xf32, #tpu.memory_space<hbm>>
      tpu.enqueue_indirect_dma source(%arg15 : memref<128x128xf32, #tpu.memory_space<vmem>>) target(%dma_start3A_318 : memref<100000x128xf32, #tpu.memory_space<hbm>>) offsets(%dma_start3A_315 : memref<128xi32, #tpu.memory_space<vmem>>) semaphore(%arg19 : memref<!tpu.dma_semaphore, #tpu.memory_space<semaphore_mem>>)
    } else {
    }
    %gt3A_67 = arith.constant 7 : i32
    %gt3A_68 = arith.cmpi sgt, %select_n3A, %gt3A_67 : i32
    %convert_element_type3A_69 = arith.extui %gt3A_68 : i1 to i32
    %cond3A_70 = arith.constant 0 : i32
    %cond3A_71 = arith.cmpi ne, %convert_element_type3A_69, %cond3A_70 : i32
    scf.if %cond3A_71 {
      %dma_wait3A_291 = arith.constant 5 : i32
      %dma_wait3A_292 = arith.constant 0 : i32
      %dma_wait3A_293 = tpu.memref_slice %arg12[%dma_wait3A_291, %dma_wait3A_292] : memref<26x128xi32, #tpu.memory_space<vmem>> -> memref<1x128xi32, #tpu.memory_space<vmem>>
      %dma_wait3A_294 = tpu.memref_squeeze %dma_wait3A_293 : memref<1x128xi32, #tpu.memory_space<vmem>> -> memref<128xi32, #tpu.memory_space<vmem>>
      %dma_wait3A_295 = arith.constant 0 : i32
      %dma_wait3A_296 = arith.constant 0 : i32
      %dma_wait3A_297 = tpu.memref_slice %arg3[%dma_wait3A_295, %dma_wait3A_296] : memref<100000x128xf32, #tpu.memory_space<hbm>> -> memref<100000x128xf32, #tpu.memory_space<hbm>>
      tpu.wait_indirect_dma semaphore(%arg19 : memref<!tpu.dma_semaphore, #tpu.memory_space<semaphore_mem>>) src(%arg15 : memref<128x128xf32, #tpu.memory_space<vmem>>) dst(%dma_wait3A_297 : memref<100000x128xf32, #tpu.memory_space<hbm>>)
      %dma_start3A_298 = arith.constant 7 : i32
      %dma_start3A_299 = arith.constant 0 : i32
      %dma_start3A_300 = tpu.memref_slice %arg13[%dma_start3A_298, %dma_start3A_299] : memref<26x128xi32, #tpu.memory_space<vmem>> -> memref<1x128xi32, #tpu.memory_space<vmem>>
      %dma_start3A_301 = tpu.memref_squeeze %dma_start3A_300 : memref<1x128xi32, #tpu.memory_space<vmem>> -> memref<128xi32, #tpu.memory_space<vmem>>
      %dma_start3A_302 = arith.constant 0 : i32
      %dma_start3A_303 = arith.constant 0 : i32
      %dma_start3A_304 = tpu.memref_slice %arg2[%dma_start3A_302, %dma_start3A_303] : memref<16384x128xf32, #tpu.memory_space<hbm>> -> memref<16384x128xf32, #tpu.memory_space<hbm>>
      tpu.enqueue_indirect_dma source(%dma_start3A_304 : memref<16384x128xf32, #tpu.memory_space<hbm>>) target(%arg15 : memref<128x128xf32, #tpu.memory_space<vmem>>) offsets(%dma_start3A_301 : memref<128xi32, #tpu.memory_space<vmem>>) semaphore(%arg17 : memref<!tpu.dma_semaphore, #tpu.memory_space<semaphore_mem>>)
      %dma_wait3A_305 = arith.constant 6 : i32
      %dma_wait3A_306 = arith.constant 0 : i32
      %dma_wait3A_307 = tpu.memref_slice %arg13[%dma_wait3A_305, %dma_wait3A_306] : memref<26x128xi32, #tpu.memory_space<vmem>> -> memref<1x128xi32, #tpu.memory_space<vmem>>
      %dma_wait3A_308 = tpu.memref_squeeze %dma_wait3A_307 : memref<1x128xi32, #tpu.memory_space<vmem>> -> memref<128xi32, #tpu.memory_space<vmem>>
      %dma_wait3A_309 = arith.constant 0 : i32
      %dma_wait3A_310 = arith.constant 0 : i32
      %dma_wait3A_311 = tpu.memref_slice %arg2[%dma_wait3A_309, %dma_wait3A_310] : memref<16384x128xf32, #tpu.memory_space<hbm>> -> memref<16384x128xf32, #tpu.memory_space<hbm>>
      tpu.wait_indirect_dma semaphore(%arg16 : memref<!tpu.dma_semaphore, #tpu.memory_space<semaphore_mem>>) src(%dma_wait3A_311 : memref<16384x128xf32, #tpu.memory_space<hbm>>) dst(%arg14 : memref<128x128xf32, #tpu.memory_space<vmem>>)
      %dma_start3A_312 = arith.constant 6 : i32
      %dma_start3A_313 = arith.constant 0 : i32
      %dma_start3A_314 = tpu.memref_slice %arg12[%dma_start3A_312, %dma_start3A_313] : memref<26x128xi32, #tpu.memory_space<vmem>> -> memref<1x128xi32, #tpu.memory_space<vmem>>
      %dma_start3A_315 = tpu.memref_squeeze %dma_start3A_314 : memref<1x128xi32, #tpu.memory_space<vmem>> -> memref<128xi32, #tpu.memory_space<vmem>>
      %dma_start3A_316 = arith.constant 0 : i32
      %dma_start3A_317 = arith.constant 0 : i32
      %dma_start3A_318 = tpu.memref_slice %arg3[%dma_start3A_316, %dma_start3A_317] : memref<100000x128xf32, #tpu.memory_space<hbm>> -> memref<100000x128xf32, #tpu.memory_space<hbm>>
      tpu.enqueue_indirect_dma source(%arg14 : memref<128x128xf32, #tpu.memory_space<vmem>>) target(%dma_start3A_318 : memref<100000x128xf32, #tpu.memory_space<hbm>>) offsets(%dma_start3A_315 : memref<128xi32, #tpu.memory_space<vmem>>) semaphore(%arg18 : memref<!tpu.dma_semaphore, #tpu.memory_space<semaphore_mem>>)
    } else {
    }
    %gt3A_72 = arith.constant 8 : i32
    %gt3A_73 = arith.cmpi sgt, %select_n3A, %gt3A_72 : i32
    %convert_element_type3A_74 = arith.extui %gt3A_73 : i1 to i32
    %cond3A_75 = arith.constant 0 : i32
    %cond3A_76 = arith.cmpi ne, %convert_element_type3A_74, %cond3A_75 : i32
    scf.if %cond3A_76 {
      %dma_wait3A_291 = arith.constant 6 : i32
      %dma_wait3A_292 = arith.constant 0 : i32
      %dma_wait3A_293 = tpu.memref_slice %arg12[%dma_wait3A_291, %dma_wait3A_292] : memref<26x128xi32, #tpu.memory_space<vmem>> -> memref<1x128xi32, #tpu.memory_space<vmem>>
      %dma_wait3A_294 = tpu.memref_squeeze %dma_wait3A_293 : memref<1x128xi32, #tpu.memory_space<vmem>> -> memref<128xi32, #tpu.memory_space<vmem>>
      %dma_wait3A_295 = arith.constant 0 : i32
      %dma_wait3A_296 = arith.constant 0 : i32
      %dma_wait3A_297 = tpu.memref_slice %arg3[%dma_wait3A_295, %dma_wait3A_296] : memref<100000x128xf32, #tpu.memory_space<hbm>> -> memref<100000x128xf32, #tpu.memory_space<hbm>>
      tpu.wait_indirect_dma semaphore(%arg18 : memref<!tpu.dma_semaphore, #tpu.memory_space<semaphore_mem>>) src(%arg14 : memref<128x128xf32, #tpu.memory_space<vmem>>) dst(%dma_wait3A_297 : memref<100000x128xf32, #tpu.memory_space<hbm>>)
      %dma_start3A_298 = arith.constant 8 : i32
      %dma_start3A_299 = arith.constant 0 : i32
      %dma_start3A_300 = tpu.memref_slice %arg13[%dma_start3A_298, %dma_start3A_299] : memref<26x128xi32, #tpu.memory_space<vmem>> -> memref<1x128xi32, #tpu.memory_space<vmem>>
      %dma_start3A_301 = tpu.memref_squeeze %dma_start3A_300 : memref<1x128xi32, #tpu.memory_space<vmem>> -> memref<128xi32, #tpu.memory_space<vmem>>
      %dma_start3A_302 = arith.constant 0 : i32
      %dma_start3A_303 = arith.constant 0 : i32
      %dma_start3A_304 = tpu.memref_slice %arg2[%dma_start3A_302, %dma_start3A_303] : memref<16384x128xf32, #tpu.memory_space<hbm>> -> memref<16384x128xf32, #tpu.memory_space<hbm>>
      tpu.enqueue_indirect_dma source(%dma_start3A_304 : memref<16384x128xf32, #tpu.memory_space<hbm>>) target(%arg14 : memref<128x128xf32, #tpu.memory_space<vmem>>) offsets(%dma_start3A_301 : memref<128xi32, #tpu.memory_space<vmem>>) semaphore(%arg16 : memref<!tpu.dma_semaphore, #tpu.memory_space<semaphore_mem>>)
      %dma_wait3A_305 = arith.constant 7 : i32
      %dma_wait3A_306 = arith.constant 0 : i32
      %dma_wait3A_307 = tpu.memref_slice %arg13[%dma_wait3A_305, %dma_wait3A_306] : memref<26x128xi32, #tpu.memory_space<vmem>> -> memref<1x128xi32, #tpu.memory_space<vmem>>
      %dma_wait3A_308 = tpu.memref_squeeze %dma_wait3A_307 : memref<1x128xi32, #tpu.memory_space<vmem>> -> memref<128xi32, #tpu.memory_space<vmem>>
      %dma_wait3A_309 = arith.constant 0 : i32
      %dma_wait3A_310 = arith.constant 0 : i32
      %dma_wait3A_311 = tpu.memref_slice %arg2[%dma_wait3A_309, %dma_wait3A_310] : memref<16384x128xf32, #tpu.memory_space<hbm>> -> memref<16384x128xf32, #tpu.memory_space<hbm>>
      tpu.wait_indirect_dma semaphore(%arg17 : memref<!tpu.dma_semaphore, #tpu.memory_space<semaphore_mem>>) src(%dma_wait3A_311 : memref<16384x128xf32, #tpu.memory_space<hbm>>) dst(%arg15 : memref<128x128xf32, #tpu.memory_space<vmem>>)
      %dma_start3A_312 = arith.constant 7 : i32
      %dma_start3A_313 = arith.constant 0 : i32
      %dma_start3A_314 = tpu.memref_slice %arg12[%dma_start3A_312, %dma_start3A_313] : memref<26x128xi32, #tpu.memory_space<vmem>> -> memref<1x128xi32, #tpu.memory_space<vmem>>
      %dma_start3A_315 = tpu.memref_squeeze %dma_start3A_314 : memref<1x128xi32, #tpu.memory_space<vmem>> -> memref<128xi32, #tpu.memory_space<vmem>>
      %dma_start3A_316 = arith.constant 0 : i32
      %dma_start3A_317 = arith.constant 0 : i32
      %dma_start3A_318 = tpu.memref_slice %arg3[%dma_start3A_316, %dma_start3A_317] : memref<100000x128xf32, #tpu.memory_space<hbm>> -> memref<100000x128xf32, #tpu.memory_space<hbm>>
      tpu.enqueue_indirect_dma source(%arg15 : memref<128x128xf32, #tpu.memory_space<vmem>>) target(%dma_start3A_318 : memref<100000x128xf32, #tpu.memory_space<hbm>>) offsets(%dma_start3A_315 : memref<128xi32, #tpu.memory_space<vmem>>) semaphore(%arg19 : memref<!tpu.dma_semaphore, #tpu.memory_space<semaphore_mem>>)
    } else {
    }
    %gt3A_77 = arith.constant 9 : i32
    %gt3A_78 = arith.cmpi sgt, %select_n3A, %gt3A_77 : i32
    %convert_element_type3A_79 = arith.extui %gt3A_78 : i1 to i32
    %cond3A_80 = arith.constant 0 : i32
    %cond3A_81 = arith.cmpi ne, %convert_element_type3A_79, %cond3A_80 : i32
    scf.if %cond3A_81 {
      %dma_wait3A_291 = arith.constant 7 : i32
      %dma_wait3A_292 = arith.constant 0 : i32
      %dma_wait3A_293 = tpu.memref_slice %arg12[%dma_wait3A_291, %dma_wait3A_292] : memref<26x128xi32, #tpu.memory_space<vmem>> -> memref<1x128xi32, #tpu.memory_space<vmem>>
      %dma_wait3A_294 = tpu.memref_squeeze %dma_wait3A_293 : memref<1x128xi32, #tpu.memory_space<vmem>> -> memref<128xi32, #tpu.memory_space<vmem>>
      %dma_wait3A_295 = arith.constant 0 : i32
      %dma_wait3A_296 = arith.constant 0 : i32
      %dma_wait3A_297 = tpu.memref_slice %arg3[%dma_wait3A_295, %dma_wait3A_296] : memref<100000x128xf32, #tpu.memory_space<hbm>> -> memref<100000x128xf32, #tpu.memory_space<hbm>>
      tpu.wait_indirect_dma semaphore(%arg19 : memref<!tpu.dma_semaphore, #tpu.memory_space<semaphore_mem>>) src(%arg15 : memref<128x128xf32, #tpu.memory_space<vmem>>) dst(%dma_wait3A_297 : memref<100000x128xf32, #tpu.memory_space<hbm>>)
      %dma_start3A_298 = arith.constant 9 : i32
      %dma_start3A_299 = arith.constant 0 : i32
      %dma_start3A_300 = tpu.memref_slice %arg13[%dma_start3A_298, %dma_start3A_299] : memref<26x128xi32, #tpu.memory_space<vmem>> -> memref<1x128xi32, #tpu.memory_space<vmem>>
      %dma_start3A_301 = tpu.memref_squeeze %dma_start3A_300 : memref<1x128xi32, #tpu.memory_space<vmem>> -> memref<128xi32, #tpu.memory_space<vmem>>
      %dma_start3A_302 = arith.constant 0 : i32
      %dma_start3A_303 = arith.constant 0 : i32
      %dma_start3A_304 = tpu.memref_slice %arg2[%dma_start3A_302, %dma_start3A_303] : memref<16384x128xf32, #tpu.memory_space<hbm>> -> memref<16384x128xf32, #tpu.memory_space<hbm>>
      tpu.enqueue_indirect_dma source(%dma_start3A_304 : memref<16384x128xf32, #tpu.memory_space<hbm>>) target(%arg15 : memref<128x128xf32, #tpu.memory_space<vmem>>) offsets(%dma_start3A_301 : memref<128xi32, #tpu.memory_space<vmem>>) semaphore(%arg17 : memref<!tpu.dma_semaphore, #tpu.memory_space<semaphore_mem>>)
      %dma_wait3A_305 = arith.constant 8 : i32
      %dma_wait3A_306 = arith.constant 0 : i32
      %dma_wait3A_307 = tpu.memref_slice %arg13[%dma_wait3A_305, %dma_wait3A_306] : memref<26x128xi32, #tpu.memory_space<vmem>> -> memref<1x128xi32, #tpu.memory_space<vmem>>
      %dma_wait3A_308 = tpu.memref_squeeze %dma_wait3A_307 : memref<1x128xi32, #tpu.memory_space<vmem>> -> memref<128xi32, #tpu.memory_space<vmem>>
      %dma_wait3A_309 = arith.constant 0 : i32
      %dma_wait3A_310 = arith.constant 0 : i32
      %dma_wait3A_311 = tpu.memref_slice %arg2[%dma_wait3A_309, %dma_wait3A_310] : memref<16384x128xf32, #tpu.memory_space<hbm>> -> memref<16384x128xf32, #tpu.memory_space<hbm>>
      tpu.wait_indirect_dma semaphore(%arg16 : memref<!tpu.dma_semaphore, #tpu.memory_space<semaphore_mem>>) src(%dma_wait3A_311 : memref<16384x128xf32, #tpu.memory_space<hbm>>) dst(%arg14 : memref<128x128xf32, #tpu.memory_space<vmem>>)
      %dma_start3A_312 = arith.constant 8 : i32
      %dma_start3A_313 = arith.constant 0 : i32
      %dma_start3A_314 = tpu.memref_slice %arg12[%dma_start3A_312, %dma_start3A_313] : memref<26x128xi32, #tpu.memory_space<vmem>> -> memref<1x128xi32, #tpu.memory_space<vmem>>
      %dma_start3A_315 = tpu.memref_squeeze %dma_start3A_314 : memref<1x128xi32, #tpu.memory_space<vmem>> -> memref<128xi32, #tpu.memory_space<vmem>>
      %dma_start3A_316 = arith.constant 0 : i32
      %dma_start3A_317 = arith.constant 0 : i32
      %dma_start3A_318 = tpu.memref_slice %arg3[%dma_start3A_316, %dma_start3A_317] : memref<100000x128xf32, #tpu.memory_space<hbm>> -> memref<100000x128xf32, #tpu.memory_space<hbm>>
      tpu.enqueue_indirect_dma source(%arg14 : memref<128x128xf32, #tpu.memory_space<vmem>>) target(%dma_start3A_318 : memref<100000x128xf32, #tpu.memory_space<hbm>>) offsets(%dma_start3A_315 : memref<128xi32, #tpu.memory_space<vmem>>) semaphore(%arg18 : memref<!tpu.dma_semaphore, #tpu.memory_space<semaphore_mem>>)
    } else {
    }
    %gt3A_82 = arith.constant 10 : i32
    %gt3A_83 = arith.cmpi sgt, %select_n3A, %gt3A_82 : i32
    %convert_element_type3A_84 = arith.extui %gt3A_83 : i1 to i32
    %cond3A_85 = arith.constant 0 : i32
    %cond3A_86 = arith.cmpi ne, %convert_element_type3A_84, %cond3A_85 : i32
    scf.if %cond3A_86 {
      %dma_wait3A_291 = arith.constant 8 : i32
      %dma_wait3A_292 = arith.constant 0 : i32
      %dma_wait3A_293 = tpu.memref_slice %arg12[%dma_wait3A_291, %dma_wait3A_292] : memref<26x128xi32, #tpu.memory_space<vmem>> -> memref<1x128xi32, #tpu.memory_space<vmem>>
      %dma_wait3A_294 = tpu.memref_squeeze %dma_wait3A_293 : memref<1x128xi32, #tpu.memory_space<vmem>> -> memref<128xi32, #tpu.memory_space<vmem>>
      %dma_wait3A_295 = arith.constant 0 : i32
      %dma_wait3A_296 = arith.constant 0 : i32
      %dma_wait3A_297 = tpu.memref_slice %arg3[%dma_wait3A_295, %dma_wait3A_296] : memref<100000x128xf32, #tpu.memory_space<hbm>> -> memref<100000x128xf32, #tpu.memory_space<hbm>>
      tpu.wait_indirect_dma semaphore(%arg18 : memref<!tpu.dma_semaphore, #tpu.memory_space<semaphore_mem>>) src(%arg14 : memref<128x128xf32, #tpu.memory_space<vmem>>) dst(%dma_wait3A_297 : memref<100000x128xf32, #tpu.memory_space<hbm>>)
      %dma_start3A_298 = arith.constant 10 : i32
      %dma_start3A_299 = arith.constant 0 : i32
      %dma_start3A_300 = tpu.memref_slice %arg13[%dma_start3A_298, %dma_start3A_299] : memref<26x128xi32, #tpu.memory_space<vmem>> -> memref<1x128xi32, #tpu.memory_space<vmem>>
      %dma_start3A_301 = tpu.memref_squeeze %dma_start3A_300 : memref<1x128xi32, #tpu.memory_space<vmem>> -> memref<128xi32, #tpu.memory_space<vmem>>
      %dma_start3A_302 = arith.constant 0 : i32
      %dma_start3A_303 = arith.constant 0 : i32
      %dma_start3A_304 = tpu.memref_slice %arg2[%dma_start3A_302, %dma_start3A_303] : memref<16384x128xf32, #tpu.memory_space<hbm>> -> memref<16384x128xf32, #tpu.memory_space<hbm>>
      tpu.enqueue_indirect_dma source(%dma_start3A_304 : memref<16384x128xf32, #tpu.memory_space<hbm>>) target(%arg14 : memref<128x128xf32, #tpu.memory_space<vmem>>) offsets(%dma_start3A_301 : memref<128xi32, #tpu.memory_space<vmem>>) semaphore(%arg16 : memref<!tpu.dma_semaphore, #tpu.memory_space<semaphore_mem>>)
      %dma_wait3A_305 = arith.constant 9 : i32
      %dma_wait3A_306 = arith.constant 0 : i32
      %dma_wait3A_307 = tpu.memref_slice %arg13[%dma_wait3A_305, %dma_wait3A_306] : memref<26x128xi32, #tpu.memory_space<vmem>> -> memref<1x128xi32, #tpu.memory_space<vmem>>
      %dma_wait3A_308 = tpu.memref_squeeze %dma_wait3A_307 : memref<1x128xi32, #tpu.memory_space<vmem>> -> memref<128xi32, #tpu.memory_space<vmem>>
      %dma_wait3A_309 = arith.constant 0 : i32
      %dma_wait3A_310 = arith.constant 0 : i32
      %dma_wait3A_311 = tpu.memref_slice %arg2[%dma_wait3A_309, %dma_wait3A_310] : memref<16384x128xf32, #tpu.memory_space<hbm>> -> memref<16384x128xf32, #tpu.memory_space<hbm>>
      tpu.wait_indirect_dma semaphore(%arg17 : memref<!tpu.dma_semaphore, #tpu.memory_space<semaphore_mem>>) src(%dma_wait3A_311 : memref<16384x128xf32, #tpu.memory_space<hbm>>) dst(%arg15 : memref<128x128xf32, #tpu.memory_space<vmem>>)
      %dma_start3A_312 = arith.constant 9 : i32
      %dma_start3A_313 = arith.constant 0 : i32
      %dma_start3A_314 = tpu.memref_slice %arg12[%dma_start3A_312, %dma_start3A_313] : memref<26x128xi32, #tpu.memory_space<vmem>> -> memref<1x128xi32, #tpu.memory_space<vmem>>
      %dma_start3A_315 = tpu.memref_squeeze %dma_start3A_314 : memref<1x128xi32, #tpu.memory_space<vmem>> -> memref<128xi32, #tpu.memory_space<vmem>>
      %dma_start3A_316 = arith.constant 0 : i32
      %dma_start3A_317 = arith.constant 0 : i32
      %dma_start3A_318 = tpu.memref_slice %arg3[%dma_start3A_316, %dma_start3A_317] : memref<100000x128xf32, #tpu.memory_space<hbm>> -> memref<100000x128xf32, #tpu.memory_space<hbm>>
      tpu.enqueue_indirect_dma source(%arg15 : memref<128x128xf32, #tpu.memory_space<vmem>>) target(%dma_start3A_318 : memref<100000x128xf32, #tpu.memory_space<hbm>>) offsets(%dma_start3A_315 : memref<128xi32, #tpu.memory_space<vmem>>) semaphore(%arg19 : memref<!tpu.dma_semaphore, #tpu.memory_space<semaphore_mem>>)
    } else {
    }
    %gt3A_87 = arith.constant 11 : i32
    %gt3A_88 = arith.cmpi sgt, %select_n3A, %gt3A_87 : i32
    %convert_element_type3A_89 = arith.extui %gt3A_88 : i1 to i32
    %cond3A_90 = arith.constant 0 : i32
    %cond3A_91 = arith.cmpi ne, %convert_element_type3A_89, %cond3A_90 : i32
    scf.if %cond3A_91 {
      %dma_wait3A_291 = arith.constant 9 : i32
      %dma_wait3A_292 = arith.constant 0 : i32
      %dma_wait3A_293 = tpu.memref_slice %arg12[%dma_wait3A_291, %dma_wait3A_292] : memref<26x128xi32, #tpu.memory_space<vmem>> -> memref<1x128xi32, #tpu.memory_space<vmem>>
      %dma_wait3A_294 = tpu.memref_squeeze %dma_wait3A_293 : memref<1x128xi32, #tpu.memory_space<vmem>> -> memref<128xi32, #tpu.memory_space<vmem>>
      %dma_wait3A_295 = arith.constant 0 : i32
      %dma_wait3A_296 = arith.constant 0 : i32
      %dma_wait3A_297 = tpu.memref_slice %arg3[%dma_wait3A_295, %dma_wait3A_296] : memref<100000x128xf32, #tpu.memory_space<hbm>> -> memref<100000x128xf32, #tpu.memory_space<hbm>>
      tpu.wait_indirect_dma semaphore(%arg19 : memref<!tpu.dma_semaphore, #tpu.memory_space<semaphore_mem>>) src(%arg15 : memref<128x128xf32, #tpu.memory_space<vmem>>) dst(%dma_wait3A_297 : memref<100000x128xf32, #tpu.memory_space<hbm>>)
      %dma_start3A_298 = arith.constant 11 : i32
      %dma_start3A_299 = arith.constant 0 : i32
      %dma_start3A_300 = tpu.memref_slice %arg13[%dma_start3A_298, %dma_start3A_299] : memref<26x128xi32, #tpu.memory_space<vmem>> -> memref<1x128xi32, #tpu.memory_space<vmem>>
      %dma_start3A_301 = tpu.memref_squeeze %dma_start3A_300 : memref<1x128xi32, #tpu.memory_space<vmem>> -> memref<128xi32, #tpu.memory_space<vmem>>
      %dma_start3A_302 = arith.constant 0 : i32
      %dma_start3A_303 = arith.constant 0 : i32
      %dma_start3A_304 = tpu.memref_slice %arg2[%dma_start3A_302, %dma_start3A_303] : memref<16384x128xf32, #tpu.memory_space<hbm>> -> memref<16384x128xf32, #tpu.memory_space<hbm>>
      tpu.enqueue_indirect_dma source(%dma_start3A_304 : memref<16384x128xf32, #tpu.memory_space<hbm>>) target(%arg15 : memref<128x128xf32, #tpu.memory_space<vmem>>) offsets(%dma_start3A_301 : memref<128xi32, #tpu.memory_space<vmem>>) semaphore(%arg17 : memref<!tpu.dma_semaphore, #tpu.memory_space<semaphore_mem>>)
      %dma_wait3A_305 = arith.constant 10 : i32
      %dma_wait3A_306 = arith.constant 0 : i32
      %dma_wait3A_307 = tpu.memref_slice %arg13[%dma_wait3A_305, %dma_wait3A_306] : memref<26x128xi32, #tpu.memory_space<vmem>> -> memref<1x128xi32, #tpu.memory_space<vmem>>
      %dma_wait3A_308 = tpu.memref_squeeze %dma_wait3A_307 : memref<1x128xi32, #tpu.memory_space<vmem>> -> memref<128xi32, #tpu.memory_space<vmem>>
      %dma_wait3A_309 = arith.constant 0 : i32
      %dma_wait3A_310 = arith.constant 0 : i32
      %dma_wait3A_311 = tpu.memref_slice %arg2[%dma_wait3A_309, %dma_wait3A_310] : memref<16384x128xf32, #tpu.memory_space<hbm>> -> memref<16384x128xf32, #tpu.memory_space<hbm>>
      tpu.wait_indirect_dma semaphore(%arg16 : memref<!tpu.dma_semaphore, #tpu.memory_space<semaphore_mem>>) src(%dma_wait3A_311 : memref<16384x128xf32, #tpu.memory_space<hbm>>) dst(%arg14 : memref<128x128xf32, #tpu.memory_space<vmem>>)
      %dma_start3A_312 = arith.constant 10 : i32
      %dma_start3A_313 = arith.constant 0 : i32
      %dma_start3A_314 = tpu.memref_slice %arg12[%dma_start3A_312, %dma_start3A_313] : memref<26x128xi32, #tpu.memory_space<vmem>> -> memref<1x128xi32, #tpu.memory_space<vmem>>
      %dma_start3A_315 = tpu.memref_squeeze %dma_start3A_314 : memref<1x128xi32, #tpu.memory_space<vmem>> -> memref<128xi32, #tpu.memory_space<vmem>>
      %dma_start3A_316 = arith.constant 0 : i32
      %dma_start3A_317 = arith.constant 0 : i32
      %dma_start3A_318 = tpu.memref_slice %arg3[%dma_start3A_316, %dma_start3A_317] : memref<100000x128xf32, #tpu.memory_space<hbm>> -> memref<100000x128xf32, #tpu.memory_space<hbm>>
      tpu.enqueue_indirect_dma source(%arg14 : memref<128x128xf32, #tpu.memory_space<vmem>>) target(%dma_start3A_318 : memref<100000x128xf32, #tpu.memory_space<hbm>>) offsets(%dma_start3A_315 : memref<128xi32, #tpu.memory_space<vmem>>) semaphore(%arg18 : memref<!tpu.dma_semaphore, #tpu.memory_space<semaphore_mem>>)
    } else {
    }
    %gt3A_92 = arith.constant 12 : i32
    %gt3A_93 = arith.cmpi sgt, %select_n3A, %gt3A_92 : i32
    %convert_element_type3A_94 = arith.extui %gt3A_93 : i1 to i32
    %cond3A_95 = arith.constant 0 : i32
    %cond3A_96 = arith.cmpi ne, %convert_element_type3A_94, %cond3A_95 : i32
    scf.if %cond3A_96 {
      %dma_wait3A_291 = arith.constant 10 : i32
      %dma_wait3A_292 = arith.constant 0 : i32
      %dma_wait3A_293 = tpu.memref_slice %arg12[%dma_wait3A_291, %dma_wait3A_292] : memref<26x128xi32, #tpu.memory_space<vmem>> -> memref<1x128xi32, #tpu.memory_space<vmem>>
      %dma_wait3A_294 = tpu.memref_squeeze %dma_wait3A_293 : memref<1x128xi32, #tpu.memory_space<vmem>> -> memref<128xi32, #tpu.memory_space<vmem>>
      %dma_wait3A_295 = arith.constant 0 : i32
      %dma_wait3A_296 = arith.constant 0 : i32
      %dma_wait3A_297 = tpu.memref_slice %arg3[%dma_wait3A_295, %dma_wait3A_296] : memref<100000x128xf32, #tpu.memory_space<hbm>> -> memref<100000x128xf32, #tpu.memory_space<hbm>>
      tpu.wait_indirect_dma semaphore(%arg18 : memref<!tpu.dma_semaphore, #tpu.memory_space<semaphore_mem>>) src(%arg14 : memref<128x128xf32, #tpu.memory_space<vmem>>) dst(%dma_wait3A_297 : memref<100000x128xf32, #tpu.memory_space<hbm>>)
      %dma_start3A_298 = arith.constant 12 : i32
      %dma_start3A_299 = arith.constant 0 : i32
      %dma_start3A_300 = tpu.memref_slice %arg13[%dma_start3A_298, %dma_start3A_299] : memref<26x128xi32, #tpu.memory_space<vmem>> -> memref<1x128xi32, #tpu.memory_space<vmem>>
      %dma_start3A_301 = tpu.memref_squeeze %dma_start3A_300 : memref<1x128xi32, #tpu.memory_space<vmem>> -> memref<128xi32, #tpu.memory_space<vmem>>
      %dma_start3A_302 = arith.constant 0 : i32
      %dma_start3A_303 = arith.constant 0 : i32
      %dma_start3A_304 = tpu.memref_slice %arg2[%dma_start3A_302, %dma_start3A_303] : memref<16384x128xf32, #tpu.memory_space<hbm>> -> memref<16384x128xf32, #tpu.memory_space<hbm>>
      tpu.enqueue_indirect_dma source(%dma_start3A_304 : memref<16384x128xf32, #tpu.memory_space<hbm>>) target(%arg14 : memref<128x128xf32, #tpu.memory_space<vmem>>) offsets(%dma_start3A_301 : memref<128xi32, #tpu.memory_space<vmem>>) semaphore(%arg16 : memref<!tpu.dma_semaphore, #tpu.memory_space<semaphore_mem>>)
      %dma_wait3A_305 = arith.constant 11 : i32
      %dma_wait3A_306 = arith.constant 0 : i32
      %dma_wait3A_307 = tpu.memref_slice %arg13[%dma_wait3A_305, %dma_wait3A_306] : memref<26x128xi32, #tpu.memory_space<vmem>> -> memref<1x128xi32, #tpu.memory_space<vmem>>
      %dma_wait3A_308 = tpu.memref_squeeze %dma_wait3A_307 : memref<1x128xi32, #tpu.memory_space<vmem>> -> memref<128xi32, #tpu.memory_space<vmem>>
      %dma_wait3A_309 = arith.constant 0 : i32
      %dma_wait3A_310 = arith.constant 0 : i32
      %dma_wait3A_311 = tpu.memref_slice %arg2[%dma_wait3A_309, %dma_wait3A_310] : memref<16384x128xf32, #tpu.memory_space<hbm>> -> memref<16384x128xf32, #tpu.memory_space<hbm>>
      tpu.wait_indirect_dma semaphore(%arg17 : memref<!tpu.dma_semaphore, #tpu.memory_space<semaphore_mem>>) src(%dma_wait3A_311 : memref<16384x128xf32, #tpu.memory_space<hbm>>) dst(%arg15 : memref<128x128xf32, #tpu.memory_space<vmem>>)
      %dma_start3A_312 = arith.constant 11 : i32
      %dma_start3A_313 = arith.constant 0 : i32
      %dma_start3A_314 = tpu.memref_slice %arg12[%dma_start3A_312, %dma_start3A_313] : memref<26x128xi32, #tpu.memory_space<vmem>> -> memref<1x128xi32, #tpu.memory_space<vmem>>
      %dma_start3A_315 = tpu.memref_squeeze %dma_start3A_314 : memref<1x128xi32, #tpu.memory_space<vmem>> -> memref<128xi32, #tpu.memory_space<vmem>>
      %dma_start3A_316 = arith.constant 0 : i32
      %dma_start3A_317 = arith.constant 0 : i32
      %dma_start3A_318 = tpu.memref_slice %arg3[%dma_start3A_316, %dma_start3A_317] : memref<100000x128xf32, #tpu.memory_space<hbm>> -> memref<100000x128xf32, #tpu.memory_space<hbm>>
      tpu.enqueue_indirect_dma source(%arg15 : memref<128x128xf32, #tpu.memory_space<vmem>>) target(%dma_start3A_318 : memref<100000x128xf32, #tpu.memory_space<hbm>>) offsets(%dma_start3A_315 : memref<128xi32, #tpu.memory_space<vmem>>) semaphore(%arg19 : memref<!tpu.dma_semaphore, #tpu.memory_space<semaphore_mem>>)
    } else {
    }
    %gt3A_97 = arith.constant 13 : i32
    %gt3A_98 = arith.cmpi sgt, %select_n3A, %gt3A_97 : i32
    %convert_element_type3A_99 = arith.extui %gt3A_98 : i1 to i32
    %cond3A_100 = arith.constant 0 : i32
    %cond3A_101 = arith.cmpi ne, %convert_element_type3A_99, %cond3A_100 : i32
    scf.if %cond3A_101 {
      %dma_wait3A_291 = arith.constant 11 : i32
      %dma_wait3A_292 = arith.constant 0 : i32
      %dma_wait3A_293 = tpu.memref_slice %arg12[%dma_wait3A_291, %dma_wait3A_292] : memref<26x128xi32, #tpu.memory_space<vmem>> -> memref<1x128xi32, #tpu.memory_space<vmem>>
      %dma_wait3A_294 = tpu.memref_squeeze %dma_wait3A_293 : memref<1x128xi32, #tpu.memory_space<vmem>> -> memref<128xi32, #tpu.memory_space<vmem>>
      %dma_wait3A_295 = arith.constant 0 : i32
      %dma_wait3A_296 = arith.constant 0 : i32
      %dma_wait3A_297 = tpu.memref_slice %arg3[%dma_wait3A_295, %dma_wait3A_296] : memref<100000x128xf32, #tpu.memory_space<hbm>> -> memref<100000x128xf32, #tpu.memory_space<hbm>>
      tpu.wait_indirect_dma semaphore(%arg19 : memref<!tpu.dma_semaphore, #tpu.memory_space<semaphore_mem>>) src(%arg15 : memref<128x128xf32, #tpu.memory_space<vmem>>) dst(%dma_wait3A_297 : memref<100000x128xf32, #tpu.memory_space<hbm>>)
      %dma_start3A_298 = arith.constant 13 : i32
      %dma_start3A_299 = arith.constant 0 : i32
      %dma_start3A_300 = tpu.memref_slice %arg13[%dma_start3A_298, %dma_start3A_299] : memref<26x128xi32, #tpu.memory_space<vmem>> -> memref<1x128xi32, #tpu.memory_space<vmem>>
      %dma_start3A_301 = tpu.memref_squeeze %dma_start3A_300 : memref<1x128xi32, #tpu.memory_space<vmem>> -> memref<128xi32, #tpu.memory_space<vmem>>
      %dma_start3A_302 = arith.constant 0 : i32
      %dma_start3A_303 = arith.constant 0 : i32
      %dma_start3A_304 = tpu.memref_slice %arg2[%dma_start3A_302, %dma_start3A_303] : memref<16384x128xf32, #tpu.memory_space<hbm>> -> memref<16384x128xf32, #tpu.memory_space<hbm>>
      tpu.enqueue_indirect_dma source(%dma_start3A_304 : memref<16384x128xf32, #tpu.memory_space<hbm>>) target(%arg15 : memref<128x128xf32, #tpu.memory_space<vmem>>) offsets(%dma_start3A_301 : memref<128xi32, #tpu.memory_space<vmem>>) semaphore(%arg17 : memref<!tpu.dma_semaphore, #tpu.memory_space<semaphore_mem>>)
      %dma_wait3A_305 = arith.constant 12 : i32
      %dma_wait3A_306 = arith.constant 0 : i32
      %dma_wait3A_307 = tpu.memref_slice %arg13[%dma_wait3A_305, %dma_wait3A_306] : memref<26x128xi32, #tpu.memory_space<vmem>> -> memref<1x128xi32, #tpu.memory_space<vmem>>
      %dma_wait3A_308 = tpu.memref_squeeze %dma_wait3A_307 : memref<1x128xi32, #tpu.memory_space<vmem>> -> memref<128xi32, #tpu.memory_space<vmem>>
      %dma_wait3A_309 = arith.constant 0 : i32
      %dma_wait3A_310 = arith.constant 0 : i32
      %dma_wait3A_311 = tpu.memref_slice %arg2[%dma_wait3A_309, %dma_wait3A_310] : memref<16384x128xf32, #tpu.memory_space<hbm>> -> memref<16384x128xf32, #tpu.memory_space<hbm>>
      tpu.wait_indirect_dma semaphore(%arg16 : memref<!tpu.dma_semaphore, #tpu.memory_space<semaphore_mem>>) src(%dma_wait3A_311 : memref<16384x128xf32, #tpu.memory_space<hbm>>) dst(%arg14 : memref<128x128xf32, #tpu.memory_space<vmem>>)
      %dma_start3A_312 = arith.constant 12 : i32
      %dma_start3A_313 = arith.constant 0 : i32
      %dma_start3A_314 = tpu.memref_slice %arg12[%dma_start3A_312, %dma_start3A_313] : memref<26x128xi32, #tpu.memory_space<vmem>> -> memref<1x128xi32, #tpu.memory_space<vmem>>
      %dma_start3A_315 = tpu.memref_squeeze %dma_start3A_314 : memref<1x128xi32, #tpu.memory_space<vmem>> -> memref<128xi32, #tpu.memory_space<vmem>>
      %dma_start3A_316 = arith.constant 0 : i32
      %dma_start3A_317 = arith.constant 0 : i32
      %dma_start3A_318 = tpu.memref_slice %arg3[%dma_start3A_316, %dma_start3A_317] : memref<100000x128xf32, #tpu.memory_space<hbm>> -> memref<100000x128xf32, #tpu.memory_space<hbm>>
      tpu.enqueue_indirect_dma source(%arg14 : memref<128x128xf32, #tpu.memory_space<vmem>>) target(%dma_start3A_318 : memref<100000x128xf32, #tpu.memory_space<hbm>>) offsets(%dma_start3A_315 : memref<128xi32, #tpu.memory_space<vmem>>) semaphore(%arg18 : memref<!tpu.dma_semaphore, #tpu.memory_space<semaphore_mem>>)
    } else {
    }
    %gt3A_102 = arith.constant 14 : i32
    %gt3A_103 = arith.cmpi sgt, %select_n3A, %gt3A_102 : i32
    %convert_element_type3A_104 = arith.extui %gt3A_103 : i1 to i32
    %cond3A_105 = arith.constant 0 : i32
    %cond3A_106 = arith.cmpi ne, %convert_element_type3A_104, %cond3A_105 : i32
    scf.if %cond3A_106 {
      %dma_wait3A_291 = arith.constant 12 : i32
      %dma_wait3A_292 = arith.constant 0 : i32
      %dma_wait3A_293 = tpu.memref_slice %arg12[%dma_wait3A_291, %dma_wait3A_292] : memref<26x128xi32, #tpu.memory_space<vmem>> -> memref<1x128xi32, #tpu.memory_space<vmem>>
      %dma_wait3A_294 = tpu.memref_squeeze %dma_wait3A_293 : memref<1x128xi32, #tpu.memory_space<vmem>> -> memref<128xi32, #tpu.memory_space<vmem>>
      %dma_wait3A_295 = arith.constant 0 : i32
      %dma_wait3A_296 = arith.constant 0 : i32
      %dma_wait3A_297 = tpu.memref_slice %arg3[%dma_wait3A_295, %dma_wait3A_296] : memref<100000x128xf32, #tpu.memory_space<hbm>> -> memref<100000x128xf32, #tpu.memory_space<hbm>>
      tpu.wait_indirect_dma semaphore(%arg18 : memref<!tpu.dma_semaphore, #tpu.memory_space<semaphore_mem>>) src(%arg14 : memref<128x128xf32, #tpu.memory_space<vmem>>) dst(%dma_wait3A_297 : memref<100000x128xf32, #tpu.memory_space<hbm>>)
      %dma_start3A_298 = arith.constant 14 : i32
      %dma_start3A_299 = arith.constant 0 : i32
      %dma_start3A_300 = tpu.memref_slice %arg13[%dma_start3A_298, %dma_start3A_299] : memref<26x128xi32, #tpu.memory_space<vmem>> -> memref<1x128xi32, #tpu.memory_space<vmem>>
      %dma_start3A_301 = tpu.memref_squeeze %dma_start3A_300 : memref<1x128xi32, #tpu.memory_space<vmem>> -> memref<128xi32, #tpu.memory_space<vmem>>
      %dma_start3A_302 = arith.constant 0 : i32
      %dma_start3A_303 = arith.constant 0 : i32
      %dma_start3A_304 = tpu.memref_slice %arg2[%dma_start3A_302, %dma_start3A_303] : memref<16384x128xf32, #tpu.memory_space<hbm>> -> memref<16384x128xf32, #tpu.memory_space<hbm>>
      tpu.enqueue_indirect_dma source(%dma_start3A_304 : memref<16384x128xf32, #tpu.memory_space<hbm>>) target(%arg14 : memref<128x128xf32, #tpu.memory_space<vmem>>) offsets(%dma_start3A_301 : memref<128xi32, #tpu.memory_space<vmem>>) semaphore(%arg16 : memref<!tpu.dma_semaphore, #tpu.memory_space<semaphore_mem>>)
      %dma_wait3A_305 = arith.constant 13 : i32
      %dma_wait3A_306 = arith.constant 0 : i32
      %dma_wait3A_307 = tpu.memref_slice %arg13[%dma_wait3A_305, %dma_wait3A_306] : memref<26x128xi32, #tpu.memory_space<vmem>> -> memref<1x128xi32, #tpu.memory_space<vmem>>
      %dma_wait3A_308 = tpu.memref_squeeze %dma_wait3A_307 : memref<1x128xi32, #tpu.memory_space<vmem>> -> memref<128xi32, #tpu.memory_space<vmem>>
      %dma_wait3A_309 = arith.constant 0 : i32
      %dma_wait3A_310 = arith.constant 0 : i32
      %dma_wait3A_311 = tpu.memref_slice %arg2[%dma_wait3A_309, %dma_wait3A_310] : memref<16384x128xf32, #tpu.memory_space<hbm>> -> memref<16384x128xf32, #tpu.memory_space<hbm>>
      tpu.wait_indirect_dma semaphore(%arg17 : memref<!tpu.dma_semaphore, #tpu.memory_space<semaphore_mem>>) src(%dma_wait3A_311 : memref<16384x128xf32, #tpu.memory_space<hbm>>) dst(%arg15 : memref<128x128xf32, #tpu.memory_space<vmem>>)
      %dma_start3A_312 = arith.constant 13 : i32
      %dma_start3A_313 = arith.constant 0 : i32
      %dma_start3A_314 = tpu.memref_slice %arg12[%dma_start3A_312, %dma_start3A_313] : memref<26x128xi32, #tpu.memory_space<vmem>> -> memref<1x128xi32, #tpu.memory_space<vmem>>
      %dma_start3A_315 = tpu.memref_squeeze %dma_start3A_314 : memref<1x128xi32, #tpu.memory_space<vmem>> -> memref<128xi32, #tpu.memory_space<vmem>>
      %dma_start3A_316 = arith.constant 0 : i32
      %dma_start3A_317 = arith.constant 0 : i32
      %dma_start3A_318 = tpu.memref_slice %arg3[%dma_start3A_316, %dma_start3A_317] : memref<100000x128xf32, #tpu.memory_space<hbm>> -> memref<100000x128xf32, #tpu.memory_space<hbm>>
      tpu.enqueue_indirect_dma source(%arg15 : memref<128x128xf32, #tpu.memory_space<vmem>>) target(%dma_start3A_318 : memref<100000x128xf32, #tpu.memory_space<hbm>>) offsets(%dma_start3A_315 : memref<128xi32, #tpu.memory_space<vmem>>) semaphore(%arg19 : memref<!tpu.dma_semaphore, #tpu.memory_space<semaphore_mem>>)
    } else {
    }
    %gt3A_107 = arith.constant 15 : i32
    %gt3A_108 = arith.cmpi sgt, %select_n3A, %gt3A_107 : i32
    %convert_element_type3A_109 = arith.extui %gt3A_108 : i1 to i32
    %cond3A_110 = arith.constant 0 : i32
    %cond3A_111 = arith.cmpi ne, %convert_element_type3A_109, %cond3A_110 : i32
    scf.if %cond3A_111 {
      %dma_wait3A_291 = arith.constant 13 : i32
      %dma_wait3A_292 = arith.constant 0 : i32
      %dma_wait3A_293 = tpu.memref_slice %arg12[%dma_wait3A_291, %dma_wait3A_292] : memref<26x128xi32, #tpu.memory_space<vmem>> -> memref<1x128xi32, #tpu.memory_space<vmem>>
      %dma_wait3A_294 = tpu.memref_squeeze %dma_wait3A_293 : memref<1x128xi32, #tpu.memory_space<vmem>> -> memref<128xi32, #tpu.memory_space<vmem>>
      %dma_wait3A_295 = arith.constant 0 : i32
      %dma_wait3A_296 = arith.constant 0 : i32
      %dma_wait3A_297 = tpu.memref_slice %arg3[%dma_wait3A_295, %dma_wait3A_296] : memref<100000x128xf32, #tpu.memory_space<hbm>> -> memref<100000x128xf32, #tpu.memory_space<hbm>>
      tpu.wait_indirect_dma semaphore(%arg19 : memref<!tpu.dma_semaphore, #tpu.memory_space<semaphore_mem>>) src(%arg15 : memref<128x128xf32, #tpu.memory_space<vmem>>) dst(%dma_wait3A_297 : memref<100000x128xf32, #tpu.memory_space<hbm>>)
      %dma_start3A_298 = arith.constant 15 : i32
      %dma_start3A_299 = arith.constant 0 : i32
      %dma_start3A_300 = tpu.memref_slice %arg13[%dma_start3A_298, %dma_start3A_299] : memref<26x128xi32, #tpu.memory_space<vmem>> -> memref<1x128xi32, #tpu.memory_space<vmem>>
      %dma_start3A_301 = tpu.memref_squeeze %dma_start3A_300 : memref<1x128xi32, #tpu.memory_space<vmem>> -> memref<128xi32, #tpu.memory_space<vmem>>
      %dma_start3A_302 = arith.constant 0 : i32
      %dma_start3A_303 = arith.constant 0 : i32
      %dma_start3A_304 = tpu.memref_slice %arg2[%dma_start3A_302, %dma_start3A_303] : memref<16384x128xf32, #tpu.memory_space<hbm>> -> memref<16384x128xf32, #tpu.memory_space<hbm>>
      tpu.enqueue_indirect_dma source(%dma_start3A_304 : memref<16384x128xf32, #tpu.memory_space<hbm>>) target(%arg15 : memref<128x128xf32, #tpu.memory_space<vmem>>) offsets(%dma_start3A_301 : memref<128xi32, #tpu.memory_space<vmem>>) semaphore(%arg17 : memref<!tpu.dma_semaphore, #tpu.memory_space<semaphore_mem>>)
      %dma_wait3A_305 = arith.constant 14 : i32
      %dma_wait3A_306 = arith.constant 0 : i32
      %dma_wait3A_307 = tpu.memref_slice %arg13[%dma_wait3A_305, %dma_wait3A_306] : memref<26x128xi32, #tpu.memory_space<vmem>> -> memref<1x128xi32, #tpu.memory_space<vmem>>
      %dma_wait3A_308 = tpu.memref_squeeze %dma_wait3A_307 : memref<1x128xi32, #tpu.memory_space<vmem>> -> memref<128xi32, #tpu.memory_space<vmem>>
      %dma_wait3A_309 = arith.constant 0 : i32
      %dma_wait3A_310 = arith.constant 0 : i32
      %dma_wait3A_311 = tpu.memref_slice %arg2[%dma_wait3A_309, %dma_wait3A_310] : memref<16384x128xf32, #tpu.memory_space<hbm>> -> memref<16384x128xf32, #tpu.memory_space<hbm>>
      tpu.wait_indirect_dma semaphore(%arg16 : memref<!tpu.dma_semaphore, #tpu.memory_space<semaphore_mem>>) src(%dma_wait3A_311 : memref<16384x128xf32, #tpu.memory_space<hbm>>) dst(%arg14 : memref<128x128xf32, #tpu.memory_space<vmem>>)
      %dma_start3A_312 = arith.constant 14 : i32
      %dma_start3A_313 = arith.constant 0 : i32
      %dma_start3A_314 = tpu.memref_slice %arg12[%dma_start3A_312, %dma_start3A_313] : memref<26x128xi32, #tpu.memory_space<vmem>> -> memref<1x128xi32, #tpu.memory_space<vmem>>
      %dma_start3A_315 = tpu.memref_squeeze %dma_start3A_314 : memref<1x128xi32, #tpu.memory_space<vmem>> -> memref<128xi32, #tpu.memory_space<vmem>>
      %dma_start3A_316 = arith.constant 0 : i32
      %dma_start3A_317 = arith.constant 0 : i32
      %dma_start3A_318 = tpu.memref_slice %arg3[%dma_start3A_316, %dma_start3A_317] : memref<100000x128xf32, #tpu.memory_space<hbm>> -> memref<100000x128xf32, #tpu.memory_space<hbm>>
      tpu.enqueue_indirect_dma source(%arg14 : memref<128x128xf32, #tpu.memory_space<vmem>>) target(%dma_start3A_318 : memref<100000x128xf32, #tpu.memory_space<hbm>>) offsets(%dma_start3A_315 : memref<128xi32, #tpu.memory_space<vmem>>) semaphore(%arg18 : memref<!tpu.dma_semaphore, #tpu.memory_space<semaphore_mem>>)
    } else {
    }
    %gt3A_112 = arith.constant 16 : i32
    %gt3A_113 = arith.cmpi sgt, %select_n3A, %gt3A_112 : i32
    %convert_element_type3A_114 = arith.extui %gt3A_113 : i1 to i32
    %cond3A_115 = arith.constant 0 : i32
    %cond3A_116 = arith.cmpi ne, %convert_element_type3A_114, %cond3A_115 : i32
    scf.if %cond3A_116 {
      %dma_wait3A_291 = arith.constant 14 : i32
      %dma_wait3A_292 = arith.constant 0 : i32
      %dma_wait3A_293 = tpu.memref_slice %arg12[%dma_wait3A_291, %dma_wait3A_292] : memref<26x128xi32, #tpu.memory_space<vmem>> -> memref<1x128xi32, #tpu.memory_space<vmem>>
      %dma_wait3A_294 = tpu.memref_squeeze %dma_wait3A_293 : memref<1x128xi32, #tpu.memory_space<vmem>> -> memref<128xi32, #tpu.memory_space<vmem>>
      %dma_wait3A_295 = arith.constant 0 : i32
      %dma_wait3A_296 = arith.constant 0 : i32
      %dma_wait3A_297 = tpu.memref_slice %arg3[%dma_wait3A_295, %dma_wait3A_296] : memref<100000x128xf32, #tpu.memory_space<hbm>> -> memref<100000x128xf32, #tpu.memory_space<hbm>>
      tpu.wait_indirect_dma semaphore(%arg18 : memref<!tpu.dma_semaphore, #tpu.memory_space<semaphore_mem>>) src(%arg14 : memref<128x128xf32, #tpu.memory_space<vmem>>) dst(%dma_wait3A_297 : memref<100000x128xf32, #tpu.memory_space<hbm>>)
      %dma_start3A_298 = arith.constant 16 : i32
      %dma_start3A_299 = arith.constant 0 : i32
      %dma_start3A_300 = tpu.memref_slice %arg13[%dma_start3A_298, %dma_start3A_299] : memref<26x128xi32, #tpu.memory_space<vmem>> -> memref<1x128xi32, #tpu.memory_space<vmem>>
      %dma_start3A_301 = tpu.memref_squeeze %dma_start3A_300 : memref<1x128xi32, #tpu.memory_space<vmem>> -> memref<128xi32, #tpu.memory_space<vmem>>
      %dma_start3A_302 = arith.constant 0 : i32
      %dma_start3A_303 = arith.constant 0 : i32
      %dma_start3A_304 = tpu.memref_slice %arg2[%dma_start3A_302, %dma_start3A_303] : memref<16384x128xf32, #tpu.memory_space<hbm>> -> memref<16384x128xf32, #tpu.memory_space<hbm>>
      tpu.enqueue_indirect_dma source(%dma_start3A_304 : memref<16384x128xf32, #tpu.memory_space<hbm>>) target(%arg14 : memref<128x128xf32, #tpu.memory_space<vmem>>) offsets(%dma_start3A_301 : memref<128xi32, #tpu.memory_space<vmem>>) semaphore(%arg16 : memref<!tpu.dma_semaphore, #tpu.memory_space<semaphore_mem>>)
      %dma_wait3A_305 = arith.constant 15 : i32
      %dma_wait3A_306 = arith.constant 0 : i32
      %dma_wait3A_307 = tpu.memref_slice %arg13[%dma_wait3A_305, %dma_wait3A_306] : memref<26x128xi32, #tpu.memory_space<vmem>> -> memref<1x128xi32, #tpu.memory_space<vmem>>
      %dma_wait3A_308 = tpu.memref_squeeze %dma_wait3A_307 : memref<1x128xi32, #tpu.memory_space<vmem>> -> memref<128xi32, #tpu.memory_space<vmem>>
      %dma_wait3A_309 = arith.constant 0 : i32
      %dma_wait3A_310 = arith.constant 0 : i32
      %dma_wait3A_311 = tpu.memref_slice %arg2[%dma_wait3A_309, %dma_wait3A_310] : memref<16384x128xf32, #tpu.memory_space<hbm>> -> memref<16384x128xf32, #tpu.memory_space<hbm>>
      tpu.wait_indirect_dma semaphore(%arg17 : memref<!tpu.dma_semaphore, #tpu.memory_space<semaphore_mem>>) src(%dma_wait3A_311 : memref<16384x128xf32, #tpu.memory_space<hbm>>) dst(%arg15 : memref<128x128xf32, #tpu.memory_space<vmem>>)
      %dma_start3A_312 = arith.constant 15 : i32
      %dma_start3A_313 = arith.constant 0 : i32
      %dma_start3A_314 = tpu.memref_slice %arg12[%dma_start3A_312, %dma_start3A_313] : memref<26x128xi32, #tpu.memory_space<vmem>> -> memref<1x128xi32, #tpu.memory_space<vmem>>
      %dma_start3A_315 = tpu.memref_squeeze %dma_start3A_314 : memref<1x128xi32, #tpu.memory_space<vmem>> -> memref<128xi32, #tpu.memory_space<vmem>>
      %dma_start3A_316 = arith.constant 0 : i32
      %dma_start3A_317 = arith.constant 0 : i32
      %dma_start3A_318 = tpu.memref_slice %arg3[%dma_start3A_316, %dma_start3A_317] : memref<100000x128xf32, #tpu.memory_space<hbm>> -> memref<100000x128xf32, #tpu.memory_space<hbm>>
      tpu.enqueue_indirect_dma source(%arg15 : memref<128x128xf32, #tpu.memory_space<vmem>>) target(%dma_start3A_318 : memref<100000x128xf32, #tpu.memory_space<hbm>>) offsets(%dma_start3A_315 : memref<128xi32, #tpu.memory_space<vmem>>) semaphore(%arg19 : memref<!tpu.dma_semaphore, #tpu.memory_space<semaphore_mem>>)
    } else {
    }
    %gt3A_117 = arith.constant 17 : i32
    %gt3A_118 = arith.cmpi sgt, %select_n3A, %gt3A_117 : i32
    %convert_element_type3A_119 = arith.extui %gt3A_118 : i1 to i32
    %cond3A_120 = arith.constant 0 : i32
    %cond3A_121 = arith.cmpi ne, %convert_element_type3A_119, %cond3A_120 : i32
    scf.if %cond3A_121 {
      %dma_wait3A_291 = arith.constant 15 : i32
      %dma_wait3A_292 = arith.constant 0 : i32
      %dma_wait3A_293 = tpu.memref_slice %arg12[%dma_wait3A_291, %dma_wait3A_292] : memref<26x128xi32, #tpu.memory_space<vmem>> -> memref<1x128xi32, #tpu.memory_space<vmem>>
      %dma_wait3A_294 = tpu.memref_squeeze %dma_wait3A_293 : memref<1x128xi32, #tpu.memory_space<vmem>> -> memref<128xi32, #tpu.memory_space<vmem>>
      %dma_wait3A_295 = arith.constant 0 : i32
      %dma_wait3A_296 = arith.constant 0 : i32
      %dma_wait3A_297 = tpu.memref_slice %arg3[%dma_wait3A_295, %dma_wait3A_296] : memref<100000x128xf32, #tpu.memory_space<hbm>> -> memref<100000x128xf32, #tpu.memory_space<hbm>>
      tpu.wait_indirect_dma semaphore(%arg19 : memref<!tpu.dma_semaphore, #tpu.memory_space<semaphore_mem>>) src(%arg15 : memref<128x128xf32, #tpu.memory_space<vmem>>) dst(%dma_wait3A_297 : memref<100000x128xf32, #tpu.memory_space<hbm>>)
      %dma_start3A_298 = arith.constant 17 : i32
      %dma_start3A_299 = arith.constant 0 : i32
      %dma_start3A_300 = tpu.memref_slice %arg13[%dma_start3A_298, %dma_start3A_299] : memref<26x128xi32, #tpu.memory_space<vmem>> -> memref<1x128xi32, #tpu.memory_space<vmem>>
      %dma_start3A_301 = tpu.memref_squeeze %dma_start3A_300 : memref<1x128xi32, #tpu.memory_space<vmem>> -> memref<128xi32, #tpu.memory_space<vmem>>
      %dma_start3A_302 = arith.constant 0 : i32
      %dma_start3A_303 = arith.constant 0 : i32
      %dma_start3A_304 = tpu.memref_slice %arg2[%dma_start3A_302, %dma_start3A_303] : memref<16384x128xf32, #tpu.memory_space<hbm>> -> memref<16384x128xf32, #tpu.memory_space<hbm>>
      tpu.enqueue_indirect_dma source(%dma_start3A_304 : memref<16384x128xf32, #tpu.memory_space<hbm>>) target(%arg15 : memref<128x128xf32, #tpu.memory_space<vmem>>) offsets(%dma_start3A_301 : memref<128xi32, #tpu.memory_space<vmem>>) semaphore(%arg17 : memref<!tpu.dma_semaphore, #tpu.memory_space<semaphore_mem>>)
      %dma_wait3A_305 = arith.constant 16 : i32
      %dma_wait3A_306 = arith.constant 0 : i32
      %dma_wait3A_307 = tpu.memref_slice %arg13[%dma_wait3A_305, %dma_wait3A_306] : memref<26x128xi32, #tpu.memory_space<vmem>> -> memref<1x128xi32, #tpu.memory_space<vmem>>
      %dma_wait3A_308 = tpu.memref_squeeze %dma_wait3A_307 : memref<1x128xi32, #tpu.memory_space<vmem>> -> memref<128xi32, #tpu.memory_space<vmem>>
      %dma_wait3A_309 = arith.constant 0 : i32
      %dma_wait3A_310 = arith.constant 0 : i32
      %dma_wait3A_311 = tpu.memref_slice %arg2[%dma_wait3A_309, %dma_wait3A_310] : memref<16384x128xf32, #tpu.memory_space<hbm>> -> memref<16384x128xf32, #tpu.memory_space<hbm>>
      tpu.wait_indirect_dma semaphore(%arg16 : memref<!tpu.dma_semaphore, #tpu.memory_space<semaphore_mem>>) src(%dma_wait3A_311 : memref<16384x128xf32, #tpu.memory_space<hbm>>) dst(%arg14 : memref<128x128xf32, #tpu.memory_space<vmem>>)
      %dma_start3A_312 = arith.constant 16 : i32
      %dma_start3A_313 = arith.constant 0 : i32
      %dma_start3A_314 = tpu.memref_slice %arg12[%dma_start3A_312, %dma_start3A_313] : memref<26x128xi32, #tpu.memory_space<vmem>> -> memref<1x128xi32, #tpu.memory_space<vmem>>
      %dma_start3A_315 = tpu.memref_squeeze %dma_start3A_314 : memref<1x128xi32, #tpu.memory_space<vmem>> -> memref<128xi32, #tpu.memory_space<vmem>>
      %dma_start3A_316 = arith.constant 0 : i32
      %dma_start3A_317 = arith.constant 0 : i32
      %dma_start3A_318 = tpu.memref_slice %arg3[%dma_start3A_316, %dma_start3A_317] : memref<100000x128xf32, #tpu.memory_space<hbm>> -> memref<100000x128xf32, #tpu.memory_space<hbm>>
      tpu.enqueue_indirect_dma source(%arg14 : memref<128x128xf32, #tpu.memory_space<vmem>>) target(%dma_start3A_318 : memref<100000x128xf32, #tpu.memory_space<hbm>>) offsets(%dma_start3A_315 : memref<128xi32, #tpu.memory_space<vmem>>) semaphore(%arg18 : memref<!tpu.dma_semaphore, #tpu.memory_space<semaphore_mem>>)
    } else {
    }
    %gt3A_122 = arith.constant 18 : i32
    %gt3A_123 = arith.cmpi sgt, %select_n3A, %gt3A_122 : i32
    %convert_element_type3A_124 = arith.extui %gt3A_123 : i1 to i32
    %cond3A_125 = arith.constant 0 : i32
    %cond3A_126 = arith.cmpi ne, %convert_element_type3A_124, %cond3A_125 : i32
    scf.if %cond3A_126 {
      %dma_wait3A_291 = arith.constant 16 : i32
      %dma_wait3A_292 = arith.constant 0 : i32
      %dma_wait3A_293 = tpu.memref_slice %arg12[%dma_wait3A_291, %dma_wait3A_292] : memref<26x128xi32, #tpu.memory_space<vmem>> -> memref<1x128xi32, #tpu.memory_space<vmem>>
      %dma_wait3A_294 = tpu.memref_squeeze %dma_wait3A_293 : memref<1x128xi32, #tpu.memory_space<vmem>> -> memref<128xi32, #tpu.memory_space<vmem>>
      %dma_wait3A_295 = arith.constant 0 : i32
      %dma_wait3A_296 = arith.constant 0 : i32
      %dma_wait3A_297 = tpu.memref_slice %arg3[%dma_wait3A_295, %dma_wait3A_296] : memref<100000x128xf32, #tpu.memory_space<hbm>> -> memref<100000x128xf32, #tpu.memory_space<hbm>>
      tpu.wait_indirect_dma semaphore(%arg18 : memref<!tpu.dma_semaphore, #tpu.memory_space<semaphore_mem>>) src(%arg14 : memref<128x128xf32, #tpu.memory_space<vmem>>) dst(%dma_wait3A_297 : memref<100000x128xf32, #tpu.memory_space<hbm>>)
      %dma_start3A_298 = arith.constant 18 : i32
      %dma_start3A_299 = arith.constant 0 : i32
      %dma_start3A_300 = tpu.memref_slice %arg13[%dma_start3A_298, %dma_start3A_299] : memref<26x128xi32, #tpu.memory_space<vmem>> -> memref<1x128xi32, #tpu.memory_space<vmem>>
      %dma_start3A_301 = tpu.memref_squeeze %dma_start3A_300 : memref<1x128xi32, #tpu.memory_space<vmem>> -> memref<128xi32, #tpu.memory_space<vmem>>
      %dma_start3A_302 = arith.constant 0 : i32
      %dma_start3A_303 = arith.constant 0 : i32
      %dma_start3A_304 = tpu.memref_slice %arg2[%dma_start3A_302, %dma_start3A_303] : memref<16384x128xf32, #tpu.memory_space<hbm>> -> memref<16384x128xf32, #tpu.memory_space<hbm>>
      tpu.enqueue_indirect_dma source(%dma_start3A_304 : memref<16384x128xf32, #tpu.memory_space<hbm>>) target(%arg14 : memref<128x128xf32, #tpu.memory_space<vmem>>) offsets(%dma_start3A_301 : memref<128xi32, #tpu.memory_space<vmem>>) semaphore(%arg16 : memref<!tpu.dma_semaphore, #tpu.memory_space<semaphore_mem>>)
      %dma_wait3A_305 = arith.constant 17 : i32
      %dma_wait3A_306 = arith.constant 0 : i32
      %dma_wait3A_307 = tpu.memref_slice %arg13[%dma_wait3A_305, %dma_wait3A_306] : memref<26x128xi32, #tpu.memory_space<vmem>> -> memref<1x128xi32, #tpu.memory_space<vmem>>
      %dma_wait3A_308 = tpu.memref_squeeze %dma_wait3A_307 : memref<1x128xi32, #tpu.memory_space<vmem>> -> memref<128xi32, #tpu.memory_space<vmem>>
      %dma_wait3A_309 = arith.constant 0 : i32
      %dma_wait3A_310 = arith.constant 0 : i32
      %dma_wait3A_311 = tpu.memref_slice %arg2[%dma_wait3A_309, %dma_wait3A_310] : memref<16384x128xf32, #tpu.memory_space<hbm>> -> memref<16384x128xf32, #tpu.memory_space<hbm>>
      tpu.wait_indirect_dma semaphore(%arg17 : memref<!tpu.dma_semaphore, #tpu.memory_space<semaphore_mem>>) src(%dma_wait3A_311 : memref<16384x128xf32, #tpu.memory_space<hbm>>) dst(%arg15 : memref<128x128xf32, #tpu.memory_space<vmem>>)
      %dma_start3A_312 = arith.constant 17 : i32
      %dma_start3A_313 = arith.constant 0 : i32
      %dma_start3A_314 = tpu.memref_slice %arg12[%dma_start3A_312, %dma_start3A_313] : memref<26x128xi32, #tpu.memory_space<vmem>> -> memref<1x128xi32, #tpu.memory_space<vmem>>
      %dma_start3A_315 = tpu.memref_squeeze %dma_start3A_314 : memref<1x128xi32, #tpu.memory_space<vmem>> -> memref<128xi32, #tpu.memory_space<vmem>>
      %dma_start3A_316 = arith.constant 0 : i32
      %dma_start3A_317 = arith.constant 0 : i32
      %dma_start3A_318 = tpu.memref_slice %arg3[%dma_start3A_316, %dma_start3A_317] : memref<100000x128xf32, #tpu.memory_space<hbm>> -> memref<100000x128xf32, #tpu.memory_space<hbm>>
      tpu.enqueue_indirect_dma source(%arg15 : memref<128x128xf32, #tpu.memory_space<vmem>>) target(%dma_start3A_318 : memref<100000x128xf32, #tpu.memory_space<hbm>>) offsets(%dma_start3A_315 : memref<128xi32, #tpu.memory_space<vmem>>) semaphore(%arg19 : memref<!tpu.dma_semaphore, #tpu.memory_space<semaphore_mem>>)
    } else {
    }
    %gt3A_127 = arith.constant 19 : i32
    %gt3A_128 = arith.cmpi sgt, %select_n3A, %gt3A_127 : i32
    %convert_element_type3A_129 = arith.extui %gt3A_128 : i1 to i32
    %cond3A_130 = arith.constant 0 : i32
    %cond3A_131 = arith.cmpi ne, %convert_element_type3A_129, %cond3A_130 : i32
    scf.if %cond3A_131 {
      %dma_wait3A_291 = arith.constant 17 : i32
      %dma_wait3A_292 = arith.constant 0 : i32
      %dma_wait3A_293 = tpu.memref_slice %arg12[%dma_wait3A_291, %dma_wait3A_292] : memref<26x128xi32, #tpu.memory_space<vmem>> -> memref<1x128xi32, #tpu.memory_space<vmem>>
      %dma_wait3A_294 = tpu.memref_squeeze %dma_wait3A_293 : memref<1x128xi32, #tpu.memory_space<vmem>> -> memref<128xi32, #tpu.memory_space<vmem>>
      %dma_wait3A_295 = arith.constant 0 : i32
      %dma_wait3A_296 = arith.constant 0 : i32
      %dma_wait3A_297 = tpu.memref_slice %arg3[%dma_wait3A_295, %dma_wait3A_296] : memref<100000x128xf32, #tpu.memory_space<hbm>> -> memref<100000x128xf32, #tpu.memory_space<hbm>>
      tpu.wait_indirect_dma semaphore(%arg19 : memref<!tpu.dma_semaphore, #tpu.memory_space<semaphore_mem>>) src(%arg15 : memref<128x128xf32, #tpu.memory_space<vmem>>) dst(%dma_wait3A_297 : memref<100000x128xf32, #tpu.memory_space<hbm>>)
      %dma_start3A_298 = arith.constant 19 : i32
      %dma_start3A_299 = arith.constant 0 : i32
      %dma_start3A_300 = tpu.memref_slice %arg13[%dma_start3A_298, %dma_start3A_299] : memref<26x128xi32, #tpu.memory_space<vmem>> -> memref<1x128xi32, #tpu.memory_space<vmem>>
      %dma_start3A_301 = tpu.memref_squeeze %dma_start3A_300 : memref<1x128xi32, #tpu.memory_space<vmem>> -> memref<128xi32, #tpu.memory_space<vmem>>
      %dma_start3A_302 = arith.constant 0 : i32
      %dma_start3A_303 = arith.constant 0 : i32
      %dma_start3A_304 = tpu.memref_slice %arg2[%dma_start3A_302, %dma_start3A_303] : memref<16384x128xf32, #tpu.memory_space<hbm>> -> memref<16384x128xf32, #tpu.memory_space<hbm>>
      tpu.enqueue_indirect_dma source(%dma_start3A_304 : memref<16384x128xf32, #tpu.memory_space<hbm>>) target(%arg15 : memref<128x128xf32, #tpu.memory_space<vmem>>) offsets(%dma_start3A_301 : memref<128xi32, #tpu.memory_space<vmem>>) semaphore(%arg17 : memref<!tpu.dma_semaphore, #tpu.memory_space<semaphore_mem>>)
      %dma_wait3A_305 = arith.constant 18 : i32
      %dma_wait3A_306 = arith.constant 0 : i32
      %dma_wait3A_307 = tpu.memref_slice %arg13[%dma_wait3A_305, %dma_wait3A_306] : memref<26x128xi32, #tpu.memory_space<vmem>> -> memref<1x128xi32, #tpu.memory_space<vmem>>
      %dma_wait3A_308 = tpu.memref_squeeze %dma_wait3A_307 : memref<1x128xi32, #tpu.memory_space<vmem>> -> memref<128xi32, #tpu.memory_space<vmem>>
      %dma_wait3A_309 = arith.constant 0 : i32
      %dma_wait3A_310 = arith.constant 0 : i32
      %dma_wait3A_311 = tpu.memref_slice %arg2[%dma_wait3A_309, %dma_wait3A_310] : memref<16384x128xf32, #tpu.memory_space<hbm>> -> memref<16384x128xf32, #tpu.memory_space<hbm>>
      tpu.wait_indirect_dma semaphore(%arg16 : memref<!tpu.dma_semaphore, #tpu.memory_space<semaphore_mem>>) src(%dma_wait3A_311 : memref<16384x128xf32, #tpu.memory_space<hbm>>) dst(%arg14 : memref<128x128xf32, #tpu.memory_space<vmem>>)
      %dma_start3A_312 = arith.constant 18 : i32
      %dma_start3A_313 = arith.constant 0 : i32
      %dma_start3A_314 = tpu.memref_slice %arg12[%dma_start3A_312, %dma_start3A_313] : memref<26x128xi32, #tpu.memory_space<vmem>> -> memref<1x128xi32, #tpu.memory_space<vmem>>
      %dma_start3A_315 = tpu.memref_squeeze %dma_start3A_314 : memref<1x128xi32, #tpu.memory_space<vmem>> -> memref<128xi32, #tpu.memory_space<vmem>>
      %dma_start3A_316 = arith.constant 0 : i32
      %dma_start3A_317 = arith.constant 0 : i32
      %dma_start3A_318 = tpu.memref_slice %arg3[%dma_start3A_316, %dma_start3A_317] : memref<100000x128xf32, #tpu.memory_space<hbm>> -> memref<100000x128xf32, #tpu.memory_space<hbm>>
      tpu.enqueue_indirect_dma source(%arg14 : memref<128x128xf32, #tpu.memory_space<vmem>>) target(%dma_start3A_318 : memref<100000x128xf32, #tpu.memory_space<hbm>>) offsets(%dma_start3A_315 : memref<128xi32, #tpu.memory_space<vmem>>) semaphore(%arg18 : memref<!tpu.dma_semaphore, #tpu.memory_space<semaphore_mem>>)
    } else {
    }
    %gt3A_132 = arith.constant 20 : i32
    %gt3A_133 = arith.cmpi sgt, %select_n3A, %gt3A_132 : i32
    %convert_element_type3A_134 = arith.extui %gt3A_133 : i1 to i32
    %cond3A_135 = arith.constant 0 : i32
    %cond3A_136 = arith.cmpi ne, %convert_element_type3A_134, %cond3A_135 : i32
    scf.if %cond3A_136 {
      %dma_wait3A_291 = arith.constant 18 : i32
      %dma_wait3A_292 = arith.constant 0 : i32
      %dma_wait3A_293 = tpu.memref_slice %arg12[%dma_wait3A_291, %dma_wait3A_292] : memref<26x128xi32, #tpu.memory_space<vmem>> -> memref<1x128xi32, #tpu.memory_space<vmem>>
      %dma_wait3A_294 = tpu.memref_squeeze %dma_wait3A_293 : memref<1x128xi32, #tpu.memory_space<vmem>> -> memref<128xi32, #tpu.memory_space<vmem>>
      %dma_wait3A_295 = arith.constant 0 : i32
      %dma_wait3A_296 = arith.constant 0 : i32
      %dma_wait3A_297 = tpu.memref_slice %arg3[%dma_wait3A_295, %dma_wait3A_296] : memref<100000x128xf32, #tpu.memory_space<hbm>> -> memref<100000x128xf32, #tpu.memory_space<hbm>>
      tpu.wait_indirect_dma semaphore(%arg18 : memref<!tpu.dma_semaphore, #tpu.memory_space<semaphore_mem>>) src(%arg14 : memref<128x128xf32, #tpu.memory_space<vmem>>) dst(%dma_wait3A_297 : memref<100000x128xf32, #tpu.memory_space<hbm>>)
      %dma_start3A_298 = arith.constant 20 : i32
      %dma_start3A_299 = arith.constant 0 : i32
      %dma_start3A_300 = tpu.memref_slice %arg13[%dma_start3A_298, %dma_start3A_299] : memref<26x128xi32, #tpu.memory_space<vmem>> -> memref<1x128xi32, #tpu.memory_space<vmem>>
      %dma_start3A_301 = tpu.memref_squeeze %dma_start3A_300 : memref<1x128xi32, #tpu.memory_space<vmem>> -> memref<128xi32, #tpu.memory_space<vmem>>
      %dma_start3A_302 = arith.constant 0 : i32
      %dma_start3A_303 = arith.constant 0 : i32
      %dma_start3A_304 = tpu.memref_slice %arg2[%dma_start3A_302, %dma_start3A_303] : memref<16384x128xf32, #tpu.memory_space<hbm>> -> memref<16384x128xf32, #tpu.memory_space<hbm>>
      tpu.enqueue_indirect_dma source(%dma_start3A_304 : memref<16384x128xf32, #tpu.memory_space<hbm>>) target(%arg14 : memref<128x128xf32, #tpu.memory_space<vmem>>) offsets(%dma_start3A_301 : memref<128xi32, #tpu.memory_space<vmem>>) semaphore(%arg16 : memref<!tpu.dma_semaphore, #tpu.memory_space<semaphore_mem>>)
      %dma_wait3A_305 = arith.constant 19 : i32
      %dma_wait3A_306 = arith.constant 0 : i32
      %dma_wait3A_307 = tpu.memref_slice %arg13[%dma_wait3A_305, %dma_wait3A_306] : memref<26x128xi32, #tpu.memory_space<vmem>> -> memref<1x128xi32, #tpu.memory_space<vmem>>
      %dma_wait3A_308 = tpu.memref_squeeze %dma_wait3A_307 : memref<1x128xi32, #tpu.memory_space<vmem>> -> memref<128xi32, #tpu.memory_space<vmem>>
      %dma_wait3A_309 = arith.constant 0 : i32
      %dma_wait3A_310 = arith.constant 0 : i32
      %dma_wait3A_311 = tpu.memref_slice %arg2[%dma_wait3A_309, %dma_wait3A_310] : memref<16384x128xf32, #tpu.memory_space<hbm>> -> memref<16384x128xf32, #tpu.memory_space<hbm>>
      tpu.wait_indirect_dma semaphore(%arg17 : memref<!tpu.dma_semaphore, #tpu.memory_space<semaphore_mem>>) src(%dma_wait3A_311 : memref<16384x128xf32, #tpu.memory_space<hbm>>) dst(%arg15 : memref<128x128xf32, #tpu.memory_space<vmem>>)
      %dma_start3A_312 = arith.constant 19 : i32
      %dma_start3A_313 = arith.constant 0 : i32
      %dma_start3A_314 = tpu.memref_slice %arg12[%dma_start3A_312, %dma_start3A_313] : memref<26x128xi32, #tpu.memory_space<vmem>> -> memref<1x128xi32, #tpu.memory_space<vmem>>
      %dma_start3A_315 = tpu.memref_squeeze %dma_start3A_314 : memref<1x128xi32, #tpu.memory_space<vmem>> -> memref<128xi32, #tpu.memory_space<vmem>>
      %dma_start3A_316 = arith.constant 0 : i32
      %dma_start3A_317 = arith.constant 0 : i32
      %dma_start3A_318 = tpu.memref_slice %arg3[%dma_start3A_316, %dma_start3A_317] : memref<100000x128xf32, #tpu.memory_space<hbm>> -> memref<100000x128xf32, #tpu.memory_space<hbm>>
      tpu.enqueue_indirect_dma source(%arg15 : memref<128x128xf32, #tpu.memory_space<vmem>>) target(%dma_start3A_318 : memref<100000x128xf32, #tpu.memory_space<hbm>>) offsets(%dma_start3A_315 : memref<128xi32, #tpu.memory_space<vmem>>) semaphore(%arg19 : memref<!tpu.dma_semaphore, #tpu.memory_space<semaphore_mem>>)
    } else {
    }
    %gt3A_137 = arith.constant 21 : i32
    %gt3A_138 = arith.cmpi sgt, %select_n3A, %gt3A_137 : i32
    %convert_element_type3A_139 = arith.extui %gt3A_138 : i1 to i32
    %cond3A_140 = arith.constant 0 : i32
    %cond3A_141 = arith.cmpi ne, %convert_element_type3A_139, %cond3A_140 : i32
    scf.if %cond3A_141 {
      %dma_wait3A_291 = arith.constant 19 : i32
      %dma_wait3A_292 = arith.constant 0 : i32
      %dma_wait3A_293 = tpu.memref_slice %arg12[%dma_wait3A_291, %dma_wait3A_292] : memref<26x128xi32, #tpu.memory_space<vmem>> -> memref<1x128xi32, #tpu.memory_space<vmem>>
      %dma_wait3A_294 = tpu.memref_squeeze %dma_wait3A_293 : memref<1x128xi32, #tpu.memory_space<vmem>> -> memref<128xi32, #tpu.memory_space<vmem>>
      %dma_wait3A_295 = arith.constant 0 : i32
      %dma_wait3A_296 = arith.constant 0 : i32
      %dma_wait3A_297 = tpu.memref_slice %arg3[%dma_wait3A_295, %dma_wait3A_296] : memref<100000x128xf32, #tpu.memory_space<hbm>> -> memref<100000x128xf32, #tpu.memory_space<hbm>>
      tpu.wait_indirect_dma semaphore(%arg19 : memref<!tpu.dma_semaphore, #tpu.memory_space<semaphore_mem>>) src(%arg15 : memref<128x128xf32, #tpu.memory_space<vmem>>) dst(%dma_wait3A_297 : memref<100000x128xf32, #tpu.memory_space<hbm>>)
      %dma_start3A_298 = arith.constant 21 : i32
      %dma_start3A_299 = arith.constant 0 : i32
      %dma_start3A_300 = tpu.memref_slice %arg13[%dma_start3A_298, %dma_start3A_299] : memref<26x128xi32, #tpu.memory_space<vmem>> -> memref<1x128xi32, #tpu.memory_space<vmem>>
      %dma_start3A_301 = tpu.memref_squeeze %dma_start3A_300 : memref<1x128xi32, #tpu.memory_space<vmem>> -> memref<128xi32, #tpu.memory_space<vmem>>
      %dma_start3A_302 = arith.constant 0 : i32
      %dma_start3A_303 = arith.constant 0 : i32
      %dma_start3A_304 = tpu.memref_slice %arg2[%dma_start3A_302, %dma_start3A_303] : memref<16384x128xf32, #tpu.memory_space<hbm>> -> memref<16384x128xf32, #tpu.memory_space<hbm>>
      tpu.enqueue_indirect_dma source(%dma_start3A_304 : memref<16384x128xf32, #tpu.memory_space<hbm>>) target(%arg15 : memref<128x128xf32, #tpu.memory_space<vmem>>) offsets(%dma_start3A_301 : memref<128xi32, #tpu.memory_space<vmem>>) semaphore(%arg17 : memref<!tpu.dma_semaphore, #tpu.memory_space<semaphore_mem>>)
      %dma_wait3A_305 = arith.constant 20 : i32
      %dma_wait3A_306 = arith.constant 0 : i32
      %dma_wait3A_307 = tpu.memref_slice %arg13[%dma_wait3A_305, %dma_wait3A_306] : memref<26x128xi32, #tpu.memory_space<vmem>> -> memref<1x128xi32, #tpu.memory_space<vmem>>
      %dma_wait3A_308 = tpu.memref_squeeze %dma_wait3A_307 : memref<1x128xi32, #tpu.memory_space<vmem>> -> memref<128xi32, #tpu.memory_space<vmem>>
      %dma_wait3A_309 = arith.constant 0 : i32
      %dma_wait3A_310 = arith.constant 0 : i32
      %dma_wait3A_311 = tpu.memref_slice %arg2[%dma_wait3A_309, %dma_wait3A_310] : memref<16384x128xf32, #tpu.memory_space<hbm>> -> memref<16384x128xf32, #tpu.memory_space<hbm>>
      tpu.wait_indirect_dma semaphore(%arg16 : memref<!tpu.dma_semaphore, #tpu.memory_space<semaphore_mem>>) src(%dma_wait3A_311 : memref<16384x128xf32, #tpu.memory_space<hbm>>) dst(%arg14 : memref<128x128xf32, #tpu.memory_space<vmem>>)
      %dma_start3A_312 = arith.constant 20 : i32
      %dma_start3A_313 = arith.constant 0 : i32
      %dma_start3A_314 = tpu.memref_slice %arg12[%dma_start3A_312, %dma_start3A_313] : memref<26x128xi32, #tpu.memory_space<vmem>> -> memref<1x128xi32, #tpu.memory_space<vmem>>
      %dma_start3A_315 = tpu.memref_squeeze %dma_start3A_314 : memref<1x128xi32, #tpu.memory_space<vmem>> -> memref<128xi32, #tpu.memory_space<vmem>>
      %dma_start3A_316 = arith.constant 0 : i32
      %dma_start3A_317 = arith.constant 0 : i32
      %dma_start3A_318 = tpu.memref_slice %arg3[%dma_start3A_316, %dma_start3A_317] : memref<100000x128xf32, #tpu.memory_space<hbm>> -> memref<100000x128xf32, #tpu.memory_space<hbm>>
      tpu.enqueue_indirect_dma source(%arg14 : memref<128x128xf32, #tpu.memory_space<vmem>>) target(%dma_start3A_318 : memref<100000x128xf32, #tpu.memory_space<hbm>>) offsets(%dma_start3A_315 : memref<128xi32, #tpu.memory_space<vmem>>) semaphore(%arg18 : memref<!tpu.dma_semaphore, #tpu.memory_space<semaphore_mem>>)
    } else {
    }
    %gt3A_142 = arith.constant 22 : i32
    %gt3A_143 = arith.cmpi sgt, %select_n3A, %gt3A_142 : i32
    %convert_element_type3A_144 = arith.extui %gt3A_143 : i1 to i32
    %cond3A_145 = arith.constant 0 : i32
    %cond3A_146 = arith.cmpi ne, %convert_element_type3A_144, %cond3A_145 : i32
    scf.if %cond3A_146 {
      %dma_wait3A_291 = arith.constant 20 : i32
      %dma_wait3A_292 = arith.constant 0 : i32
      %dma_wait3A_293 = tpu.memref_slice %arg12[%dma_wait3A_291, %dma_wait3A_292] : memref<26x128xi32, #tpu.memory_space<vmem>> -> memref<1x128xi32, #tpu.memory_space<vmem>>
      %dma_wait3A_294 = tpu.memref_squeeze %dma_wait3A_293 : memref<1x128xi32, #tpu.memory_space<vmem>> -> memref<128xi32, #tpu.memory_space<vmem>>
      %dma_wait3A_295 = arith.constant 0 : i32
      %dma_wait3A_296 = arith.constant 0 : i32
      %dma_wait3A_297 = tpu.memref_slice %arg3[%dma_wait3A_295, %dma_wait3A_296] : memref<100000x128xf32, #tpu.memory_space<hbm>> -> memref<100000x128xf32, #tpu.memory_space<hbm>>
      tpu.wait_indirect_dma semaphore(%arg18 : memref<!tpu.dma_semaphore, #tpu.memory_space<semaphore_mem>>) src(%arg14 : memref<128x128xf32, #tpu.memory_space<vmem>>) dst(%dma_wait3A_297 : memref<100000x128xf32, #tpu.memory_space<hbm>>)
      %dma_start3A_298 = arith.constant 22 : i32
      %dma_start3A_299 = arith.constant 0 : i32
      %dma_start3A_300 = tpu.memref_slice %arg13[%dma_start3A_298, %dma_start3A_299] : memref<26x128xi32, #tpu.memory_space<vmem>> -> memref<1x128xi32, #tpu.memory_space<vmem>>
      %dma_start3A_301 = tpu.memref_squeeze %dma_start3A_300 : memref<1x128xi32, #tpu.memory_space<vmem>> -> memref<128xi32, #tpu.memory_space<vmem>>
      %dma_start3A_302 = arith.constant 0 : i32
      %dma_start3A_303 = arith.constant 0 : i32
      %dma_start3A_304 = tpu.memref_slice %arg2[%dma_start3A_302, %dma_start3A_303] : memref<16384x128xf32, #tpu.memory_space<hbm>> -> memref<16384x128xf32, #tpu.memory_space<hbm>>
      tpu.enqueue_indirect_dma source(%dma_start3A_304 : memref<16384x128xf32, #tpu.memory_space<hbm>>) target(%arg14 : memref<128x128xf32, #tpu.memory_space<vmem>>) offsets(%dma_start3A_301 : memref<128xi32, #tpu.memory_space<vmem>>) semaphore(%arg16 : memref<!tpu.dma_semaphore, #tpu.memory_space<semaphore_mem>>)
      %dma_wait3A_305 = arith.constant 21 : i32
      %dma_wait3A_306 = arith.constant 0 : i32
      %dma_wait3A_307 = tpu.memref_slice %arg13[%dma_wait3A_305, %dma_wait3A_306] : memref<26x128xi32, #tpu.memory_space<vmem>> -> memref<1x128xi32, #tpu.memory_space<vmem>>
      %dma_wait3A_308 = tpu.memref_squeeze %dma_wait3A_307 : memref<1x128xi32, #tpu.memory_space<vmem>> -> memref<128xi32, #tpu.memory_space<vmem>>
      %dma_wait3A_309 = arith.constant 0 : i32
      %dma_wait3A_310 = arith.constant 0 : i32
      %dma_wait3A_311 = tpu.memref_slice %arg2[%dma_wait3A_309, %dma_wait3A_310] : memref<16384x128xf32, #tpu.memory_space<hbm>> -> memref<16384x128xf32, #tpu.memory_space<hbm>>
      tpu.wait_indirect_dma semaphore(%arg17 : memref<!tpu.dma_semaphore, #tpu.memory_space<semaphore_mem>>) src(%dma_wait3A_311 : memref<16384x128xf32, #tpu.memory_space<hbm>>) dst(%arg15 : memref<128x128xf32, #tpu.memory_space<vmem>>)
      %dma_start3A_312 = arith.constant 21 : i32
      %dma_start3A_313 = arith.constant 0 : i32
      %dma_start3A_314 = tpu.memref_slice %arg12[%dma_start3A_312, %dma_start3A_313] : memref<26x128xi32, #tpu.memory_space<vmem>> -> memref<1x128xi32, #tpu.memory_space<vmem>>
      %dma_start3A_315 = tpu.memref_squeeze %dma_start3A_314 : memref<1x128xi32, #tpu.memory_space<vmem>> -> memref<128xi32, #tpu.memory_space<vmem>>
      %dma_start3A_316 = arith.constant 0 : i32
      %dma_start3A_317 = arith.constant 0 : i32
      %dma_start3A_318 = tpu.memref_slice %arg3[%dma_start3A_316, %dma_start3A_317] : memref<100000x128xf32, #tpu.memory_space<hbm>> -> memref<100000x128xf32, #tpu.memory_space<hbm>>
      tpu.enqueue_indirect_dma source(%arg15 : memref<128x128xf32, #tpu.memory_space<vmem>>) target(%dma_start3A_318 : memref<100000x128xf32, #tpu.memory_space<hbm>>) offsets(%dma_start3A_315 : memref<128xi32, #tpu.memory_space<vmem>>) semaphore(%arg19 : memref<!tpu.dma_semaphore, #tpu.memory_space<semaphore_mem>>)
    } else {
    }
    %gt3A_147 = arith.constant 23 : i32
    %gt3A_148 = arith.cmpi sgt, %select_n3A, %gt3A_147 : i32
    %convert_element_type3A_149 = arith.extui %gt3A_148 : i1 to i32
    %cond3A_150 = arith.constant 0 : i32
    %cond3A_151 = arith.cmpi ne, %convert_element_type3A_149, %cond3A_150 : i32
    scf.if %cond3A_151 {
      %dma_wait3A_291 = arith.constant 21 : i32
      %dma_wait3A_292 = arith.constant 0 : i32
      %dma_wait3A_293 = tpu.memref_slice %arg12[%dma_wait3A_291, %dma_wait3A_292] : memref<26x128xi32, #tpu.memory_space<vmem>> -> memref<1x128xi32, #tpu.memory_space<vmem>>
      %dma_wait3A_294 = tpu.memref_squeeze %dma_wait3A_293 : memref<1x128xi32, #tpu.memory_space<vmem>> -> memref<128xi32, #tpu.memory_space<vmem>>
      %dma_wait3A_295 = arith.constant 0 : i32
      %dma_wait3A_296 = arith.constant 0 : i32
      %dma_wait3A_297 = tpu.memref_slice %arg3[%dma_wait3A_295, %dma_wait3A_296] : memref<100000x128xf32, #tpu.memory_space<hbm>> -> memref<100000x128xf32, #tpu.memory_space<hbm>>
      tpu.wait_indirect_dma semaphore(%arg19 : memref<!tpu.dma_semaphore, #tpu.memory_space<semaphore_mem>>) src(%arg15 : memref<128x128xf32, #tpu.memory_space<vmem>>) dst(%dma_wait3A_297 : memref<100000x128xf32, #tpu.memory_space<hbm>>)
      %dma_start3A_298 = arith.constant 23 : i32
      %dma_start3A_299 = arith.constant 0 : i32
      %dma_start3A_300 = tpu.memref_slice %arg13[%dma_start3A_298, %dma_start3A_299] : memref<26x128xi32, #tpu.memory_space<vmem>> -> memref<1x128xi32, #tpu.memory_space<vmem>>
      %dma_start3A_301 = tpu.memref_squeeze %dma_start3A_300 : memref<1x128xi32, #tpu.memory_space<vmem>> -> memref<128xi32, #tpu.memory_space<vmem>>
      %dma_start3A_302 = arith.constant 0 : i32
      %dma_start3A_303 = arith.constant 0 : i32
      %dma_start3A_304 = tpu.memref_slice %arg2[%dma_start3A_302, %dma_start3A_303] : memref<16384x128xf32, #tpu.memory_space<hbm>> -> memref<16384x128xf32, #tpu.memory_space<hbm>>
      tpu.enqueue_indirect_dma source(%dma_start3A_304 : memref<16384x128xf32, #tpu.memory_space<hbm>>) target(%arg15 : memref<128x128xf32, #tpu.memory_space<vmem>>) offsets(%dma_start3A_301 : memref<128xi32, #tpu.memory_space<vmem>>) semaphore(%arg17 : memref<!tpu.dma_semaphore, #tpu.memory_space<semaphore_mem>>)
      %dma_wait3A_305 = arith.constant 22 : i32
      %dma_wait3A_306 = arith.constant 0 : i32
      %dma_wait3A_307 = tpu.memref_slice %arg13[%dma_wait3A_305, %dma_wait3A_306] : memref<26x128xi32, #tpu.memory_space<vmem>> -> memref<1x128xi32, #tpu.memory_space<vmem>>
      %dma_wait3A_308 = tpu.memref_squeeze %dma_wait3A_307 : memref<1x128xi32, #tpu.memory_space<vmem>> -> memref<128xi32, #tpu.memory_space<vmem>>
      %dma_wait3A_309 = arith.constant 0 : i32
      %dma_wait3A_310 = arith.constant 0 : i32
      %dma_wait3A_311 = tpu.memref_slice %arg2[%dma_wait3A_309, %dma_wait3A_310] : memref<16384x128xf32, #tpu.memory_space<hbm>> -> memref<16384x128xf32, #tpu.memory_space<hbm>>
      tpu.wait_indirect_dma semaphore(%arg16 : memref<!tpu.dma_semaphore, #tpu.memory_space<semaphore_mem>>) src(%dma_wait3A_311 : memref<16384x128xf32, #tpu.memory_space<hbm>>) dst(%arg14 : memref<128x128xf32, #tpu.memory_space<vmem>>)
      %dma_start3A_312 = arith.constant 22 : i32
      %dma_start3A_313 = arith.constant 0 : i32
      %dma_start3A_314 = tpu.memref_slice %arg12[%dma_start3A_312, %dma_start3A_313] : memref<26x128xi32, #tpu.memory_space<vmem>> -> memref<1x128xi32, #tpu.memory_space<vmem>>
      %dma_start3A_315 = tpu.memref_squeeze %dma_start3A_314 : memref<1x128xi32, #tpu.memory_space<vmem>> -> memref<128xi32, #tpu.memory_space<vmem>>
      %dma_start3A_316 = arith.constant 0 : i32
      %dma_start3A_317 = arith.constant 0 : i32
      %dma_start3A_318 = tpu.memref_slice %arg3[%dma_start3A_316, %dma_start3A_317] : memref<100000x128xf32, #tpu.memory_space<hbm>> -> memref<100000x128xf32, #tpu.memory_space<hbm>>
      tpu.enqueue_indirect_dma source(%arg14 : memref<128x128xf32, #tpu.memory_space<vmem>>) target(%dma_start3A_318 : memref<100000x128xf32, #tpu.memory_space<hbm>>) offsets(%dma_start3A_315 : memref<128xi32, #tpu.memory_space<vmem>>) semaphore(%arg18 : memref<!tpu.dma_semaphore, #tpu.memory_space<semaphore_mem>>)
    } else {
    }
    %gt3A_152 = arith.constant 24 : i32
    %gt3A_153 = arith.cmpi sgt, %select_n3A, %gt3A_152 : i32
    %convert_element_type3A_154 = arith.extui %gt3A_153 : i1 to i32
    %cond3A_155 = arith.constant 0 : i32
    %cond3A_156 = arith.cmpi ne, %convert_element_type3A_154, %cond3A_155 : i32
    scf.if %cond3A_156 {
      %dma_wait3A_291 = arith.constant 22 : i32
      %dma_wait3A_292 = arith.constant 0 : i32
      %dma_wait3A_293 = tpu.memref_slice %arg12[%dma_wait3A_291, %dma_wait3A_292] : memref<26x128xi32, #tpu.memory_space<vmem>> -> memref<1x128xi32, #tpu.memory_space<vmem>>
      %dma_wait3A_294 = tpu.memref_squeeze %dma_wait3A_293 : memref<1x128xi32, #tpu.memory_space<vmem>> -> memref<128xi32, #tpu.memory_space<vmem>>
      %dma_wait3A_295 = arith.constant 0 : i32
      %dma_wait3A_296 = arith.constant 0 : i32
      %dma_wait3A_297 = tpu.memref_slice %arg3[%dma_wait3A_295, %dma_wait3A_296] : memref<100000x128xf32, #tpu.memory_space<hbm>> -> memref<100000x128xf32, #tpu.memory_space<hbm>>
      tpu.wait_indirect_dma semaphore(%arg18 : memref<!tpu.dma_semaphore, #tpu.memory_space<semaphore_mem>>) src(%arg14 : memref<128x128xf32, #tpu.memory_space<vmem>>) dst(%dma_wait3A_297 : memref<100000x128xf32, #tpu.memory_space<hbm>>)
      %dma_start3A_298 = arith.constant 24 : i32
      %dma_start3A_299 = arith.constant 0 : i32
      %dma_start3A_300 = tpu.memref_slice %arg13[%dma_start3A_298, %dma_start3A_299] : memref<26x128xi32, #tpu.memory_space<vmem>> -> memref<1x128xi32, #tpu.memory_space<vmem>>
      %dma_start3A_301 = tpu.memref_squeeze %dma_start3A_300 : memref<1x128xi32, #tpu.memory_space<vmem>> -> memref<128xi32, #tpu.memory_space<vmem>>
      %dma_start3A_302 = arith.constant 0 : i32
      %dma_start3A_303 = arith.constant 0 : i32
      %dma_start3A_304 = tpu.memref_slice %arg2[%dma_start3A_302, %dma_start3A_303] : memref<16384x128xf32, #tpu.memory_space<hbm>> -> memref<16384x128xf32, #tpu.memory_space<hbm>>
      tpu.enqueue_indirect_dma source(%dma_start3A_304 : memref<16384x128xf32, #tpu.memory_space<hbm>>) target(%arg14 : memref<128x128xf32, #tpu.memory_space<vmem>>) offsets(%dma_start3A_301 : memref<128xi32, #tpu.memory_space<vmem>>) semaphore(%arg16 : memref<!tpu.dma_semaphore, #tpu.memory_space<semaphore_mem>>)
      %dma_wait3A_305 = arith.constant 23 : i32
      %dma_wait3A_306 = arith.constant 0 : i32
      %dma_wait3A_307 = tpu.memref_slice %arg13[%dma_wait3A_305, %dma_wait3A_306] : memref<26x128xi32, #tpu.memory_space<vmem>> -> memref<1x128xi32, #tpu.memory_space<vmem>>
      %dma_wait3A_308 = tpu.memref_squeeze %dma_wait3A_307 : memref<1x128xi32, #tpu.memory_space<vmem>> -> memref<128xi32, #tpu.memory_space<vmem>>
      %dma_wait3A_309 = arith.constant 0 : i32
      %dma_wait3A_310 = arith.constant 0 : i32
      %dma_wait3A_311 = tpu.memref_slice %arg2[%dma_wait3A_309, %dma_wait3A_310] : memref<16384x128xf32, #tpu.memory_space<hbm>> -> memref<16384x128xf32, #tpu.memory_space<hbm>>
      tpu.wait_indirect_dma semaphore(%arg17 : memref<!tpu.dma_semaphore, #tpu.memory_space<semaphore_mem>>) src(%dma_wait3A_311 : memref<16384x128xf32, #tpu.memory_space<hbm>>) dst(%arg15 : memref<128x128xf32, #tpu.memory_space<vmem>>)
      %dma_start3A_312 = arith.constant 23 : i32
      %dma_start3A_313 = arith.constant 0 : i32
      %dma_start3A_314 = tpu.memref_slice %arg12[%dma_start3A_312, %dma_start3A_313] : memref<26x128xi32, #tpu.memory_space<vmem>> -> memref<1x128xi32, #tpu.memory_space<vmem>>
      %dma_start3A_315 = tpu.memref_squeeze %dma_start3A_314 : memref<1x128xi32, #tpu.memory_space<vmem>> -> memref<128xi32, #tpu.memory_space<vmem>>
      %dma_start3A_316 = arith.constant 0 : i32
      %dma_start3A_317 = arith.constant 0 : i32
      %dma_start3A_318 = tpu.memref_slice %arg3[%dma_start3A_316, %dma_start3A_317] : memref<100000x128xf32, #tpu.memory_space<hbm>> -> memref<100000x128xf32, #tpu.memory_space<hbm>>
      tpu.enqueue_indirect_dma source(%arg15 : memref<128x128xf32, #tpu.memory_space<vmem>>) target(%dma_start3A_318 : memref<100000x128xf32, #tpu.memory_space<hbm>>) offsets(%dma_start3A_315 : memref<128xi32, #tpu.memory_space<vmem>>) semaphore(%arg19 : memref<!tpu.dma_semaphore, #tpu.memory_space<semaphore_mem>>)
    } else {
    }
    %gt3A_157 = arith.constant 25 : i32
    %gt3A_158 = arith.cmpi sgt, %select_n3A, %gt3A_157 : i32
    %convert_element_type3A_159 = arith.extui %gt3A_158 : i1 to i32
    %cond3A_160 = arith.constant 0 : i32
    %cond3A_161 = arith.cmpi ne, %convert_element_type3A_159, %cond3A_160 : i32
    scf.if %cond3A_161 {
      %dma_wait3A_291 = arith.constant 23 : i32
      %dma_wait3A_292 = arith.constant 0 : i32
      %dma_wait3A_293 = tpu.memref_slice %arg12[%dma_wait3A_291, %dma_wait3A_292] : memref<26x128xi32, #tpu.memory_space<vmem>> -> memref<1x128xi32, #tpu.memory_space<vmem>>
      %dma_wait3A_294 = tpu.memref_squeeze %dma_wait3A_293 : memref<1x128xi32, #tpu.memory_space<vmem>> -> memref<128xi32, #tpu.memory_space<vmem>>
      %dma_wait3A_295 = arith.constant 0 : i32
      %dma_wait3A_296 = arith.constant 0 : i32
      %dma_wait3A_297 = tpu.memref_slice %arg3[%dma_wait3A_295, %dma_wait3A_296] : memref<100000x128xf32, #tpu.memory_space<hbm>> -> memref<100000x128xf32, #tpu.memory_space<hbm>>
      tpu.wait_indirect_dma semaphore(%arg19 : memref<!tpu.dma_semaphore, #tpu.memory_space<semaphore_mem>>) src(%arg15 : memref<128x128xf32, #tpu.memory_space<vmem>>) dst(%dma_wait3A_297 : memref<100000x128xf32, #tpu.memory_space<hbm>>)
      %dma_start3A_298 = arith.constant 25 : i32
      %dma_start3A_299 = arith.constant 0 : i32
      %dma_start3A_300 = tpu.memref_slice %arg13[%dma_start3A_298, %dma_start3A_299] : memref<26x128xi32, #tpu.memory_space<vmem>> -> memref<1x128xi32, #tpu.memory_space<vmem>>
      %dma_start3A_301 = tpu.memref_squeeze %dma_start3A_300 : memref<1x128xi32, #tpu.memory_space<vmem>> -> memref<128xi32, #tpu.memory_space<vmem>>
      %dma_start3A_302 = arith.constant 0 : i32
      %dma_start3A_303 = arith.constant 0 : i32
      %dma_start3A_304 = tpu.memref_slice %arg2[%dma_start3A_302, %dma_start3A_303] : memref<16384x128xf32, #tpu.memory_space<hbm>> -> memref<16384x128xf32, #tpu.memory_space<hbm>>
      tpu.enqueue_indirect_dma source(%dma_start3A_304 : memref<16384x128xf32, #tpu.memory_space<hbm>>) target(%arg15 : memref<128x128xf32, #tpu.memory_space<vmem>>) offsets(%dma_start3A_301 : memref<128xi32, #tpu.memory_space<vmem>>) semaphore(%arg17 : memref<!tpu.dma_semaphore, #tpu.memory_space<semaphore_mem>>)
      %dma_wait3A_305 = arith.constant 24 : i32
      %dma_wait3A_306 = arith.constant 0 : i32
      %dma_wait3A_307 = tpu.memref_slice %arg13[%dma_wait3A_305, %dma_wait3A_306] : memref<26x128xi32, #tpu.memory_space<vmem>> -> memref<1x128xi32, #tpu.memory_space<vmem>>
      %dma_wait3A_308 = tpu.memref_squeeze %dma_wait3A_307 : memref<1x128xi32, #tpu.memory_space<vmem>> -> memref<128xi32, #tpu.memory_space<vmem>>
      %dma_wait3A_309 = arith.constant 0 : i32
      %dma_wait3A_310 = arith.constant 0 : i32
      %dma_wait3A_311 = tpu.memref_slice %arg2[%dma_wait3A_309, %dma_wait3A_310] : memref<16384x128xf32, #tpu.memory_space<hbm>> -> memref<16384x128xf32, #tpu.memory_space<hbm>>
      tpu.wait_indirect_dma semaphore(%arg16 : memref<!tpu.dma_semaphore, #tpu.memory_space<semaphore_mem>>) src(%dma_wait3A_311 : memref<16384x128xf32, #tpu.memory_space<hbm>>) dst(%arg14 : memref<128x128xf32, #tpu.memory_space<vmem>>)
      %dma_start3A_312 = arith.constant 24 : i32
      %dma_start3A_313 = arith.constant 0 : i32
      %dma_start3A_314 = tpu.memref_slice %arg12[%dma_start3A_312, %dma_start3A_313] : memref<26x128xi32, #tpu.memory_space<vmem>> -> memref<1x128xi32, #tpu.memory_space<vmem>>
      %dma_start3A_315 = tpu.memref_squeeze %dma_start3A_314 : memref<1x128xi32, #tpu.memory_space<vmem>> -> memref<128xi32, #tpu.memory_space<vmem>>
      %dma_start3A_316 = arith.constant 0 : i32
      %dma_start3A_317 = arith.constant 0 : i32
      %dma_start3A_318 = tpu.memref_slice %arg3[%dma_start3A_316, %dma_start3A_317] : memref<100000x128xf32, #tpu.memory_space<hbm>> -> memref<100000x128xf32, #tpu.memory_space<hbm>>
      tpu.enqueue_indirect_dma source(%arg14 : memref<128x128xf32, #tpu.memory_space<vmem>>) target(%dma_start3A_318 : memref<100000x128xf32, #tpu.memory_space<hbm>>) offsets(%dma_start3A_315 : memref<128xi32, #tpu.memory_space<vmem>>) semaphore(%arg18 : memref<!tpu.dma_semaphore, #tpu.memory_space<semaphore_mem>>)
    } else {
    }
    %eq3A = arith.constant 1 : i32
    %eq3A_162 = arith.cmpi eq, %select_n3A, %eq3A : i32
    %convert_element_type3A_163 = arith.extui %eq3A_162 : i1 to i32
    %cond3A_164 = arith.constant 0 : i32
    %cond3A_165 = arith.cmpi ne, %convert_element_type3A_163, %cond3A_164 : i32
    scf.if %cond3A_165 {
      %dma_wait3A_291 = arith.constant 0 : i32
      %dma_wait3A_292 = arith.constant 0 : i32
      %dma_wait3A_293 = tpu.memref_slice %arg13[%dma_wait3A_291, %dma_wait3A_292] : memref<26x128xi32, #tpu.memory_space<vmem>> -> memref<1x128xi32, #tpu.memory_space<vmem>>
      %dma_wait3A_294 = tpu.memref_squeeze %dma_wait3A_293 : memref<1x128xi32, #tpu.memory_space<vmem>> -> memref<128xi32, #tpu.memory_space<vmem>>
      %dma_wait3A_295 = arith.constant 0 : i32
      %dma_wait3A_296 = arith.constant 0 : i32
      %dma_wait3A_297 = tpu.memref_slice %arg2[%dma_wait3A_295, %dma_wait3A_296] : memref<16384x128xf32, #tpu.memory_space<hbm>> -> memref<16384x128xf32, #tpu.memory_space<hbm>>
      tpu.wait_indirect_dma semaphore(%arg16 : memref<!tpu.dma_semaphore, #tpu.memory_space<semaphore_mem>>) src(%dma_wait3A_297 : memref<16384x128xf32, #tpu.memory_space<hbm>>) dst(%arg14 : memref<128x128xf32, #tpu.memory_space<vmem>>)
      %dma_start3A_298 = arith.constant 0 : i32
      %dma_start3A_299 = arith.constant 0 : i32
      %dma_start3A_300 = tpu.memref_slice %arg12[%dma_start3A_298, %dma_start3A_299] : memref<26x128xi32, #tpu.memory_space<vmem>> -> memref<1x128xi32, #tpu.memory_space<vmem>>
      %dma_start3A_301 = tpu.memref_squeeze %dma_start3A_300 : memref<1x128xi32, #tpu.memory_space<vmem>> -> memref<128xi32, #tpu.memory_space<vmem>>
      %dma_start3A_302 = arith.constant 0 : i32
      %dma_start3A_303 = arith.constant 0 : i32
      %dma_start3A_304 = tpu.memref_slice %arg3[%dma_start3A_302, %dma_start3A_303] : memref<100000x128xf32, #tpu.memory_space<hbm>> -> memref<100000x128xf32, #tpu.memory_space<hbm>>
      tpu.enqueue_indirect_dma source(%arg14 : memref<128x128xf32, #tpu.memory_space<vmem>>) target(%dma_start3A_304 : memref<100000x128xf32, #tpu.memory_space<hbm>>) offsets(%dma_start3A_301 : memref<128xi32, #tpu.memory_space<vmem>>) semaphore(%arg18 : memref<!tpu.dma_semaphore, #tpu.memory_space<semaphore_mem>>)
      %dma_wait3A_305 = arith.constant 0 : i32
      %dma_wait3A_306 = arith.constant 0 : i32
      %dma_wait3A_307 = tpu.memref_slice %arg12[%dma_wait3A_305, %dma_wait3A_306] : memref<26x128xi32, #tpu.memory_space<vmem>> -> memref<1x128xi32, #tpu.memory_space<vmem>>
      %dma_wait3A_308 = tpu.memref_squeeze %dma_wait3A_307 : memref<1x128xi32, #tpu.memory_space<vmem>> -> memref<128xi32, #tpu.memory_space<vmem>>
      %dma_wait3A_309 = arith.constant 0 : i32
      %dma_wait3A_310 = arith.constant 0 : i32
      %dma_wait3A_311 = tpu.memref_slice %arg3[%dma_wait3A_309, %dma_wait3A_310] : memref<100000x128xf32, #tpu.memory_space<hbm>> -> memref<100000x128xf32, #tpu.memory_space<hbm>>
      tpu.wait_indirect_dma semaphore(%arg18 : memref<!tpu.dma_semaphore, #tpu.memory_space<semaphore_mem>>) src(%arg14 : memref<128x128xf32, #tpu.memory_space<vmem>>) dst(%dma_wait3A_311 : memref<100000x128xf32, #tpu.memory_space<hbm>>)
    } else {
    }
    %eq3A_166 = arith.constant 2 : i32
    %eq3A_167 = arith.cmpi eq, %select_n3A, %eq3A_166 : i32
    %convert_element_type3A_168 = arith.extui %eq3A_167 : i1 to i32
    %cond3A_169 = arith.constant 0 : i32
    %cond3A_170 = arith.cmpi ne, %convert_element_type3A_168, %cond3A_169 : i32
    scf.if %cond3A_170 {
      %dma_wait3A_291 = arith.constant 0 : i32
      %dma_wait3A_292 = arith.constant 0 : i32
      %dma_wait3A_293 = tpu.memref_slice %arg12[%dma_wait3A_291, %dma_wait3A_292] : memref<26x128xi32, #tpu.memory_space<vmem>> -> memref<1x128xi32, #tpu.memory_space<vmem>>
      %dma_wait3A_294 = tpu.memref_squeeze %dma_wait3A_293 : memref<1x128xi32, #tpu.memory_space<vmem>> -> memref<128xi32, #tpu.memory_space<vmem>>
      %dma_wait3A_295 = arith.constant 0 : i32
      %dma_wait3A_296 = arith.constant 0 : i32
      %dma_wait3A_297 = tpu.memref_slice %arg3[%dma_wait3A_295, %dma_wait3A_296] : memref<100000x128xf32, #tpu.memory_space<hbm>> -> memref<100000x128xf32, #tpu.memory_space<hbm>>
      tpu.wait_indirect_dma semaphore(%arg18 : memref<!tpu.dma_semaphore, #tpu.memory_space<semaphore_mem>>) src(%arg14 : memref<128x128xf32, #tpu.memory_space<vmem>>) dst(%dma_wait3A_297 : memref<100000x128xf32, #tpu.memory_space<hbm>>)
      %dma_wait3A_298 = arith.constant 1 : i32
      %dma_wait3A_299 = arith.constant 0 : i32
      %dma_wait3A_300 = tpu.memref_slice %arg13[%dma_wait3A_298, %dma_wait3A_299] : memref<26x128xi32, #tpu.memory_space<vmem>> -> memref<1x128xi32, #tpu.memory_space<vmem>>
      %dma_wait3A_301 = tpu.memref_squeeze %dma_wait3A_300 : memref<1x128xi32, #tpu.memory_space<vmem>> -> memref<128xi32, #tpu.memory_space<vmem>>
      %dma_wait3A_302 = arith.constant 0 : i32
      %dma_wait3A_303 = arith.constant 0 : i32
      %dma_wait3A_304 = tpu.memref_slice %arg2[%dma_wait3A_302, %dma_wait3A_303] : memref<16384x128xf32, #tpu.memory_space<hbm>> -> memref<16384x128xf32, #tpu.memory_space<hbm>>
      tpu.wait_indirect_dma semaphore(%arg17 : memref<!tpu.dma_semaphore, #tpu.memory_space<semaphore_mem>>) src(%dma_wait3A_304 : memref<16384x128xf32, #tpu.memory_space<hbm>>) dst(%arg15 : memref<128x128xf32, #tpu.memory_space<vmem>>)
      %dma_start3A_305 = arith.constant 1 : i32
      %dma_start3A_306 = arith.constant 0 : i32
      %dma_start3A_307 = tpu.memref_slice %arg12[%dma_start3A_305, %dma_start3A_306] : memref<26x128xi32, #tpu.memory_space<vmem>> -> memref<1x128xi32, #tpu.memory_space<vmem>>
      %dma_start3A_308 = tpu.memref_squeeze %dma_start3A_307 : memref<1x128xi32, #tpu.memory_space<vmem>> -> memref<128xi32, #tpu.memory_space<vmem>>
      %dma_start3A_309 = arith.constant 0 : i32
      %dma_start3A_310 = arith.constant 0 : i32
      %dma_start3A_311 = tpu.memref_slice %arg3[%dma_start3A_309, %dma_start3A_310] : memref<100000x128xf32, #tpu.memory_space<hbm>> -> memref<100000x128xf32, #tpu.memory_space<hbm>>
      tpu.enqueue_indirect_dma source(%arg15 : memref<128x128xf32, #tpu.memory_space<vmem>>) target(%dma_start3A_311 : memref<100000x128xf32, #tpu.memory_space<hbm>>) offsets(%dma_start3A_308 : memref<128xi32, #tpu.memory_space<vmem>>) semaphore(%arg19 : memref<!tpu.dma_semaphore, #tpu.memory_space<semaphore_mem>>)
      %dma_wait3A_312 = arith.constant 1 : i32
      %dma_wait3A_313 = arith.constant 0 : i32
      %dma_wait3A_314 = tpu.memref_slice %arg12[%dma_wait3A_312, %dma_wait3A_313] : memref<26x128xi32, #tpu.memory_space<vmem>> -> memref<1x128xi32, #tpu.memory_space<vmem>>
      %dma_wait3A_315 = tpu.memref_squeeze %dma_wait3A_314 : memref<1x128xi32, #tpu.memory_space<vmem>> -> memref<128xi32, #tpu.memory_space<vmem>>
      %dma_wait3A_316 = arith.constant 0 : i32
      %dma_wait3A_317 = arith.constant 0 : i32
      %dma_wait3A_318 = tpu.memref_slice %arg3[%dma_wait3A_316, %dma_wait3A_317] : memref<100000x128xf32, #tpu.memory_space<hbm>> -> memref<100000x128xf32, #tpu.memory_space<hbm>>
      tpu.wait_indirect_dma semaphore(%arg19 : memref<!tpu.dma_semaphore, #tpu.memory_space<semaphore_mem>>) src(%arg15 : memref<128x128xf32, #tpu.memory_space<vmem>>) dst(%dma_wait3A_318 : memref<100000x128xf32, #tpu.memory_space<hbm>>)
    } else {
    }
    %eq3A_171 = arith.constant 3 : i32
    %eq3A_172 = arith.cmpi eq, %select_n3A, %eq3A_171 : i32
    %convert_element_type3A_173 = arith.extui %eq3A_172 : i1 to i32
    %cond3A_174 = arith.constant 0 : i32
    %cond3A_175 = arith.cmpi ne, %convert_element_type3A_173, %cond3A_174 : i32
    scf.if %cond3A_175 {
      %dma_wait3A_291 = arith.constant 1 : i32
      %dma_wait3A_292 = arith.constant 0 : i32
      %dma_wait3A_293 = tpu.memref_slice %arg12[%dma_wait3A_291, %dma_wait3A_292] : memref<26x128xi32, #tpu.memory_space<vmem>> -> memref<1x128xi32, #tpu.memory_space<vmem>>
      %dma_wait3A_294 = tpu.memref_squeeze %dma_wait3A_293 : memref<1x128xi32, #tpu.memory_space<vmem>> -> memref<128xi32, #tpu.memory_space<vmem>>
      %dma_wait3A_295 = arith.constant 0 : i32
      %dma_wait3A_296 = arith.constant 0 : i32
      %dma_wait3A_297 = tpu.memref_slice %arg3[%dma_wait3A_295, %dma_wait3A_296] : memref<100000x128xf32, #tpu.memory_space<hbm>> -> memref<100000x128xf32, #tpu.memory_space<hbm>>
      tpu.wait_indirect_dma semaphore(%arg19 : memref<!tpu.dma_semaphore, #tpu.memory_space<semaphore_mem>>) src(%arg15 : memref<128x128xf32, #tpu.memory_space<vmem>>) dst(%dma_wait3A_297 : memref<100000x128xf32, #tpu.memory_space<hbm>>)
      %dma_wait3A_298 = arith.constant 2 : i32
      %dma_wait3A_299 = arith.constant 0 : i32
      %dma_wait3A_300 = tpu.memref_slice %arg13[%dma_wait3A_298, %dma_wait3A_299] : memref<26x128xi32, #tpu.memory_space<vmem>> -> memref<1x128xi32, #tpu.memory_space<vmem>>
      %dma_wait3A_301 = tpu.memref_squeeze %dma_wait3A_300 : memref<1x128xi32, #tpu.memory_space<vmem>> -> memref<128xi32, #tpu.memory_space<vmem>>
      %dma_wait3A_302 = arith.constant 0 : i32
      %dma_wait3A_303 = arith.constant 0 : i32
      %dma_wait3A_304 = tpu.memref_slice %arg2[%dma_wait3A_302, %dma_wait3A_303] : memref<16384x128xf32, #tpu.memory_space<hbm>> -> memref<16384x128xf32, #tpu.memory_space<hbm>>
      tpu.wait_indirect_dma semaphore(%arg16 : memref<!tpu.dma_semaphore, #tpu.memory_space<semaphore_mem>>) src(%dma_wait3A_304 : memref<16384x128xf32, #tpu.memory_space<hbm>>) dst(%arg14 : memref<128x128xf32, #tpu.memory_space<vmem>>)
      %dma_start3A_305 = arith.constant 2 : i32
      %dma_start3A_306 = arith.constant 0 : i32
      %dma_start3A_307 = tpu.memref_slice %arg12[%dma_start3A_305, %dma_start3A_306] : memref<26x128xi32, #tpu.memory_space<vmem>> -> memref<1x128xi32, #tpu.memory_space<vmem>>
      %dma_start3A_308 = tpu.memref_squeeze %dma_start3A_307 : memref<1x128xi32, #tpu.memory_space<vmem>> -> memref<128xi32, #tpu.memory_space<vmem>>
      %dma_start3A_309 = arith.constant 0 : i32
      %dma_start3A_310 = arith.constant 0 : i32
      %dma_start3A_311 = tpu.memref_slice %arg3[%dma_start3A_309, %dma_start3A_310] : memref<100000x128xf32, #tpu.memory_space<hbm>> -> memref<100000x128xf32, #tpu.memory_space<hbm>>
      tpu.enqueue_indirect_dma source(%arg14 : memref<128x128xf32, #tpu.memory_space<vmem>>) target(%dma_start3A_311 : memref<100000x128xf32, #tpu.memory_space<hbm>>) offsets(%dma_start3A_308 : memref<128xi32, #tpu.memory_space<vmem>>) semaphore(%arg18 : memref<!tpu.dma_semaphore, #tpu.memory_space<semaphore_mem>>)
      %dma_wait3A_312 = arith.constant 2 : i32
      %dma_wait3A_313 = arith.constant 0 : i32
      %dma_wait3A_314 = tpu.memref_slice %arg12[%dma_wait3A_312, %dma_wait3A_313] : memref<26x128xi32, #tpu.memory_space<vmem>> -> memref<1x128xi32, #tpu.memory_space<vmem>>
      %dma_wait3A_315 = tpu.memref_squeeze %dma_wait3A_314 : memref<1x128xi32, #tpu.memory_space<vmem>> -> memref<128xi32, #tpu.memory_space<vmem>>
      %dma_wait3A_316 = arith.constant 0 : i32
      %dma_wait3A_317 = arith.constant 0 : i32
      %dma_wait3A_318 = tpu.memref_slice %arg3[%dma_wait3A_316, %dma_wait3A_317] : memref<100000x128xf32, #tpu.memory_space<hbm>> -> memref<100000x128xf32, #tpu.memory_space<hbm>>
      tpu.wait_indirect_dma semaphore(%arg18 : memref<!tpu.dma_semaphore, #tpu.memory_space<semaphore_mem>>) src(%arg14 : memref<128x128xf32, #tpu.memory_space<vmem>>) dst(%dma_wait3A_318 : memref<100000x128xf32, #tpu.memory_space<hbm>>)
    } else {
    }
    %eq3A_176 = arith.constant 4 : i32
    %eq3A_177 = arith.cmpi eq, %select_n3A, %eq3A_176 : i32
    %convert_element_type3A_178 = arith.extui %eq3A_177 : i1 to i32
    %cond3A_179 = arith.constant 0 : i32
    %cond3A_180 = arith.cmpi ne, %convert_element_type3A_178, %cond3A_179 : i32
    scf.if %cond3A_180 {
      %dma_wait3A_291 = arith.constant 2 : i32
      %dma_wait3A_292 = arith.constant 0 : i32
      %dma_wait3A_293 = tpu.memref_slice %arg12[%dma_wait3A_291, %dma_wait3A_292] : memref<26x128xi32, #tpu.memory_space<vmem>> -> memref<1x128xi32, #tpu.memory_space<vmem>>
      %dma_wait3A_294 = tpu.memref_squeeze %dma_wait3A_293 : memref<1x128xi32, #tpu.memory_space<vmem>> -> memref<128xi32, #tpu.memory_space<vmem>>
      %dma_wait3A_295 = arith.constant 0 : i32
      %dma_wait3A_296 = arith.constant 0 : i32
      %dma_wait3A_297 = tpu.memref_slice %arg3[%dma_wait3A_295, %dma_wait3A_296] : memref<100000x128xf32, #tpu.memory_space<hbm>> -> memref<100000x128xf32, #tpu.memory_space<hbm>>
      tpu.wait_indirect_dma semaphore(%arg18 : memref<!tpu.dma_semaphore, #tpu.memory_space<semaphore_mem>>) src(%arg14 : memref<128x128xf32, #tpu.memory_space<vmem>>) dst(%dma_wait3A_297 : memref<100000x128xf32, #tpu.memory_space<hbm>>)
      %dma_wait3A_298 = arith.constant 3 : i32
      %dma_wait3A_299 = arith.constant 0 : i32
      %dma_wait3A_300 = tpu.memref_slice %arg13[%dma_wait3A_298, %dma_wait3A_299] : memref<26x128xi32, #tpu.memory_space<vmem>> -> memref<1x128xi32, #tpu.memory_space<vmem>>
      %dma_wait3A_301 = tpu.memref_squeeze %dma_wait3A_300 : memref<1x128xi32, #tpu.memory_space<vmem>> -> memref<128xi32, #tpu.memory_space<vmem>>
      %dma_wait3A_302 = arith.constant 0 : i32
      %dma_wait3A_303 = arith.constant 0 : i32
      %dma_wait3A_304 = tpu.memref_slice %arg2[%dma_wait3A_302, %dma_wait3A_303] : memref<16384x128xf32, #tpu.memory_space<hbm>> -> memref<16384x128xf32, #tpu.memory_space<hbm>>
      tpu.wait_indirect_dma semaphore(%arg17 : memref<!tpu.dma_semaphore, #tpu.memory_space<semaphore_mem>>) src(%dma_wait3A_304 : memref<16384x128xf32, #tpu.memory_space<hbm>>) dst(%arg15 : memref<128x128xf32, #tpu.memory_space<vmem>>)
      %dma_start3A_305 = arith.constant 3 : i32
      %dma_start3A_306 = arith.constant 0 : i32
      %dma_start3A_307 = tpu.memref_slice %arg12[%dma_start3A_305, %dma_start3A_306] : memref<26x128xi32, #tpu.memory_space<vmem>> -> memref<1x128xi32, #tpu.memory_space<vmem>>
      %dma_start3A_308 = tpu.memref_squeeze %dma_start3A_307 : memref<1x128xi32, #tpu.memory_space<vmem>> -> memref<128xi32, #tpu.memory_space<vmem>>
      %dma_start3A_309 = arith.constant 0 : i32
      %dma_start3A_310 = arith.constant 0 : i32
      %dma_start3A_311 = tpu.memref_slice %arg3[%dma_start3A_309, %dma_start3A_310] : memref<100000x128xf32, #tpu.memory_space<hbm>> -> memref<100000x128xf32, #tpu.memory_space<hbm>>
      tpu.enqueue_indirect_dma source(%arg15 : memref<128x128xf32, #tpu.memory_space<vmem>>) target(%dma_start3A_311 : memref<100000x128xf32, #tpu.memory_space<hbm>>) offsets(%dma_start3A_308 : memref<128xi32, #tpu.memory_space<vmem>>) semaphore(%arg19 : memref<!tpu.dma_semaphore, #tpu.memory_space<semaphore_mem>>)
      %dma_wait3A_312 = arith.constant 3 : i32
      %dma_wait3A_313 = arith.constant 0 : i32
      %dma_wait3A_314 = tpu.memref_slice %arg12[%dma_wait3A_312, %dma_wait3A_313] : memref<26x128xi32, #tpu.memory_space<vmem>> -> memref<1x128xi32, #tpu.memory_space<vmem>>
      %dma_wait3A_315 = tpu.memref_squeeze %dma_wait3A_314 : memref<1x128xi32, #tpu.memory_space<vmem>> -> memref<128xi32, #tpu.memory_space<vmem>>
      %dma_wait3A_316 = arith.constant 0 : i32
      %dma_wait3A_317 = arith.constant 0 : i32
      %dma_wait3A_318 = tpu.memref_slice %arg3[%dma_wait3A_316, %dma_wait3A_317] : memref<100000x128xf32, #tpu.memory_space<hbm>> -> memref<100000x128xf32, #tpu.memory_space<hbm>>
      tpu.wait_indirect_dma semaphore(%arg19 : memref<!tpu.dma_semaphore, #tpu.memory_space<semaphore_mem>>) src(%arg15 : memref<128x128xf32, #tpu.memory_space<vmem>>) dst(%dma_wait3A_318 : memref<100000x128xf32, #tpu.memory_space<hbm>>)
    } else {
    }
    %eq3A_181 = arith.constant 5 : i32
    %eq3A_182 = arith.cmpi eq, %select_n3A, %eq3A_181 : i32
    %convert_element_type3A_183 = arith.extui %eq3A_182 : i1 to i32
    %cond3A_184 = arith.constant 0 : i32
    %cond3A_185 = arith.cmpi ne, %convert_element_type3A_183, %cond3A_184 : i32
    scf.if %cond3A_185 {
      %dma_wait3A_291 = arith.constant 3 : i32
      %dma_wait3A_292 = arith.constant 0 : i32
      %dma_wait3A_293 = tpu.memref_slice %arg12[%dma_wait3A_291, %dma_wait3A_292] : memref<26x128xi32, #tpu.memory_space<vmem>> -> memref<1x128xi32, #tpu.memory_space<vmem>>
      %dma_wait3A_294 = tpu.memref_squeeze %dma_wait3A_293 : memref<1x128xi32, #tpu.memory_space<vmem>> -> memref<128xi32, #tpu.memory_space<vmem>>
      %dma_wait3A_295 = arith.constant 0 : i32
      %dma_wait3A_296 = arith.constant 0 : i32
      %dma_wait3A_297 = tpu.memref_slice %arg3[%dma_wait3A_295, %dma_wait3A_296] : memref<100000x128xf32, #tpu.memory_space<hbm>> -> memref<100000x128xf32, #tpu.memory_space<hbm>>
      tpu.wait_indirect_dma semaphore(%arg19 : memref<!tpu.dma_semaphore, #tpu.memory_space<semaphore_mem>>) src(%arg15 : memref<128x128xf32, #tpu.memory_space<vmem>>) dst(%dma_wait3A_297 : memref<100000x128xf32, #tpu.memory_space<hbm>>)
      %dma_wait3A_298 = arith.constant 4 : i32
      %dma_wait3A_299 = arith.constant 0 : i32
      %dma_wait3A_300 = tpu.memref_slice %arg13[%dma_wait3A_298, %dma_wait3A_299] : memref<26x128xi32, #tpu.memory_space<vmem>> -> memref<1x128xi32, #tpu.memory_space<vmem>>
      %dma_wait3A_301 = tpu.memref_squeeze %dma_wait3A_300 : memref<1x128xi32, #tpu.memory_space<vmem>> -> memref<128xi32, #tpu.memory_space<vmem>>
      %dma_wait3A_302 = arith.constant 0 : i32
      %dma_wait3A_303 = arith.constant 0 : i32
      %dma_wait3A_304 = tpu.memref_slice %arg2[%dma_wait3A_302, %dma_wait3A_303] : memref<16384x128xf32, #tpu.memory_space<hbm>> -> memref<16384x128xf32, #tpu.memory_space<hbm>>
      tpu.wait_indirect_dma semaphore(%arg16 : memref<!tpu.dma_semaphore, #tpu.memory_space<semaphore_mem>>) src(%dma_wait3A_304 : memref<16384x128xf32, #tpu.memory_space<hbm>>) dst(%arg14 : memref<128x128xf32, #tpu.memory_space<vmem>>)
      %dma_start3A_305 = arith.constant 4 : i32
      %dma_start3A_306 = arith.constant 0 : i32
      %dma_start3A_307 = tpu.memref_slice %arg12[%dma_start3A_305, %dma_start3A_306] : memref<26x128xi32, #tpu.memory_space<vmem>> -> memref<1x128xi32, #tpu.memory_space<vmem>>
      %dma_start3A_308 = tpu.memref_squeeze %dma_start3A_307 : memref<1x128xi32, #tpu.memory_space<vmem>> -> memref<128xi32, #tpu.memory_space<vmem>>
      %dma_start3A_309 = arith.constant 0 : i32
      %dma_start3A_310 = arith.constant 0 : i32
      %dma_start3A_311 = tpu.memref_slice %arg3[%dma_start3A_309, %dma_start3A_310] : memref<100000x128xf32, #tpu.memory_space<hbm>> -> memref<100000x128xf32, #tpu.memory_space<hbm>>
      tpu.enqueue_indirect_dma source(%arg14 : memref<128x128xf32, #tpu.memory_space<vmem>>) target(%dma_start3A_311 : memref<100000x128xf32, #tpu.memory_space<hbm>>) offsets(%dma_start3A_308 : memref<128xi32, #tpu.memory_space<vmem>>) semaphore(%arg18 : memref<!tpu.dma_semaphore, #tpu.memory_space<semaphore_mem>>)
      %dma_wait3A_312 = arith.constant 4 : i32
      %dma_wait3A_313 = arith.constant 0 : i32
      %dma_wait3A_314 = tpu.memref_slice %arg12[%dma_wait3A_312, %dma_wait3A_313] : memref<26x128xi32, #tpu.memory_space<vmem>> -> memref<1x128xi32, #tpu.memory_space<vmem>>
      %dma_wait3A_315 = tpu.memref_squeeze %dma_wait3A_314 : memref<1x128xi32, #tpu.memory_space<vmem>> -> memref<128xi32, #tpu.memory_space<vmem>>
      %dma_wait3A_316 = arith.constant 0 : i32
      %dma_wait3A_317 = arith.constant 0 : i32
      %dma_wait3A_318 = tpu.memref_slice %arg3[%dma_wait3A_316, %dma_wait3A_317] : memref<100000x128xf32, #tpu.memory_space<hbm>> -> memref<100000x128xf32, #tpu.memory_space<hbm>>
      tpu.wait_indirect_dma semaphore(%arg18 : memref<!tpu.dma_semaphore, #tpu.memory_space<semaphore_mem>>) src(%arg14 : memref<128x128xf32, #tpu.memory_space<vmem>>) dst(%dma_wait3A_318 : memref<100000x128xf32, #tpu.memory_space<hbm>>)
    } else {
    }
    %eq3A_186 = arith.constant 6 : i32
    %eq3A_187 = arith.cmpi eq, %select_n3A, %eq3A_186 : i32
    %convert_element_type3A_188 = arith.extui %eq3A_187 : i1 to i32
    %cond3A_189 = arith.constant 0 : i32
    %cond3A_190 = arith.cmpi ne, %convert_element_type3A_188, %cond3A_189 : i32
    scf.if %cond3A_190 {
      %dma_wait3A_291 = arith.constant 4 : i32
      %dma_wait3A_292 = arith.constant 0 : i32
      %dma_wait3A_293 = tpu.memref_slice %arg12[%dma_wait3A_291, %dma_wait3A_292] : memref<26x128xi32, #tpu.memory_space<vmem>> -> memref<1x128xi32, #tpu.memory_space<vmem>>
      %dma_wait3A_294 = tpu.memref_squeeze %dma_wait3A_293 : memref<1x128xi32, #tpu.memory_space<vmem>> -> memref<128xi32, #tpu.memory_space<vmem>>
      %dma_wait3A_295 = arith.constant 0 : i32
      %dma_wait3A_296 = arith.constant 0 : i32
      %dma_wait3A_297 = tpu.memref_slice %arg3[%dma_wait3A_295, %dma_wait3A_296] : memref<100000x128xf32, #tpu.memory_space<hbm>> -> memref<100000x128xf32, #tpu.memory_space<hbm>>
      tpu.wait_indirect_dma semaphore(%arg18 : memref<!tpu.dma_semaphore, #tpu.memory_space<semaphore_mem>>) src(%arg14 : memref<128x128xf32, #tpu.memory_space<vmem>>) dst(%dma_wait3A_297 : memref<100000x128xf32, #tpu.memory_space<hbm>>)
      %dma_wait3A_298 = arith.constant 5 : i32
      %dma_wait3A_299 = arith.constant 0 : i32
      %dma_wait3A_300 = tpu.memref_slice %arg13[%dma_wait3A_298, %dma_wait3A_299] : memref<26x128xi32, #tpu.memory_space<vmem>> -> memref<1x128xi32, #tpu.memory_space<vmem>>
      %dma_wait3A_301 = tpu.memref_squeeze %dma_wait3A_300 : memref<1x128xi32, #tpu.memory_space<vmem>> -> memref<128xi32, #tpu.memory_space<vmem>>
      %dma_wait3A_302 = arith.constant 0 : i32
      %dma_wait3A_303 = arith.constant 0 : i32
      %dma_wait3A_304 = tpu.memref_slice %arg2[%dma_wait3A_302, %dma_wait3A_303] : memref<16384x128xf32, #tpu.memory_space<hbm>> -> memref<16384x128xf32, #tpu.memory_space<hbm>>
      tpu.wait_indirect_dma semaphore(%arg17 : memref<!tpu.dma_semaphore, #tpu.memory_space<semaphore_mem>>) src(%dma_wait3A_304 : memref<16384x128xf32, #tpu.memory_space<hbm>>) dst(%arg15 : memref<128x128xf32, #tpu.memory_space<vmem>>)
      %dma_start3A_305 = arith.constant 5 : i32
      %dma_start3A_306 = arith.constant 0 : i32
      %dma_start3A_307 = tpu.memref_slice %arg12[%dma_start3A_305, %dma_start3A_306] : memref<26x128xi32, #tpu.memory_space<vmem>> -> memref<1x128xi32, #tpu.memory_space<vmem>>
      %dma_start3A_308 = tpu.memref_squeeze %dma_start3A_307 : memref<1x128xi32, #tpu.memory_space<vmem>> -> memref<128xi32, #tpu.memory_space<vmem>>
      %dma_start3A_309 = arith.constant 0 : i32
      %dma_start3A_310 = arith.constant 0 : i32
      %dma_start3A_311 = tpu.memref_slice %arg3[%dma_start3A_309, %dma_start3A_310] : memref<100000x128xf32, #tpu.memory_space<hbm>> -> memref<100000x128xf32, #tpu.memory_space<hbm>>
      tpu.enqueue_indirect_dma source(%arg15 : memref<128x128xf32, #tpu.memory_space<vmem>>) target(%dma_start3A_311 : memref<100000x128xf32, #tpu.memory_space<hbm>>) offsets(%dma_start3A_308 : memref<128xi32, #tpu.memory_space<vmem>>) semaphore(%arg19 : memref<!tpu.dma_semaphore, #tpu.memory_space<semaphore_mem>>)
      %dma_wait3A_312 = arith.constant 5 : i32
      %dma_wait3A_313 = arith.constant 0 : i32
      %dma_wait3A_314 = tpu.memref_slice %arg12[%dma_wait3A_312, %dma_wait3A_313] : memref<26x128xi32, #tpu.memory_space<vmem>> -> memref<1x128xi32, #tpu.memory_space<vmem>>
      %dma_wait3A_315 = tpu.memref_squeeze %dma_wait3A_314 : memref<1x128xi32, #tpu.memory_space<vmem>> -> memref<128xi32, #tpu.memory_space<vmem>>
      %dma_wait3A_316 = arith.constant 0 : i32
      %dma_wait3A_317 = arith.constant 0 : i32
      %dma_wait3A_318 = tpu.memref_slice %arg3[%dma_wait3A_316, %dma_wait3A_317] : memref<100000x128xf32, #tpu.memory_space<hbm>> -> memref<100000x128xf32, #tpu.memory_space<hbm>>
      tpu.wait_indirect_dma semaphore(%arg19 : memref<!tpu.dma_semaphore, #tpu.memory_space<semaphore_mem>>) src(%arg15 : memref<128x128xf32, #tpu.memory_space<vmem>>) dst(%dma_wait3A_318 : memref<100000x128xf32, #tpu.memory_space<hbm>>)
    } else {
    }
    %eq3A_191 = arith.constant 7 : i32
    %eq3A_192 = arith.cmpi eq, %select_n3A, %eq3A_191 : i32
    %convert_element_type3A_193 = arith.extui %eq3A_192 : i1 to i32
    %cond3A_194 = arith.constant 0 : i32
    %cond3A_195 = arith.cmpi ne, %convert_element_type3A_193, %cond3A_194 : i32
    scf.if %cond3A_195 {
      %dma_wait3A_291 = arith.constant 5 : i32
      %dma_wait3A_292 = arith.constant 0 : i32
      %dma_wait3A_293 = tpu.memref_slice %arg12[%dma_wait3A_291, %dma_wait3A_292] : memref<26x128xi32, #tpu.memory_space<vmem>> -> memref<1x128xi32, #tpu.memory_space<vmem>>
      %dma_wait3A_294 = tpu.memref_squeeze %dma_wait3A_293 : memref<1x128xi32, #tpu.memory_space<vmem>> -> memref<128xi32, #tpu.memory_space<vmem>>
      %dma_wait3A_295 = arith.constant 0 : i32
      %dma_wait3A_296 = arith.constant 0 : i32
      %dma_wait3A_297 = tpu.memref_slice %arg3[%dma_wait3A_295, %dma_wait3A_296] : memref<100000x128xf32, #tpu.memory_space<hbm>> -> memref<100000x128xf32, #tpu.memory_space<hbm>>
      tpu.wait_indirect_dma semaphore(%arg19 : memref<!tpu.dma_semaphore, #tpu.memory_space<semaphore_mem>>) src(%arg15 : memref<128x128xf32, #tpu.memory_space<vmem>>) dst(%dma_wait3A_297 : memref<100000x128xf32, #tpu.memory_space<hbm>>)
      %dma_wait3A_298 = arith.constant 6 : i32
      %dma_wait3A_299 = arith.constant 0 : i32
      %dma_wait3A_300 = tpu.memref_slice %arg13[%dma_wait3A_298, %dma_wait3A_299] : memref<26x128xi32, #tpu.memory_space<vmem>> -> memref<1x128xi32, #tpu.memory_space<vmem>>
      %dma_wait3A_301 = tpu.memref_squeeze %dma_wait3A_300 : memref<1x128xi32, #tpu.memory_space<vmem>> -> memref<128xi32, #tpu.memory_space<vmem>>
      %dma_wait3A_302 = arith.constant 0 : i32
      %dma_wait3A_303 = arith.constant 0 : i32
      %dma_wait3A_304 = tpu.memref_slice %arg2[%dma_wait3A_302, %dma_wait3A_303] : memref<16384x128xf32, #tpu.memory_space<hbm>> -> memref<16384x128xf32, #tpu.memory_space<hbm>>
      tpu.wait_indirect_dma semaphore(%arg16 : memref<!tpu.dma_semaphore, #tpu.memory_space<semaphore_mem>>) src(%dma_wait3A_304 : memref<16384x128xf32, #tpu.memory_space<hbm>>) dst(%arg14 : memref<128x128xf32, #tpu.memory_space<vmem>>)
      %dma_start3A_305 = arith.constant 6 : i32
      %dma_start3A_306 = arith.constant 0 : i32
      %dma_start3A_307 = tpu.memref_slice %arg12[%dma_start3A_305, %dma_start3A_306] : memref<26x128xi32, #tpu.memory_space<vmem>> -> memref<1x128xi32, #tpu.memory_space<vmem>>
      %dma_start3A_308 = tpu.memref_squeeze %dma_start3A_307 : memref<1x128xi32, #tpu.memory_space<vmem>> -> memref<128xi32, #tpu.memory_space<vmem>>
      %dma_start3A_309 = arith.constant 0 : i32
      %dma_start3A_310 = arith.constant 0 : i32
      %dma_start3A_311 = tpu.memref_slice %arg3[%dma_start3A_309, %dma_start3A_310] : memref<100000x128xf32, #tpu.memory_space<hbm>> -> memref<100000x128xf32, #tpu.memory_space<hbm>>
      tpu.enqueue_indirect_dma source(%arg14 : memref<128x128xf32, #tpu.memory_space<vmem>>) target(%dma_start3A_311 : memref<100000x128xf32, #tpu.memory_space<hbm>>) offsets(%dma_start3A_308 : memref<128xi32, #tpu.memory_space<vmem>>) semaphore(%arg18 : memref<!tpu.dma_semaphore, #tpu.memory_space<semaphore_mem>>)
      %dma_wait3A_312 = arith.constant 6 : i32
      %dma_wait3A_313 = arith.constant 0 : i32
      %dma_wait3A_314 = tpu.memref_slice %arg12[%dma_wait3A_312, %dma_wait3A_313] : memref<26x128xi32, #tpu.memory_space<vmem>> -> memref<1x128xi32, #tpu.memory_space<vmem>>
      %dma_wait3A_315 = tpu.memref_squeeze %dma_wait3A_314 : memref<1x128xi32, #tpu.memory_space<vmem>> -> memref<128xi32, #tpu.memory_space<vmem>>
      %dma_wait3A_316 = arith.constant 0 : i32
      %dma_wait3A_317 = arith.constant 0 : i32
      %dma_wait3A_318 = tpu.memref_slice %arg3[%dma_wait3A_316, %dma_wait3A_317] : memref<100000x128xf32, #tpu.memory_space<hbm>> -> memref<100000x128xf32, #tpu.memory_space<hbm>>
      tpu.wait_indirect_dma semaphore(%arg18 : memref<!tpu.dma_semaphore, #tpu.memory_space<semaphore_mem>>) src(%arg14 : memref<128x128xf32, #tpu.memory_space<vmem>>) dst(%dma_wait3A_318 : memref<100000x128xf32, #tpu.memory_space<hbm>>)
    } else {
    }
    %eq3A_196 = arith.constant 8 : i32
    %eq3A_197 = arith.cmpi eq, %select_n3A, %eq3A_196 : i32
    %convert_element_type3A_198 = arith.extui %eq3A_197 : i1 to i32
    %cond3A_199 = arith.constant 0 : i32
    %cond3A_200 = arith.cmpi ne, %convert_element_type3A_198, %cond3A_199 : i32
    scf.if %cond3A_200 {
      %dma_wait3A_291 = arith.constant 6 : i32
      %dma_wait3A_292 = arith.constant 0 : i32
      %dma_wait3A_293 = tpu.memref_slice %arg12[%dma_wait3A_291, %dma_wait3A_292] : memref<26x128xi32, #tpu.memory_space<vmem>> -> memref<1x128xi32, #tpu.memory_space<vmem>>
      %dma_wait3A_294 = tpu.memref_squeeze %dma_wait3A_293 : memref<1x128xi32, #tpu.memory_space<vmem>> -> memref<128xi32, #tpu.memory_space<vmem>>
      %dma_wait3A_295 = arith.constant 0 : i32
      %dma_wait3A_296 = arith.constant 0 : i32
      %dma_wait3A_297 = tpu.memref_slice %arg3[%dma_wait3A_295, %dma_wait3A_296] : memref<100000x128xf32, #tpu.memory_space<hbm>> -> memref<100000x128xf32, #tpu.memory_space<hbm>>
      tpu.wait_indirect_dma semaphore(%arg18 : memref<!tpu.dma_semaphore, #tpu.memory_space<semaphore_mem>>) src(%arg14 : memref<128x128xf32, #tpu.memory_space<vmem>>) dst(%dma_wait3A_297 : memref<100000x128xf32, #tpu.memory_space<hbm>>)
      %dma_wait3A_298 = arith.constant 7 : i32
      %dma_wait3A_299 = arith.constant 0 : i32
      %dma_wait3A_300 = tpu.memref_slice %arg13[%dma_wait3A_298, %dma_wait3A_299] : memref<26x128xi32, #tpu.memory_space<vmem>> -> memref<1x128xi32, #tpu.memory_space<vmem>>
      %dma_wait3A_301 = tpu.memref_squeeze %dma_wait3A_300 : memref<1x128xi32, #tpu.memory_space<vmem>> -> memref<128xi32, #tpu.memory_space<vmem>>
      %dma_wait3A_302 = arith.constant 0 : i32
      %dma_wait3A_303 = arith.constant 0 : i32
      %dma_wait3A_304 = tpu.memref_slice %arg2[%dma_wait3A_302, %dma_wait3A_303] : memref<16384x128xf32, #tpu.memory_space<hbm>> -> memref<16384x128xf32, #tpu.memory_space<hbm>>
      tpu.wait_indirect_dma semaphore(%arg17 : memref<!tpu.dma_semaphore, #tpu.memory_space<semaphore_mem>>) src(%dma_wait3A_304 : memref<16384x128xf32, #tpu.memory_space<hbm>>) dst(%arg15 : memref<128x128xf32, #tpu.memory_space<vmem>>)
      %dma_start3A_305 = arith.constant 7 : i32
      %dma_start3A_306 = arith.constant 0 : i32
      %dma_start3A_307 = tpu.memref_slice %arg12[%dma_start3A_305, %dma_start3A_306] : memref<26x128xi32, #tpu.memory_space<vmem>> -> memref<1x128xi32, #tpu.memory_space<vmem>>
      %dma_start3A_308 = tpu.memref_squeeze %dma_start3A_307 : memref<1x128xi32, #tpu.memory_space<vmem>> -> memref<128xi32, #tpu.memory_space<vmem>>
      %dma_start3A_309 = arith.constant 0 : i32
      %dma_start3A_310 = arith.constant 0 : i32
      %dma_start3A_311 = tpu.memref_slice %arg3[%dma_start3A_309, %dma_start3A_310] : memref<100000x128xf32, #tpu.memory_space<hbm>> -> memref<100000x128xf32, #tpu.memory_space<hbm>>
      tpu.enqueue_indirect_dma source(%arg15 : memref<128x128xf32, #tpu.memory_space<vmem>>) target(%dma_start3A_311 : memref<100000x128xf32, #tpu.memory_space<hbm>>) offsets(%dma_start3A_308 : memref<128xi32, #tpu.memory_space<vmem>>) semaphore(%arg19 : memref<!tpu.dma_semaphore, #tpu.memory_space<semaphore_mem>>)
      %dma_wait3A_312 = arith.constant 7 : i32
      %dma_wait3A_313 = arith.constant 0 : i32
      %dma_wait3A_314 = tpu.memref_slice %arg12[%dma_wait3A_312, %dma_wait3A_313] : memref<26x128xi32, #tpu.memory_space<vmem>> -> memref<1x128xi32, #tpu.memory_space<vmem>>
      %dma_wait3A_315 = tpu.memref_squeeze %dma_wait3A_314 : memref<1x128xi32, #tpu.memory_space<vmem>> -> memref<128xi32, #tpu.memory_space<vmem>>
      %dma_wait3A_316 = arith.constant 0 : i32
      %dma_wait3A_317 = arith.constant 0 : i32
      %dma_wait3A_318 = tpu.memref_slice %arg3[%dma_wait3A_316, %dma_wait3A_317] : memref<100000x128xf32, #tpu.memory_space<hbm>> -> memref<100000x128xf32, #tpu.memory_space<hbm>>
      tpu.wait_indirect_dma semaphore(%arg19 : memref<!tpu.dma_semaphore, #tpu.memory_space<semaphore_mem>>) src(%arg15 : memref<128x128xf32, #tpu.memory_space<vmem>>) dst(%dma_wait3A_318 : memref<100000x128xf32, #tpu.memory_space<hbm>>)
    } else {
    }
    %eq3A_201 = arith.constant 9 : i32
    %eq3A_202 = arith.cmpi eq, %select_n3A, %eq3A_201 : i32
    %convert_element_type3A_203 = arith.extui %eq3A_202 : i1 to i32
    %cond3A_204 = arith.constant 0 : i32
    %cond3A_205 = arith.cmpi ne, %convert_element_type3A_203, %cond3A_204 : i32
    scf.if %cond3A_205 {
      %dma_wait3A_291 = arith.constant 7 : i32
      %dma_wait3A_292 = arith.constant 0 : i32
      %dma_wait3A_293 = tpu.memref_slice %arg12[%dma_wait3A_291, %dma_wait3A_292] : memref<26x128xi32, #tpu.memory_space<vmem>> -> memref<1x128xi32, #tpu.memory_space<vmem>>
      %dma_wait3A_294 = tpu.memref_squeeze %dma_wait3A_293 : memref<1x128xi32, #tpu.memory_space<vmem>> -> memref<128xi32, #tpu.memory_space<vmem>>
      %dma_wait3A_295 = arith.constant 0 : i32
      %dma_wait3A_296 = arith.constant 0 : i32
      %dma_wait3A_297 = tpu.memref_slice %arg3[%dma_wait3A_295, %dma_wait3A_296] : memref<100000x128xf32, #tpu.memory_space<hbm>> -> memref<100000x128xf32, #tpu.memory_space<hbm>>
      tpu.wait_indirect_dma semaphore(%arg19 : memref<!tpu.dma_semaphore, #tpu.memory_space<semaphore_mem>>) src(%arg15 : memref<128x128xf32, #tpu.memory_space<vmem>>) dst(%dma_wait3A_297 : memref<100000x128xf32, #tpu.memory_space<hbm>>)
      %dma_wait3A_298 = arith.constant 8 : i32
      %dma_wait3A_299 = arith.constant 0 : i32
      %dma_wait3A_300 = tpu.memref_slice %arg13[%dma_wait3A_298, %dma_wait3A_299] : memref<26x128xi32, #tpu.memory_space<vmem>> -> memref<1x128xi32, #tpu.memory_space<vmem>>
      %dma_wait3A_301 = tpu.memref_squeeze %dma_wait3A_300 : memref<1x128xi32, #tpu.memory_space<vmem>> -> memref<128xi32, #tpu.memory_space<vmem>>
      %dma_wait3A_302 = arith.constant 0 : i32
      %dma_wait3A_303 = arith.constant 0 : i32
      %dma_wait3A_304 = tpu.memref_slice %arg2[%dma_wait3A_302, %dma_wait3A_303] : memref<16384x128xf32, #tpu.memory_space<hbm>> -> memref<16384x128xf32, #tpu.memory_space<hbm>>
      tpu.wait_indirect_dma semaphore(%arg16 : memref<!tpu.dma_semaphore, #tpu.memory_space<semaphore_mem>>) src(%dma_wait3A_304 : memref<16384x128xf32, #tpu.memory_space<hbm>>) dst(%arg14 : memref<128x128xf32, #tpu.memory_space<vmem>>)
      %dma_start3A_305 = arith.constant 8 : i32
      %dma_start3A_306 = arith.constant 0 : i32
      %dma_start3A_307 = tpu.memref_slice %arg12[%dma_start3A_305, %dma_start3A_306] : memref<26x128xi32, #tpu.memory_space<vmem>> -> memref<1x128xi32, #tpu.memory_space<vmem>>
      %dma_start3A_308 = tpu.memref_squeeze %dma_start3A_307 : memref<1x128xi32, #tpu.memory_space<vmem>> -> memref<128xi32, #tpu.memory_space<vmem>>
      %dma_start3A_309 = arith.constant 0 : i32
      %dma_start3A_310 = arith.constant 0 : i32
      %dma_start3A_311 = tpu.memref_slice %arg3[%dma_start3A_309, %dma_start3A_310] : memref<100000x128xf32, #tpu.memory_space<hbm>> -> memref<100000x128xf32, #tpu.memory_space<hbm>>
      tpu.enqueue_indirect_dma source(%arg14 : memref<128x128xf32, #tpu.memory_space<vmem>>) target(%dma_start3A_311 : memref<100000x128xf32, #tpu.memory_space<hbm>>) offsets(%dma_start3A_308 : memref<128xi32, #tpu.memory_space<vmem>>) semaphore(%arg18 : memref<!tpu.dma_semaphore, #tpu.memory_space<semaphore_mem>>)
      %dma_wait3A_312 = arith.constant 8 : i32
      %dma_wait3A_313 = arith.constant 0 : i32
      %dma_wait3A_314 = tpu.memref_slice %arg12[%dma_wait3A_312, %dma_wait3A_313] : memref<26x128xi32, #tpu.memory_space<vmem>> -> memref<1x128xi32, #tpu.memory_space<vmem>>
      %dma_wait3A_315 = tpu.memref_squeeze %dma_wait3A_314 : memref<1x128xi32, #tpu.memory_space<vmem>> -> memref<128xi32, #tpu.memory_space<vmem>>
      %dma_wait3A_316 = arith.constant 0 : i32
      %dma_wait3A_317 = arith.constant 0 : i32
      %dma_wait3A_318 = tpu.memref_slice %arg3[%dma_wait3A_316, %dma_wait3A_317] : memref<100000x128xf32, #tpu.memory_space<hbm>> -> memref<100000x128xf32, #tpu.memory_space<hbm>>
      tpu.wait_indirect_dma semaphore(%arg18 : memref<!tpu.dma_semaphore, #tpu.memory_space<semaphore_mem>>) src(%arg14 : memref<128x128xf32, #tpu.memory_space<vmem>>) dst(%dma_wait3A_318 : memref<100000x128xf32, #tpu.memory_space<hbm>>)
    } else {
    }
    %eq3A_206 = arith.constant 10 : i32
    %eq3A_207 = arith.cmpi eq, %select_n3A, %eq3A_206 : i32
    %convert_element_type3A_208 = arith.extui %eq3A_207 : i1 to i32
    %cond3A_209 = arith.constant 0 : i32
    %cond3A_210 = arith.cmpi ne, %convert_element_type3A_208, %cond3A_209 : i32
    scf.if %cond3A_210 {
      %dma_wait3A_291 = arith.constant 8 : i32
      %dma_wait3A_292 = arith.constant 0 : i32
      %dma_wait3A_293 = tpu.memref_slice %arg12[%dma_wait3A_291, %dma_wait3A_292] : memref<26x128xi32, #tpu.memory_space<vmem>> -> memref<1x128xi32, #tpu.memory_space<vmem>>
      %dma_wait3A_294 = tpu.memref_squeeze %dma_wait3A_293 : memref<1x128xi32, #tpu.memory_space<vmem>> -> memref<128xi32, #tpu.memory_space<vmem>>
      %dma_wait3A_295 = arith.constant 0 : i32
      %dma_wait3A_296 = arith.constant 0 : i32
      %dma_wait3A_297 = tpu.memref_slice %arg3[%dma_wait3A_295, %dma_wait3A_296] : memref<100000x128xf32, #tpu.memory_space<hbm>> -> memref<100000x128xf32, #tpu.memory_space<hbm>>
      tpu.wait_indirect_dma semaphore(%arg18 : memref<!tpu.dma_semaphore, #tpu.memory_space<semaphore_mem>>) src(%arg14 : memref<128x128xf32, #tpu.memory_space<vmem>>) dst(%dma_wait3A_297 : memref<100000x128xf32, #tpu.memory_space<hbm>>)
      %dma_wait3A_298 = arith.constant 9 : i32
      %dma_wait3A_299 = arith.constant 0 : i32
      %dma_wait3A_300 = tpu.memref_slice %arg13[%dma_wait3A_298, %dma_wait3A_299] : memref<26x128xi32, #tpu.memory_space<vmem>> -> memref<1x128xi32, #tpu.memory_space<vmem>>
      %dma_wait3A_301 = tpu.memref_squeeze %dma_wait3A_300 : memref<1x128xi32, #tpu.memory_space<vmem>> -> memref<128xi32, #tpu.memory_space<vmem>>
      %dma_wait3A_302 = arith.constant 0 : i32
      %dma_wait3A_303 = arith.constant 0 : i32
      %dma_wait3A_304 = tpu.memref_slice %arg2[%dma_wait3A_302, %dma_wait3A_303] : memref<16384x128xf32, #tpu.memory_space<hbm>> -> memref<16384x128xf32, #tpu.memory_space<hbm>>
      tpu.wait_indirect_dma semaphore(%arg17 : memref<!tpu.dma_semaphore, #tpu.memory_space<semaphore_mem>>) src(%dma_wait3A_304 : memref<16384x128xf32, #tpu.memory_space<hbm>>) dst(%arg15 : memref<128x128xf32, #tpu.memory_space<vmem>>)
      %dma_start3A_305 = arith.constant 9 : i32
      %dma_start3A_306 = arith.constant 0 : i32
      %dma_start3A_307 = tpu.memref_slice %arg12[%dma_start3A_305, %dma_start3A_306] : memref<26x128xi32, #tpu.memory_space<vmem>> -> memref<1x128xi32, #tpu.memory_space<vmem>>
      %dma_start3A_308 = tpu.memref_squeeze %dma_start3A_307 : memref<1x128xi32, #tpu.memory_space<vmem>> -> memref<128xi32, #tpu.memory_space<vmem>>
      %dma_start3A_309 = arith.constant 0 : i32
      %dma_start3A_310 = arith.constant 0 : i32
      %dma_start3A_311 = tpu.memref_slice %arg3[%dma_start3A_309, %dma_start3A_310] : memref<100000x128xf32, #tpu.memory_space<hbm>> -> memref<100000x128xf32, #tpu.memory_space<hbm>>
      tpu.enqueue_indirect_dma source(%arg15 : memref<128x128xf32, #tpu.memory_space<vmem>>) target(%dma_start3A_311 : memref<100000x128xf32, #tpu.memory_space<hbm>>) offsets(%dma_start3A_308 : memref<128xi32, #tpu.memory_space<vmem>>) semaphore(%arg19 : memref<!tpu.dma_semaphore, #tpu.memory_space<semaphore_mem>>)
      %dma_wait3A_312 = arith.constant 9 : i32
      %dma_wait3A_313 = arith.constant 0 : i32
      %dma_wait3A_314 = tpu.memref_slice %arg12[%dma_wait3A_312, %dma_wait3A_313] : memref<26x128xi32, #tpu.memory_space<vmem>> -> memref<1x128xi32, #tpu.memory_space<vmem>>
      %dma_wait3A_315 = tpu.memref_squeeze %dma_wait3A_314 : memref<1x128xi32, #tpu.memory_space<vmem>> -> memref<128xi32, #tpu.memory_space<vmem>>
      %dma_wait3A_316 = arith.constant 0 : i32
      %dma_wait3A_317 = arith.constant 0 : i32
      %dma_wait3A_318 = tpu.memref_slice %arg3[%dma_wait3A_316, %dma_wait3A_317] : memref<100000x128xf32, #tpu.memory_space<hbm>> -> memref<100000x128xf32, #tpu.memory_space<hbm>>
      tpu.wait_indirect_dma semaphore(%arg19 : memref<!tpu.dma_semaphore, #tpu.memory_space<semaphore_mem>>) src(%arg15 : memref<128x128xf32, #tpu.memory_space<vmem>>) dst(%dma_wait3A_318 : memref<100000x128xf32, #tpu.memory_space<hbm>>)
    } else {
    }
    %eq3A_211 = arith.constant 11 : i32
    %eq3A_212 = arith.cmpi eq, %select_n3A, %eq3A_211 : i32
    %convert_element_type3A_213 = arith.extui %eq3A_212 : i1 to i32
    %cond3A_214 = arith.constant 0 : i32
    %cond3A_215 = arith.cmpi ne, %convert_element_type3A_213, %cond3A_214 : i32
    scf.if %cond3A_215 {
      %dma_wait3A_291 = arith.constant 9 : i32
      %dma_wait3A_292 = arith.constant 0 : i32
      %dma_wait3A_293 = tpu.memref_slice %arg12[%dma_wait3A_291, %dma_wait3A_292] : memref<26x128xi32, #tpu.memory_space<vmem>> -> memref<1x128xi32, #tpu.memory_space<vmem>>
      %dma_wait3A_294 = tpu.memref_squeeze %dma_wait3A_293 : memref<1x128xi32, #tpu.memory_space<vmem>> -> memref<128xi32, #tpu.memory_space<vmem>>
      %dma_wait3A_295 = arith.constant 0 : i32
      %dma_wait3A_296 = arith.constant 0 : i32
      %dma_wait3A_297 = tpu.memref_slice %arg3[%dma_wait3A_295, %dma_wait3A_296] : memref<100000x128xf32, #tpu.memory_space<hbm>> -> memref<100000x128xf32, #tpu.memory_space<hbm>>
      tpu.wait_indirect_dma semaphore(%arg19 : memref<!tpu.dma_semaphore, #tpu.memory_space<semaphore_mem>>) src(%arg15 : memref<128x128xf32, #tpu.memory_space<vmem>>) dst(%dma_wait3A_297 : memref<100000x128xf32, #tpu.memory_space<hbm>>)
      %dma_wait3A_298 = arith.constant 10 : i32
      %dma_wait3A_299 = arith.constant 0 : i32
      %dma_wait3A_300 = tpu.memref_slice %arg13[%dma_wait3A_298, %dma_wait3A_299] : memref<26x128xi32, #tpu.memory_space<vmem>> -> memref<1x128xi32, #tpu.memory_space<vmem>>
      %dma_wait3A_301 = tpu.memref_squeeze %dma_wait3A_300 : memref<1x128xi32, #tpu.memory_space<vmem>> -> memref<128xi32, #tpu.memory_space<vmem>>
      %dma_wait3A_302 = arith.constant 0 : i32
      %dma_wait3A_303 = arith.constant 0 : i32
      %dma_wait3A_304 = tpu.memref_slice %arg2[%dma_wait3A_302, %dma_wait3A_303] : memref<16384x128xf32, #tpu.memory_space<hbm>> -> memref<16384x128xf32, #tpu.memory_space<hbm>>
      tpu.wait_indirect_dma semaphore(%arg16 : memref<!tpu.dma_semaphore, #tpu.memory_space<semaphore_mem>>) src(%dma_wait3A_304 : memref<16384x128xf32, #tpu.memory_space<hbm>>) dst(%arg14 : memref<128x128xf32, #tpu.memory_space<vmem>>)
      %dma_start3A_305 = arith.constant 10 : i32
      %dma_start3A_306 = arith.constant 0 : i32
      %dma_start3A_307 = tpu.memref_slice %arg12[%dma_start3A_305, %dma_start3A_306] : memref<26x128xi32, #tpu.memory_space<vmem>> -> memref<1x128xi32, #tpu.memory_space<vmem>>
      %dma_start3A_308 = tpu.memref_squeeze %dma_start3A_307 : memref<1x128xi32, #tpu.memory_space<vmem>> -> memref<128xi32, #tpu.memory_space<vmem>>
      %dma_start3A_309 = arith.constant 0 : i32
      %dma_start3A_310 = arith.constant 0 : i32
      %dma_start3A_311 = tpu.memref_slice %arg3[%dma_start3A_309, %dma_start3A_310] : memref<100000x128xf32, #tpu.memory_space<hbm>> -> memref<100000x128xf32, #tpu.memory_space<hbm>>
      tpu.enqueue_indirect_dma source(%arg14 : memref<128x128xf32, #tpu.memory_space<vmem>>) target(%dma_start3A_311 : memref<100000x128xf32, #tpu.memory_space<hbm>>) offsets(%dma_start3A_308 : memref<128xi32, #tpu.memory_space<vmem>>) semaphore(%arg18 : memref<!tpu.dma_semaphore, #tpu.memory_space<semaphore_mem>>)
      %dma_wait3A_312 = arith.constant 10 : i32
      %dma_wait3A_313 = arith.constant 0 : i32
      %dma_wait3A_314 = tpu.memref_slice %arg12[%dma_wait3A_312, %dma_wait3A_313] : memref<26x128xi32, #tpu.memory_space<vmem>> -> memref<1x128xi32, #tpu.memory_space<vmem>>
      %dma_wait3A_315 = tpu.memref_squeeze %dma_wait3A_314 : memref<1x128xi32, #tpu.memory_space<vmem>> -> memref<128xi32, #tpu.memory_space<vmem>>
      %dma_wait3A_316 = arith.constant 0 : i32
      %dma_wait3A_317 = arith.constant 0 : i32
      %dma_wait3A_318 = tpu.memref_slice %arg3[%dma_wait3A_316, %dma_wait3A_317] : memref<100000x128xf32, #tpu.memory_space<hbm>> -> memref<100000x128xf32, #tpu.memory_space<hbm>>
      tpu.wait_indirect_dma semaphore(%arg18 : memref<!tpu.dma_semaphore, #tpu.memory_space<semaphore_mem>>) src(%arg14 : memref<128x128xf32, #tpu.memory_space<vmem>>) dst(%dma_wait3A_318 : memref<100000x128xf32, #tpu.memory_space<hbm>>)
    } else {
    }
    %eq3A_216 = arith.constant 12 : i32
    %eq3A_217 = arith.cmpi eq, %select_n3A, %eq3A_216 : i32
    %convert_element_type3A_218 = arith.extui %eq3A_217 : i1 to i32
    %cond3A_219 = arith.constant 0 : i32
    %cond3A_220 = arith.cmpi ne, %convert_element_type3A_218, %cond3A_219 : i32
    scf.if %cond3A_220 {
      %dma_wait3A_291 = arith.constant 10 : i32
      %dma_wait3A_292 = arith.constant 0 : i32
      %dma_wait3A_293 = tpu.memref_slice %arg12[%dma_wait3A_291, %dma_wait3A_292] : memref<26x128xi32, #tpu.memory_space<vmem>> -> memref<1x128xi32, #tpu.memory_space<vmem>>
      %dma_wait3A_294 = tpu.memref_squeeze %dma_wait3A_293 : memref<1x128xi32, #tpu.memory_space<vmem>> -> memref<128xi32, #tpu.memory_space<vmem>>
      %dma_wait3A_295 = arith.constant 0 : i32
      %dma_wait3A_296 = arith.constant 0 : i32
      %dma_wait3A_297 = tpu.memref_slice %arg3[%dma_wait3A_295, %dma_wait3A_296] : memref<100000x128xf32, #tpu.memory_space<hbm>> -> memref<100000x128xf32, #tpu.memory_space<hbm>>
      tpu.wait_indirect_dma semaphore(%arg18 : memref<!tpu.dma_semaphore, #tpu.memory_space<semaphore_mem>>) src(%arg14 : memref<128x128xf32, #tpu.memory_space<vmem>>) dst(%dma_wait3A_297 : memref<100000x128xf32, #tpu.memory_space<hbm>>)
      %dma_wait3A_298 = arith.constant 11 : i32
      %dma_wait3A_299 = arith.constant 0 : i32
      %dma_wait3A_300 = tpu.memref_slice %arg13[%dma_wait3A_298, %dma_wait3A_299] : memref<26x128xi32, #tpu.memory_space<vmem>> -> memref<1x128xi32, #tpu.memory_space<vmem>>
      %dma_wait3A_301 = tpu.memref_squeeze %dma_wait3A_300 : memref<1x128xi32, #tpu.memory_space<vmem>> -> memref<128xi32, #tpu.memory_space<vmem>>
      %dma_wait3A_302 = arith.constant 0 : i32
      %dma_wait3A_303 = arith.constant 0 : i32
      %dma_wait3A_304 = tpu.memref_slice %arg2[%dma_wait3A_302, %dma_wait3A_303] : memref<16384x128xf32, #tpu.memory_space<hbm>> -> memref<16384x128xf32, #tpu.memory_space<hbm>>
      tpu.wait_indirect_dma semaphore(%arg17 : memref<!tpu.dma_semaphore, #tpu.memory_space<semaphore_mem>>) src(%dma_wait3A_304 : memref<16384x128xf32, #tpu.memory_space<hbm>>) dst(%arg15 : memref<128x128xf32, #tpu.memory_space<vmem>>)
      %dma_start3A_305 = arith.constant 11 : i32
      %dma_start3A_306 = arith.constant 0 : i32
      %dma_start3A_307 = tpu.memref_slice %arg12[%dma_start3A_305, %dma_start3A_306] : memref<26x128xi32, #tpu.memory_space<vmem>> -> memref<1x128xi32, #tpu.memory_space<vmem>>
      %dma_start3A_308 = tpu.memref_squeeze %dma_start3A_307 : memref<1x128xi32, #tpu.memory_space<vmem>> -> memref<128xi32, #tpu.memory_space<vmem>>
      %dma_start3A_309 = arith.constant 0 : i32
      %dma_start3A_310 = arith.constant 0 : i32
      %dma_start3A_311 = tpu.memref_slice %arg3[%dma_start3A_309, %dma_start3A_310] : memref<100000x128xf32, #tpu.memory_space<hbm>> -> memref<100000x128xf32, #tpu.memory_space<hbm>>
      tpu.enqueue_indirect_dma source(%arg15 : memref<128x128xf32, #tpu.memory_space<vmem>>) target(%dma_start3A_311 : memref<100000x128xf32, #tpu.memory_space<hbm>>) offsets(%dma_start3A_308 : memref<128xi32, #tpu.memory_space<vmem>>) semaphore(%arg19 : memref<!tpu.dma_semaphore, #tpu.memory_space<semaphore_mem>>)
      %dma_wait3A_312 = arith.constant 11 : i32
      %dma_wait3A_313 = arith.constant 0 : i32
      %dma_wait3A_314 = tpu.memref_slice %arg12[%dma_wait3A_312, %dma_wait3A_313] : memref<26x128xi32, #tpu.memory_space<vmem>> -> memref<1x128xi32, #tpu.memory_space<vmem>>
      %dma_wait3A_315 = tpu.memref_squeeze %dma_wait3A_314 : memref<1x128xi32, #tpu.memory_space<vmem>> -> memref<128xi32, #tpu.memory_space<vmem>>
      %dma_wait3A_316 = arith.constant 0 : i32
      %dma_wait3A_317 = arith.constant 0 : i32
      %dma_wait3A_318 = tpu.memref_slice %arg3[%dma_wait3A_316, %dma_wait3A_317] : memref<100000x128xf32, #tpu.memory_space<hbm>> -> memref<100000x128xf32, #tpu.memory_space<hbm>>
      tpu.wait_indirect_dma semaphore(%arg19 : memref<!tpu.dma_semaphore, #tpu.memory_space<semaphore_mem>>) src(%arg15 : memref<128x128xf32, #tpu.memory_space<vmem>>) dst(%dma_wait3A_318 : memref<100000x128xf32, #tpu.memory_space<hbm>>)
    } else {
    }
    %eq3A_221 = arith.constant 13 : i32
    %eq3A_222 = arith.cmpi eq, %select_n3A, %eq3A_221 : i32
    %convert_element_type3A_223 = arith.extui %eq3A_222 : i1 to i32
    %cond3A_224 = arith.constant 0 : i32
    %cond3A_225 = arith.cmpi ne, %convert_element_type3A_223, %cond3A_224 : i32
    scf.if %cond3A_225 {
      %dma_wait3A_291 = arith.constant 11 : i32
      %dma_wait3A_292 = arith.constant 0 : i32
      %dma_wait3A_293 = tpu.memref_slice %arg12[%dma_wait3A_291, %dma_wait3A_292] : memref<26x128xi32, #tpu.memory_space<vmem>> -> memref<1x128xi32, #tpu.memory_space<vmem>>
      %dma_wait3A_294 = tpu.memref_squeeze %dma_wait3A_293 : memref<1x128xi32, #tpu.memory_space<vmem>> -> memref<128xi32, #tpu.memory_space<vmem>>
      %dma_wait3A_295 = arith.constant 0 : i32
      %dma_wait3A_296 = arith.constant 0 : i32
      %dma_wait3A_297 = tpu.memref_slice %arg3[%dma_wait3A_295, %dma_wait3A_296] : memref<100000x128xf32, #tpu.memory_space<hbm>> -> memref<100000x128xf32, #tpu.memory_space<hbm>>
      tpu.wait_indirect_dma semaphore(%arg19 : memref<!tpu.dma_semaphore, #tpu.memory_space<semaphore_mem>>) src(%arg15 : memref<128x128xf32, #tpu.memory_space<vmem>>) dst(%dma_wait3A_297 : memref<100000x128xf32, #tpu.memory_space<hbm>>)
      %dma_wait3A_298 = arith.constant 12 : i32
      %dma_wait3A_299 = arith.constant 0 : i32
      %dma_wait3A_300 = tpu.memref_slice %arg13[%dma_wait3A_298, %dma_wait3A_299] : memref<26x128xi32, #tpu.memory_space<vmem>> -> memref<1x128xi32, #tpu.memory_space<vmem>>
      %dma_wait3A_301 = tpu.memref_squeeze %dma_wait3A_300 : memref<1x128xi32, #tpu.memory_space<vmem>> -> memref<128xi32, #tpu.memory_space<vmem>>
      %dma_wait3A_302 = arith.constant 0 : i32
      %dma_wait3A_303 = arith.constant 0 : i32
      %dma_wait3A_304 = tpu.memref_slice %arg2[%dma_wait3A_302, %dma_wait3A_303] : memref<16384x128xf32, #tpu.memory_space<hbm>> -> memref<16384x128xf32, #tpu.memory_space<hbm>>
      tpu.wait_indirect_dma semaphore(%arg16 : memref<!tpu.dma_semaphore, #tpu.memory_space<semaphore_mem>>) src(%dma_wait3A_304 : memref<16384x128xf32, #tpu.memory_space<hbm>>) dst(%arg14 : memref<128x128xf32, #tpu.memory_space<vmem>>)
      %dma_start3A_305 = arith.constant 12 : i32
      %dma_start3A_306 = arith.constant 0 : i32
      %dma_start3A_307 = tpu.memref_slice %arg12[%dma_start3A_305, %dma_start3A_306] : memref<26x128xi32, #tpu.memory_space<vmem>> -> memref<1x128xi32, #tpu.memory_space<vmem>>
      %dma_start3A_308 = tpu.memref_squeeze %dma_start3A_307 : memref<1x128xi32, #tpu.memory_space<vmem>> -> memref<128xi32, #tpu.memory_space<vmem>>
      %dma_start3A_309 = arith.constant 0 : i32
      %dma_start3A_310 = arith.constant 0 : i32
      %dma_start3A_311 = tpu.memref_slice %arg3[%dma_start3A_309, %dma_start3A_310] : memref<100000x128xf32, #tpu.memory_space<hbm>> -> memref<100000x128xf32, #tpu.memory_space<hbm>>
      tpu.enqueue_indirect_dma source(%arg14 : memref<128x128xf32, #tpu.memory_space<vmem>>) target(%dma_start3A_311 : memref<100000x128xf32, #tpu.memory_space<hbm>>) offsets(%dma_start3A_308 : memref<128xi32, #tpu.memory_space<vmem>>) semaphore(%arg18 : memref<!tpu.dma_semaphore, #tpu.memory_space<semaphore_mem>>)
      %dma_wait3A_312 = arith.constant 12 : i32
      %dma_wait3A_313 = arith.constant 0 : i32
      %dma_wait3A_314 = tpu.memref_slice %arg12[%dma_wait3A_312, %dma_wait3A_313] : memref<26x128xi32, #tpu.memory_space<vmem>> -> memref<1x128xi32, #tpu.memory_space<vmem>>
      %dma_wait3A_315 = tpu.memref_squeeze %dma_wait3A_314 : memref<1x128xi32, #tpu.memory_space<vmem>> -> memref<128xi32, #tpu.memory_space<vmem>>
      %dma_wait3A_316 = arith.constant 0 : i32
      %dma_wait3A_317 = arith.constant 0 : i32
      %dma_wait3A_318 = tpu.memref_slice %arg3[%dma_wait3A_316, %dma_wait3A_317] : memref<100000x128xf32, #tpu.memory_space<hbm>> -> memref<100000x128xf32, #tpu.memory_space<hbm>>
      tpu.wait_indirect_dma semaphore(%arg18 : memref<!tpu.dma_semaphore, #tpu.memory_space<semaphore_mem>>) src(%arg14 : memref<128x128xf32, #tpu.memory_space<vmem>>) dst(%dma_wait3A_318 : memref<100000x128xf32, #tpu.memory_space<hbm>>)
    } else {
    }
    %eq3A_226 = arith.constant 14 : i32
    %eq3A_227 = arith.cmpi eq, %select_n3A, %eq3A_226 : i32
    %convert_element_type3A_228 = arith.extui %eq3A_227 : i1 to i32
    %cond3A_229 = arith.constant 0 : i32
    %cond3A_230 = arith.cmpi ne, %convert_element_type3A_228, %cond3A_229 : i32
    scf.if %cond3A_230 {
      %dma_wait3A_291 = arith.constant 12 : i32
      %dma_wait3A_292 = arith.constant 0 : i32
      %dma_wait3A_293 = tpu.memref_slice %arg12[%dma_wait3A_291, %dma_wait3A_292] : memref<26x128xi32, #tpu.memory_space<vmem>> -> memref<1x128xi32, #tpu.memory_space<vmem>>
      %dma_wait3A_294 = tpu.memref_squeeze %dma_wait3A_293 : memref<1x128xi32, #tpu.memory_space<vmem>> -> memref<128xi32, #tpu.memory_space<vmem>>
      %dma_wait3A_295 = arith.constant 0 : i32
      %dma_wait3A_296 = arith.constant 0 : i32
      %dma_wait3A_297 = tpu.memref_slice %arg3[%dma_wait3A_295, %dma_wait3A_296] : memref<100000x128xf32, #tpu.memory_space<hbm>> -> memref<100000x128xf32, #tpu.memory_space<hbm>>
      tpu.wait_indirect_dma semaphore(%arg18 : memref<!tpu.dma_semaphore, #tpu.memory_space<semaphore_mem>>) src(%arg14 : memref<128x128xf32, #tpu.memory_space<vmem>>) dst(%dma_wait3A_297 : memref<100000x128xf32, #tpu.memory_space<hbm>>)
      %dma_wait3A_298 = arith.constant 13 : i32
      %dma_wait3A_299 = arith.constant 0 : i32
      %dma_wait3A_300 = tpu.memref_slice %arg13[%dma_wait3A_298, %dma_wait3A_299] : memref<26x128xi32, #tpu.memory_space<vmem>> -> memref<1x128xi32, #tpu.memory_space<vmem>>
      %dma_wait3A_301 = tpu.memref_squeeze %dma_wait3A_300 : memref<1x128xi32, #tpu.memory_space<vmem>> -> memref<128xi32, #tpu.memory_space<vmem>>
      %dma_wait3A_302 = arith.constant 0 : i32
      %dma_wait3A_303 = arith.constant 0 : i32
      %dma_wait3A_304 = tpu.memref_slice %arg2[%dma_wait3A_302, %dma_wait3A_303] : memref<16384x128xf32, #tpu.memory_space<hbm>> -> memref<16384x128xf32, #tpu.memory_space<hbm>>
      tpu.wait_indirect_dma semaphore(%arg17 : memref<!tpu.dma_semaphore, #tpu.memory_space<semaphore_mem>>) src(%dma_wait3A_304 : memref<16384x128xf32, #tpu.memory_space<hbm>>) dst(%arg15 : memref<128x128xf32, #tpu.memory_space<vmem>>)
      %dma_start3A_305 = arith.constant 13 : i32
      %dma_start3A_306 = arith.constant 0 : i32
      %dma_start3A_307 = tpu.memref_slice %arg12[%dma_start3A_305, %dma_start3A_306] : memref<26x128xi32, #tpu.memory_space<vmem>> -> memref<1x128xi32, #tpu.memory_space<vmem>>
      %dma_start3A_308 = tpu.memref_squeeze %dma_start3A_307 : memref<1x128xi32, #tpu.memory_space<vmem>> -> memref<128xi32, #tpu.memory_space<vmem>>
      %dma_start3A_309 = arith.constant 0 : i32
      %dma_start3A_310 = arith.constant 0 : i32
      %dma_start3A_311 = tpu.memref_slice %arg3[%dma_start3A_309, %dma_start3A_310] : memref<100000x128xf32, #tpu.memory_space<hbm>> -> memref<100000x128xf32, #tpu.memory_space<hbm>>
      tpu.enqueue_indirect_dma source(%arg15 : memref<128x128xf32, #tpu.memory_space<vmem>>) target(%dma_start3A_311 : memref<100000x128xf32, #tpu.memory_space<hbm>>) offsets(%dma_start3A_308 : memref<128xi32, #tpu.memory_space<vmem>>) semaphore(%arg19 : memref<!tpu.dma_semaphore, #tpu.memory_space<semaphore_mem>>)
      %dma_wait3A_312 = arith.constant 13 : i32
      %dma_wait3A_313 = arith.constant 0 : i32
      %dma_wait3A_314 = tpu.memref_slice %arg12[%dma_wait3A_312, %dma_wait3A_313] : memref<26x128xi32, #tpu.memory_space<vmem>> -> memref<1x128xi32, #tpu.memory_space<vmem>>
      %dma_wait3A_315 = tpu.memref_squeeze %dma_wait3A_314 : memref<1x128xi32, #tpu.memory_space<vmem>> -> memref<128xi32, #tpu.memory_space<vmem>>
      %dma_wait3A_316 = arith.constant 0 : i32
      %dma_wait3A_317 = arith.constant 0 : i32
      %dma_wait3A_318 = tpu.memref_slice %arg3[%dma_wait3A_316, %dma_wait3A_317] : memref<100000x128xf32, #tpu.memory_space<hbm>> -> memref<100000x128xf32, #tpu.memory_space<hbm>>
      tpu.wait_indirect_dma semaphore(%arg19 : memref<!tpu.dma_semaphore, #tpu.memory_space<semaphore_mem>>) src(%arg15 : memref<128x128xf32, #tpu.memory_space<vmem>>) dst(%dma_wait3A_318 : memref<100000x128xf32, #tpu.memory_space<hbm>>)
    } else {
    }
    %eq3A_231 = arith.constant 15 : i32
    %eq3A_232 = arith.cmpi eq, %select_n3A, %eq3A_231 : i32
    %convert_element_type3A_233 = arith.extui %eq3A_232 : i1 to i32
    %cond3A_234 = arith.constant 0 : i32
    %cond3A_235 = arith.cmpi ne, %convert_element_type3A_233, %cond3A_234 : i32
    scf.if %cond3A_235 {
      %dma_wait3A_291 = arith.constant 13 : i32
      %dma_wait3A_292 = arith.constant 0 : i32
      %dma_wait3A_293 = tpu.memref_slice %arg12[%dma_wait3A_291, %dma_wait3A_292] : memref<26x128xi32, #tpu.memory_space<vmem>> -> memref<1x128xi32, #tpu.memory_space<vmem>>
      %dma_wait3A_294 = tpu.memref_squeeze %dma_wait3A_293 : memref<1x128xi32, #tpu.memory_space<vmem>> -> memref<128xi32, #tpu.memory_space<vmem>>
      %dma_wait3A_295 = arith.constant 0 : i32
      %dma_wait3A_296 = arith.constant 0 : i32
      %dma_wait3A_297 = tpu.memref_slice %arg3[%dma_wait3A_295, %dma_wait3A_296] : memref<100000x128xf32, #tpu.memory_space<hbm>> -> memref<100000x128xf32, #tpu.memory_space<hbm>>
      tpu.wait_indirect_dma semaphore(%arg19 : memref<!tpu.dma_semaphore, #tpu.memory_space<semaphore_mem>>) src(%arg15 : memref<128x128xf32, #tpu.memory_space<vmem>>) dst(%dma_wait3A_297 : memref<100000x128xf32, #tpu.memory_space<hbm>>)
      %dma_wait3A_298 = arith.constant 14 : i32
      %dma_wait3A_299 = arith.constant 0 : i32
      %dma_wait3A_300 = tpu.memref_slice %arg13[%dma_wait3A_298, %dma_wait3A_299] : memref<26x128xi32, #tpu.memory_space<vmem>> -> memref<1x128xi32, #tpu.memory_space<vmem>>
      %dma_wait3A_301 = tpu.memref_squeeze %dma_wait3A_300 : memref<1x128xi32, #tpu.memory_space<vmem>> -> memref<128xi32, #tpu.memory_space<vmem>>
      %dma_wait3A_302 = arith.constant 0 : i32
      %dma_wait3A_303 = arith.constant 0 : i32
      %dma_wait3A_304 = tpu.memref_slice %arg2[%dma_wait3A_302, %dma_wait3A_303] : memref<16384x128xf32, #tpu.memory_space<hbm>> -> memref<16384x128xf32, #tpu.memory_space<hbm>>
      tpu.wait_indirect_dma semaphore(%arg16 : memref<!tpu.dma_semaphore, #tpu.memory_space<semaphore_mem>>) src(%dma_wait3A_304 : memref<16384x128xf32, #tpu.memory_space<hbm>>) dst(%arg14 : memref<128x128xf32, #tpu.memory_space<vmem>>)
      %dma_start3A_305 = arith.constant 14 : i32
      %dma_start3A_306 = arith.constant 0 : i32
      %dma_start3A_307 = tpu.memref_slice %arg12[%dma_start3A_305, %dma_start3A_306] : memref<26x128xi32, #tpu.memory_space<vmem>> -> memref<1x128xi32, #tpu.memory_space<vmem>>
      %dma_start3A_308 = tpu.memref_squeeze %dma_start3A_307 : memref<1x128xi32, #tpu.memory_space<vmem>> -> memref<128xi32, #tpu.memory_space<vmem>>
      %dma_start3A_309 = arith.constant 0 : i32
      %dma_start3A_310 = arith.constant 0 : i32
      %dma_start3A_311 = tpu.memref_slice %arg3[%dma_start3A_309, %dma_start3A_310] : memref<100000x128xf32, #tpu.memory_space<hbm>> -> memref<100000x128xf32, #tpu.memory_space<hbm>>
      tpu.enqueue_indirect_dma source(%arg14 : memref<128x128xf32, #tpu.memory_space<vmem>>) target(%dma_start3A_311 : memref<100000x128xf32, #tpu.memory_space<hbm>>) offsets(%dma_start3A_308 : memref<128xi32, #tpu.memory_space<vmem>>) semaphore(%arg18 : memref<!tpu.dma_semaphore, #tpu.memory_space<semaphore_mem>>)
      %dma_wait3A_312 = arith.constant 14 : i32
      %dma_wait3A_313 = arith.constant 0 : i32
      %dma_wait3A_314 = tpu.memref_slice %arg12[%dma_wait3A_312, %dma_wait3A_313] : memref<26x128xi32, #tpu.memory_space<vmem>> -> memref<1x128xi32, #tpu.memory_space<vmem>>
      %dma_wait3A_315 = tpu.memref_squeeze %dma_wait3A_314 : memref<1x128xi32, #tpu.memory_space<vmem>> -> memref<128xi32, #tpu.memory_space<vmem>>
      %dma_wait3A_316 = arith.constant 0 : i32
      %dma_wait3A_317 = arith.constant 0 : i32
      %dma_wait3A_318 = tpu.memref_slice %arg3[%dma_wait3A_316, %dma_wait3A_317] : memref<100000x128xf32, #tpu.memory_space<hbm>> -> memref<100000x128xf32, #tpu.memory_space<hbm>>
      tpu.wait_indirect_dma semaphore(%arg18 : memref<!tpu.dma_semaphore, #tpu.memory_space<semaphore_mem>>) src(%arg14 : memref<128x128xf32, #tpu.memory_space<vmem>>) dst(%dma_wait3A_318 : memref<100000x128xf32, #tpu.memory_space<hbm>>)
    } else {
    }
    %eq3A_236 = arith.constant 16 : i32
    %eq3A_237 = arith.cmpi eq, %select_n3A, %eq3A_236 : i32
    %convert_element_type3A_238 = arith.extui %eq3A_237 : i1 to i32
    %cond3A_239 = arith.constant 0 : i32
    %cond3A_240 = arith.cmpi ne, %convert_element_type3A_238, %cond3A_239 : i32
    scf.if %cond3A_240 {
      %dma_wait3A_291 = arith.constant 14 : i32
      %dma_wait3A_292 = arith.constant 0 : i32
      %dma_wait3A_293 = tpu.memref_slice %arg12[%dma_wait3A_291, %dma_wait3A_292] : memref<26x128xi32, #tpu.memory_space<vmem>> -> memref<1x128xi32, #tpu.memory_space<vmem>>
      %dma_wait3A_294 = tpu.memref_squeeze %dma_wait3A_293 : memref<1x128xi32, #tpu.memory_space<vmem>> -> memref<128xi32, #tpu.memory_space<vmem>>
      %dma_wait3A_295 = arith.constant 0 : i32
      %dma_wait3A_296 = arith.constant 0 : i32
      %dma_wait3A_297 = tpu.memref_slice %arg3[%dma_wait3A_295, %dma_wait3A_296] : memref<100000x128xf32, #tpu.memory_space<hbm>> -> memref<100000x128xf32, #tpu.memory_space<hbm>>
      tpu.wait_indirect_dma semaphore(%arg18 : memref<!tpu.dma_semaphore, #tpu.memory_space<semaphore_mem>>) src(%arg14 : memref<128x128xf32, #tpu.memory_space<vmem>>) dst(%dma_wait3A_297 : memref<100000x128xf32, #tpu.memory_space<hbm>>)
      %dma_wait3A_298 = arith.constant 15 : i32
      %dma_wait3A_299 = arith.constant 0 : i32
      %dma_wait3A_300 = tpu.memref_slice %arg13[%dma_wait3A_298, %dma_wait3A_299] : memref<26x128xi32, #tpu.memory_space<vmem>> -> memref<1x128xi32, #tpu.memory_space<vmem>>
      %dma_wait3A_301 = tpu.memref_squeeze %dma_wait3A_300 : memref<1x128xi32, #tpu.memory_space<vmem>> -> memref<128xi32, #tpu.memory_space<vmem>>
      %dma_wait3A_302 = arith.constant 0 : i32
      %dma_wait3A_303 = arith.constant 0 : i32
      %dma_wait3A_304 = tpu.memref_slice %arg2[%dma_wait3A_302, %dma_wait3A_303] : memref<16384x128xf32, #tpu.memory_space<hbm>> -> memref<16384x128xf32, #tpu.memory_space<hbm>>
      tpu.wait_indirect_dma semaphore(%arg17 : memref<!tpu.dma_semaphore, #tpu.memory_space<semaphore_mem>>) src(%dma_wait3A_304 : memref<16384x128xf32, #tpu.memory_space<hbm>>) dst(%arg15 : memref<128x128xf32, #tpu.memory_space<vmem>>)
      %dma_start3A_305 = arith.constant 15 : i32
      %dma_start3A_306 = arith.constant 0 : i32
      %dma_start3A_307 = tpu.memref_slice %arg12[%dma_start3A_305, %dma_start3A_306] : memref<26x128xi32, #tpu.memory_space<vmem>> -> memref<1x128xi32, #tpu.memory_space<vmem>>
      %dma_start3A_308 = tpu.memref_squeeze %dma_start3A_307 : memref<1x128xi32, #tpu.memory_space<vmem>> -> memref<128xi32, #tpu.memory_space<vmem>>
      %dma_start3A_309 = arith.constant 0 : i32
      %dma_start3A_310 = arith.constant 0 : i32
      %dma_start3A_311 = tpu.memref_slice %arg3[%dma_start3A_309, %dma_start3A_310] : memref<100000x128xf32, #tpu.memory_space<hbm>> -> memref<100000x128xf32, #tpu.memory_space<hbm>>
      tpu.enqueue_indirect_dma source(%arg15 : memref<128x128xf32, #tpu.memory_space<vmem>>) target(%dma_start3A_311 : memref<100000x128xf32, #tpu.memory_space<hbm>>) offsets(%dma_start3A_308 : memref<128xi32, #tpu.memory_space<vmem>>) semaphore(%arg19 : memref<!tpu.dma_semaphore, #tpu.memory_space<semaphore_mem>>)
      %dma_wait3A_312 = arith.constant 15 : i32
      %dma_wait3A_313 = arith.constant 0 : i32
      %dma_wait3A_314 = tpu.memref_slice %arg12[%dma_wait3A_312, %dma_wait3A_313] : memref<26x128xi32, #tpu.memory_space<vmem>> -> memref<1x128xi32, #tpu.memory_space<vmem>>
      %dma_wait3A_315 = tpu.memref_squeeze %dma_wait3A_314 : memref<1x128xi32, #tpu.memory_space<vmem>> -> memref<128xi32, #tpu.memory_space<vmem>>
      %dma_wait3A_316 = arith.constant 0 : i32
      %dma_wait3A_317 = arith.constant 0 : i32
      %dma_wait3A_318 = tpu.memref_slice %arg3[%dma_wait3A_316, %dma_wait3A_317] : memref<100000x128xf32, #tpu.memory_space<hbm>> -> memref<100000x128xf32, #tpu.memory_space<hbm>>
      tpu.wait_indirect_dma semaphore(%arg19 : memref<!tpu.dma_semaphore, #tpu.memory_space<semaphore_mem>>) src(%arg15 : memref<128x128xf32, #tpu.memory_space<vmem>>) dst(%dma_wait3A_318 : memref<100000x128xf32, #tpu.memory_space<hbm>>)
    } else {
    }
    %eq3A_241 = arith.constant 17 : i32
    %eq3A_242 = arith.cmpi eq, %select_n3A, %eq3A_241 : i32
    %convert_element_type3A_243 = arith.extui %eq3A_242 : i1 to i32
    %cond3A_244 = arith.constant 0 : i32
    %cond3A_245 = arith.cmpi ne, %convert_element_type3A_243, %cond3A_244 : i32
    scf.if %cond3A_245 {
      %dma_wait3A_291 = arith.constant 15 : i32
      %dma_wait3A_292 = arith.constant 0 : i32
      %dma_wait3A_293 = tpu.memref_slice %arg12[%dma_wait3A_291, %dma_wait3A_292] : memref<26x128xi32, #tpu.memory_space<vmem>> -> memref<1x128xi32, #tpu.memory_space<vmem>>
      %dma_wait3A_294 = tpu.memref_squeeze %dma_wait3A_293 : memref<1x128xi32, #tpu.memory_space<vmem>> -> memref<128xi32, #tpu.memory_space<vmem>>
      %dma_wait3A_295 = arith.constant 0 : i32
      %dma_wait3A_296 = arith.constant 0 : i32
      %dma_wait3A_297 = tpu.memref_slice %arg3[%dma_wait3A_295, %dma_wait3A_296] : memref<100000x128xf32, #tpu.memory_space<hbm>> -> memref<100000x128xf32, #tpu.memory_space<hbm>>
      tpu.wait_indirect_dma semaphore(%arg19 : memref<!tpu.dma_semaphore, #tpu.memory_space<semaphore_mem>>) src(%arg15 : memref<128x128xf32, #tpu.memory_space<vmem>>) dst(%dma_wait3A_297 : memref<100000x128xf32, #tpu.memory_space<hbm>>)
      %dma_wait3A_298 = arith.constant 16 : i32
      %dma_wait3A_299 = arith.constant 0 : i32
      %dma_wait3A_300 = tpu.memref_slice %arg13[%dma_wait3A_298, %dma_wait3A_299] : memref<26x128xi32, #tpu.memory_space<vmem>> -> memref<1x128xi32, #tpu.memory_space<vmem>>
      %dma_wait3A_301 = tpu.memref_squeeze %dma_wait3A_300 : memref<1x128xi32, #tpu.memory_space<vmem>> -> memref<128xi32, #tpu.memory_space<vmem>>
      %dma_wait3A_302 = arith.constant 0 : i32
      %dma_wait3A_303 = arith.constant 0 : i32
      %dma_wait3A_304 = tpu.memref_slice %arg2[%dma_wait3A_302, %dma_wait3A_303] : memref<16384x128xf32, #tpu.memory_space<hbm>> -> memref<16384x128xf32, #tpu.memory_space<hbm>>
      tpu.wait_indirect_dma semaphore(%arg16 : memref<!tpu.dma_semaphore, #tpu.memory_space<semaphore_mem>>) src(%dma_wait3A_304 : memref<16384x128xf32, #tpu.memory_space<hbm>>) dst(%arg14 : memref<128x128xf32, #tpu.memory_space<vmem>>)
      %dma_start3A_305 = arith.constant 16 : i32
      %dma_start3A_306 = arith.constant 0 : i32
      %dma_start3A_307 = tpu.memref_slice %arg12[%dma_start3A_305, %dma_start3A_306] : memref<26x128xi32, #tpu.memory_space<vmem>> -> memref<1x128xi32, #tpu.memory_space<vmem>>
      %dma_start3A_308 = tpu.memref_squeeze %dma_start3A_307 : memref<1x128xi32, #tpu.memory_space<vmem>> -> memref<128xi32, #tpu.memory_space<vmem>>
      %dma_start3A_309 = arith.constant 0 : i32
      %dma_start3A_310 = arith.constant 0 : i32
      %dma_start3A_311 = tpu.memref_slice %arg3[%dma_start3A_309, %dma_start3A_310] : memref<100000x128xf32, #tpu.memory_space<hbm>> -> memref<100000x128xf32, #tpu.memory_space<hbm>>
      tpu.enqueue_indirect_dma source(%arg14 : memref<128x128xf32, #tpu.memory_space<vmem>>) target(%dma_start3A_311 : memref<100000x128xf32, #tpu.memory_space<hbm>>) offsets(%dma_start3A_308 : memref<128xi32, #tpu.memory_space<vmem>>) semaphore(%arg18 : memref<!tpu.dma_semaphore, #tpu.memory_space<semaphore_mem>>)
      %dma_wait3A_312 = arith.constant 16 : i32
      %dma_wait3A_313 = arith.constant 0 : i32
      %dma_wait3A_314 = tpu.memref_slice %arg12[%dma_wait3A_312, %dma_wait3A_313] : memref<26x128xi32, #tpu.memory_space<vmem>> -> memref<1x128xi32, #tpu.memory_space<vmem>>
      %dma_wait3A_315 = tpu.memref_squeeze %dma_wait3A_314 : memref<1x128xi32, #tpu.memory_space<vmem>> -> memref<128xi32, #tpu.memory_space<vmem>>
      %dma_wait3A_316 = arith.constant 0 : i32
      %dma_wait3A_317 = arith.constant 0 : i32
      %dma_wait3A_318 = tpu.memref_slice %arg3[%dma_wait3A_316, %dma_wait3A_317] : memref<100000x128xf32, #tpu.memory_space<hbm>> -> memref<100000x128xf32, #tpu.memory_space<hbm>>
      tpu.wait_indirect_dma semaphore(%arg18 : memref<!tpu.dma_semaphore, #tpu.memory_space<semaphore_mem>>) src(%arg14 : memref<128x128xf32, #tpu.memory_space<vmem>>) dst(%dma_wait3A_318 : memref<100000x128xf32, #tpu.memory_space<hbm>>)
    } else {
    }
    %eq3A_246 = arith.constant 18 : i32
    %eq3A_247 = arith.cmpi eq, %select_n3A, %eq3A_246 : i32
    %convert_element_type3A_248 = arith.extui %eq3A_247 : i1 to i32
    %cond3A_249 = arith.constant 0 : i32
    %cond3A_250 = arith.cmpi ne, %convert_element_type3A_248, %cond3A_249 : i32
    scf.if %cond3A_250 {
      %dma_wait3A_291 = arith.constant 16 : i32
      %dma_wait3A_292 = arith.constant 0 : i32
      %dma_wait3A_293 = tpu.memref_slice %arg12[%dma_wait3A_291, %dma_wait3A_292] : memref<26x128xi32, #tpu.memory_space<vmem>> -> memref<1x128xi32, #tpu.memory_space<vmem>>
      %dma_wait3A_294 = tpu.memref_squeeze %dma_wait3A_293 : memref<1x128xi32, #tpu.memory_space<vmem>> -> memref<128xi32, #tpu.memory_space<vmem>>
      %dma_wait3A_295 = arith.constant 0 : i32
      %dma_wait3A_296 = arith.constant 0 : i32
      %dma_wait3A_297 = tpu.memref_slice %arg3[%dma_wait3A_295, %dma_wait3A_296] : memref<100000x128xf32, #tpu.memory_space<hbm>> -> memref<100000x128xf32, #tpu.memory_space<hbm>>
      tpu.wait_indirect_dma semaphore(%arg18 : memref<!tpu.dma_semaphore, #tpu.memory_space<semaphore_mem>>) src(%arg14 : memref<128x128xf32, #tpu.memory_space<vmem>>) dst(%dma_wait3A_297 : memref<100000x128xf32, #tpu.memory_space<hbm>>)
      %dma_wait3A_298 = arith.constant 17 : i32
      %dma_wait3A_299 = arith.constant 0 : i32
      %dma_wait3A_300 = tpu.memref_slice %arg13[%dma_wait3A_298, %dma_wait3A_299] : memref<26x128xi32, #tpu.memory_space<vmem>> -> memref<1x128xi32, #tpu.memory_space<vmem>>
      %dma_wait3A_301 = tpu.memref_squeeze %dma_wait3A_300 : memref<1x128xi32, #tpu.memory_space<vmem>> -> memref<128xi32, #tpu.memory_space<vmem>>
      %dma_wait3A_302 = arith.constant 0 : i32
      %dma_wait3A_303 = arith.constant 0 : i32
      %dma_wait3A_304 = tpu.memref_slice %arg2[%dma_wait3A_302, %dma_wait3A_303] : memref<16384x128xf32, #tpu.memory_space<hbm>> -> memref<16384x128xf32, #tpu.memory_space<hbm>>
      tpu.wait_indirect_dma semaphore(%arg17 : memref<!tpu.dma_semaphore, #tpu.memory_space<semaphore_mem>>) src(%dma_wait3A_304 : memref<16384x128xf32, #tpu.memory_space<hbm>>) dst(%arg15 : memref<128x128xf32, #tpu.memory_space<vmem>>)
      %dma_start3A_305 = arith.constant 17 : i32
      %dma_start3A_306 = arith.constant 0 : i32
      %dma_start3A_307 = tpu.memref_slice %arg12[%dma_start3A_305, %dma_start3A_306] : memref<26x128xi32, #tpu.memory_space<vmem>> -> memref<1x128xi32, #tpu.memory_space<vmem>>
      %dma_start3A_308 = tpu.memref_squeeze %dma_start3A_307 : memref<1x128xi32, #tpu.memory_space<vmem>> -> memref<128xi32, #tpu.memory_space<vmem>>
      %dma_start3A_309 = arith.constant 0 : i32
      %dma_start3A_310 = arith.constant 0 : i32
      %dma_start3A_311 = tpu.memref_slice %arg3[%dma_start3A_309, %dma_start3A_310] : memref<100000x128xf32, #tpu.memory_space<hbm>> -> memref<100000x128xf32, #tpu.memory_space<hbm>>
      tpu.enqueue_indirect_dma source(%arg15 : memref<128x128xf32, #tpu.memory_space<vmem>>) target(%dma_start3A_311 : memref<100000x128xf32, #tpu.memory_space<hbm>>) offsets(%dma_start3A_308 : memref<128xi32, #tpu.memory_space<vmem>>) semaphore(%arg19 : memref<!tpu.dma_semaphore, #tpu.memory_space<semaphore_mem>>)
      %dma_wait3A_312 = arith.constant 17 : i32
      %dma_wait3A_313 = arith.constant 0 : i32
      %dma_wait3A_314 = tpu.memref_slice %arg12[%dma_wait3A_312, %dma_wait3A_313] : memref<26x128xi32, #tpu.memory_space<vmem>> -> memref<1x128xi32, #tpu.memory_space<vmem>>
      %dma_wait3A_315 = tpu.memref_squeeze %dma_wait3A_314 : memref<1x128xi32, #tpu.memory_space<vmem>> -> memref<128xi32, #tpu.memory_space<vmem>>
      %dma_wait3A_316 = arith.constant 0 : i32
      %dma_wait3A_317 = arith.constant 0 : i32
      %dma_wait3A_318 = tpu.memref_slice %arg3[%dma_wait3A_316, %dma_wait3A_317] : memref<100000x128xf32, #tpu.memory_space<hbm>> -> memref<100000x128xf32, #tpu.memory_space<hbm>>
      tpu.wait_indirect_dma semaphore(%arg19 : memref<!tpu.dma_semaphore, #tpu.memory_space<semaphore_mem>>) src(%arg15 : memref<128x128xf32, #tpu.memory_space<vmem>>) dst(%dma_wait3A_318 : memref<100000x128xf32, #tpu.memory_space<hbm>>)
    } else {
    }
    %eq3A_251 = arith.constant 19 : i32
    %eq3A_252 = arith.cmpi eq, %select_n3A, %eq3A_251 : i32
    %convert_element_type3A_253 = arith.extui %eq3A_252 : i1 to i32
    %cond3A_254 = arith.constant 0 : i32
    %cond3A_255 = arith.cmpi ne, %convert_element_type3A_253, %cond3A_254 : i32
    scf.if %cond3A_255 {
      %dma_wait3A_291 = arith.constant 17 : i32
      %dma_wait3A_292 = arith.constant 0 : i32
      %dma_wait3A_293 = tpu.memref_slice %arg12[%dma_wait3A_291, %dma_wait3A_292] : memref<26x128xi32, #tpu.memory_space<vmem>> -> memref<1x128xi32, #tpu.memory_space<vmem>>
      %dma_wait3A_294 = tpu.memref_squeeze %dma_wait3A_293 : memref<1x128xi32, #tpu.memory_space<vmem>> -> memref<128xi32, #tpu.memory_space<vmem>>
      %dma_wait3A_295 = arith.constant 0 : i32
      %dma_wait3A_296 = arith.constant 0 : i32
      %dma_wait3A_297 = tpu.memref_slice %arg3[%dma_wait3A_295, %dma_wait3A_296] : memref<100000x128xf32, #tpu.memory_space<hbm>> -> memref<100000x128xf32, #tpu.memory_space<hbm>>
      tpu.wait_indirect_dma semaphore(%arg19 : memref<!tpu.dma_semaphore, #tpu.memory_space<semaphore_mem>>) src(%arg15 : memref<128x128xf32, #tpu.memory_space<vmem>>) dst(%dma_wait3A_297 : memref<100000x128xf32, #tpu.memory_space<hbm>>)
      %dma_wait3A_298 = arith.constant 18 : i32
      %dma_wait3A_299 = arith.constant 0 : i32
      %dma_wait3A_300 = tpu.memref_slice %arg13[%dma_wait3A_298, %dma_wait3A_299] : memref<26x128xi32, #tpu.memory_space<vmem>> -> memref<1x128xi32, #tpu.memory_space<vmem>>
      %dma_wait3A_301 = tpu.memref_squeeze %dma_wait3A_300 : memref<1x128xi32, #tpu.memory_space<vmem>> -> memref<128xi32, #tpu.memory_space<vmem>>
      %dma_wait3A_302 = arith.constant 0 : i32
      %dma_wait3A_303 = arith.constant 0 : i32
      %dma_wait3A_304 = tpu.memref_slice %arg2[%dma_wait3A_302, %dma_wait3A_303] : memref<16384x128xf32, #tpu.memory_space<hbm>> -> memref<16384x128xf32, #tpu.memory_space<hbm>>
      tpu.wait_indirect_dma semaphore(%arg16 : memref<!tpu.dma_semaphore, #tpu.memory_space<semaphore_mem>>) src(%dma_wait3A_304 : memref<16384x128xf32, #tpu.memory_space<hbm>>) dst(%arg14 : memref<128x128xf32, #tpu.memory_space<vmem>>)
      %dma_start3A_305 = arith.constant 18 : i32
      %dma_start3A_306 = arith.constant 0 : i32
      %dma_start3A_307 = tpu.memref_slice %arg12[%dma_start3A_305, %dma_start3A_306] : memref<26x128xi32, #tpu.memory_space<vmem>> -> memref<1x128xi32, #tpu.memory_space<vmem>>
      %dma_start3A_308 = tpu.memref_squeeze %dma_start3A_307 : memref<1x128xi32, #tpu.memory_space<vmem>> -> memref<128xi32, #tpu.memory_space<vmem>>
      %dma_start3A_309 = arith.constant 0 : i32
      %dma_start3A_310 = arith.constant 0 : i32
      %dma_start3A_311 = tpu.memref_slice %arg3[%dma_start3A_309, %dma_start3A_310] : memref<100000x128xf32, #tpu.memory_space<hbm>> -> memref<100000x128xf32, #tpu.memory_space<hbm>>
      tpu.enqueue_indirect_dma source(%arg14 : memref<128x128xf32, #tpu.memory_space<vmem>>) target(%dma_start3A_311 : memref<100000x128xf32, #tpu.memory_space<hbm>>) offsets(%dma_start3A_308 : memref<128xi32, #tpu.memory_space<vmem>>) semaphore(%arg18 : memref<!tpu.dma_semaphore, #tpu.memory_space<semaphore_mem>>)
      %dma_wait3A_312 = arith.constant 18 : i32
      %dma_wait3A_313 = arith.constant 0 : i32
      %dma_wait3A_314 = tpu.memref_slice %arg12[%dma_wait3A_312, %dma_wait3A_313] : memref<26x128xi32, #tpu.memory_space<vmem>> -> memref<1x128xi32, #tpu.memory_space<vmem>>
      %dma_wait3A_315 = tpu.memref_squeeze %dma_wait3A_314 : memref<1x128xi32, #tpu.memory_space<vmem>> -> memref<128xi32, #tpu.memory_space<vmem>>
      %dma_wait3A_316 = arith.constant 0 : i32
      %dma_wait3A_317 = arith.constant 0 : i32
      %dma_wait3A_318 = tpu.memref_slice %arg3[%dma_wait3A_316, %dma_wait3A_317] : memref<100000x128xf32, #tpu.memory_space<hbm>> -> memref<100000x128xf32, #tpu.memory_space<hbm>>
      tpu.wait_indirect_dma semaphore(%arg18 : memref<!tpu.dma_semaphore, #tpu.memory_space<semaphore_mem>>) src(%arg14 : memref<128x128xf32, #tpu.memory_space<vmem>>) dst(%dma_wait3A_318 : memref<100000x128xf32, #tpu.memory_space<hbm>>)
    } else {
    }
    %eq3A_256 = arith.constant 20 : i32
    %eq3A_257 = arith.cmpi eq, %select_n3A, %eq3A_256 : i32
    %convert_element_type3A_258 = arith.extui %eq3A_257 : i1 to i32
    %cond3A_259 = arith.constant 0 : i32
    %cond3A_260 = arith.cmpi ne, %convert_element_type3A_258, %cond3A_259 : i32
    scf.if %cond3A_260 {
      %dma_wait3A_291 = arith.constant 18 : i32
      %dma_wait3A_292 = arith.constant 0 : i32
      %dma_wait3A_293 = tpu.memref_slice %arg12[%dma_wait3A_291, %dma_wait3A_292] : memref<26x128xi32, #tpu.memory_space<vmem>> -> memref<1x128xi32, #tpu.memory_space<vmem>>
      %dma_wait3A_294 = tpu.memref_squeeze %dma_wait3A_293 : memref<1x128xi32, #tpu.memory_space<vmem>> -> memref<128xi32, #tpu.memory_space<vmem>>
      %dma_wait3A_295 = arith.constant 0 : i32
      %dma_wait3A_296 = arith.constant 0 : i32
      %dma_wait3A_297 = tpu.memref_slice %arg3[%dma_wait3A_295, %dma_wait3A_296] : memref<100000x128xf32, #tpu.memory_space<hbm>> -> memref<100000x128xf32, #tpu.memory_space<hbm>>
      tpu.wait_indirect_dma semaphore(%arg18 : memref<!tpu.dma_semaphore, #tpu.memory_space<semaphore_mem>>) src(%arg14 : memref<128x128xf32, #tpu.memory_space<vmem>>) dst(%dma_wait3A_297 : memref<100000x128xf32, #tpu.memory_space<hbm>>)
      %dma_wait3A_298 = arith.constant 19 : i32
      %dma_wait3A_299 = arith.constant 0 : i32
      %dma_wait3A_300 = tpu.memref_slice %arg13[%dma_wait3A_298, %dma_wait3A_299] : memref<26x128xi32, #tpu.memory_space<vmem>> -> memref<1x128xi32, #tpu.memory_space<vmem>>
      %dma_wait3A_301 = tpu.memref_squeeze %dma_wait3A_300 : memref<1x128xi32, #tpu.memory_space<vmem>> -> memref<128xi32, #tpu.memory_space<vmem>>
      %dma_wait3A_302 = arith.constant 0 : i32
      %dma_wait3A_303 = arith.constant 0 : i32
      %dma_wait3A_304 = tpu.memref_slice %arg2[%dma_wait3A_302, %dma_wait3A_303] : memref<16384x128xf32, #tpu.memory_space<hbm>> -> memref<16384x128xf32, #tpu.memory_space<hbm>>
      tpu.wait_indirect_dma semaphore(%arg17 : memref<!tpu.dma_semaphore, #tpu.memory_space<semaphore_mem>>) src(%dma_wait3A_304 : memref<16384x128xf32, #tpu.memory_space<hbm>>) dst(%arg15 : memref<128x128xf32, #tpu.memory_space<vmem>>)
      %dma_start3A_305 = arith.constant 19 : i32
      %dma_start3A_306 = arith.constant 0 : i32
      %dma_start3A_307 = tpu.memref_slice %arg12[%dma_start3A_305, %dma_start3A_306] : memref<26x128xi32, #tpu.memory_space<vmem>> -> memref<1x128xi32, #tpu.memory_space<vmem>>
      %dma_start3A_308 = tpu.memref_squeeze %dma_start3A_307 : memref<1x128xi32, #tpu.memory_space<vmem>> -> memref<128xi32, #tpu.memory_space<vmem>>
      %dma_start3A_309 = arith.constant 0 : i32
      %dma_start3A_310 = arith.constant 0 : i32
      %dma_start3A_311 = tpu.memref_slice %arg3[%dma_start3A_309, %dma_start3A_310] : memref<100000x128xf32, #tpu.memory_space<hbm>> -> memref<100000x128xf32, #tpu.memory_space<hbm>>
      tpu.enqueue_indirect_dma source(%arg15 : memref<128x128xf32, #tpu.memory_space<vmem>>) target(%dma_start3A_311 : memref<100000x128xf32, #tpu.memory_space<hbm>>) offsets(%dma_start3A_308 : memref<128xi32, #tpu.memory_space<vmem>>) semaphore(%arg19 : memref<!tpu.dma_semaphore, #tpu.memory_space<semaphore_mem>>)
      %dma_wait3A_312 = arith.constant 19 : i32
      %dma_wait3A_313 = arith.constant 0 : i32
      %dma_wait3A_314 = tpu.memref_slice %arg12[%dma_wait3A_312, %dma_wait3A_313] : memref<26x128xi32, #tpu.memory_space<vmem>> -> memref<1x128xi32, #tpu.memory_space<vmem>>
      %dma_wait3A_315 = tpu.memref_squeeze %dma_wait3A_314 : memref<1x128xi32, #tpu.memory_space<vmem>> -> memref<128xi32, #tpu.memory_space<vmem>>
      %dma_wait3A_316 = arith.constant 0 : i32
      %dma_wait3A_317 = arith.constant 0 : i32
      %dma_wait3A_318 = tpu.memref_slice %arg3[%dma_wait3A_316, %dma_wait3A_317] : memref<100000x128xf32, #tpu.memory_space<hbm>> -> memref<100000x128xf32, #tpu.memory_space<hbm>>
      tpu.wait_indirect_dma semaphore(%arg19 : memref<!tpu.dma_semaphore, #tpu.memory_space<semaphore_mem>>) src(%arg15 : memref<128x128xf32, #tpu.memory_space<vmem>>) dst(%dma_wait3A_318 : memref<100000x128xf32, #tpu.memory_space<hbm>>)
    } else {
    }
    %eq3A_261 = arith.constant 21 : i32
    %eq3A_262 = arith.cmpi eq, %select_n3A, %eq3A_261 : i32
    %convert_element_type3A_263 = arith.extui %eq3A_262 : i1 to i32
    %cond3A_264 = arith.constant 0 : i32
    %cond3A_265 = arith.cmpi ne, %convert_element_type3A_263, %cond3A_264 : i32
    scf.if %cond3A_265 {
      %dma_wait3A_291 = arith.constant 19 : i32
      %dma_wait3A_292 = arith.constant 0 : i32
      %dma_wait3A_293 = tpu.memref_slice %arg12[%dma_wait3A_291, %dma_wait3A_292] : memref<26x128xi32, #tpu.memory_space<vmem>> -> memref<1x128xi32, #tpu.memory_space<vmem>>
      %dma_wait3A_294 = tpu.memref_squeeze %dma_wait3A_293 : memref<1x128xi32, #tpu.memory_space<vmem>> -> memref<128xi32, #tpu.memory_space<vmem>>
      %dma_wait3A_295 = arith.constant 0 : i32
      %dma_wait3A_296 = arith.constant 0 : i32
      %dma_wait3A_297 = tpu.memref_slice %arg3[%dma_wait3A_295, %dma_wait3A_296] : memref<100000x128xf32, #tpu.memory_space<hbm>> -> memref<100000x128xf32, #tpu.memory_space<hbm>>
      tpu.wait_indirect_dma semaphore(%arg19 : memref<!tpu.dma_semaphore, #tpu.memory_space<semaphore_mem>>) src(%arg15 : memref<128x128xf32, #tpu.memory_space<vmem>>) dst(%dma_wait3A_297 : memref<100000x128xf32, #tpu.memory_space<hbm>>)
      %dma_wait3A_298 = arith.constant 20 : i32
      %dma_wait3A_299 = arith.constant 0 : i32
      %dma_wait3A_300 = tpu.memref_slice %arg13[%dma_wait3A_298, %dma_wait3A_299] : memref<26x128xi32, #tpu.memory_space<vmem>> -> memref<1x128xi32, #tpu.memory_space<vmem>>
      %dma_wait3A_301 = tpu.memref_squeeze %dma_wait3A_300 : memref<1x128xi32, #tpu.memory_space<vmem>> -> memref<128xi32, #tpu.memory_space<vmem>>
      %dma_wait3A_302 = arith.constant 0 : i32
      %dma_wait3A_303 = arith.constant 0 : i32
      %dma_wait3A_304 = tpu.memref_slice %arg2[%dma_wait3A_302, %dma_wait3A_303] : memref<16384x128xf32, #tpu.memory_space<hbm>> -> memref<16384x128xf32, #tpu.memory_space<hbm>>
      tpu.wait_indirect_dma semaphore(%arg16 : memref<!tpu.dma_semaphore, #tpu.memory_space<semaphore_mem>>) src(%dma_wait3A_304 : memref<16384x128xf32, #tpu.memory_space<hbm>>) dst(%arg14 : memref<128x128xf32, #tpu.memory_space<vmem>>)
      %dma_start3A_305 = arith.constant 20 : i32
      %dma_start3A_306 = arith.constant 0 : i32
      %dma_start3A_307 = tpu.memref_slice %arg12[%dma_start3A_305, %dma_start3A_306] : memref<26x128xi32, #tpu.memory_space<vmem>> -> memref<1x128xi32, #tpu.memory_space<vmem>>
      %dma_start3A_308 = tpu.memref_squeeze %dma_start3A_307 : memref<1x128xi32, #tpu.memory_space<vmem>> -> memref<128xi32, #tpu.memory_space<vmem>>
      %dma_start3A_309 = arith.constant 0 : i32
      %dma_start3A_310 = arith.constant 0 : i32
      %dma_start3A_311 = tpu.memref_slice %arg3[%dma_start3A_309, %dma_start3A_310] : memref<100000x128xf32, #tpu.memory_space<hbm>> -> memref<100000x128xf32, #tpu.memory_space<hbm>>
      tpu.enqueue_indirect_dma source(%arg14 : memref<128x128xf32, #tpu.memory_space<vmem>>) target(%dma_start3A_311 : memref<100000x128xf32, #tpu.memory_space<hbm>>) offsets(%dma_start3A_308 : memref<128xi32, #tpu.memory_space<vmem>>) semaphore(%arg18 : memref<!tpu.dma_semaphore, #tpu.memory_space<semaphore_mem>>)
      %dma_wait3A_312 = arith.constant 20 : i32
      %dma_wait3A_313 = arith.constant 0 : i32
      %dma_wait3A_314 = tpu.memref_slice %arg12[%dma_wait3A_312, %dma_wait3A_313] : memref<26x128xi32, #tpu.memory_space<vmem>> -> memref<1x128xi32, #tpu.memory_space<vmem>>
      %dma_wait3A_315 = tpu.memref_squeeze %dma_wait3A_314 : memref<1x128xi32, #tpu.memory_space<vmem>> -> memref<128xi32, #tpu.memory_space<vmem>>
      %dma_wait3A_316 = arith.constant 0 : i32
      %dma_wait3A_317 = arith.constant 0 : i32
      %dma_wait3A_318 = tpu.memref_slice %arg3[%dma_wait3A_316, %dma_wait3A_317] : memref<100000x128xf32, #tpu.memory_space<hbm>> -> memref<100000x128xf32, #tpu.memory_space<hbm>>
      tpu.wait_indirect_dma semaphore(%arg18 : memref<!tpu.dma_semaphore, #tpu.memory_space<semaphore_mem>>) src(%arg14 : memref<128x128xf32, #tpu.memory_space<vmem>>) dst(%dma_wait3A_318 : memref<100000x128xf32, #tpu.memory_space<hbm>>)
    } else {
    }
    %eq3A_266 = arith.constant 22 : i32
    %eq3A_267 = arith.cmpi eq, %select_n3A, %eq3A_266 : i32
    %convert_element_type3A_268 = arith.extui %eq3A_267 : i1 to i32
    %cond3A_269 = arith.constant 0 : i32
    %cond3A_270 = arith.cmpi ne, %convert_element_type3A_268, %cond3A_269 : i32
    scf.if %cond3A_270 {
      %dma_wait3A_291 = arith.constant 20 : i32
      %dma_wait3A_292 = arith.constant 0 : i32
      %dma_wait3A_293 = tpu.memref_slice %arg12[%dma_wait3A_291, %dma_wait3A_292] : memref<26x128xi32, #tpu.memory_space<vmem>> -> memref<1x128xi32, #tpu.memory_space<vmem>>
      %dma_wait3A_294 = tpu.memref_squeeze %dma_wait3A_293 : memref<1x128xi32, #tpu.memory_space<vmem>> -> memref<128xi32, #tpu.memory_space<vmem>>
      %dma_wait3A_295 = arith.constant 0 : i32
      %dma_wait3A_296 = arith.constant 0 : i32
      %dma_wait3A_297 = tpu.memref_slice %arg3[%dma_wait3A_295, %dma_wait3A_296] : memref<100000x128xf32, #tpu.memory_space<hbm>> -> memref<100000x128xf32, #tpu.memory_space<hbm>>
      tpu.wait_indirect_dma semaphore(%arg18 : memref<!tpu.dma_semaphore, #tpu.memory_space<semaphore_mem>>) src(%arg14 : memref<128x128xf32, #tpu.memory_space<vmem>>) dst(%dma_wait3A_297 : memref<100000x128xf32, #tpu.memory_space<hbm>>)
      %dma_wait3A_298 = arith.constant 21 : i32
      %dma_wait3A_299 = arith.constant 0 : i32
      %dma_wait3A_300 = tpu.memref_slice %arg13[%dma_wait3A_298, %dma_wait3A_299] : memref<26x128xi32, #tpu.memory_space<vmem>> -> memref<1x128xi32, #tpu.memory_space<vmem>>
      %dma_wait3A_301 = tpu.memref_squeeze %dma_wait3A_300 : memref<1x128xi32, #tpu.memory_space<vmem>> -> memref<128xi32, #tpu.memory_space<vmem>>
      %dma_wait3A_302 = arith.constant 0 : i32
      %dma_wait3A_303 = arith.constant 0 : i32
      %dma_wait3A_304 = tpu.memref_slice %arg2[%dma_wait3A_302, %dma_wait3A_303] : memref<16384x128xf32, #tpu.memory_space<hbm>> -> memref<16384x128xf32, #tpu.memory_space<hbm>>
      tpu.wait_indirect_dma semaphore(%arg17 : memref<!tpu.dma_semaphore, #tpu.memory_space<semaphore_mem>>) src(%dma_wait3A_304 : memref<16384x128xf32, #tpu.memory_space<hbm>>) dst(%arg15 : memref<128x128xf32, #tpu.memory_space<vmem>>)
      %dma_start3A_305 = arith.constant 21 : i32
      %dma_start3A_306 = arith.constant 0 : i32
      %dma_start3A_307 = tpu.memref_slice %arg12[%dma_start3A_305, %dma_start3A_306] : memref<26x128xi32, #tpu.memory_space<vmem>> -> memref<1x128xi32, #tpu.memory_space<vmem>>
      %dma_start3A_308 = tpu.memref_squeeze %dma_start3A_307 : memref<1x128xi32, #tpu.memory_space<vmem>> -> memref<128xi32, #tpu.memory_space<vmem>>
      %dma_start3A_309 = arith.constant 0 : i32
      %dma_start3A_310 = arith.constant 0 : i32
      %dma_start3A_311 = tpu.memref_slice %arg3[%dma_start3A_309, %dma_start3A_310] : memref<100000x128xf32, #tpu.memory_space<hbm>> -> memref<100000x128xf32, #tpu.memory_space<hbm>>
      tpu.enqueue_indirect_dma source(%arg15 : memref<128x128xf32, #tpu.memory_space<vmem>>) target(%dma_start3A_311 : memref<100000x128xf32, #tpu.memory_space<hbm>>) offsets(%dma_start3A_308 : memref<128xi32, #tpu.memory_space<vmem>>) semaphore(%arg19 : memref<!tpu.dma_semaphore, #tpu.memory_space<semaphore_mem>>)
      %dma_wait3A_312 = arith.constant 21 : i32
      %dma_wait3A_313 = arith.constant 0 : i32
      %dma_wait3A_314 = tpu.memref_slice %arg12[%dma_wait3A_312, %dma_wait3A_313] : memref<26x128xi32, #tpu.memory_space<vmem>> -> memref<1x128xi32, #tpu.memory_space<vmem>>
      %dma_wait3A_315 = tpu.memref_squeeze %dma_wait3A_314 : memref<1x128xi32, #tpu.memory_space<vmem>> -> memref<128xi32, #tpu.memory_space<vmem>>
      %dma_wait3A_316 = arith.constant 0 : i32
      %dma_wait3A_317 = arith.constant 0 : i32
      %dma_wait3A_318 = tpu.memref_slice %arg3[%dma_wait3A_316, %dma_wait3A_317] : memref<100000x128xf32, #tpu.memory_space<hbm>> -> memref<100000x128xf32, #tpu.memory_space<hbm>>
      tpu.wait_indirect_dma semaphore(%arg19 : memref<!tpu.dma_semaphore, #tpu.memory_space<semaphore_mem>>) src(%arg15 : memref<128x128xf32, #tpu.memory_space<vmem>>) dst(%dma_wait3A_318 : memref<100000x128xf32, #tpu.memory_space<hbm>>)
    } else {
    }
    %eq3A_271 = arith.constant 23 : i32
    %eq3A_272 = arith.cmpi eq, %select_n3A, %eq3A_271 : i32
    %convert_element_type3A_273 = arith.extui %eq3A_272 : i1 to i32
    %cond3A_274 = arith.constant 0 : i32
    %cond3A_275 = arith.cmpi ne, %convert_element_type3A_273, %cond3A_274 : i32
    scf.if %cond3A_275 {
      %dma_wait3A_291 = arith.constant 21 : i32
      %dma_wait3A_292 = arith.constant 0 : i32
      %dma_wait3A_293 = tpu.memref_slice %arg12[%dma_wait3A_291, %dma_wait3A_292] : memref<26x128xi32, #tpu.memory_space<vmem>> -> memref<1x128xi32, #tpu.memory_space<vmem>>
      %dma_wait3A_294 = tpu.memref_squeeze %dma_wait3A_293 : memref<1x128xi32, #tpu.memory_space<vmem>> -> memref<128xi32, #tpu.memory_space<vmem>>
      %dma_wait3A_295 = arith.constant 0 : i32
      %dma_wait3A_296 = arith.constant 0 : i32
      %dma_wait3A_297 = tpu.memref_slice %arg3[%dma_wait3A_295, %dma_wait3A_296] : memref<100000x128xf32, #tpu.memory_space<hbm>> -> memref<100000x128xf32, #tpu.memory_space<hbm>>
      tpu.wait_indirect_dma semaphore(%arg19 : memref<!tpu.dma_semaphore, #tpu.memory_space<semaphore_mem>>) src(%arg15 : memref<128x128xf32, #tpu.memory_space<vmem>>) dst(%dma_wait3A_297 : memref<100000x128xf32, #tpu.memory_space<hbm>>)
      %dma_wait3A_298 = arith.constant 22 : i32
      %dma_wait3A_299 = arith.constant 0 : i32
      %dma_wait3A_300 = tpu.memref_slice %arg13[%dma_wait3A_298, %dma_wait3A_299] : memref<26x128xi32, #tpu.memory_space<vmem>> -> memref<1x128xi32, #tpu.memory_space<vmem>>
      %dma_wait3A_301 = tpu.memref_squeeze %dma_wait3A_300 : memref<1x128xi32, #tpu.memory_space<vmem>> -> memref<128xi32, #tpu.memory_space<vmem>>
      %dma_wait3A_302 = arith.constant 0 : i32
      %dma_wait3A_303 = arith.constant 0 : i32
      %dma_wait3A_304 = tpu.memref_slice %arg2[%dma_wait3A_302, %dma_wait3A_303] : memref<16384x128xf32, #tpu.memory_space<hbm>> -> memref<16384x128xf32, #tpu.memory_space<hbm>>
      tpu.wait_indirect_dma semaphore(%arg16 : memref<!tpu.dma_semaphore, #tpu.memory_space<semaphore_mem>>) src(%dma_wait3A_304 : memref<16384x128xf32, #tpu.memory_space<hbm>>) dst(%arg14 : memref<128x128xf32, #tpu.memory_space<vmem>>)
      %dma_start3A_305 = arith.constant 22 : i32
      %dma_start3A_306 = arith.constant 0 : i32
      %dma_start3A_307 = tpu.memref_slice %arg12[%dma_start3A_305, %dma_start3A_306] : memref<26x128xi32, #tpu.memory_space<vmem>> -> memref<1x128xi32, #tpu.memory_space<vmem>>
      %dma_start3A_308 = tpu.memref_squeeze %dma_start3A_307 : memref<1x128xi32, #tpu.memory_space<vmem>> -> memref<128xi32, #tpu.memory_space<vmem>>
      %dma_start3A_309 = arith.constant 0 : i32
      %dma_start3A_310 = arith.constant 0 : i32
      %dma_start3A_311 = tpu.memref_slice %arg3[%dma_start3A_309, %dma_start3A_310] : memref<100000x128xf32, #tpu.memory_space<hbm>> -> memref<100000x128xf32, #tpu.memory_space<hbm>>
      tpu.enqueue_indirect_dma source(%arg14 : memref<128x128xf32, #tpu.memory_space<vmem>>) target(%dma_start3A_311 : memref<100000x128xf32, #tpu.memory_space<hbm>>) offsets(%dma_start3A_308 : memref<128xi32, #tpu.memory_space<vmem>>) semaphore(%arg18 : memref<!tpu.dma_semaphore, #tpu.memory_space<semaphore_mem>>)
      %dma_wait3A_312 = arith.constant 22 : i32
      %dma_wait3A_313 = arith.constant 0 : i32
      %dma_wait3A_314 = tpu.memref_slice %arg12[%dma_wait3A_312, %dma_wait3A_313] : memref<26x128xi32, #tpu.memory_space<vmem>> -> memref<1x128xi32, #tpu.memory_space<vmem>>
      %dma_wait3A_315 = tpu.memref_squeeze %dma_wait3A_314 : memref<1x128xi32, #tpu.memory_space<vmem>> -> memref<128xi32, #tpu.memory_space<vmem>>
      %dma_wait3A_316 = arith.constant 0 : i32
      %dma_wait3A_317 = arith.constant 0 : i32
      %dma_wait3A_318 = tpu.memref_slice %arg3[%dma_wait3A_316, %dma_wait3A_317] : memref<100000x128xf32, #tpu.memory_space<hbm>> -> memref<100000x128xf32, #tpu.memory_space<hbm>>
      tpu.wait_indirect_dma semaphore(%arg18 : memref<!tpu.dma_semaphore, #tpu.memory_space<semaphore_mem>>) src(%arg14 : memref<128x128xf32, #tpu.memory_space<vmem>>) dst(%dma_wait3A_318 : memref<100000x128xf32, #tpu.memory_space<hbm>>)
    } else {
    }
    %eq3A_276 = arith.constant 24 : i32
    %eq3A_277 = arith.cmpi eq, %select_n3A, %eq3A_276 : i32
    %convert_element_type3A_278 = arith.extui %eq3A_277 : i1 to i32
    %cond3A_279 = arith.constant 0 : i32
    %cond3A_280 = arith.cmpi ne, %convert_element_type3A_278, %cond3A_279 : i32
    scf.if %cond3A_280 {
      %dma_wait3A_291 = arith.constant 22 : i32
      %dma_wait3A_292 = arith.constant 0 : i32
      %dma_wait3A_293 = tpu.memref_slice %arg12[%dma_wait3A_291, %dma_wait3A_292] : memref<26x128xi32, #tpu.memory_space<vmem>> -> memref<1x128xi32, #tpu.memory_space<vmem>>
      %dma_wait3A_294 = tpu.memref_squeeze %dma_wait3A_293 : memref<1x128xi32, #tpu.memory_space<vmem>> -> memref<128xi32, #tpu.memory_space<vmem>>
      %dma_wait3A_295 = arith.constant 0 : i32
      %dma_wait3A_296 = arith.constant 0 : i32
      %dma_wait3A_297 = tpu.memref_slice %arg3[%dma_wait3A_295, %dma_wait3A_296] : memref<100000x128xf32, #tpu.memory_space<hbm>> -> memref<100000x128xf32, #tpu.memory_space<hbm>>
      tpu.wait_indirect_dma semaphore(%arg18 : memref<!tpu.dma_semaphore, #tpu.memory_space<semaphore_mem>>) src(%arg14 : memref<128x128xf32, #tpu.memory_space<vmem>>) dst(%dma_wait3A_297 : memref<100000x128xf32, #tpu.memory_space<hbm>>)
      %dma_wait3A_298 = arith.constant 23 : i32
      %dma_wait3A_299 = arith.constant 0 : i32
      %dma_wait3A_300 = tpu.memref_slice %arg13[%dma_wait3A_298, %dma_wait3A_299] : memref<26x128xi32, #tpu.memory_space<vmem>> -> memref<1x128xi32, #tpu.memory_space<vmem>>
      %dma_wait3A_301 = tpu.memref_squeeze %dma_wait3A_300 : memref<1x128xi32, #tpu.memory_space<vmem>> -> memref<128xi32, #tpu.memory_space<vmem>>
      %dma_wait3A_302 = arith.constant 0 : i32
      %dma_wait3A_303 = arith.constant 0 : i32
      %dma_wait3A_304 = tpu.memref_slice %arg2[%dma_wait3A_302, %dma_wait3A_303] : memref<16384x128xf32, #tpu.memory_space<hbm>> -> memref<16384x128xf32, #tpu.memory_space<hbm>>
      tpu.wait_indirect_dma semaphore(%arg17 : memref<!tpu.dma_semaphore, #tpu.memory_space<semaphore_mem>>) src(%dma_wait3A_304 : memref<16384x128xf32, #tpu.memory_space<hbm>>) dst(%arg15 : memref<128x128xf32, #tpu.memory_space<vmem>>)
      %dma_start3A_305 = arith.constant 23 : i32
      %dma_start3A_306 = arith.constant 0 : i32
      %dma_start3A_307 = tpu.memref_slice %arg12[%dma_start3A_305, %dma_start3A_306] : memref<26x128xi32, #tpu.memory_space<vmem>> -> memref<1x128xi32, #tpu.memory_space<vmem>>
      %dma_start3A_308 = tpu.memref_squeeze %dma_start3A_307 : memref<1x128xi32, #tpu.memory_space<vmem>> -> memref<128xi32, #tpu.memory_space<vmem>>
      %dma_start3A_309 = arith.constant 0 : i32
      %dma_start3A_310 = arith.constant 0 : i32
      %dma_start3A_311 = tpu.memref_slice %arg3[%dma_start3A_309, %dma_start3A_310] : memref<100000x128xf32, #tpu.memory_space<hbm>> -> memref<100000x128xf32, #tpu.memory_space<hbm>>
      tpu.enqueue_indirect_dma source(%arg15 : memref<128x128xf32, #tpu.memory_space<vmem>>) target(%dma_start3A_311 : memref<100000x128xf32, #tpu.memory_space<hbm>>) offsets(%dma_start3A_308 : memref<128xi32, #tpu.memory_space<vmem>>) semaphore(%arg19 : memref<!tpu.dma_semaphore, #tpu.memory_space<semaphore_mem>>)
      %dma_wait3A_312 = arith.constant 23 : i32
      %dma_wait3A_313 = arith.constant 0 : i32
      %dma_wait3A_314 = tpu.memref_slice %arg12[%dma_wait3A_312, %dma_wait3A_313] : memref<26x128xi32, #tpu.memory_space<vmem>> -> memref<1x128xi32, #tpu.memory_space<vmem>>
      %dma_wait3A_315 = tpu.memref_squeeze %dma_wait3A_314 : memref<1x128xi32, #tpu.memory_space<vmem>> -> memref<128xi32, #tpu.memory_space<vmem>>
      %dma_wait3A_316 = arith.constant 0 : i32
      %dma_wait3A_317 = arith.constant 0 : i32
      %dma_wait3A_318 = tpu.memref_slice %arg3[%dma_wait3A_316, %dma_wait3A_317] : memref<100000x128xf32, #tpu.memory_space<hbm>> -> memref<100000x128xf32, #tpu.memory_space<hbm>>
      tpu.wait_indirect_dma semaphore(%arg19 : memref<!tpu.dma_semaphore, #tpu.memory_space<semaphore_mem>>) src(%arg15 : memref<128x128xf32, #tpu.memory_space<vmem>>) dst(%dma_wait3A_318 : memref<100000x128xf32, #tpu.memory_space<hbm>>)
    } else {
    }
    %eq3A_281 = arith.constant 25 : i32
    %eq3A_282 = arith.cmpi eq, %select_n3A, %eq3A_281 : i32
    %convert_element_type3A_283 = arith.extui %eq3A_282 : i1 to i32
    %cond3A_284 = arith.constant 0 : i32
    %cond3A_285 = arith.cmpi ne, %convert_element_type3A_283, %cond3A_284 : i32
    scf.if %cond3A_285 {
      %dma_wait3A_291 = arith.constant 23 : i32
      %dma_wait3A_292 = arith.constant 0 : i32
      %dma_wait3A_293 = tpu.memref_slice %arg12[%dma_wait3A_291, %dma_wait3A_292] : memref<26x128xi32, #tpu.memory_space<vmem>> -> memref<1x128xi32, #tpu.memory_space<vmem>>
      %dma_wait3A_294 = tpu.memref_squeeze %dma_wait3A_293 : memref<1x128xi32, #tpu.memory_space<vmem>> -> memref<128xi32, #tpu.memory_space<vmem>>
      %dma_wait3A_295 = arith.constant 0 : i32
      %dma_wait3A_296 = arith.constant 0 : i32
      %dma_wait3A_297 = tpu.memref_slice %arg3[%dma_wait3A_295, %dma_wait3A_296] : memref<100000x128xf32, #tpu.memory_space<hbm>> -> memref<100000x128xf32, #tpu.memory_space<hbm>>
      tpu.wait_indirect_dma semaphore(%arg19 : memref<!tpu.dma_semaphore, #tpu.memory_space<semaphore_mem>>) src(%arg15 : memref<128x128xf32, #tpu.memory_space<vmem>>) dst(%dma_wait3A_297 : memref<100000x128xf32, #tpu.memory_space<hbm>>)
      %dma_wait3A_298 = arith.constant 24 : i32
      %dma_wait3A_299 = arith.constant 0 : i32
      %dma_wait3A_300 = tpu.memref_slice %arg13[%dma_wait3A_298, %dma_wait3A_299] : memref<26x128xi32, #tpu.memory_space<vmem>> -> memref<1x128xi32, #tpu.memory_space<vmem>>
      %dma_wait3A_301 = tpu.memref_squeeze %dma_wait3A_300 : memref<1x128xi32, #tpu.memory_space<vmem>> -> memref<128xi32, #tpu.memory_space<vmem>>
      %dma_wait3A_302 = arith.constant 0 : i32
      %dma_wait3A_303 = arith.constant 0 : i32
      %dma_wait3A_304 = tpu.memref_slice %arg2[%dma_wait3A_302, %dma_wait3A_303] : memref<16384x128xf32, #tpu.memory_space<hbm>> -> memref<16384x128xf32, #tpu.memory_space<hbm>>
      tpu.wait_indirect_dma semaphore(%arg16 : memref<!tpu.dma_semaphore, #tpu.memory_space<semaphore_mem>>) src(%dma_wait3A_304 : memref<16384x128xf32, #tpu.memory_space<hbm>>) dst(%arg14 : memref<128x128xf32, #tpu.memory_space<vmem>>)
      %dma_start3A_305 = arith.constant 24 : i32
      %dma_start3A_306 = arith.constant 0 : i32
      %dma_start3A_307 = tpu.memref_slice %arg12[%dma_start3A_305, %dma_start3A_306] : memref<26x128xi32, #tpu.memory_space<vmem>> -> memref<1x128xi32, #tpu.memory_space<vmem>>
      %dma_start3A_308 = tpu.memref_squeeze %dma_start3A_307 : memref<1x128xi32, #tpu.memory_space<vmem>> -> memref<128xi32, #tpu.memory_space<vmem>>
      %dma_start3A_309 = arith.constant 0 : i32
      %dma_start3A_310 = arith.constant 0 : i32
      %dma_start3A_311 = tpu.memref_slice %arg3[%dma_start3A_309, %dma_start3A_310] : memref<100000x128xf32, #tpu.memory_space<hbm>> -> memref<100000x128xf32, #tpu.memory_space<hbm>>
      tpu.enqueue_indirect_dma source(%arg14 : memref<128x128xf32, #tpu.memory_space<vmem>>) target(%dma_start3A_311 : memref<100000x128xf32, #tpu.memory_space<hbm>>) offsets(%dma_start3A_308 : memref<128xi32, #tpu.memory_space<vmem>>) semaphore(%arg18 : memref<!tpu.dma_semaphore, #tpu.memory_space<semaphore_mem>>)
      %dma_wait3A_312 = arith.constant 24 : i32
      %dma_wait3A_313 = arith.constant 0 : i32
      %dma_wait3A_314 = tpu.memref_slice %arg12[%dma_wait3A_312, %dma_wait3A_313] : memref<26x128xi32, #tpu.memory_space<vmem>> -> memref<1x128xi32, #tpu.memory_space<vmem>>
      %dma_wait3A_315 = tpu.memref_squeeze %dma_wait3A_314 : memref<1x128xi32, #tpu.memory_space<vmem>> -> memref<128xi32, #tpu.memory_space<vmem>>
      %dma_wait3A_316 = arith.constant 0 : i32
      %dma_wait3A_317 = arith.constant 0 : i32
      %dma_wait3A_318 = tpu.memref_slice %arg3[%dma_wait3A_316, %dma_wait3A_317] : memref<100000x128xf32, #tpu.memory_space<hbm>> -> memref<100000x128xf32, #tpu.memory_space<hbm>>
      tpu.wait_indirect_dma semaphore(%arg18 : memref<!tpu.dma_semaphore, #tpu.memory_space<semaphore_mem>>) src(%arg14 : memref<128x128xf32, #tpu.memory_space<vmem>>) dst(%dma_wait3A_318 : memref<100000x128xf32, #tpu.memory_space<hbm>>)
    } else {
    }
    %eq3A_286 = arith.constant 26 : i32
    %eq3A_287 = arith.cmpi eq, %select_n3A, %eq3A_286 : i32
    %convert_element_type3A_288 = arith.extui %eq3A_287 : i1 to i32
    %cond3A_289 = arith.constant 0 : i32
    %cond3A_290 = arith.cmpi ne, %convert_element_type3A_288, %cond3A_289 : i32
    scf.if %cond3A_290 {
      %dma_wait3A_291 = arith.constant 24 : i32
      %dma_wait3A_292 = arith.constant 0 : i32
      %dma_wait3A_293 = tpu.memref_slice %arg12[%dma_wait3A_291, %dma_wait3A_292] : memref<26x128xi32, #tpu.memory_space<vmem>> -> memref<1x128xi32, #tpu.memory_space<vmem>>
      %dma_wait3A_294 = tpu.memref_squeeze %dma_wait3A_293 : memref<1x128xi32, #tpu.memory_space<vmem>> -> memref<128xi32, #tpu.memory_space<vmem>>
      %dma_wait3A_295 = arith.constant 0 : i32
      %dma_wait3A_296 = arith.constant 0 : i32
      %dma_wait3A_297 = tpu.memref_slice %arg3[%dma_wait3A_295, %dma_wait3A_296] : memref<100000x128xf32, #tpu.memory_space<hbm>> -> memref<100000x128xf32, #tpu.memory_space<hbm>>
      tpu.wait_indirect_dma semaphore(%arg18 : memref<!tpu.dma_semaphore, #tpu.memory_space<semaphore_mem>>) src(%arg14 : memref<128x128xf32, #tpu.memory_space<vmem>>) dst(%dma_wait3A_297 : memref<100000x128xf32, #tpu.memory_space<hbm>>)
      %dma_wait3A_298 = arith.constant 25 : i32
      %dma_wait3A_299 = arith.constant 0 : i32
      %dma_wait3A_300 = tpu.memref_slice %arg13[%dma_wait3A_298, %dma_wait3A_299] : memref<26x128xi32, #tpu.memory_space<vmem>> -> memref<1x128xi32, #tpu.memory_space<vmem>>
      %dma_wait3A_301 = tpu.memref_squeeze %dma_wait3A_300 : memref<1x128xi32, #tpu.memory_space<vmem>> -> memref<128xi32, #tpu.memory_space<vmem>>
      %dma_wait3A_302 = arith.constant 0 : i32
      %dma_wait3A_303 = arith.constant 0 : i32
      %dma_wait3A_304 = tpu.memref_slice %arg2[%dma_wait3A_302, %dma_wait3A_303] : memref<16384x128xf32, #tpu.memory_space<hbm>> -> memref<16384x128xf32, #tpu.memory_space<hbm>>
      tpu.wait_indirect_dma semaphore(%arg17 : memref<!tpu.dma_semaphore, #tpu.memory_space<semaphore_mem>>) src(%dma_wait3A_304 : memref<16384x128xf32, #tpu.memory_space<hbm>>) dst(%arg15 : memref<128x128xf32, #tpu.memory_space<vmem>>)
      %dma_start3A_305 = arith.constant 25 : i32
      %dma_start3A_306 = arith.constant 0 : i32
      %dma_start3A_307 = tpu.memref_slice %arg12[%dma_start3A_305, %dma_start3A_306] : memref<26x128xi32, #tpu.memory_space<vmem>> -> memref<1x128xi32, #tpu.memory_space<vmem>>
      %dma_start3A_308 = tpu.memref_squeeze %dma_start3A_307 : memref<1x128xi32, #tpu.memory_space<vmem>> -> memref<128xi32, #tpu.memory_space<vmem>>
      %dma_start3A_309 = arith.constant 0 : i32
      %dma_start3A_310 = arith.constant 0 : i32
      %dma_start3A_311 = tpu.memref_slice %arg3[%dma_start3A_309, %dma_start3A_310] : memref<100000x128xf32, #tpu.memory_space<hbm>> -> memref<100000x128xf32, #tpu.memory_space<hbm>>
      tpu.enqueue_indirect_dma source(%arg15 : memref<128x128xf32, #tpu.memory_space<vmem>>) target(%dma_start3A_311 : memref<100000x128xf32, #tpu.memory_space<hbm>>) offsets(%dma_start3A_308 : memref<128xi32, #tpu.memory_space<vmem>>) semaphore(%arg19 : memref<!tpu.dma_semaphore, #tpu.memory_space<semaphore_mem>>)
      %dma_wait3A_312 = arith.constant 25 : i32
      %dma_wait3A_313 = arith.constant 0 : i32
      %dma_wait3A_314 = tpu.memref_slice %arg12[%dma_wait3A_312, %dma_wait3A_313] : memref<26x128xi32, #tpu.memory_space<vmem>> -> memref<1x128xi32, #tpu.memory_space<vmem>>
      %dma_wait3A_315 = tpu.memref_squeeze %dma_wait3A_314 : memref<1x128xi32, #tpu.memory_space<vmem>> -> memref<128xi32, #tpu.memory_space<vmem>>
      %dma_wait3A_316 = arith.constant 0 : i32
      %dma_wait3A_317 = arith.constant 0 : i32
      %dma_wait3A_318 = tpu.memref_slice %arg3[%dma_wait3A_316, %dma_wait3A_317] : memref<100000x128xf32, #tpu.memory_space<hbm>> -> memref<100000x128xf32, #tpu.memory_space<hbm>>
      tpu.wait_indirect_dma semaphore(%arg19 : memref<!tpu.dma_semaphore, #tpu.memory_space<semaphore_mem>>) src(%arg15 : memref<128x128xf32, #tpu.memory_space<vmem>>) dst(%dma_wait3A_318 : memref<100000x128xf32, #tpu.memory_space<hbm>>)
    } else {
    }
    return
  }
}

#map = affine_map<(d0, d1) -> (0)>
#map1 = affine_map<(d0, d1) -> (0, 0, 0)>
#map2 = affine_map<(d0, d1) -> (0, 0)>
module attributes {stable_mosaic.version = 14 : i64} {
  func.func @new_body(%arg0: i32, %arg1: i32, %arg2: memref<16384xi32, #tpu.memory_space<hbm>>, %arg3: memref<16384xi32, #tpu.memory_space<hbm>>, %arg4: memref<100000xi32, #tpu.memory_space<hbm>>, %arg5: memref<100000xi32, #tpu.memory_space<hbm>>, %arg6: memref<32x26x128xi32, #tpu.memory_space<hbm>>, %arg7: memref<32x26x128xi32, #tpu.memory_space<hbm>>, %arg8: memref<32x16xi32, #tpu.memory_space<hbm>>, %arg9: memref<100000xi32, #tpu.memory_space<hbm>>, %arg10: memref<32x26x128xi32, #tpu.memory_space<hbm>>, %arg11: memref<32x26x128xi32, #tpu.memory_space<hbm>>, %arg12: memref<32x16xi32, #tpu.memory_space<hbm>>, %arg13: memref<16xi32, #tpu.memory_space<vmem>>, %arg14: memref<16384xi32, #tpu.memory_space<vmem>>, %arg15: memref<16384xi32, #tpu.memory_space<vmem>>, %arg16: memref<3136xi32, #tpu.memory_space<vmem>>, %arg17: memref<3136xi32, #tpu.memory_space<vmem>>, %arg18: memref<26x128xi32, #tpu.memory_space<vmem>>, %arg19: memref<26x128xi32, #tpu.memory_space<vmem>>, %arg20: memref<!tpu.dma_semaphore, #tpu.memory_space<semaphore_mem>>, %arg21: memref<!tpu.dma_semaphore, #tpu.memory_space<semaphore_mem>>) attributes {dimension_semantics = [#tpu.dimension_semantics<core_parallel>, #tpu.dimension_semantics<subcore_parallel>], iteration_bounds = array<i64: 2, 16>, scalar_prefetch = 0 : i64, scratch_operands = 9 : i64, tpu.core_type = #tpu.core_type<sc_vector_subcore>, window_params = [{transform_indices = #map}, {transform_indices = #map}, {transform_indices = #map}, {transform_indices = #map}, {transform_indices = #map1}, {transform_indices = #map1}, {transform_indices = #map2}, {transform_indices = #map}, {transform_indices = #map1}, {transform_indices = #map1}, {transform_indices = #map2}]} {
    %mul3A = arith.constant 2 : i32
    %mul3A_0 = arith.muli %arg1, %mul3A : i32
    %add3A = arith.addi %mul3A_0, %arg0 : i32
    %mul3A_1 = arith.constant 3128 : i32
    %mul3A_2 = arith.muli %add3A, %mul3A_1 : i32
    %eq3A = arith.constant 31 : i32
    %eq3A_3 = arith.cmpi eq, %add3A, %eq3A : i32
    %jit3A = arith.constant 3032 : i32
    %jit3A_4 = arith.constant 3128 : i32
    %select_n3A = arith.select %eq3A_3, %jit3A, %jit3A_4 : i32
    %add3A_5 = arith.addi %mul3A_2, %select_n3A : i32
    %iota3A = tpu.iota {dimensions = array<i32: 0>} : vector<16xi32>
    %broadcast_in_dim3A = arith.constant -1 : i32
    %broadcast_in_dim3A_6 = vector.broadcast %broadcast_in_dim3A : i32 to vector<16xi32>
    %not3A = arith.constant true
    %not3A_7 = arith.xori %eq3A_3, %not3A : i1
    %convert_element_type3A = arith.extui %not3A_7 : i1 to i32
    %cond3A = arith.constant 0 : i32
    %cond3A_8 = arith.cmpi ne, %convert_element_type3A, %cond3A : i32
    scf.if %cond3A_8 {
      %dma_start3A = arith.constant 0 : i32
      %dma_start3A_44 = tpu.memref_slice %arg17[%dma_start3A] : memref<3136xi32, #tpu.memory_space<vmem>> -> memref<3128xi32, #tpu.memory_space<vmem>>
      %dma_start3A_45 = tpu.memref_slice %arg4[%mul3A_2] : memref<100000xi32, #tpu.memory_space<hbm>> -> memref<3128xi32, #tpu.memory_space<hbm>>
      %dma_start3A_46 = arith.constant 0 : i32
      %dma_start3A_47 = tpu.memref_slice %arg17[%dma_start3A_46] : memref<3136xi32, #tpu.memory_space<vmem>> -> memref<3128xi32, #tpu.memory_space<vmem>>
      %dma_start3A_48 = tpu.memref_slice %arg4[%mul3A_2] : memref<100000xi32, #tpu.memory_space<hbm>> -> memref<3128xi32, #tpu.memory_space<hbm>>
      tpu.enqueue_dma source(%dma_start3A_48 : memref<3128xi32, #tpu.memory_space<hbm>>) target(%dma_start3A_47 : memref<3128xi32, #tpu.memory_space<vmem>>) target_semaphore(%arg21 : memref<!tpu.dma_semaphore, #tpu.memory_space<semaphore_mem>>)
      tpu.enqueue_dma source(%arg2 : memref<16384xi32, #tpu.memory_space<hbm>>) target(%arg14 : memref<16384xi32, #tpu.memory_space<vmem>>) target_semaphore(%arg20 : memref<!tpu.dma_semaphore, #tpu.memory_space<semaphore_mem>>)
      tpu.enqueue_dma source(%arg3 : memref<16384xi32, #tpu.memory_space<hbm>>) target(%arg15 : memref<16384xi32, #tpu.memory_space<vmem>>) target_semaphore(%arg20 : memref<!tpu.dma_semaphore, #tpu.memory_space<semaphore_mem>>)
      %scan3A_49 = arith.constant 0 : i32
      %scan3A_50 = arith.constant 0 : i32
      %scan3A_51 = arith.constant 196 : i32
      %scan3A_52 = arith.addi %scan3A_50, %scan3A_51 : i32
      %scan3A_53 = arith.constant 1 : i32
      scf.for %scan3A_66 = %scan3A_50 to %scan3A_52 step %scan3A_53  : i32 {
        %mul3A_67 = arith.constant 16 : i32
        %mul3A_68 = arith.muli %scan3A_66, %mul3A_67 : i32
        %swap3A_69 = arith.index_cast %mul3A_68 : i32 to index
        %swap3A_70 = tpu.vector_load %arg16[%swap3A_69] {strides = array<i32>} : memref<3136xi32, #tpu.memory_space<vmem>>, vector<16xi32>,
        tpu.vector_store %arg16[%swap3A_69], %broadcast_in_dim3A_6 {strides = array<i32>} : memref<3136xi32, #tpu.memory_space<vmem>>, vector<16xi32>,
      }
      %scan3A_54 = arith.constant 196 : i32
      tpu.wait_dma2 semaphore(%arg20 : memref<!tpu.dma_semaphore, #tpu.memory_space<semaphore_mem>>) src(%arg2 : memref<16384xi32, #tpu.memory_space<hbm>>) dst(%arg14 : memref<16384xi32, #tpu.memory_space<vmem>>)
      %scan3A_55 = arith.constant 0 : i32
      %scan3A_56 = arith.constant 0 : i32
      %scan3A_57 = arith.constant 1024 : i32
      %scan3A_58 = arith.addi %scan3A_56, %scan3A_57 : i32
      %scan3A_59 = arith.constant 1 : i32
      scf.for %scan3A_66 = %scan3A_56 to %scan3A_58 step %scan3A_59  : i32 {
        %mul3A_67 = arith.constant 16 : i32
        %mul3A_68 = arith.muli %scan3A_66, %mul3A_67 : i32
        %get3A = arith.index_cast %mul3A_68 : i32 to index
        %get3A_69 = tpu.vector_load %arg14[%get3A] {strides = array<i32>} : memref<16384xi32, #tpu.memory_space<vmem>>, vector<16xi32>,
        %mul3A_70 = arith.constant 16 : i32
        %mul3A_71 = arith.muli %scan3A_66, %mul3A_70 : i32
        %add3A_72 = vector.broadcast %mul3A_71 : i32 to vector<16xi32>
        %add3A_73 = arith.addi %add3A_72, %iota3A : vector<16xi32>
        %mul3A_74 = arith.constant 16384 : i32
        %mul3A_75 = vector.broadcast %mul3A_74 : i32 to vector<16xi32>
        %mul3A_76 = arith.muli %get3A_69, %mul3A_75 : vector<16xi32>
        %add3A_77 = arith.addi %mul3A_76, %add3A_73 : vector<16xi32>
        %masked_sort3A = arith.constant dense<true> : vector<16xi1>
        %masked_sort3A_78 = arith.constant -2147483648 : i32
        %masked_sort3A_79 = vector.broadcast %masked_sort3A_78 : i32 to vector<16xi32>
        %masked_sort3A_80 = arith.xori %add3A_77, %masked_sort3A_79 : vector<16xi32>
        %masked_sort3A_81, %masked_sort3A_82, %masked_sort3A_83 = tpu.sort %masked_sort3A_80, %add3A_73 masked %masked_sort3A : (vector<16xi32>, vector<16xi32>, vector<16xi1>) -> (vector<16xi1>, vector<16xi32>, vector<16xi32>)
        %masked_sort3A_84 = arith.xori %masked_sort3A_82, %masked_sort3A_79 : vector<16xi32>
        %shift_right_logical3A = arith.constant 14 : i32
        %shift_right_logical3A_85 = vector.broadcast %shift_right_logical3A : i32 to vector<16xi32>
        %shift_right_logical3A_86 = arith.shrui %masked_sort3A_84, %shift_right_logical3A_85 : vector<16xi32>
        %add3A_87 = arith.constant 1 : i32
        %add3A_88 = vector.broadcast %add3A_87 : i32 to vector<16xi32>
        %add3A_89 = arith.addi %iota3A, %add3A_88 : vector<16xi32>
        %min3A = arith.constant 15 : i32
        %min3A_90 = vector.broadcast %min3A : i32 to vector<16xi32>
        %min3A_91 = arith.minsi %add3A_89, %min3A_90 : vector<16xi32>
        %lt3A = arith.constant 0 : i32
        %lt3A_92 = vector.broadcast %lt3A : i32 to vector<16xi32>
        %lt3A_93 = arith.cmpi slt, %min3A_91, %lt3A_92 : vector<16xi32>
        %add3A_94 = arith.constant 16 : i32
        %add3A_95 = vector.broadcast %add3A_94 : i32 to vector<16xi32>
        %add3A_96 = arith.addi %min3A_91, %add3A_95 : vector<16xi32>
        %select_n3A_97 = arith.select %lt3A_93, %add3A_96, %min3A_91 : vector<16xi1>, vector<16xi32>
        %broadcast_in_dim3A_98 = vector.shape_cast %select_n3A_97 : vector<16xi32> to vector<16x1xi32>
        %gather3A = vector.shape_cast %broadcast_in_dim3A_98 : vector<16x1xi32> to vector<16xi32>
        %gather3A_99 = tpu.dynamic_gather %shift_right_logical3A_86[%gather3A] in [0] : vector<16xi32>, vector<16xi32> -> vector<16xi32>
        %eq3A_100 = arith.constant 15 : i32
        %eq3A_101 = vector.broadcast %eq3A_100 : i32 to vector<16xi32>
        %eq3A_102 = arith.cmpi eq, %iota3A, %eq3A_101 : vector<16xi32>
        %ne3A = arith.cmpi ne, %shift_right_logical3A_86, %gather3A_99 : vector<16xi32>
        %or3A = arith.ori %eq3A_102, %ne3A : vector<16xi1>
        %ge3A = vector.broadcast %mul3A_2 : i32 to vector<16xi32>
        %ge3A_103 = arith.cmpi sge, %shift_right_logical3A_86, %ge3A : vector<16xi32>
        %and3A = arith.andi %or3A, %ge3A_103 : vector<16xi1>
        %lt3A_104 = vector.broadcast %add3A_5 : i32 to vector<16xi32>
        %lt3A_105 = arith.cmpi slt, %shift_right_logical3A_86, %lt3A_104 : vector<16xi32>
        %and3A_106 = arith.andi %and3A, %lt3A_105 : vector<16xi1>
        %sub3A = vector.broadcast %mul3A_2 : i32 to vector<16xi32>
        %sub3A_107 = arith.subi %shift_right_logical3A_86, %sub3A : vector<16xi32>
        %jit3A_108 = arith.constant 0 : i32
        %broadcast_in_dim3A_109 = vector.broadcast %jit3A_108 : i32 to vector<16xi32>
        %select_n3A_110 = arith.select %and3A_106, %sub3A_107, %broadcast_in_dim3A_109 : vector<16xi1>, vector<16xi32>
        tpu.vector_store_idx %arg16[%select_n3A_110], %masked_sort3A_83 masked %and3A_106 : memref<3136xi32, #tpu.memory_space<vmem>>[vector<16xi32>], vector<16xi32>, vector<16xi1>
      }
      %scan3A_60 = arith.constant 1024 : i32
      tpu.wait_dma2 semaphore(%arg20 : memref<!tpu.dma_semaphore, #tpu.memory_space<semaphore_mem>>) src(%arg3 : memref<16384xi32, #tpu.memory_space<hbm>>) dst(%arg15 : memref<16384xi32, #tpu.memory_space<vmem>>)
      %dma_wait3A = arith.constant 0 : i32
      %dma_wait3A_61 = tpu.memref_slice %arg17[%dma_wait3A] : memref<3136xi32, #tpu.memory_space<vmem>> -> memref<3128xi32, #tpu.memory_space<vmem>>
      %dma_wait3A_62 = tpu.memref_slice %arg4[%mul3A_2] : memref<100000xi32, #tpu.memory_space<hbm>> -> memref<3128xi32, #tpu.memory_space<hbm>>
      %dma_wait3A_63 = arith.constant 0 : i32
      %dma_wait3A_64 = tpu.memref_slice %arg17[%dma_wait3A_63] : memref<3136xi32, #tpu.memory_space<vmem>> -> memref<3128xi32, #tpu.memory_space<vmem>>
      %dma_wait3A_65 = tpu.memref_slice %arg4[%mul3A_2] : memref<100000xi32, #tpu.memory_space<hbm>> -> memref<3128xi32, #tpu.memory_space<hbm>>
      tpu.wait_dma2 semaphore(%arg21 : memref<!tpu.dma_semaphore, #tpu.memory_space<semaphore_mem>>) src(%dma_wait3A_65 : memref<3128xi32, #tpu.memory_space<hbm>>) dst(%dma_wait3A_64 : memref<3128xi32, #tpu.memory_space<vmem>>)
    } else {
    }
    %convert_element_type3A_9 = arith.extui %eq3A_3 : i1 to i32
    %cond3A_10 = arith.constant 0 : i32
    %cond3A_11 = arith.cmpi ne, %convert_element_type3A_9, %cond3A_10 : i32
    scf.if %cond3A_11 {
      %dma_start3A = arith.constant 0 : i32
      %dma_start3A_44 = tpu.memref_slice %arg17[%dma_start3A] : memref<3136xi32, #tpu.memory_space<vmem>> -> memref<3032xi32, #tpu.memory_space<vmem>>
      %dma_start3A_45 = tpu.memref_slice %arg4[%mul3A_2] : memref<100000xi32, #tpu.memory_space<hbm>> -> memref<3032xi32, #tpu.memory_space<hbm>>
      %dma_start3A_46 = arith.constant 0 : i32
      %dma_start3A_47 = tpu.memref_slice %arg17[%dma_start3A_46] : memref<3136xi32, #tpu.memory_space<vmem>> -> memref<3032xi32, #tpu.memory_space<vmem>>
      %dma_start3A_48 = tpu.memref_slice %arg4[%mul3A_2] : memref<100000xi32, #tpu.memory_space<hbm>> -> memref<3032xi32, #tpu.memory_space<hbm>>
      tpu.enqueue_dma source(%dma_start3A_48 : memref<3032xi32, #tpu.memory_space<hbm>>) target(%dma_start3A_47 : memref<3032xi32, #tpu.memory_space<vmem>>) target_semaphore(%arg21 : memref<!tpu.dma_semaphore, #tpu.memory_space<semaphore_mem>>)
      tpu.enqueue_dma source(%arg2 : memref<16384xi32, #tpu.memory_space<hbm>>) target(%arg14 : memref<16384xi32, #tpu.memory_space<vmem>>) target_semaphore(%arg20 : memref<!tpu.dma_semaphore, #tpu.memory_space<semaphore_mem>>)
      tpu.enqueue_dma source(%arg3 : memref<16384xi32, #tpu.memory_space<hbm>>) target(%arg15 : memref<16384xi32, #tpu.memory_space<vmem>>) target_semaphore(%arg20 : memref<!tpu.dma_semaphore, #tpu.memory_space<semaphore_mem>>)
      %scan3A_49 = arith.constant 0 : i32
      %scan3A_50 = arith.constant 0 : i32
      %scan3A_51 = arith.constant 196 : i32
      %scan3A_52 = arith.addi %scan3A_50, %scan3A_51 : i32
      %scan3A_53 = arith.constant 1 : i32
      scf.for %scan3A_66 = %scan3A_50 to %scan3A_52 step %scan3A_53  : i32 {
        %mul3A_67 = arith.constant 16 : i32
        %mul3A_68 = arith.muli %scan3A_66, %mul3A_67 : i32
        %swap3A_69 = arith.index_cast %mul3A_68 : i32 to index
        %swap3A_70 = tpu.vector_load %arg16[%swap3A_69] {strides = array<i32>} : memref<3136xi32, #tpu.memory_space<vmem>>, vector<16xi32>,
        tpu.vector_store %arg16[%swap3A_69], %broadcast_in_dim3A_6 {strides = array<i32>} : memref<3136xi32, #tpu.memory_space<vmem>>, vector<16xi32>,
      }
      %scan3A_54 = arith.constant 196 : i32
      tpu.wait_dma2 semaphore(%arg20 : memref<!tpu.dma_semaphore, #tpu.memory_space<semaphore_mem>>) src(%arg2 : memref<16384xi32, #tpu.memory_space<hbm>>) dst(%arg14 : memref<16384xi32, #tpu.memory_space<vmem>>)
      %scan3A_55 = arith.constant 0 : i32
      %scan3A_56 = arith.constant 0 : i32
      %scan3A_57 = arith.constant 1024 : i32
      %scan3A_58 = arith.addi %scan3A_56, %scan3A_57 : i32
      %scan3A_59 = arith.constant 1 : i32
      scf.for %scan3A_66 = %scan3A_56 to %scan3A_58 step %scan3A_59  : i32 {
        %mul3A_67 = arith.constant 16 : i32
        %mul3A_68 = arith.muli %scan3A_66, %mul3A_67 : i32
        %get3A = arith.index_cast %mul3A_68 : i32 to index
        %get3A_69 = tpu.vector_load %arg14[%get3A] {strides = array<i32>} : memref<16384xi32, #tpu.memory_space<vmem>>, vector<16xi32>,
        %mul3A_70 = arith.constant 16 : i32
        %mul3A_71 = arith.muli %scan3A_66, %mul3A_70 : i32
        %add3A_72 = vector.broadcast %mul3A_71 : i32 to vector<16xi32>
        %add3A_73 = arith.addi %add3A_72, %iota3A : vector<16xi32>
        %mul3A_74 = arith.constant 16384 : i32
        %mul3A_75 = vector.broadcast %mul3A_74 : i32 to vector<16xi32>
        %mul3A_76 = arith.muli %get3A_69, %mul3A_75 : vector<16xi32>
        %add3A_77 = arith.addi %mul3A_76, %add3A_73 : vector<16xi32>
        %masked_sort3A = arith.constant dense<true> : vector<16xi1>
        %masked_sort3A_78 = arith.constant -2147483648 : i32
        %masked_sort3A_79 = vector.broadcast %masked_sort3A_78 : i32 to vector<16xi32>
        %masked_sort3A_80 = arith.xori %add3A_77, %masked_sort3A_79 : vector<16xi32>
        %masked_sort3A_81, %masked_sort3A_82, %masked_sort3A_83 = tpu.sort %masked_sort3A_80, %add3A_73 masked %masked_sort3A : (vector<16xi32>, vector<16xi32>, vector<16xi1>) -> (vector<16xi1>, vector<16xi32>, vector<16xi32>)
        %masked_sort3A_84 = arith.xori %masked_sort3A_82, %masked_sort3A_79 : vector<16xi32>
        %shift_right_logical3A = arith.constant 14 : i32
        %shift_right_logical3A_85 = vector.broadcast %shift_right_logical3A : i32 to vector<16xi32>
        %shift_right_logical3A_86 = arith.shrui %masked_sort3A_84, %shift_right_logical3A_85 : vector<16xi32>
        %add3A_87 = arith.constant 1 : i32
        %add3A_88 = vector.broadcast %add3A_87 : i32 to vector<16xi32>
        %add3A_89 = arith.addi %iota3A, %add3A_88 : vector<16xi32>
        %min3A = arith.constant 15 : i32
        %min3A_90 = vector.broadcast %min3A : i32 to vector<16xi32>
        %min3A_91 = arith.minsi %add3A_89, %min3A_90 : vector<16xi32>
        %lt3A = arith.constant 0 : i32
        %lt3A_92 = vector.broadcast %lt3A : i32 to vector<16xi32>
        %lt3A_93 = arith.cmpi slt, %min3A_91, %lt3A_92 : vector<16xi32>
        %add3A_94 = arith.constant 16 : i32
        %add3A_95 = vector.broadcast %add3A_94 : i32 to vector<16xi32>
        %add3A_96 = arith.addi %min3A_91, %add3A_95 : vector<16xi32>
        %select_n3A_97 = arith.select %lt3A_93, %add3A_96, %min3A_91 : vector<16xi1>, vector<16xi32>
        %broadcast_in_dim3A_98 = vector.shape_cast %select_n3A_97 : vector<16xi32> to vector<16x1xi32>
        %gather3A = vector.shape_cast %broadcast_in_dim3A_98 : vector<16x1xi32> to vector<16xi32>
        %gather3A_99 = tpu.dynamic_gather %shift_right_logical3A_86[%gather3A] in [0] : vector<16xi32>, vector<16xi32> -> vector<16xi32>
        %eq3A_100 = arith.constant 15 : i32
        %eq3A_101 = vector.broadcast %eq3A_100 : i32 to vector<16xi32>
        %eq3A_102 = arith.cmpi eq, %iota3A, %eq3A_101 : vector<16xi32>
        %ne3A = arith.cmpi ne, %shift_right_logical3A_86, %gather3A_99 : vector<16xi32>
        %or3A = arith.ori %eq3A_102, %ne3A : vector<16xi1>
        %ge3A = vector.broadcast %mul3A_2 : i32 to vector<16xi32>
        %ge3A_103 = arith.cmpi sge, %shift_right_logical3A_86, %ge3A : vector<16xi32>
        %and3A = arith.andi %or3A, %ge3A_103 : vector<16xi1>
        %lt3A_104 = vector.broadcast %add3A_5 : i32 to vector<16xi32>
        %lt3A_105 = arith.cmpi slt, %shift_right_logical3A_86, %lt3A_104 : vector<16xi32>
        %and3A_106 = arith.andi %and3A, %lt3A_105 : vector<16xi1>
        %sub3A = vector.broadcast %mul3A_2 : i32 to vector<16xi32>
        %sub3A_107 = arith.subi %shift_right_logical3A_86, %sub3A : vector<16xi32>
        %jit3A_108 = arith.constant 0 : i32
        %broadcast_in_dim3A_109 = vector.broadcast %jit3A_108 : i32 to vector<16xi32>
        %select_n3A_110 = arith.select %and3A_106, %sub3A_107, %broadcast_in_dim3A_109 : vector<16xi1>, vector<16xi32>
        tpu.vector_store_idx %arg16[%select_n3A_110], %masked_sort3A_83 masked %and3A_106 : memref<3136xi32, #tpu.memory_space<vmem>>[vector<16xi32>], vector<16xi32>, vector<16xi1>
      }
      %scan3A_60 = arith.constant 1024 : i32
      tpu.wait_dma2 semaphore(%arg20 : memref<!tpu.dma_semaphore, #tpu.memory_space<semaphore_mem>>) src(%arg3 : memref<16384xi32, #tpu.memory_space<hbm>>) dst(%arg15 : memref<16384xi32, #tpu.memory_space<vmem>>)
      %dma_wait3A = arith.constant 0 : i32
      %dma_wait3A_61 = tpu.memref_slice %arg17[%dma_wait3A] : memref<3136xi32, #tpu.memory_space<vmem>> -> memref<3032xi32, #tpu.memory_space<vmem>>
      %dma_wait3A_62 = tpu.memref_slice %arg4[%mul3A_2] : memref<100000xi32, #tpu.memory_space<hbm>> -> memref<3032xi32, #tpu.memory_space<hbm>>
      %dma_wait3A_63 = arith.constant 0 : i32
      %dma_wait3A_64 = tpu.memref_slice %arg17[%dma_wait3A_63] : memref<3136xi32, #tpu.memory_space<vmem>> -> memref<3032xi32, #tpu.memory_space<vmem>>
      %dma_wait3A_65 = tpu.memref_slice %arg4[%mul3A_2] : memref<100000xi32, #tpu.memory_space<hbm>> -> memref<3032xi32, #tpu.memory_space<hbm>>
      tpu.wait_dma2 semaphore(%arg21 : memref<!tpu.dma_semaphore, #tpu.memory_space<semaphore_mem>>) src(%dma_wait3A_65 : memref<3032xi32, #tpu.memory_space<hbm>>) dst(%dma_wait3A_64 : memref<3032xi32, #tpu.memory_space<vmem>>)
    } else {
    }
    %scan3A = arith.constant 0 : i32
    %scan3A_12 = arith.constant 0 : i32
    %scan3A_13 = arith.constant 196 : i32
    %scan3A_14 = arith.addi %scan3A_12, %scan3A_13 : i32
    %scan3A_15 = arith.constant 1 : i32
    scf.for %scan3A_44 = %scan3A_12 to %scan3A_14 step %scan3A_15  : i32 {
      %mul3A_45 = arith.constant 16 : i32
      %mul3A_46 = arith.muli %scan3A_44, %mul3A_45 : i32
      %get3A = arith.index_cast %mul3A_46 : i32 to index
      %get3A_47 = tpu.vector_load %arg16[%get3A] {strides = array<i32>} : memref<3136xi32, #tpu.memory_space<vmem>>, vector<16xi32>,
      %ge3A = arith.constant 0 : i32
      %ge3A_48 = vector.broadcast %ge3A : i32 to vector<16xi32>
      %ge3A_49 = arith.cmpi sge, %get3A_47, %ge3A_48 : vector<16xi32>
      %jit3A_50 = arith.constant 0 : i32
      %broadcast_in_dim3A_51 = vector.broadcast %jit3A_50 : i32 to vector<16xi32>
      %select_n3A_52 = arith.select %ge3A_49, %get3A_47, %broadcast_in_dim3A_51 : vector<16xi1>, vector<16xi32>
      %gather3A = tpu.vector_load_idx %arg15[%select_n3A_52] masked %ge3A_49 : memref<16384xi32, #tpu.memory_space<vmem>>[vector<16xi32>], vector<16xi32>, vector<16xi1>
      %mul3A_53 = arith.constant 16 : i32
      %mul3A_54 = arith.muli %scan3A_44, %mul3A_53 : i32
      %get3A_55 = arith.index_cast %mul3A_54 : i32 to index
      %get3A_56 = tpu.vector_load %arg17[%get3A_55] {strides = array<i32>} : memref<3136xi32, #tpu.memory_space<vmem>>, vector<16xi32>,
      %select_n3A_57 = arith.select %ge3A_49, %gather3A, %get3A_56 : vector<16xi1>, vector<16xi32>
      %mul3A_58 = arith.constant 16 : i32
      %mul3A_59 = arith.muli %scan3A_44, %mul3A_58 : i32
      %swap3A_60 = arith.index_cast %mul3A_59 : i32 to index
      %swap3A_61 = tpu.vector_load %arg17[%swap3A_60] {strides = array<i32>} : memref<3136xi32, #tpu.memory_space<vmem>>, vector<16xi32>,
      tpu.vector_store %arg17[%swap3A_60], %select_n3A_57 {strides = array<i32>} : memref<3136xi32, #tpu.memory_space<vmem>>, vector<16xi32>,
    }
    %scan3A_16 = arith.constant 196 : i32
    %scan3A_17 = arith.constant 0 : i32
    %scan3A_18 = arith.constant 0 : i32
    %scan3A_19 = arith.constant 196 : i32
    %scan3A_20 = arith.addi %scan3A_18, %scan3A_19 : i32
    %scan3A_21 = arith.constant 1 : i32
    %scan3A_22 = scf.for %scan3A_44 = %scan3A_18 to %scan3A_20 step %scan3A_21 iter_args(%scan3A_45 = %scan3A_17) -> (i32)  : i32 {
      %mul3A_46 = arith.constant 16 : i32
      %mul3A_47 = arith.muli %scan3A_44, %mul3A_46 : i32
      %get3A = arith.index_cast %mul3A_47 : i32 to index
      %get3A_48 = tpu.vector_load %arg16[%get3A] {strides = array<i32>} : memref<3136xi32, #tpu.memory_space<vmem>>, vector<16xi32>,
      %ge3A = arith.constant 0 : i32
      %ge3A_49 = vector.broadcast %ge3A : i32 to vector<16xi32>
      %ge3A_50 = arith.cmpi sge, %get3A_48, %ge3A_49 : vector<16xi32>
      %convert_element_type3A_51 = arith.extui %ge3A_50 : vector<16xi1> to vector<16xi32>
      %broadcast_in_dim3A_52 = arith.constant true
      %broadcast_in_dim3A_53 = vector.broadcast %broadcast_in_dim3A_52 : i1 to vector<16xi1>
      %masked_cumsum3A = tpu.scan <sum>, %convert_element_type3A_51 masked %broadcast_in_dim3A_53 : vector<16xi32>, vector<16xi1> -> vector<16xi32>
      %add3A_54 = vector.broadcast %scan3A_45 : i32 to vector<16xi32>
      %add3A_55 = arith.addi %add3A_54, %masked_cumsum3A : vector<16xi32>
      %sub3A = arith.subi %add3A_55, %convert_element_type3A_51 : vector<16xi32>
      %jit3A_56 = arith.constant 128 : i32
      %div3A = vector.broadcast %jit3A_56 : i32 to vector<16xi32>
      %div3A_57 = arith.divsi %sub3A, %div3A : vector<16xi32>
      %sign3A = arith.constant 0 : i32
      %sign3A_58 = vector.broadcast %sign3A : i32 to vector<16xi32>
      %sign3A_59 = arith.cmpi sgt, %sub3A, %sign3A_58 : vector<16xi32>
      %sign3A_60 = arith.extui %sign3A_59 : vector<16xi1> to vector<16xi32>
      %sign3A_61 = arith.constant 0 : i32
      %sign3A_62 = vector.broadcast %sign3A_61 : i32 to vector<16xi32>
      %sign3A_63 = arith.cmpi slt, %sub3A, %sign3A_62 : vector<16xi32>
      %sign3A_64 = arith.extui %sign3A_63 : vector<16xi1> to vector<16xi32>
      %sign3A_65 = arith.subi %sign3A_60, %sign3A_64 : vector<16xi32>
      %sign3A_66 = arith.constant 0 : i32
      %sign3A_67 = arith.cmpi sgt, %jit3A_56, %sign3A_66 : i32
      %sign3A_68 = arith.extui %sign3A_67 : i1 to i32
      %sign3A_69 = arith.constant 0 : i32
      %sign3A_70 = arith.cmpi slt, %jit3A_56, %sign3A_69 : i32
      %sign3A_71 = arith.extui %sign3A_70 : i1 to i32
      %sign3A_72 = arith.subi %sign3A_68, %sign3A_71 : i32
      %ne3A = vector.broadcast %sign3A_72 : i32 to vector<16xi32>
      %ne3A_73 = arith.cmpi ne, %sign3A_65, %ne3A : vector<16xi32>
      %rem3A = vector.broadcast %jit3A_56 : i32 to vector<16xi32>
      %rem3A_74 = arith.remsi %sub3A, %rem3A : vector<16xi32>
      %ne3A_75 = arith.constant 0 : i32
      %ne3A_76 = vector.broadcast %ne3A_75 : i32 to vector<16xi32>
      %ne3A_77 = arith.cmpi ne, %rem3A_74, %ne3A_76 : vector<16xi32>
      %and3A = arith.andi %ne3A_73, %ne3A_77 : vector<16xi1>
      %sub3A_78 = arith.constant 1 : i32
      %sub3A_79 = vector.broadcast %sub3A_78 : i32 to vector<16xi32>
      %sub3A_80 = arith.subi %div3A_57, %sub3A_79 : vector<16xi32>
      %select_n3A_81 = arith.select %and3A, %sub3A_80, %div3A_57 : vector<16xi1>, vector<16xi32>
      %jit3A_82 = arith.constant 128 : i32
      %eq3A_83 = arith.constant 0 : i32
      %eq3A_84 = arith.cmpi eq, %jit3A_82, %eq3A_83 : i32
      %jit3A_85 = arith.constant 1 : i32
      %select_n3A_86 = arith.select %eq3A_84, %jit3A_85, %jit3A_82 : i32
      %rem3A_87 = vector.broadcast %select_n3A_86 : i32 to vector<16xi32>
      %rem3A_88 = arith.remsi %sub3A, %rem3A_87 : vector<16xi32>
      %ne3A_89 = arith.constant 0 : i32
      %ne3A_90 = vector.broadcast %ne3A_89 : i32 to vector<16xi32>
      %ne3A_91 = arith.cmpi ne, %rem3A_88, %ne3A_90 : vector<16xi32>
      %lt3A = arith.constant 0 : i32
      %lt3A_92 = vector.broadcast %lt3A : i32 to vector<16xi32>
      %lt3A_93 = arith.cmpi slt, %rem3A_88, %lt3A_92 : vector<16xi32>
      %lt3A_94 = arith.constant 0 : i32
      %lt3A_95 = arith.cmpi slt, %select_n3A_86, %lt3A_94 : i32
      %ne3A_96 = vector.broadcast %lt3A_95 : i1 to vector<16xi1>
      %ne3A_97 = vector.broadcast %ne3A_96 : vector<16xi1> to vector<16xi1>
      %ne3A_98 = arith.xori %lt3A_93, %ne3A_97 : vector<16xi1>
      %and3A_99 = arith.andi %ne3A_98, %ne3A_91 : vector<16xi1>
      %add3A_100 = vector.broadcast %select_n3A_86 : i32 to vector<16xi32>
      %add3A_101 = arith.addi %rem3A_88, %add3A_100 : vector<16xi32>
      %select_n3A_102 = arith.select %and3A_99, %add3A_101, %rem3A_88 : vector<16xi1>, vector<16xi32>
      %mul3A_103 = arith.constant 16 : i32
      %mul3A_104 = arith.muli %scan3A_44, %mul3A_103 : i32
      %add3A_105 = arith.addi %mul3A_2, %mul3A_104 : i32
      %add3A_106 = vector.broadcast %add3A_105 : i32 to vector<16xi32>
      %add3A_107 = arith.addi %add3A_106, %iota3A : vector<16xi32>
      tpu.vector_store_idx %arg18[%select_n3A_81, %select_n3A_102], %add3A_107 masked %ge3A_50 : memref<26x128xi32, #tpu.memory_space<vmem>>[vector<16xi32>, vector<16xi32>], vector<16xi32>, vector<16xi1>
      tpu.vector_store_idx %arg19[%select_n3A_81, %select_n3A_102], %get3A_48 masked %ge3A_50 : memref<26x128xi32, #tpu.memory_space<vmem>>[vector<16xi32>, vector<16xi32>], vector<16xi32>, vector<16xi1>
      %reduce_sum3A = arith.constant true
      %reduce_sum3A_108 = vector.broadcast %reduce_sum3A : i1 to vector<16xi1>
      %reduce_sum3A_109 = tpu.scan <sum>, %convert_element_type3A_51 masked %reduce_sum3A_108 : vector<16xi32>, vector<16xi1> -> vector<16xi32>
      %reduce_sum3A_110 = vector.extract %reduce_sum3A_109[15] : i32 from vector<16xi32>
      %add3A_111 = arith.addi %scan3A_45, %reduce_sum3A_110 : i32
      scf.yield %add3A_111 : i32
    }
    %scan3A_23 = arith.constant 196 : i32
    %gt3A = arith.constant 0 : i32
    %gt3A_24 = arith.cmpi sgt, %scan3A_22, %gt3A : i32
    %convert_element_type3A_25 = arith.extui %gt3A_24 : i1 to i32
    %cond3A_26 = arith.constant 0 : i32
    %cond3A_27 = arith.cmpi ne, %convert_element_type3A_25, %cond3A_26 : i32
    scf.if %cond3A_27 {
      %sub3A = arith.constant 1 : i32
      %sub3A_44 = arith.subi %scan3A_22, %sub3A : i32
      %broadcast_in_dim3A_45 = vector.broadcast %sub3A_44 : i32 to vector<16xi32>
      %jit3A_46 = arith.constant 128 : i32
      %div3A = vector.broadcast %jit3A_46 : i32 to vector<16xi32>
      %div3A_47 = arith.divsi %broadcast_in_dim3A_45, %div3A : vector<16xi32>
      %sign3A = arith.constant 0 : i32
      %sign3A_48 = vector.broadcast %sign3A : i32 to vector<16xi32>
      %sign3A_49 = arith.cmpi sgt, %broadcast_in_dim3A_45, %sign3A_48 : vector<16xi32>
      %sign3A_50 = arith.extui %sign3A_49 : vector<16xi1> to vector<16xi32>
      %sign3A_51 = arith.constant 0 : i32
      %sign3A_52 = vector.broadcast %sign3A_51 : i32 to vector<16xi32>
      %sign3A_53 = arith.cmpi slt, %broadcast_in_dim3A_45, %sign3A_52 : vector<16xi32>
      %sign3A_54 = arith.extui %sign3A_53 : vector<16xi1> to vector<16xi32>
      %sign3A_55 = arith.subi %sign3A_50, %sign3A_54 : vector<16xi32>
      %sign3A_56 = arith.constant 0 : i32
      %sign3A_57 = arith.cmpi sgt, %jit3A_46, %sign3A_56 : i32
      %sign3A_58 = arith.extui %sign3A_57 : i1 to i32
      %sign3A_59 = arith.constant 0 : i32
      %sign3A_60 = arith.cmpi slt, %jit3A_46, %sign3A_59 : i32
      %sign3A_61 = arith.extui %sign3A_60 : i1 to i32
      %sign3A_62 = arith.subi %sign3A_58, %sign3A_61 : i32
      %ne3A = vector.broadcast %sign3A_62 : i32 to vector<16xi32>
      %ne3A_63 = arith.cmpi ne, %sign3A_55, %ne3A : vector<16xi32>
      %rem3A = vector.broadcast %jit3A_46 : i32 to vector<16xi32>
      %rem3A_64 = arith.remsi %broadcast_in_dim3A_45, %rem3A : vector<16xi32>
      %ne3A_65 = arith.constant 0 : i32
      %ne3A_66 = vector.broadcast %ne3A_65 : i32 to vector<16xi32>
      %ne3A_67 = arith.cmpi ne, %rem3A_64, %ne3A_66 : vector<16xi32>
      %and3A = arith.andi %ne3A_63, %ne3A_67 : vector<16xi1>
      %sub3A_68 = arith.constant 1 : i32
      %sub3A_69 = vector.broadcast %sub3A_68 : i32 to vector<16xi32>
      %sub3A_70 = arith.subi %div3A_47, %sub3A_69 : vector<16xi32>
      %select_n3A_71 = arith.select %and3A, %sub3A_70, %div3A_47 : vector<16xi1>, vector<16xi32>
      %jit3A_72 = arith.constant 128 : i32
      %eq3A_73 = arith.constant 0 : i32
      %eq3A_74 = arith.cmpi eq, %jit3A_72, %eq3A_73 : i32
      %jit3A_75 = arith.constant 1 : i32
      %select_n3A_76 = arith.select %eq3A_74, %jit3A_75, %jit3A_72 : i32
      %rem3A_77 = vector.broadcast %select_n3A_76 : i32 to vector<16xi32>
      %rem3A_78 = arith.remsi %broadcast_in_dim3A_45, %rem3A_77 : vector<16xi32>
      %ne3A_79 = arith.constant 0 : i32
      %ne3A_80 = vector.broadcast %ne3A_79 : i32 to vector<16xi32>
      %ne3A_81 = arith.cmpi ne, %rem3A_78, %ne3A_80 : vector<16xi32>
      %lt3A = arith.constant 0 : i32
      %lt3A_82 = vector.broadcast %lt3A : i32 to vector<16xi32>
      %lt3A_83 = arith.cmpi slt, %rem3A_78, %lt3A_82 : vector<16xi32>
      %lt3A_84 = arith.constant 0 : i32
      %lt3A_85 = arith.cmpi slt, %select_n3A_76, %lt3A_84 : i32
      %ne3A_86 = vector.broadcast %lt3A_85 : i1 to vector<16xi1>
      %ne3A_87 = vector.broadcast %ne3A_86 : vector<16xi1> to vector<16xi1>
      %ne3A_88 = arith.xori %lt3A_83, %ne3A_87 : vector<16xi1>
      %and3A_89 = arith.andi %ne3A_88, %ne3A_81 : vector<16xi1>
      %add3A_90 = vector.broadcast %select_n3A_76 : i32 to vector<16xi32>
      %add3A_91 = arith.addi %rem3A_78, %add3A_90 : vector<16xi32>
      %select_n3A_92 = arith.select %and3A_89, %add3A_91, %rem3A_78 : vector<16xi1>, vector<16xi32>
      %gather3A = tpu.vector_load_idx %arg18[%select_n3A_71, %select_n3A_92] : memref<26x128xi32, #tpu.memory_space<vmem>>[vector<16xi32>, vector<16xi32>], vector<16xi32>,
      %jit3A_93 = arith.constant 128 : i32
      %div3A_94 = vector.broadcast %jit3A_93 : i32 to vector<16xi32>
      %div3A_95 = arith.divsi %broadcast_in_dim3A_45, %div3A_94 : vector<16xi32>
      %sign3A_96 = arith.constant 0 : i32
      %sign3A_97 = vector.broadcast %sign3A_96 : i32 to vector<16xi32>
      %sign3A_98 = arith.cmpi sgt, %broadcast_in_dim3A_45, %sign3A_97 : vector<16xi32>
      %sign3A_99 = arith.extui %sign3A_98 : vector<16xi1> to vector<16xi32>
      %sign3A_100 = arith.constant 0 : i32
      %sign3A_101 = vector.broadcast %sign3A_100 : i32 to vector<16xi32>
      %sign3A_102 = arith.cmpi slt, %broadcast_in_dim3A_45, %sign3A_101 : vector<16xi32>
      %sign3A_103 = arith.extui %sign3A_102 : vector<16xi1> to vector<16xi32>
      %sign3A_104 = arith.subi %sign3A_99, %sign3A_103 : vector<16xi32>
      %sign3A_105 = arith.constant 0 : i32
      %sign3A_106 = arith.cmpi sgt, %jit3A_93, %sign3A_105 : i32
      %sign3A_107 = arith.extui %sign3A_106 : i1 to i32
      %sign3A_108 = arith.constant 0 : i32
      %sign3A_109 = arith.cmpi slt, %jit3A_93, %sign3A_108 : i32
      %sign3A_110 = arith.extui %sign3A_109 : i1 to i32
      %sign3A_111 = arith.subi %sign3A_107, %sign3A_110 : i32
      %ne3A_112 = vector.broadcast %sign3A_111 : i32 to vector<16xi32>
      %ne3A_113 = arith.cmpi ne, %sign3A_104, %ne3A_112 : vector<16xi32>
      %rem3A_114 = vector.broadcast %jit3A_93 : i32 to vector<16xi32>
      %rem3A_115 = arith.remsi %broadcast_in_dim3A_45, %rem3A_114 : vector<16xi32>
      %ne3A_116 = arith.constant 0 : i32
      %ne3A_117 = vector.broadcast %ne3A_116 : i32 to vector<16xi32>
      %ne3A_118 = arith.cmpi ne, %rem3A_115, %ne3A_117 : vector<16xi32>
      %and3A_119 = arith.andi %ne3A_113, %ne3A_118 : vector<16xi1>
      %sub3A_120 = arith.constant 1 : i32
      %sub3A_121 = vector.broadcast %sub3A_120 : i32 to vector<16xi32>
      %sub3A_122 = arith.subi %div3A_95, %sub3A_121 : vector<16xi32>
      %select_n3A_123 = arith.select %and3A_119, %sub3A_122, %div3A_95 : vector<16xi1>, vector<16xi32>
      %jit3A_124 = arith.constant 128 : i32
      %eq3A_125 = arith.constant 0 : i32
      %eq3A_126 = arith.cmpi eq, %jit3A_124, %eq3A_125 : i32
      %jit3A_127 = arith.constant 1 : i32
      %select_n3A_128 = arith.select %eq3A_126, %jit3A_127, %jit3A_124 : i32
      %rem3A_129 = vector.broadcast %select_n3A_128 : i32 to vector<16xi32>
      %rem3A_130 = arith.remsi %broadcast_in_dim3A_45, %rem3A_129 : vector<16xi32>
      %ne3A_131 = arith.constant 0 : i32
      %ne3A_132 = vector.broadcast %ne3A_131 : i32 to vector<16xi32>
      %ne3A_133 = arith.cmpi ne, %rem3A_130, %ne3A_132 : vector<16xi32>
      %lt3A_134 = arith.constant 0 : i32
      %lt3A_135 = vector.broadcast %lt3A_134 : i32 to vector<16xi32>
      %lt3A_136 = arith.cmpi slt, %rem3A_130, %lt3A_135 : vector<16xi32>
      %lt3A_137 = arith.constant 0 : i32
      %lt3A_138 = arith.cmpi slt, %select_n3A_128, %lt3A_137 : i32
      %ne3A_139 = vector.broadcast %lt3A_138 : i1 to vector<16xi1>
      %ne3A_140 = vector.broadcast %ne3A_139 : vector<16xi1> to vector<16xi1>
      %ne3A_141 = arith.xori %lt3A_136, %ne3A_140 : vector<16xi1>
      %and3A_142 = arith.andi %ne3A_141, %ne3A_133 : vector<16xi1>
      %add3A_143 = vector.broadcast %select_n3A_128 : i32 to vector<16xi32>
      %add3A_144 = arith.addi %rem3A_130, %add3A_143 : vector<16xi32>
      %select_n3A_145 = arith.select %and3A_142, %add3A_144, %rem3A_130 : vector<16xi1>, vector<16xi32>
      %gather3A_146 = tpu.vector_load_idx %arg19[%select_n3A_123, %select_n3A_145] : memref<26x128xi32, #tpu.memory_space<vmem>>[vector<16xi32>, vector<16xi32>], vector<16xi32>,
      %add3A_147 = arith.constant 0 : i32
      %add3A_148 = arith.addi %scan3A_22, %add3A_147 : i32
      %add3A_149 = vector.broadcast %add3A_148 : i32 to vector<16xi32>
      %add3A_150 = arith.addi %add3A_149, %iota3A : vector<16xi32>
      %jit3A_151 = arith.constant 128 : i32
      %div3A_152 = vector.broadcast %jit3A_151 : i32 to vector<16xi32>
      %div3A_153 = arith.divsi %add3A_150, %div3A_152 : vector<16xi32>
      %sign3A_154 = arith.constant 0 : i32
      %sign3A_155 = vector.broadcast %sign3A_154 : i32 to vector<16xi32>
      %sign3A_156 = arith.cmpi sgt, %add3A_150, %sign3A_155 : vector<16xi32>
      %sign3A_157 = arith.extui %sign3A_156 : vector<16xi1> to vector<16xi32>
      %sign3A_158 = arith.constant 0 : i32
      %sign3A_159 = vector.broadcast %sign3A_158 : i32 to vector<16xi32>
      %sign3A_160 = arith.cmpi slt, %add3A_150, %sign3A_159 : vector<16xi32>
      %sign3A_161 = arith.extui %sign3A_160 : vector<16xi1> to vector<16xi32>
      %sign3A_162 = arith.subi %sign3A_157, %sign3A_161 : vector<16xi32>
      %sign3A_163 = arith.constant 0 : i32
      %sign3A_164 = arith.cmpi sgt, %jit3A_151, %sign3A_163 : i32
      %sign3A_165 = arith.extui %sign3A_164 : i1 to i32
      %sign3A_166 = arith.constant 0 : i32
      %sign3A_167 = arith.cmpi slt, %jit3A_151, %sign3A_166 : i32
      %sign3A_168 = arith.extui %sign3A_167 : i1 to i32
      %sign3A_169 = arith.subi %sign3A_165, %sign3A_168 : i32
      %ne3A_170 = vector.broadcast %sign3A_169 : i32 to vector<16xi32>
      %ne3A_171 = arith.cmpi ne, %sign3A_162, %ne3A_170 : vector<16xi32>
      %rem3A_172 = vector.broadcast %jit3A_151 : i32 to vector<16xi32>
      %rem3A_173 = arith.remsi %add3A_150, %rem3A_172 : vector<16xi32>
      %ne3A_174 = arith.constant 0 : i32
      %ne3A_175 = vector.broadcast %ne3A_174 : i32 to vector<16xi32>
      %ne3A_176 = arith.cmpi ne, %rem3A_173, %ne3A_175 : vector<16xi32>
      %and3A_177 = arith.andi %ne3A_171, %ne3A_176 : vector<16xi1>
      %sub3A_178 = arith.constant 1 : i32
      %sub3A_179 = vector.broadcast %sub3A_178 : i32 to vector<16xi32>
      %sub3A_180 = arith.subi %div3A_153, %sub3A_179 : vector<16xi32>
      %select_n3A_181 = arith.select %and3A_177, %sub3A_180, %div3A_153 : vector<16xi1>, vector<16xi32>
      %jit3A_182 = arith.constant 128 : i32
      %eq3A_183 = arith.constant 0 : i32
      %eq3A_184 = arith.cmpi eq, %jit3A_182, %eq3A_183 : i32
      %jit3A_185 = arith.constant 1 : i32
      %select_n3A_186 = arith.select %eq3A_184, %jit3A_185, %jit3A_182 : i32
      %rem3A_187 = vector.broadcast %select_n3A_186 : i32 to vector<16xi32>
      %rem3A_188 = arith.remsi %add3A_150, %rem3A_187 : vector<16xi32>
      %ne3A_189 = arith.constant 0 : i32
      %ne3A_190 = vector.broadcast %ne3A_189 : i32 to vector<16xi32>
      %ne3A_191 = arith.cmpi ne, %rem3A_188, %ne3A_190 : vector<16xi32>
      %lt3A_192 = arith.constant 0 : i32
      %lt3A_193 = vector.broadcast %lt3A_192 : i32 to vector<16xi32>
      %lt3A_194 = arith.cmpi slt, %rem3A_188, %lt3A_193 : vector<16xi32>
      %lt3A_195 = arith.constant 0 : i32
      %lt3A_196 = arith.cmpi slt, %select_n3A_186, %lt3A_195 : i32
      %ne3A_197 = vector.broadcast %lt3A_196 : i1 to vector<16xi1>
      %ne3A_198 = vector.broadcast %ne3A_197 : vector<16xi1> to vector<16xi1>
      %ne3A_199 = arith.xori %lt3A_194, %ne3A_198 : vector<16xi1>
      %and3A_200 = arith.andi %ne3A_199, %ne3A_191 : vector<16xi1>
      %add3A_201 = vector.broadcast %select_n3A_186 : i32 to vector<16xi32>
      %add3A_202 = arith.addi %rem3A_188, %add3A_201 : vector<16xi32>
      %select_n3A_203 = arith.select %and3A_200, %add3A_202, %rem3A_188 : vector<16xi1>, vector<16xi32>
      tpu.vector_store_idx %arg18[%select_n3A_181, %select_n3A_203], %gather3A : memref<26x128xi32, #tpu.memory_space<vmem>>[vector<16xi32>, vector<16xi32>], vector<16xi32>,
      %jit3A_204 = arith.constant 128 : i32
      %div3A_205 = vector.broadcast %jit3A_204 : i32 to vector<16xi32>
      %div3A_206 = arith.divsi %add3A_150, %div3A_205 : vector<16xi32>
      %sign3A_207 = arith.constant 0 : i32
      %sign3A_208 = vector.broadcast %sign3A_207 : i32 to vector<16xi32>
      %sign3A_209 = arith.cmpi sgt, %add3A_150, %sign3A_208 : vector<16xi32>
      %sign3A_210 = arith.extui %sign3A_209 : vector<16xi1> to vector<16xi32>
      %sign3A_211 = arith.constant 0 : i32
      %sign3A_212 = vector.broadcast %sign3A_211 : i32 to vector<16xi32>
      %sign3A_213 = arith.cmpi slt, %add3A_150, %sign3A_212 : vector<16xi32>
      %sign3A_214 = arith.extui %sign3A_213 : vector<16xi1> to vector<16xi32>
      %sign3A_215 = arith.subi %sign3A_210, %sign3A_214 : vector<16xi32>
      %sign3A_216 = arith.constant 0 : i32
      %sign3A_217 = arith.cmpi sgt, %jit3A_204, %sign3A_216 : i32
      %sign3A_218 = arith.extui %sign3A_217 : i1 to i32
      %sign3A_219 = arith.constant 0 : i32
      %sign3A_220 = arith.cmpi slt, %jit3A_204, %sign3A_219 : i32
      %sign3A_221 = arith.extui %sign3A_220 : i1 to i32
      %sign3A_222 = arith.subi %sign3A_218, %sign3A_221 : i32
      %ne3A_223 = vector.broadcast %sign3A_222 : i32 to vector<16xi32>
      %ne3A_224 = arith.cmpi ne, %sign3A_215, %ne3A_223 : vector<16xi32>
      %rem3A_225 = vector.broadcast %jit3A_204 : i32 to vector<16xi32>
      %rem3A_226 = arith.remsi %add3A_150, %rem3A_225 : vector<16xi32>
      %ne3A_227 = arith.constant 0 : i32
      %ne3A_228 = vector.broadcast %ne3A_227 : i32 to vector<16xi32>
      %ne3A_229 = arith.cmpi ne, %rem3A_226, %ne3A_228 : vector<16xi32>
      %and3A_230 = arith.andi %ne3A_224, %ne3A_229 : vector<16xi1>
      %sub3A_231 = arith.constant 1 : i32
      %sub3A_232 = vector.broadcast %sub3A_231 : i32 to vector<16xi32>
      %sub3A_233 = arith.subi %div3A_206, %sub3A_232 : vector<16xi32>
      %select_n3A_234 = arith.select %and3A_230, %sub3A_233, %div3A_206 : vector<16xi1>, vector<16xi32>
      %jit3A_235 = arith.constant 128 : i32
      %eq3A_236 = arith.constant 0 : i32
      %eq3A_237 = arith.cmpi eq, %jit3A_235, %eq3A_236 : i32
      %jit3A_238 = arith.constant 1 : i32
      %select_n3A_239 = arith.select %eq3A_237, %jit3A_238, %jit3A_235 : i32
      %rem3A_240 = vector.broadcast %select_n3A_239 : i32 to vector<16xi32>
      %rem3A_241 = arith.remsi %add3A_150, %rem3A_240 : vector<16xi32>
      %ne3A_242 = arith.constant 0 : i32
      %ne3A_243 = vector.broadcast %ne3A_242 : i32 to vector<16xi32>
      %ne3A_244 = arith.cmpi ne, %rem3A_241, %ne3A_243 : vector<16xi32>
      %lt3A_245 = arith.constant 0 : i32
      %lt3A_246 = vector.broadcast %lt3A_245 : i32 to vector<16xi32>
      %lt3A_247 = arith.cmpi slt, %rem3A_241, %lt3A_246 : vector<16xi32>
      %lt3A_248 = arith.constant 0 : i32
      %lt3A_249 = arith.cmpi slt, %select_n3A_239, %lt3A_248 : i32
      %ne3A_250 = vector.broadcast %lt3A_249 : i1 to vector<16xi1>
      %ne3A_251 = vector.broadcast %ne3A_250 : vector<16xi1> to vector<16xi1>
      %ne3A_252 = arith.xori %lt3A_247, %ne3A_251 : vector<16xi1>
      %and3A_253 = arith.andi %ne3A_252, %ne3A_244 : vector<16xi1>
      %add3A_254 = vector.broadcast %select_n3A_239 : i32 to vector<16xi32>
      %add3A_255 = arith.addi %rem3A_241, %add3A_254 : vector<16xi32>
      %select_n3A_256 = arith.select %and3A_253, %add3A_255, %rem3A_241 : vector<16xi1>, vector<16xi32>
      tpu.vector_store_idx %arg19[%select_n3A_234, %select_n3A_256], %gather3A_146 : memref<26x128xi32, #tpu.memory_space<vmem>>[vector<16xi32>, vector<16xi32>], vector<16xi32>,
      %add3A_257 = arith.constant 16 : i32
      %add3A_258 = arith.addi %scan3A_22, %add3A_257 : i32
      %add3A_259 = vector.broadcast %add3A_258 : i32 to vector<16xi32>
      %add3A_260 = arith.addi %add3A_259, %iota3A : vector<16xi32>
      %jit3A_261 = arith.constant 128 : i32
      %div3A_262 = vector.broadcast %jit3A_261 : i32 to vector<16xi32>
      %div3A_263 = arith.divsi %add3A_260, %div3A_262 : vector<16xi32>
      %sign3A_264 = arith.constant 0 : i32
      %sign3A_265 = vector.broadcast %sign3A_264 : i32 to vector<16xi32>
      %sign3A_266 = arith.cmpi sgt, %add3A_260, %sign3A_265 : vector<16xi32>
      %sign3A_267 = arith.extui %sign3A_266 : vector<16xi1> to vector<16xi32>
      %sign3A_268 = arith.constant 0 : i32
      %sign3A_269 = vector.broadcast %sign3A_268 : i32 to vector<16xi32>
      %sign3A_270 = arith.cmpi slt, %add3A_260, %sign3A_269 : vector<16xi32>
      %sign3A_271 = arith.extui %sign3A_270 : vector<16xi1> to vector<16xi32>
      %sign3A_272 = arith.subi %sign3A_267, %sign3A_271 : vector<16xi32>
      %sign3A_273 = arith.constant 0 : i32
      %sign3A_274 = arith.cmpi sgt, %jit3A_261, %sign3A_273 : i32
      %sign3A_275 = arith.extui %sign3A_274 : i1 to i32
      %sign3A_276 = arith.constant 0 : i32
      %sign3A_277 = arith.cmpi slt, %jit3A_261, %sign3A_276 : i32
      %sign3A_278 = arith.extui %sign3A_277 : i1 to i32
      %sign3A_279 = arith.subi %sign3A_275, %sign3A_278 : i32
      %ne3A_280 = vector.broadcast %sign3A_279 : i32 to vector<16xi32>
      %ne3A_281 = arith.cmpi ne, %sign3A_272, %ne3A_280 : vector<16xi32>
      %rem3A_282 = vector.broadcast %jit3A_261 : i32 to vector<16xi32>
      %rem3A_283 = arith.remsi %add3A_260, %rem3A_282 : vector<16xi32>
      %ne3A_284 = arith.constant 0 : i32
      %ne3A_285 = vector.broadcast %ne3A_284 : i32 to vector<16xi32>
      %ne3A_286 = arith.cmpi ne, %rem3A_283, %ne3A_285 : vector<16xi32>
      %and3A_287 = arith.andi %ne3A_281, %ne3A_286 : vector<16xi1>
      %sub3A_288 = arith.constant 1 : i32
      %sub3A_289 = vector.broadcast %sub3A_288 : i32 to vector<16xi32>
      %sub3A_290 = arith.subi %div3A_263, %sub3A_289 : vector<16xi32>
      %select_n3A_291 = arith.select %and3A_287, %sub3A_290, %div3A_263 : vector<16xi1>, vector<16xi32>
      %jit3A_292 = arith.constant 128 : i32
      %eq3A_293 = arith.constant 0 : i32
      %eq3A_294 = arith.cmpi eq, %jit3A_292, %eq3A_293 : i32
      %jit3A_295 = arith.constant 1 : i32
      %select_n3A_296 = arith.select %eq3A_294, %jit3A_295, %jit3A_292 : i32
      %rem3A_297 = vector.broadcast %select_n3A_296 : i32 to vector<16xi32>
      %rem3A_298 = arith.remsi %add3A_260, %rem3A_297 : vector<16xi32>
      %ne3A_299 = arith.constant 0 : i32
      %ne3A_300 = vector.broadcast %ne3A_299 : i32 to vector<16xi32>
      %ne3A_301 = arith.cmpi ne, %rem3A_298, %ne3A_300 : vector<16xi32>
      %lt3A_302 = arith.constant 0 : i32
      %lt3A_303 = vector.broadcast %lt3A_302 : i32 to vector<16xi32>
      %lt3A_304 = arith.cmpi slt, %rem3A_298, %lt3A_303 : vector<16xi32>
      %lt3A_305 = arith.constant 0 : i32
      %lt3A_306 = arith.cmpi slt, %select_n3A_296, %lt3A_305 : i32
      %ne3A_307 = vector.broadcast %lt3A_306 : i1 to vector<16xi1>
      %ne3A_308 = vector.broadcast %ne3A_307 : vector<16xi1> to vector<16xi1>
      %ne3A_309 = arith.xori %lt3A_304, %ne3A_308 : vector<16xi1>
      %and3A_310 = arith.andi %ne3A_309, %ne3A_301 : vector<16xi1>
      %add3A_311 = vector.broadcast %select_n3A_296 : i32 to vector<16xi32>
      %add3A_312 = arith.addi %rem3A_298, %add3A_311 : vector<16xi32>
      %select_n3A_313 = arith.select %and3A_310, %add3A_312, %rem3A_298 : vector<16xi1>, vector<16xi32>
      tpu.vector_store_idx %arg18[%select_n3A_291, %select_n3A_313], %gather3A : memref<26x128xi32, #tpu.memory_space<vmem>>[vector<16xi32>, vector<16xi32>], vector<16xi32>,
      %jit3A_314 = arith.constant 128 : i32
      %div3A_315 = vector.broadcast %jit3A_314 : i32 to vector<16xi32>
      %div3A_316 = arith.divsi %add3A_260, %div3A_315 : vector<16xi32>
      %sign3A_317 = arith.constant 0 : i32
      %sign3A_318 = vector.broadcast %sign3A_317 : i32 to vector<16xi32>
      %sign3A_319 = arith.cmpi sgt, %add3A_260, %sign3A_318 : vector<16xi32>
      %sign3A_320 = arith.extui %sign3A_319 : vector<16xi1> to vector<16xi32>
      %sign3A_321 = arith.constant 0 : i32
      %sign3A_322 = vector.broadcast %sign3A_321 : i32 to vector<16xi32>
      %sign3A_323 = arith.cmpi slt, %add3A_260, %sign3A_322 : vector<16xi32>
      %sign3A_324 = arith.extui %sign3A_323 : vector<16xi1> to vector<16xi32>
      %sign3A_325 = arith.subi %sign3A_320, %sign3A_324 : vector<16xi32>
      %sign3A_326 = arith.constant 0 : i32
      %sign3A_327 = arith.cmpi sgt, %jit3A_314, %sign3A_326 : i32
      %sign3A_328 = arith.extui %sign3A_327 : i1 to i32
      %sign3A_329 = arith.constant 0 : i32
      %sign3A_330 = arith.cmpi slt, %jit3A_314, %sign3A_329 : i32
      %sign3A_331 = arith.extui %sign3A_330 : i1 to i32
      %sign3A_332 = arith.subi %sign3A_328, %sign3A_331 : i32
      %ne3A_333 = vector.broadcast %sign3A_332 : i32 to vector<16xi32>
      %ne3A_334 = arith.cmpi ne, %sign3A_325, %ne3A_333 : vector<16xi32>
      %rem3A_335 = vector.broadcast %jit3A_314 : i32 to vector<16xi32>
      %rem3A_336 = arith.remsi %add3A_260, %rem3A_335 : vector<16xi32>
      %ne3A_337 = arith.constant 0 : i32
      %ne3A_338 = vector.broadcast %ne3A_337 : i32 to vector<16xi32>
      %ne3A_339 = arith.cmpi ne, %rem3A_336, %ne3A_338 : vector<16xi32>
      %and3A_340 = arith.andi %ne3A_334, %ne3A_339 : vector<16xi1>
      %sub3A_341 = arith.constant 1 : i32
      %sub3A_342 = vector.broadcast %sub3A_341 : i32 to vector<16xi32>
      %sub3A_343 = arith.subi %div3A_316, %sub3A_342 : vector<16xi32>
      %select_n3A_344 = arith.select %and3A_340, %sub3A_343, %div3A_316 : vector<16xi1>, vector<16xi32>
      %jit3A_345 = arith.constant 128 : i32
      %eq3A_346 = arith.constant 0 : i32
      %eq3A_347 = arith.cmpi eq, %jit3A_345, %eq3A_346 : i32
      %jit3A_348 = arith.constant 1 : i32
      %select_n3A_349 = arith.select %eq3A_347, %jit3A_348, %jit3A_345 : i32
      %rem3A_350 = vector.broadcast %select_n3A_349 : i32 to vector<16xi32>
      %rem3A_351 = arith.remsi %add3A_260, %rem3A_350 : vector<16xi32>
      %ne3A_352 = arith.constant 0 : i32
      %ne3A_353 = vector.broadcast %ne3A_352 : i32 to vector<16xi32>
      %ne3A_354 = arith.cmpi ne, %rem3A_351, %ne3A_353 : vector<16xi32>
      %lt3A_355 = arith.constant 0 : i32
      %lt3A_356 = vector.broadcast %lt3A_355 : i32 to vector<16xi32>
      %lt3A_357 = arith.cmpi slt, %rem3A_351, %lt3A_356 : vector<16xi32>
      %lt3A_358 = arith.constant 0 : i32
      %lt3A_359 = arith.cmpi slt, %select_n3A_349, %lt3A_358 : i32
      %ne3A_360 = vector.broadcast %lt3A_359 : i1 to vector<16xi1>
      %ne3A_361 = vector.broadcast %ne3A_360 : vector<16xi1> to vector<16xi1>
      %ne3A_362 = arith.xori %lt3A_357, %ne3A_361 : vector<16xi1>
      %and3A_363 = arith.andi %ne3A_362, %ne3A_354 : vector<16xi1>
      %add3A_364 = vector.broadcast %select_n3A_349 : i32 to vector<16xi32>
      %add3A_365 = arith.addi %rem3A_351, %add3A_364 : vector<16xi32>
      %select_n3A_366 = arith.select %and3A_363, %add3A_365, %rem3A_351 : vector<16xi1>, vector<16xi32>
      tpu.vector_store_idx %arg19[%select_n3A_344, %select_n3A_366], %gather3A_146 : memref<26x128xi32, #tpu.memory_space<vmem>>[vector<16xi32>, vector<16xi32>], vector<16xi32>,
      %add3A_367 = arith.constant 32 : i32
      %add3A_368 = arith.addi %scan3A_22, %add3A_367 : i32
      %add3A_369 = vector.broadcast %add3A_368 : i32 to vector<16xi32>
      %add3A_370 = arith.addi %add3A_369, %iota3A : vector<16xi32>
      %jit3A_371 = arith.constant 128 : i32
      %div3A_372 = vector.broadcast %jit3A_371 : i32 to vector<16xi32>
      %div3A_373 = arith.divsi %add3A_370, %div3A_372 : vector<16xi32>
      %sign3A_374 = arith.constant 0 : i32
      %sign3A_375 = vector.broadcast %sign3A_374 : i32 to vector<16xi32>
      %sign3A_376 = arith.cmpi sgt, %add3A_370, %sign3A_375 : vector<16xi32>
      %sign3A_377 = arith.extui %sign3A_376 : vector<16xi1> to vector<16xi32>
      %sign3A_378 = arith.constant 0 : i32
      %sign3A_379 = vector.broadcast %sign3A_378 : i32 to vector<16xi32>
      %sign3A_380 = arith.cmpi slt, %add3A_370, %sign3A_379 : vector<16xi32>
      %sign3A_381 = arith.extui %sign3A_380 : vector<16xi1> to vector<16xi32>
      %sign3A_382 = arith.subi %sign3A_377, %sign3A_381 : vector<16xi32>
      %sign3A_383 = arith.constant 0 : i32
      %sign3A_384 = arith.cmpi sgt, %jit3A_371, %sign3A_383 : i32
      %sign3A_385 = arith.extui %sign3A_384 : i1 to i32
      %sign3A_386 = arith.constant 0 : i32
      %sign3A_387 = arith.cmpi slt, %jit3A_371, %sign3A_386 : i32
      %sign3A_388 = arith.extui %sign3A_387 : i1 to i32
      %sign3A_389 = arith.subi %sign3A_385, %sign3A_388 : i32
      %ne3A_390 = vector.broadcast %sign3A_389 : i32 to vector<16xi32>
      %ne3A_391 = arith.cmpi ne, %sign3A_382, %ne3A_390 : vector<16xi32>
      %rem3A_392 = vector.broadcast %jit3A_371 : i32 to vector<16xi32>
      %rem3A_393 = arith.remsi %add3A_370, %rem3A_392 : vector<16xi32>
      %ne3A_394 = arith.constant 0 : i32
      %ne3A_395 = vector.broadcast %ne3A_394 : i32 to vector<16xi32>
      %ne3A_396 = arith.cmpi ne, %rem3A_393, %ne3A_395 : vector<16xi32>
      %and3A_397 = arith.andi %ne3A_391, %ne3A_396 : vector<16xi1>
      %sub3A_398 = arith.constant 1 : i32
      %sub3A_399 = vector.broadcast %sub3A_398 : i32 to vector<16xi32>
      %sub3A_400 = arith.subi %div3A_373, %sub3A_399 : vector<16xi32>
      %select_n3A_401 = arith.select %and3A_397, %sub3A_400, %div3A_373 : vector<16xi1>, vector<16xi32>
      %jit3A_402 = arith.constant 128 : i32
      %eq3A_403 = arith.constant 0 : i32
      %eq3A_404 = arith.cmpi eq, %jit3A_402, %eq3A_403 : i32
      %jit3A_405 = arith.constant 1 : i32
      %select_n3A_406 = arith.select %eq3A_404, %jit3A_405, %jit3A_402 : i32
      %rem3A_407 = vector.broadcast %select_n3A_406 : i32 to vector<16xi32>
      %rem3A_408 = arith.remsi %add3A_370, %rem3A_407 : vector<16xi32>
      %ne3A_409 = arith.constant 0 : i32
      %ne3A_410 = vector.broadcast %ne3A_409 : i32 to vector<16xi32>
      %ne3A_411 = arith.cmpi ne, %rem3A_408, %ne3A_410 : vector<16xi32>
      %lt3A_412 = arith.constant 0 : i32
      %lt3A_413 = vector.broadcast %lt3A_412 : i32 to vector<16xi32>
      %lt3A_414 = arith.cmpi slt, %rem3A_408, %lt3A_413 : vector<16xi32>
      %lt3A_415 = arith.constant 0 : i32
      %lt3A_416 = arith.cmpi slt, %select_n3A_406, %lt3A_415 : i32
      %ne3A_417 = vector.broadcast %lt3A_416 : i1 to vector<16xi1>
      %ne3A_418 = vector.broadcast %ne3A_417 : vector<16xi1> to vector<16xi1>
      %ne3A_419 = arith.xori %lt3A_414, %ne3A_418 : vector<16xi1>
      %and3A_420 = arith.andi %ne3A_419, %ne3A_411 : vector<16xi1>
      %add3A_421 = vector.broadcast %select_n3A_406 : i32 to vector<16xi32>
      %add3A_422 = arith.addi %rem3A_408, %add3A_421 : vector<16xi32>
      %select_n3A_423 = arith.select %and3A_420, %add3A_422, %rem3A_408 : vector<16xi1>, vector<16xi32>
      tpu.vector_store_idx %arg18[%select_n3A_401, %select_n3A_423], %gather3A : memref<26x128xi32, #tpu.memory_space<vmem>>[vector<16xi32>, vector<16xi32>], vector<16xi32>,
      %jit3A_424 = arith.constant 128 : i32
      %div3A_425 = vector.broadcast %jit3A_424 : i32 to vector<16xi32>
      %div3A_426 = arith.divsi %add3A_370, %div3A_425 : vector<16xi32>
      %sign3A_427 = arith.constant 0 : i32
      %sign3A_428 = vector.broadcast %sign3A_427 : i32 to vector<16xi32>
      %sign3A_429 = arith.cmpi sgt, %add3A_370, %sign3A_428 : vector<16xi32>
      %sign3A_430 = arith.extui %sign3A_429 : vector<16xi1> to vector<16xi32>
      %sign3A_431 = arith.constant 0 : i32
      %sign3A_432 = vector.broadcast %sign3A_431 : i32 to vector<16xi32>
      %sign3A_433 = arith.cmpi slt, %add3A_370, %sign3A_432 : vector<16xi32>
      %sign3A_434 = arith.extui %sign3A_433 : vector<16xi1> to vector<16xi32>
      %sign3A_435 = arith.subi %sign3A_430, %sign3A_434 : vector<16xi32>
      %sign3A_436 = arith.constant 0 : i32
      %sign3A_437 = arith.cmpi sgt, %jit3A_424, %sign3A_436 : i32
      %sign3A_438 = arith.extui %sign3A_437 : i1 to i32
      %sign3A_439 = arith.constant 0 : i32
      %sign3A_440 = arith.cmpi slt, %jit3A_424, %sign3A_439 : i32
      %sign3A_441 = arith.extui %sign3A_440 : i1 to i32
      %sign3A_442 = arith.subi %sign3A_438, %sign3A_441 : i32
      %ne3A_443 = vector.broadcast %sign3A_442 : i32 to vector<16xi32>
      %ne3A_444 = arith.cmpi ne, %sign3A_435, %ne3A_443 : vector<16xi32>
      %rem3A_445 = vector.broadcast %jit3A_424 : i32 to vector<16xi32>
      %rem3A_446 = arith.remsi %add3A_370, %rem3A_445 : vector<16xi32>
      %ne3A_447 = arith.constant 0 : i32
      %ne3A_448 = vector.broadcast %ne3A_447 : i32 to vector<16xi32>
      %ne3A_449 = arith.cmpi ne, %rem3A_446, %ne3A_448 : vector<16xi32>
      %and3A_450 = arith.andi %ne3A_444, %ne3A_449 : vector<16xi1>
      %sub3A_451 = arith.constant 1 : i32
      %sub3A_452 = vector.broadcast %sub3A_451 : i32 to vector<16xi32>
      %sub3A_453 = arith.subi %div3A_426, %sub3A_452 : vector<16xi32>
      %select_n3A_454 = arith.select %and3A_450, %sub3A_453, %div3A_426 : vector<16xi1>, vector<16xi32>
      %jit3A_455 = arith.constant 128 : i32
      %eq3A_456 = arith.constant 0 : i32
      %eq3A_457 = arith.cmpi eq, %jit3A_455, %eq3A_456 : i32
      %jit3A_458 = arith.constant 1 : i32
      %select_n3A_459 = arith.select %eq3A_457, %jit3A_458, %jit3A_455 : i32
      %rem3A_460 = vector.broadcast %select_n3A_459 : i32 to vector<16xi32>
      %rem3A_461 = arith.remsi %add3A_370, %rem3A_460 : vector<16xi32>
      %ne3A_462 = arith.constant 0 : i32
      %ne3A_463 = vector.broadcast %ne3A_462 : i32 to vector<16xi32>
      %ne3A_464 = arith.cmpi ne, %rem3A_461, %ne3A_463 : vector<16xi32>
      %lt3A_465 = arith.constant 0 : i32
      %lt3A_466 = vector.broadcast %lt3A_465 : i32 to vector<16xi32>
      %lt3A_467 = arith.cmpi slt, %rem3A_461, %lt3A_466 : vector<16xi32>
      %lt3A_468 = arith.constant 0 : i32
      %lt3A_469 = arith.cmpi slt, %select_n3A_459, %lt3A_468 : i32
      %ne3A_470 = vector.broadcast %lt3A_469 : i1 to vector<16xi1>
      %ne3A_471 = vector.broadcast %ne3A_470 : vector<16xi1> to vector<16xi1>
      %ne3A_472 = arith.xori %lt3A_467, %ne3A_471 : vector<16xi1>
      %and3A_473 = arith.andi %ne3A_472, %ne3A_464 : vector<16xi1>
      %add3A_474 = vector.broadcast %select_n3A_459 : i32 to vector<16xi32>
      %add3A_475 = arith.addi %rem3A_461, %add3A_474 : vector<16xi32>
      %select_n3A_476 = arith.select %and3A_473, %add3A_475, %rem3A_461 : vector<16xi1>, vector<16xi32>
      tpu.vector_store_idx %arg19[%select_n3A_454, %select_n3A_476], %gather3A_146 : memref<26x128xi32, #tpu.memory_space<vmem>>[vector<16xi32>, vector<16xi32>], vector<16xi32>,
      %add3A_477 = arith.constant 48 : i32
      %add3A_478 = arith.addi %scan3A_22, %add3A_477 : i32
      %add3A_479 = vector.broadcast %add3A_478 : i32 to vector<16xi32>
      %add3A_480 = arith.addi %add3A_479, %iota3A : vector<16xi32>
      %jit3A_481 = arith.constant 128 : i32
      %div3A_482 = vector.broadcast %jit3A_481 : i32 to vector<16xi32>
      %div3A_483 = arith.divsi %add3A_480, %div3A_482 : vector<16xi32>
      %sign3A_484 = arith.constant 0 : i32
      %sign3A_485 = vector.broadcast %sign3A_484 : i32 to vector<16xi32>
      %sign3A_486 = arith.cmpi sgt, %add3A_480, %sign3A_485 : vector<16xi32>
      %sign3A_487 = arith.extui %sign3A_486 : vector<16xi1> to vector<16xi32>
      %sign3A_488 = arith.constant 0 : i32
      %sign3A_489 = vector.broadcast %sign3A_488 : i32 to vector<16xi32>
      %sign3A_490 = arith.cmpi slt, %add3A_480, %sign3A_489 : vector<16xi32>
      %sign3A_491 = arith.extui %sign3A_490 : vector<16xi1> to vector<16xi32>
      %sign3A_492 = arith.subi %sign3A_487, %sign3A_491 : vector<16xi32>
      %sign3A_493 = arith.constant 0 : i32
      %sign3A_494 = arith.cmpi sgt, %jit3A_481, %sign3A_493 : i32
      %sign3A_495 = arith.extui %sign3A_494 : i1 to i32
      %sign3A_496 = arith.constant 0 : i32
      %sign3A_497 = arith.cmpi slt, %jit3A_481, %sign3A_496 : i32
      %sign3A_498 = arith.extui %sign3A_497 : i1 to i32
      %sign3A_499 = arith.subi %sign3A_495, %sign3A_498 : i32
      %ne3A_500 = vector.broadcast %sign3A_499 : i32 to vector<16xi32>
      %ne3A_501 = arith.cmpi ne, %sign3A_492, %ne3A_500 : vector<16xi32>
      %rem3A_502 = vector.broadcast %jit3A_481 : i32 to vector<16xi32>
      %rem3A_503 = arith.remsi %add3A_480, %rem3A_502 : vector<16xi32>
      %ne3A_504 = arith.constant 0 : i32
      %ne3A_505 = vector.broadcast %ne3A_504 : i32 to vector<16xi32>
      %ne3A_506 = arith.cmpi ne, %rem3A_503, %ne3A_505 : vector<16xi32>
      %and3A_507 = arith.andi %ne3A_501, %ne3A_506 : vector<16xi1>
      %sub3A_508 = arith.constant 1 : i32
      %sub3A_509 = vector.broadcast %sub3A_508 : i32 to vector<16xi32>
      %sub3A_510 = arith.subi %div3A_483, %sub3A_509 : vector<16xi32>
      %select_n3A_511 = arith.select %and3A_507, %sub3A_510, %div3A_483 : vector<16xi1>, vector<16xi32>
      %jit3A_512 = arith.constant 128 : i32
      %eq3A_513 = arith.constant 0 : i32
      %eq3A_514 = arith.cmpi eq, %jit3A_512, %eq3A_513 : i32
      %jit3A_515 = arith.constant 1 : i32
      %select_n3A_516 = arith.select %eq3A_514, %jit3A_515, %jit3A_512 : i32
      %rem3A_517 = vector.broadcast %select_n3A_516 : i32 to vector<16xi32>
      %rem3A_518 = arith.remsi %add3A_480, %rem3A_517 : vector<16xi32>
      %ne3A_519 = arith.constant 0 : i32
      %ne3A_520 = vector.broadcast %ne3A_519 : i32 to vector<16xi32>
      %ne3A_521 = arith.cmpi ne, %rem3A_518, %ne3A_520 : vector<16xi32>
      %lt3A_522 = arith.constant 0 : i32
      %lt3A_523 = vector.broadcast %lt3A_522 : i32 to vector<16xi32>
      %lt3A_524 = arith.cmpi slt, %rem3A_518, %lt3A_523 : vector<16xi32>
      %lt3A_525 = arith.constant 0 : i32
      %lt3A_526 = arith.cmpi slt, %select_n3A_516, %lt3A_525 : i32
      %ne3A_527 = vector.broadcast %lt3A_526 : i1 to vector<16xi1>
      %ne3A_528 = vector.broadcast %ne3A_527 : vector<16xi1> to vector<16xi1>
      %ne3A_529 = arith.xori %lt3A_524, %ne3A_528 : vector<16xi1>
      %and3A_530 = arith.andi %ne3A_529, %ne3A_521 : vector<16xi1>
      %add3A_531 = vector.broadcast %select_n3A_516 : i32 to vector<16xi32>
      %add3A_532 = arith.addi %rem3A_518, %add3A_531 : vector<16xi32>
      %select_n3A_533 = arith.select %and3A_530, %add3A_532, %rem3A_518 : vector<16xi1>, vector<16xi32>
      tpu.vector_store_idx %arg18[%select_n3A_511, %select_n3A_533], %gather3A : memref<26x128xi32, #tpu.memory_space<vmem>>[vector<16xi32>, vector<16xi32>], vector<16xi32>,
      %jit3A_534 = arith.constant 128 : i32
      %div3A_535 = vector.broadcast %jit3A_534 : i32 to vector<16xi32>
      %div3A_536 = arith.divsi %add3A_480, %div3A_535 : vector<16xi32>
      %sign3A_537 = arith.constant 0 : i32
      %sign3A_538 = vector.broadcast %sign3A_537 : i32 to vector<16xi32>
      %sign3A_539 = arith.cmpi sgt, %add3A_480, %sign3A_538 : vector<16xi32>
      %sign3A_540 = arith.extui %sign3A_539 : vector<16xi1> to vector<16xi32>
      %sign3A_541 = arith.constant 0 : i32
      %sign3A_542 = vector.broadcast %sign3A_541 : i32 to vector<16xi32>
      %sign3A_543 = arith.cmpi slt, %add3A_480, %sign3A_542 : vector<16xi32>
      %sign3A_544 = arith.extui %sign3A_543 : vector<16xi1> to vector<16xi32>
      %sign3A_545 = arith.subi %sign3A_540, %sign3A_544 : vector<16xi32>
      %sign3A_546 = arith.constant 0 : i32
      %sign3A_547 = arith.cmpi sgt, %jit3A_534, %sign3A_546 : i32
      %sign3A_548 = arith.extui %sign3A_547 : i1 to i32
      %sign3A_549 = arith.constant 0 : i32
      %sign3A_550 = arith.cmpi slt, %jit3A_534, %sign3A_549 : i32
      %sign3A_551 = arith.extui %sign3A_550 : i1 to i32
      %sign3A_552 = arith.subi %sign3A_548, %sign3A_551 : i32
      %ne3A_553 = vector.broadcast %sign3A_552 : i32 to vector<16xi32>
      %ne3A_554 = arith.cmpi ne, %sign3A_545, %ne3A_553 : vector<16xi32>
      %rem3A_555 = vector.broadcast %jit3A_534 : i32 to vector<16xi32>
      %rem3A_556 = arith.remsi %add3A_480, %rem3A_555 : vector<16xi32>
      %ne3A_557 = arith.constant 0 : i32
      %ne3A_558 = vector.broadcast %ne3A_557 : i32 to vector<16xi32>
      %ne3A_559 = arith.cmpi ne, %rem3A_556, %ne3A_558 : vector<16xi32>
      %and3A_560 = arith.andi %ne3A_554, %ne3A_559 : vector<16xi1>
      %sub3A_561 = arith.constant 1 : i32
      %sub3A_562 = vector.broadcast %sub3A_561 : i32 to vector<16xi32>
      %sub3A_563 = arith.subi %div3A_536, %sub3A_562 : vector<16xi32>
      %select_n3A_564 = arith.select %and3A_560, %sub3A_563, %div3A_536 : vector<16xi1>, vector<16xi32>
      %jit3A_565 = arith.constant 128 : i32
      %eq3A_566 = arith.constant 0 : i32
      %eq3A_567 = arith.cmpi eq, %jit3A_565, %eq3A_566 : i32
      %jit3A_568 = arith.constant 1 : i32
      %select_n3A_569 = arith.select %eq3A_567, %jit3A_568, %jit3A_565 : i32
      %rem3A_570 = vector.broadcast %select_n3A_569 : i32 to vector<16xi32>
      %rem3A_571 = arith.remsi %add3A_480, %rem3A_570 : vector<16xi32>
      %ne3A_572 = arith.constant 0 : i32
      %ne3A_573 = vector.broadcast %ne3A_572 : i32 to vector<16xi32>
      %ne3A_574 = arith.cmpi ne, %rem3A_571, %ne3A_573 : vector<16xi32>
      %lt3A_575 = arith.constant 0 : i32
      %lt3A_576 = vector.broadcast %lt3A_575 : i32 to vector<16xi32>
      %lt3A_577 = arith.cmpi slt, %rem3A_571, %lt3A_576 : vector<16xi32>
      %lt3A_578 = arith.constant 0 : i32
      %lt3A_579 = arith.cmpi slt, %select_n3A_569, %lt3A_578 : i32
      %ne3A_580 = vector.broadcast %lt3A_579 : i1 to vector<16xi1>
      %ne3A_581 = vector.broadcast %ne3A_580 : vector<16xi1> to vector<16xi1>
      %ne3A_582 = arith.xori %lt3A_577, %ne3A_581 : vector<16xi1>
      %and3A_583 = arith.andi %ne3A_582, %ne3A_574 : vector<16xi1>
      %add3A_584 = vector.broadcast %select_n3A_569 : i32 to vector<16xi32>
      %add3A_585 = arith.addi %rem3A_571, %add3A_584 : vector<16xi32>
      %select_n3A_586 = arith.select %and3A_583, %add3A_585, %rem3A_571 : vector<16xi1>, vector<16xi32>
      tpu.vector_store_idx %arg19[%select_n3A_564, %select_n3A_586], %gather3A_146 : memref<26x128xi32, #tpu.memory_space<vmem>>[vector<16xi32>, vector<16xi32>], vector<16xi32>,
      %add3A_587 = arith.constant 64 : i32
      %add3A_588 = arith.addi %scan3A_22, %add3A_587 : i32
      %add3A_589 = vector.broadcast %add3A_588 : i32 to vector<16xi32>
      %add3A_590 = arith.addi %add3A_589, %iota3A : vector<16xi32>
      %jit3A_591 = arith.constant 128 : i32
      %div3A_592 = vector.broadcast %jit3A_591 : i32 to vector<16xi32>
      %div3A_593 = arith.divsi %add3A_590, %div3A_592 : vector<16xi32>
      %sign3A_594 = arith.constant 0 : i32
      %sign3A_595 = vector.broadcast %sign3A_594 : i32 to vector<16xi32>
      %sign3A_596 = arith.cmpi sgt, %add3A_590, %sign3A_595 : vector<16xi32>
      %sign3A_597 = arith.extui %sign3A_596 : vector<16xi1> to vector<16xi32>
      %sign3A_598 = arith.constant 0 : i32
      %sign3A_599 = vector.broadcast %sign3A_598 : i32 to vector<16xi32>
      %sign3A_600 = arith.cmpi slt, %add3A_590, %sign3A_599 : vector<16xi32>
      %sign3A_601 = arith.extui %sign3A_600 : vector<16xi1> to vector<16xi32>
      %sign3A_602 = arith.subi %sign3A_597, %sign3A_601 : vector<16xi32>
      %sign3A_603 = arith.constant 0 : i32
      %sign3A_604 = arith.cmpi sgt, %jit3A_591, %sign3A_603 : i32
      %sign3A_605 = arith.extui %sign3A_604 : i1 to i32
      %sign3A_606 = arith.constant 0 : i32
      %sign3A_607 = arith.cmpi slt, %jit3A_591, %sign3A_606 : i32
      %sign3A_608 = arith.extui %sign3A_607 : i1 to i32
      %sign3A_609 = arith.subi %sign3A_605, %sign3A_608 : i32
      %ne3A_610 = vector.broadcast %sign3A_609 : i32 to vector<16xi32>
      %ne3A_611 = arith.cmpi ne, %sign3A_602, %ne3A_610 : vector<16xi32>
      %rem3A_612 = vector.broadcast %jit3A_591 : i32 to vector<16xi32>
      %rem3A_613 = arith.remsi %add3A_590, %rem3A_612 : vector<16xi32>
      %ne3A_614 = arith.constant 0 : i32
      %ne3A_615 = vector.broadcast %ne3A_614 : i32 to vector<16xi32>
      %ne3A_616 = arith.cmpi ne, %rem3A_613, %ne3A_615 : vector<16xi32>
      %and3A_617 = arith.andi %ne3A_611, %ne3A_616 : vector<16xi1>
      %sub3A_618 = arith.constant 1 : i32
      %sub3A_619 = vector.broadcast %sub3A_618 : i32 to vector<16xi32>
      %sub3A_620 = arith.subi %div3A_593, %sub3A_619 : vector<16xi32>
      %select_n3A_621 = arith.select %and3A_617, %sub3A_620, %div3A_593 : vector<16xi1>, vector<16xi32>
      %jit3A_622 = arith.constant 128 : i32
      %eq3A_623 = arith.constant 0 : i32
      %eq3A_624 = arith.cmpi eq, %jit3A_622, %eq3A_623 : i32
      %jit3A_625 = arith.constant 1 : i32
      %select_n3A_626 = arith.select %eq3A_624, %jit3A_625, %jit3A_622 : i32
      %rem3A_627 = vector.broadcast %select_n3A_626 : i32 to vector<16xi32>
      %rem3A_628 = arith.remsi %add3A_590, %rem3A_627 : vector<16xi32>
      %ne3A_629 = arith.constant 0 : i32
      %ne3A_630 = vector.broadcast %ne3A_629 : i32 to vector<16xi32>
      %ne3A_631 = arith.cmpi ne, %rem3A_628, %ne3A_630 : vector<16xi32>
      %lt3A_632 = arith.constant 0 : i32
      %lt3A_633 = vector.broadcast %lt3A_632 : i32 to vector<16xi32>
      %lt3A_634 = arith.cmpi slt, %rem3A_628, %lt3A_633 : vector<16xi32>
      %lt3A_635 = arith.constant 0 : i32
      %lt3A_636 = arith.cmpi slt, %select_n3A_626, %lt3A_635 : i32
      %ne3A_637 = vector.broadcast %lt3A_636 : i1 to vector<16xi1>
      %ne3A_638 = vector.broadcast %ne3A_637 : vector<16xi1> to vector<16xi1>
      %ne3A_639 = arith.xori %lt3A_634, %ne3A_638 : vector<16xi1>
      %and3A_640 = arith.andi %ne3A_639, %ne3A_631 : vector<16xi1>
      %add3A_641 = vector.broadcast %select_n3A_626 : i32 to vector<16xi32>
      %add3A_642 = arith.addi %rem3A_628, %add3A_641 : vector<16xi32>
      %select_n3A_643 = arith.select %and3A_640, %add3A_642, %rem3A_628 : vector<16xi1>, vector<16xi32>
      tpu.vector_store_idx %arg18[%select_n3A_621, %select_n3A_643], %gather3A : memref<26x128xi32, #tpu.memory_space<vmem>>[vector<16xi32>, vector<16xi32>], vector<16xi32>,
      %jit3A_644 = arith.constant 128 : i32
      %div3A_645 = vector.broadcast %jit3A_644 : i32 to vector<16xi32>
      %div3A_646 = arith.divsi %add3A_590, %div3A_645 : vector<16xi32>
      %sign3A_647 = arith.constant 0 : i32
      %sign3A_648 = vector.broadcast %sign3A_647 : i32 to vector<16xi32>
      %sign3A_649 = arith.cmpi sgt, %add3A_590, %sign3A_648 : vector<16xi32>
      %sign3A_650 = arith.extui %sign3A_649 : vector<16xi1> to vector<16xi32>
      %sign3A_651 = arith.constant 0 : i32
      %sign3A_652 = vector.broadcast %sign3A_651 : i32 to vector<16xi32>
      %sign3A_653 = arith.cmpi slt, %add3A_590, %sign3A_652 : vector<16xi32>
      %sign3A_654 = arith.extui %sign3A_653 : vector<16xi1> to vector<16xi32>
      %sign3A_655 = arith.subi %sign3A_650, %sign3A_654 : vector<16xi32>
      %sign3A_656 = arith.constant 0 : i32
      %sign3A_657 = arith.cmpi sgt, %jit3A_644, %sign3A_656 : i32
      %sign3A_658 = arith.extui %sign3A_657 : i1 to i32
      %sign3A_659 = arith.constant 0 : i32
      %sign3A_660 = arith.cmpi slt, %jit3A_644, %sign3A_659 : i32
      %sign3A_661 = arith.extui %sign3A_660 : i1 to i32
      %sign3A_662 = arith.subi %sign3A_658, %sign3A_661 : i32
      %ne3A_663 = vector.broadcast %sign3A_662 : i32 to vector<16xi32>
      %ne3A_664 = arith.cmpi ne, %sign3A_655, %ne3A_663 : vector<16xi32>
      %rem3A_665 = vector.broadcast %jit3A_644 : i32 to vector<16xi32>
      %rem3A_666 = arith.remsi %add3A_590, %rem3A_665 : vector<16xi32>
      %ne3A_667 = arith.constant 0 : i32
      %ne3A_668 = vector.broadcast %ne3A_667 : i32 to vector<16xi32>
      %ne3A_669 = arith.cmpi ne, %rem3A_666, %ne3A_668 : vector<16xi32>
      %and3A_670 = arith.andi %ne3A_664, %ne3A_669 : vector<16xi1>
      %sub3A_671 = arith.constant 1 : i32
      %sub3A_672 = vector.broadcast %sub3A_671 : i32 to vector<16xi32>
      %sub3A_673 = arith.subi %div3A_646, %sub3A_672 : vector<16xi32>
      %select_n3A_674 = arith.select %and3A_670, %sub3A_673, %div3A_646 : vector<16xi1>, vector<16xi32>
      %jit3A_675 = arith.constant 128 : i32
      %eq3A_676 = arith.constant 0 : i32
      %eq3A_677 = arith.cmpi eq, %jit3A_675, %eq3A_676 : i32
      %jit3A_678 = arith.constant 1 : i32
      %select_n3A_679 = arith.select %eq3A_677, %jit3A_678, %jit3A_675 : i32
      %rem3A_680 = vector.broadcast %select_n3A_679 : i32 to vector<16xi32>
      %rem3A_681 = arith.remsi %add3A_590, %rem3A_680 : vector<16xi32>
      %ne3A_682 = arith.constant 0 : i32
      %ne3A_683 = vector.broadcast %ne3A_682 : i32 to vector<16xi32>
      %ne3A_684 = arith.cmpi ne, %rem3A_681, %ne3A_683 : vector<16xi32>
      %lt3A_685 = arith.constant 0 : i32
      %lt3A_686 = vector.broadcast %lt3A_685 : i32 to vector<16xi32>
      %lt3A_687 = arith.cmpi slt, %rem3A_681, %lt3A_686 : vector<16xi32>
      %lt3A_688 = arith.constant 0 : i32
      %lt3A_689 = arith.cmpi slt, %select_n3A_679, %lt3A_688 : i32
      %ne3A_690 = vector.broadcast %lt3A_689 : i1 to vector<16xi1>
      %ne3A_691 = vector.broadcast %ne3A_690 : vector<16xi1> to vector<16xi1>
      %ne3A_692 = arith.xori %lt3A_687, %ne3A_691 : vector<16xi1>
      %and3A_693 = arith.andi %ne3A_692, %ne3A_684 : vector<16xi1>
      %add3A_694 = vector.broadcast %select_n3A_679 : i32 to vector<16xi32>
      %add3A_695 = arith.addi %rem3A_681, %add3A_694 : vector<16xi32>
      %select_n3A_696 = arith.select %and3A_693, %add3A_695, %rem3A_681 : vector<16xi1>, vector<16xi32>
      tpu.vector_store_idx %arg19[%select_n3A_674, %select_n3A_696], %gather3A_146 : memref<26x128xi32, #tpu.memory_space<vmem>>[vector<16xi32>, vector<16xi32>], vector<16xi32>,
      %add3A_697 = arith.constant 80 : i32
      %add3A_698 = arith.addi %scan3A_22, %add3A_697 : i32
      %add3A_699 = vector.broadcast %add3A_698 : i32 to vector<16xi32>
      %add3A_700 = arith.addi %add3A_699, %iota3A : vector<16xi32>
      %jit3A_701 = arith.constant 128 : i32
      %div3A_702 = vector.broadcast %jit3A_701 : i32 to vector<16xi32>
      %div3A_703 = arith.divsi %add3A_700, %div3A_702 : vector<16xi32>
      %sign3A_704 = arith.constant 0 : i32
      %sign3A_705 = vector.broadcast %sign3A_704 : i32 to vector<16xi32>
      %sign3A_706 = arith.cmpi sgt, %add3A_700, %sign3A_705 : vector<16xi32>
      %sign3A_707 = arith.extui %sign3A_706 : vector<16xi1> to vector<16xi32>
      %sign3A_708 = arith.constant 0 : i32
      %sign3A_709 = vector.broadcast %sign3A_708 : i32 to vector<16xi32>
      %sign3A_710 = arith.cmpi slt, %add3A_700, %sign3A_709 : vector<16xi32>
      %sign3A_711 = arith.extui %sign3A_710 : vector<16xi1> to vector<16xi32>
      %sign3A_712 = arith.subi %sign3A_707, %sign3A_711 : vector<16xi32>
      %sign3A_713 = arith.constant 0 : i32
      %sign3A_714 = arith.cmpi sgt, %jit3A_701, %sign3A_713 : i32
      %sign3A_715 = arith.extui %sign3A_714 : i1 to i32
      %sign3A_716 = arith.constant 0 : i32
      %sign3A_717 = arith.cmpi slt, %jit3A_701, %sign3A_716 : i32
      %sign3A_718 = arith.extui %sign3A_717 : i1 to i32
      %sign3A_719 = arith.subi %sign3A_715, %sign3A_718 : i32
      %ne3A_720 = vector.broadcast %sign3A_719 : i32 to vector<16xi32>
      %ne3A_721 = arith.cmpi ne, %sign3A_712, %ne3A_720 : vector<16xi32>
      %rem3A_722 = vector.broadcast %jit3A_701 : i32 to vector<16xi32>
      %rem3A_723 = arith.remsi %add3A_700, %rem3A_722 : vector<16xi32>
      %ne3A_724 = arith.constant 0 : i32
      %ne3A_725 = vector.broadcast %ne3A_724 : i32 to vector<16xi32>
      %ne3A_726 = arith.cmpi ne, %rem3A_723, %ne3A_725 : vector<16xi32>
      %and3A_727 = arith.andi %ne3A_721, %ne3A_726 : vector<16xi1>
      %sub3A_728 = arith.constant 1 : i32
      %sub3A_729 = vector.broadcast %sub3A_728 : i32 to vector<16xi32>
      %sub3A_730 = arith.subi %div3A_703, %sub3A_729 : vector<16xi32>
      %select_n3A_731 = arith.select %and3A_727, %sub3A_730, %div3A_703 : vector<16xi1>, vector<16xi32>
      %jit3A_732 = arith.constant 128 : i32
      %eq3A_733 = arith.constant 0 : i32
      %eq3A_734 = arith.cmpi eq, %jit3A_732, %eq3A_733 : i32
      %jit3A_735 = arith.constant 1 : i32
      %select_n3A_736 = arith.select %eq3A_734, %jit3A_735, %jit3A_732 : i32
      %rem3A_737 = vector.broadcast %select_n3A_736 : i32 to vector<16xi32>
      %rem3A_738 = arith.remsi %add3A_700, %rem3A_737 : vector<16xi32>
      %ne3A_739 = arith.constant 0 : i32
      %ne3A_740 = vector.broadcast %ne3A_739 : i32 to vector<16xi32>
      %ne3A_741 = arith.cmpi ne, %rem3A_738, %ne3A_740 : vector<16xi32>
      %lt3A_742 = arith.constant 0 : i32
      %lt3A_743 = vector.broadcast %lt3A_742 : i32 to vector<16xi32>
      %lt3A_744 = arith.cmpi slt, %rem3A_738, %lt3A_743 : vector<16xi32>
      %lt3A_745 = arith.constant 0 : i32
      %lt3A_746 = arith.cmpi slt, %select_n3A_736, %lt3A_745 : i32
      %ne3A_747 = vector.broadcast %lt3A_746 : i1 to vector<16xi1>
      %ne3A_748 = vector.broadcast %ne3A_747 : vector<16xi1> to vector<16xi1>
      %ne3A_749 = arith.xori %lt3A_744, %ne3A_748 : vector<16xi1>
      %and3A_750 = arith.andi %ne3A_749, %ne3A_741 : vector<16xi1>
      %add3A_751 = vector.broadcast %select_n3A_736 : i32 to vector<16xi32>
      %add3A_752 = arith.addi %rem3A_738, %add3A_751 : vector<16xi32>
      %select_n3A_753 = arith.select %and3A_750, %add3A_752, %rem3A_738 : vector<16xi1>, vector<16xi32>
      tpu.vector_store_idx %arg18[%select_n3A_731, %select_n3A_753], %gather3A : memref<26x128xi32, #tpu.memory_space<vmem>>[vector<16xi32>, vector<16xi32>], vector<16xi32>,
      %jit3A_754 = arith.constant 128 : i32
      %div3A_755 = vector.broadcast %jit3A_754 : i32 to vector<16xi32>
      %div3A_756 = arith.divsi %add3A_700, %div3A_755 : vector<16xi32>
      %sign3A_757 = arith.constant 0 : i32
      %sign3A_758 = vector.broadcast %sign3A_757 : i32 to vector<16xi32>
      %sign3A_759 = arith.cmpi sgt, %add3A_700, %sign3A_758 : vector<16xi32>
      %sign3A_760 = arith.extui %sign3A_759 : vector<16xi1> to vector<16xi32>
      %sign3A_761 = arith.constant 0 : i32
      %sign3A_762 = vector.broadcast %sign3A_761 : i32 to vector<16xi32>
      %sign3A_763 = arith.cmpi slt, %add3A_700, %sign3A_762 : vector<16xi32>
      %sign3A_764 = arith.extui %sign3A_763 : vector<16xi1> to vector<16xi32>
      %sign3A_765 = arith.subi %sign3A_760, %sign3A_764 : vector<16xi32>
      %sign3A_766 = arith.constant 0 : i32
      %sign3A_767 = arith.cmpi sgt, %jit3A_754, %sign3A_766 : i32
      %sign3A_768 = arith.extui %sign3A_767 : i1 to i32
      %sign3A_769 = arith.constant 0 : i32
      %sign3A_770 = arith.cmpi slt, %jit3A_754, %sign3A_769 : i32
      %sign3A_771 = arith.extui %sign3A_770 : i1 to i32
      %sign3A_772 = arith.subi %sign3A_768, %sign3A_771 : i32
      %ne3A_773 = vector.broadcast %sign3A_772 : i32 to vector<16xi32>
      %ne3A_774 = arith.cmpi ne, %sign3A_765, %ne3A_773 : vector<16xi32>
      %rem3A_775 = vector.broadcast %jit3A_754 : i32 to vector<16xi32>
      %rem3A_776 = arith.remsi %add3A_700, %rem3A_775 : vector<16xi32>
      %ne3A_777 = arith.constant 0 : i32
      %ne3A_778 = vector.broadcast %ne3A_777 : i32 to vector<16xi32>
      %ne3A_779 = arith.cmpi ne, %rem3A_776, %ne3A_778 : vector<16xi32>
      %and3A_780 = arith.andi %ne3A_774, %ne3A_779 : vector<16xi1>
      %sub3A_781 = arith.constant 1 : i32
      %sub3A_782 = vector.broadcast %sub3A_781 : i32 to vector<16xi32>
      %sub3A_783 = arith.subi %div3A_756, %sub3A_782 : vector<16xi32>
      %select_n3A_784 = arith.select %and3A_780, %sub3A_783, %div3A_756 : vector<16xi1>, vector<16xi32>
      %jit3A_785 = arith.constant 128 : i32
      %eq3A_786 = arith.constant 0 : i32
      %eq3A_787 = arith.cmpi eq, %jit3A_785, %eq3A_786 : i32
      %jit3A_788 = arith.constant 1 : i32
      %select_n3A_789 = arith.select %eq3A_787, %jit3A_788, %jit3A_785 : i32
      %rem3A_790 = vector.broadcast %select_n3A_789 : i32 to vector<16xi32>
      %rem3A_791 = arith.remsi %add3A_700, %rem3A_790 : vector<16xi32>
      %ne3A_792 = arith.constant 0 : i32
      %ne3A_793 = vector.broadcast %ne3A_792 : i32 to vector<16xi32>
      %ne3A_794 = arith.cmpi ne, %rem3A_791, %ne3A_793 : vector<16xi32>
      %lt3A_795 = arith.constant 0 : i32
      %lt3A_796 = vector.broadcast %lt3A_795 : i32 to vector<16xi32>
      %lt3A_797 = arith.cmpi slt, %rem3A_791, %lt3A_796 : vector<16xi32>
      %lt3A_798 = arith.constant 0 : i32
      %lt3A_799 = arith.cmpi slt, %select_n3A_789, %lt3A_798 : i32
      %ne3A_800 = vector.broadcast %lt3A_799 : i1 to vector<16xi1>
      %ne3A_801 = vector.broadcast %ne3A_800 : vector<16xi1> to vector<16xi1>
      %ne3A_802 = arith.xori %lt3A_797, %ne3A_801 : vector<16xi1>
      %and3A_803 = arith.andi %ne3A_802, %ne3A_794 : vector<16xi1>
      %add3A_804 = vector.broadcast %select_n3A_789 : i32 to vector<16xi32>
      %add3A_805 = arith.addi %rem3A_791, %add3A_804 : vector<16xi32>
      %select_n3A_806 = arith.select %and3A_803, %add3A_805, %rem3A_791 : vector<16xi1>, vector<16xi32>
      tpu.vector_store_idx %arg19[%select_n3A_784, %select_n3A_806], %gather3A_146 : memref<26x128xi32, #tpu.memory_space<vmem>>[vector<16xi32>, vector<16xi32>], vector<16xi32>,
      %add3A_807 = arith.constant 96 : i32
      %add3A_808 = arith.addi %scan3A_22, %add3A_807 : i32
      %add3A_809 = vector.broadcast %add3A_808 : i32 to vector<16xi32>
      %add3A_810 = arith.addi %add3A_809, %iota3A : vector<16xi32>
      %jit3A_811 = arith.constant 128 : i32
      %div3A_812 = vector.broadcast %jit3A_811 : i32 to vector<16xi32>
      %div3A_813 = arith.divsi %add3A_810, %div3A_812 : vector<16xi32>
      %sign3A_814 = arith.constant 0 : i32
      %sign3A_815 = vector.broadcast %sign3A_814 : i32 to vector<16xi32>
      %sign3A_816 = arith.cmpi sgt, %add3A_810, %sign3A_815 : vector<16xi32>
      %sign3A_817 = arith.extui %sign3A_816 : vector<16xi1> to vector<16xi32>
      %sign3A_818 = arith.constant 0 : i32
      %sign3A_819 = vector.broadcast %sign3A_818 : i32 to vector<16xi32>
      %sign3A_820 = arith.cmpi slt, %add3A_810, %sign3A_819 : vector<16xi32>
      %sign3A_821 = arith.extui %sign3A_820 : vector<16xi1> to vector<16xi32>
      %sign3A_822 = arith.subi %sign3A_817, %sign3A_821 : vector<16xi32>
      %sign3A_823 = arith.constant 0 : i32
      %sign3A_824 = arith.cmpi sgt, %jit3A_811, %sign3A_823 : i32
      %sign3A_825 = arith.extui %sign3A_824 : i1 to i32
      %sign3A_826 = arith.constant 0 : i32
      %sign3A_827 = arith.cmpi slt, %jit3A_811, %sign3A_826 : i32
      %sign3A_828 = arith.extui %sign3A_827 : i1 to i32
      %sign3A_829 = arith.subi %sign3A_825, %sign3A_828 : i32
      %ne3A_830 = vector.broadcast %sign3A_829 : i32 to vector<16xi32>
      %ne3A_831 = arith.cmpi ne, %sign3A_822, %ne3A_830 : vector<16xi32>
      %rem3A_832 = vector.broadcast %jit3A_811 : i32 to vector<16xi32>
      %rem3A_833 = arith.remsi %add3A_810, %rem3A_832 : vector<16xi32>
      %ne3A_834 = arith.constant 0 : i32
      %ne3A_835 = vector.broadcast %ne3A_834 : i32 to vector<16xi32>
      %ne3A_836 = arith.cmpi ne, %rem3A_833, %ne3A_835 : vector<16xi32>
      %and3A_837 = arith.andi %ne3A_831, %ne3A_836 : vector<16xi1>
      %sub3A_838 = arith.constant 1 : i32
      %sub3A_839 = vector.broadcast %sub3A_838 : i32 to vector<16xi32>
      %sub3A_840 = arith.subi %div3A_813, %sub3A_839 : vector<16xi32>
      %select_n3A_841 = arith.select %and3A_837, %sub3A_840, %div3A_813 : vector<16xi1>, vector<16xi32>
      %jit3A_842 = arith.constant 128 : i32
      %eq3A_843 = arith.constant 0 : i32
      %eq3A_844 = arith.cmpi eq, %jit3A_842, %eq3A_843 : i32
      %jit3A_845 = arith.constant 1 : i32
      %select_n3A_846 = arith.select %eq3A_844, %jit3A_845, %jit3A_842 : i32
      %rem3A_847 = vector.broadcast %select_n3A_846 : i32 to vector<16xi32>
      %rem3A_848 = arith.remsi %add3A_810, %rem3A_847 : vector<16xi32>
      %ne3A_849 = arith.constant 0 : i32
      %ne3A_850 = vector.broadcast %ne3A_849 : i32 to vector<16xi32>
      %ne3A_851 = arith.cmpi ne, %rem3A_848, %ne3A_850 : vector<16xi32>
      %lt3A_852 = arith.constant 0 : i32
      %lt3A_853 = vector.broadcast %lt3A_852 : i32 to vector<16xi32>
      %lt3A_854 = arith.cmpi slt, %rem3A_848, %lt3A_853 : vector<16xi32>
      %lt3A_855 = arith.constant 0 : i32
      %lt3A_856 = arith.cmpi slt, %select_n3A_846, %lt3A_855 : i32
      %ne3A_857 = vector.broadcast %lt3A_856 : i1 to vector<16xi1>
      %ne3A_858 = vector.broadcast %ne3A_857 : vector<16xi1> to vector<16xi1>
      %ne3A_859 = arith.xori %lt3A_854, %ne3A_858 : vector<16xi1>
      %and3A_860 = arith.andi %ne3A_859, %ne3A_851 : vector<16xi1>
      %add3A_861 = vector.broadcast %select_n3A_846 : i32 to vector<16xi32>
      %add3A_862 = arith.addi %rem3A_848, %add3A_861 : vector<16xi32>
      %select_n3A_863 = arith.select %and3A_860, %add3A_862, %rem3A_848 : vector<16xi1>, vector<16xi32>
      tpu.vector_store_idx %arg18[%select_n3A_841, %select_n3A_863], %gather3A : memref<26x128xi32, #tpu.memory_space<vmem>>[vector<16xi32>, vector<16xi32>], vector<16xi32>,
      %jit3A_864 = arith.constant 128 : i32
      %div3A_865 = vector.broadcast %jit3A_864 : i32 to vector<16xi32>
      %div3A_866 = arith.divsi %add3A_810, %div3A_865 : vector<16xi32>
      %sign3A_867 = arith.constant 0 : i32
      %sign3A_868 = vector.broadcast %sign3A_867 : i32 to vector<16xi32>
      %sign3A_869 = arith.cmpi sgt, %add3A_810, %sign3A_868 : vector<16xi32>
      %sign3A_870 = arith.extui %sign3A_869 : vector<16xi1> to vector<16xi32>
      %sign3A_871 = arith.constant 0 : i32
      %sign3A_872 = vector.broadcast %sign3A_871 : i32 to vector<16xi32>
      %sign3A_873 = arith.cmpi slt, %add3A_810, %sign3A_872 : vector<16xi32>
      %sign3A_874 = arith.extui %sign3A_873 : vector<16xi1> to vector<16xi32>
      %sign3A_875 = arith.subi %sign3A_870, %sign3A_874 : vector<16xi32>
      %sign3A_876 = arith.constant 0 : i32
      %sign3A_877 = arith.cmpi sgt, %jit3A_864, %sign3A_876 : i32
      %sign3A_878 = arith.extui %sign3A_877 : i1 to i32
      %sign3A_879 = arith.constant 0 : i32
      %sign3A_880 = arith.cmpi slt, %jit3A_864, %sign3A_879 : i32
      %sign3A_881 = arith.extui %sign3A_880 : i1 to i32
      %sign3A_882 = arith.subi %sign3A_878, %sign3A_881 : i32
      %ne3A_883 = vector.broadcast %sign3A_882 : i32 to vector<16xi32>
      %ne3A_884 = arith.cmpi ne, %sign3A_875, %ne3A_883 : vector<16xi32>
      %rem3A_885 = vector.broadcast %jit3A_864 : i32 to vector<16xi32>
      %rem3A_886 = arith.remsi %add3A_810, %rem3A_885 : vector<16xi32>
      %ne3A_887 = arith.constant 0 : i32
      %ne3A_888 = vector.broadcast %ne3A_887 : i32 to vector<16xi32>
      %ne3A_889 = arith.cmpi ne, %rem3A_886, %ne3A_888 : vector<16xi32>
      %and3A_890 = arith.andi %ne3A_884, %ne3A_889 : vector<16xi1>
      %sub3A_891 = arith.constant 1 : i32
      %sub3A_892 = vector.broadcast %sub3A_891 : i32 to vector<16xi32>
      %sub3A_893 = arith.subi %div3A_866, %sub3A_892 : vector<16xi32>
      %select_n3A_894 = arith.select %and3A_890, %sub3A_893, %div3A_866 : vector<16xi1>, vector<16xi32>
      %jit3A_895 = arith.constant 128 : i32
      %eq3A_896 = arith.constant 0 : i32
      %eq3A_897 = arith.cmpi eq, %jit3A_895, %eq3A_896 : i32
      %jit3A_898 = arith.constant 1 : i32
      %select_n3A_899 = arith.select %eq3A_897, %jit3A_898, %jit3A_895 : i32
      %rem3A_900 = vector.broadcast %select_n3A_899 : i32 to vector<16xi32>
      %rem3A_901 = arith.remsi %add3A_810, %rem3A_900 : vector<16xi32>
      %ne3A_902 = arith.constant 0 : i32
      %ne3A_903 = vector.broadcast %ne3A_902 : i32 to vector<16xi32>
      %ne3A_904 = arith.cmpi ne, %rem3A_901, %ne3A_903 : vector<16xi32>
      %lt3A_905 = arith.constant 0 : i32
      %lt3A_906 = vector.broadcast %lt3A_905 : i32 to vector<16xi32>
      %lt3A_907 = arith.cmpi slt, %rem3A_901, %lt3A_906 : vector<16xi32>
      %lt3A_908 = arith.constant 0 : i32
      %lt3A_909 = arith.cmpi slt, %select_n3A_899, %lt3A_908 : i32
      %ne3A_910 = vector.broadcast %lt3A_909 : i1 to vector<16xi1>
      %ne3A_911 = vector.broadcast %ne3A_910 : vector<16xi1> to vector<16xi1>
      %ne3A_912 = arith.xori %lt3A_907, %ne3A_911 : vector<16xi1>
      %and3A_913 = arith.andi %ne3A_912, %ne3A_904 : vector<16xi1>
      %add3A_914 = vector.broadcast %select_n3A_899 : i32 to vector<16xi32>
      %add3A_915 = arith.addi %rem3A_901, %add3A_914 : vector<16xi32>
      %select_n3A_916 = arith.select %and3A_913, %add3A_915, %rem3A_901 : vector<16xi1>, vector<16xi32>
      tpu.vector_store_idx %arg19[%select_n3A_894, %select_n3A_916], %gather3A_146 : memref<26x128xi32, #tpu.memory_space<vmem>>[vector<16xi32>, vector<16xi32>], vector<16xi32>,
      %add3A_917 = arith.constant 112 : i32
      %add3A_918 = arith.addi %scan3A_22, %add3A_917 : i32
      %add3A_919 = vector.broadcast %add3A_918 : i32 to vector<16xi32>
      %add3A_920 = arith.addi %add3A_919, %iota3A : vector<16xi32>
      %jit3A_921 = arith.constant 128 : i32
      %div3A_922 = vector.broadcast %jit3A_921 : i32 to vector<16xi32>
      %div3A_923 = arith.divsi %add3A_920, %div3A_922 : vector<16xi32>
      %sign3A_924 = arith.constant 0 : i32
      %sign3A_925 = vector.broadcast %sign3A_924 : i32 to vector<16xi32>
      %sign3A_926 = arith.cmpi sgt, %add3A_920, %sign3A_925 : vector<16xi32>
      %sign3A_927 = arith.extui %sign3A_926 : vector<16xi1> to vector<16xi32>
      %sign3A_928 = arith.constant 0 : i32
      %sign3A_929 = vector.broadcast %sign3A_928 : i32 to vector<16xi32>
      %sign3A_930 = arith.cmpi slt, %add3A_920, %sign3A_929 : vector<16xi32>
      %sign3A_931 = arith.extui %sign3A_930 : vector<16xi1> to vector<16xi32>
      %sign3A_932 = arith.subi %sign3A_927, %sign3A_931 : vector<16xi32>
      %sign3A_933 = arith.constant 0 : i32
      %sign3A_934 = arith.cmpi sgt, %jit3A_921, %sign3A_933 : i32
      %sign3A_935 = arith.extui %sign3A_934 : i1 to i32
      %sign3A_936 = arith.constant 0 : i32
      %sign3A_937 = arith.cmpi slt, %jit3A_921, %sign3A_936 : i32
      %sign3A_938 = arith.extui %sign3A_937 : i1 to i32
      %sign3A_939 = arith.subi %sign3A_935, %sign3A_938 : i32
      %ne3A_940 = vector.broadcast %sign3A_939 : i32 to vector<16xi32>
      %ne3A_941 = arith.cmpi ne, %sign3A_932, %ne3A_940 : vector<16xi32>
      %rem3A_942 = vector.broadcast %jit3A_921 : i32 to vector<16xi32>
      %rem3A_943 = arith.remsi %add3A_920, %rem3A_942 : vector<16xi32>
      %ne3A_944 = arith.constant 0 : i32
      %ne3A_945 = vector.broadcast %ne3A_944 : i32 to vector<16xi32>
      %ne3A_946 = arith.cmpi ne, %rem3A_943, %ne3A_945 : vector<16xi32>
      %and3A_947 = arith.andi %ne3A_941, %ne3A_946 : vector<16xi1>
      %sub3A_948 = arith.constant 1 : i32
      %sub3A_949 = vector.broadcast %sub3A_948 : i32 to vector<16xi32>
      %sub3A_950 = arith.subi %div3A_923, %sub3A_949 : vector<16xi32>
      %select_n3A_951 = arith.select %and3A_947, %sub3A_950, %div3A_923 : vector<16xi1>, vector<16xi32>
      %jit3A_952 = arith.constant 128 : i32
      %eq3A_953 = arith.constant 0 : i32
      %eq3A_954 = arith.cmpi eq, %jit3A_952, %eq3A_953 : i32
      %jit3A_955 = arith.constant 1 : i32
      %select_n3A_956 = arith.select %eq3A_954, %jit3A_955, %jit3A_952 : i32
      %rem3A_957 = vector.broadcast %select_n3A_956 : i32 to vector<16xi32>
      %rem3A_958 = arith.remsi %add3A_920, %rem3A_957 : vector<16xi32>
      %ne3A_959 = arith.constant 0 : i32
      %ne3A_960 = vector.broadcast %ne3A_959 : i32 to vector<16xi32>
      %ne3A_961 = arith.cmpi ne, %rem3A_958, %ne3A_960 : vector<16xi32>
      %lt3A_962 = arith.constant 0 : i32
      %lt3A_963 = vector.broadcast %lt3A_962 : i32 to vector<16xi32>
      %lt3A_964 = arith.cmpi slt, %rem3A_958, %lt3A_963 : vector<16xi32>
      %lt3A_965 = arith.constant 0 : i32
      %lt3A_966 = arith.cmpi slt, %select_n3A_956, %lt3A_965 : i32
      %ne3A_967 = vector.broadcast %lt3A_966 : i1 to vector<16xi1>
      %ne3A_968 = vector.broadcast %ne3A_967 : vector<16xi1> to vector<16xi1>
      %ne3A_969 = arith.xori %lt3A_964, %ne3A_968 : vector<16xi1>
      %and3A_970 = arith.andi %ne3A_969, %ne3A_961 : vector<16xi1>
      %add3A_971 = vector.broadcast %select_n3A_956 : i32 to vector<16xi32>
      %add3A_972 = arith.addi %rem3A_958, %add3A_971 : vector<16xi32>
      %select_n3A_973 = arith.select %and3A_970, %add3A_972, %rem3A_958 : vector<16xi1>, vector<16xi32>
      tpu.vector_store_idx %arg18[%select_n3A_951, %select_n3A_973], %gather3A : memref<26x128xi32, #tpu.memory_space<vmem>>[vector<16xi32>, vector<16xi32>], vector<16xi32>,
      %jit3A_974 = arith.constant 128 : i32
      %div3A_975 = vector.broadcast %jit3A_974 : i32 to vector<16xi32>
      %div3A_976 = arith.divsi %add3A_920, %div3A_975 : vector<16xi32>
      %sign3A_977 = arith.constant 0 : i32
      %sign3A_978 = vector.broadcast %sign3A_977 : i32 to vector<16xi32>
      %sign3A_979 = arith.cmpi sgt, %add3A_920, %sign3A_978 : vector<16xi32>
      %sign3A_980 = arith.extui %sign3A_979 : vector<16xi1> to vector<16xi32>
      %sign3A_981 = arith.constant 0 : i32
      %sign3A_982 = vector.broadcast %sign3A_981 : i32 to vector<16xi32>
      %sign3A_983 = arith.cmpi slt, %add3A_920, %sign3A_982 : vector<16xi32>
      %sign3A_984 = arith.extui %sign3A_983 : vector<16xi1> to vector<16xi32>
      %sign3A_985 = arith.subi %sign3A_980, %sign3A_984 : vector<16xi32>
      %sign3A_986 = arith.constant 0 : i32
      %sign3A_987 = arith.cmpi sgt, %jit3A_974, %sign3A_986 : i32
      %sign3A_988 = arith.extui %sign3A_987 : i1 to i32
      %sign3A_989 = arith.constant 0 : i32
      %sign3A_990 = arith.cmpi slt, %jit3A_974, %sign3A_989 : i32
      %sign3A_991 = arith.extui %sign3A_990 : i1 to i32
      %sign3A_992 = arith.subi %sign3A_988, %sign3A_991 : i32
      %ne3A_993 = vector.broadcast %sign3A_992 : i32 to vector<16xi32>
      %ne3A_994 = arith.cmpi ne, %sign3A_985, %ne3A_993 : vector<16xi32>
      %rem3A_995 = vector.broadcast %jit3A_974 : i32 to vector<16xi32>
      %rem3A_996 = arith.remsi %add3A_920, %rem3A_995 : vector<16xi32>
      %ne3A_997 = arith.constant 0 : i32
      %ne3A_998 = vector.broadcast %ne3A_997 : i32 to vector<16xi32>
      %ne3A_999 = arith.cmpi ne, %rem3A_996, %ne3A_998 : vector<16xi32>
      %and3A_1000 = arith.andi %ne3A_994, %ne3A_999 : vector<16xi1>
      %sub3A_1001 = arith.constant 1 : i32
      %sub3A_1002 = vector.broadcast %sub3A_1001 : i32 to vector<16xi32>
      %sub3A_1003 = arith.subi %div3A_976, %sub3A_1002 : vector<16xi32>
      %select_n3A_1004 = arith.select %and3A_1000, %sub3A_1003, %div3A_976 : vector<16xi1>, vector<16xi32>
      %jit3A_1005 = arith.constant 128 : i32
      %eq3A_1006 = arith.constant 0 : i32
      %eq3A_1007 = arith.cmpi eq, %jit3A_1005, %eq3A_1006 : i32
      %jit3A_1008 = arith.constant 1 : i32
      %select_n3A_1009 = arith.select %eq3A_1007, %jit3A_1008, %jit3A_1005 : i32
      %rem3A_1010 = vector.broadcast %select_n3A_1009 : i32 to vector<16xi32>
      %rem3A_1011 = arith.remsi %add3A_920, %rem3A_1010 : vector<16xi32>
      %ne3A_1012 = arith.constant 0 : i32
      %ne3A_1013 = vector.broadcast %ne3A_1012 : i32 to vector<16xi32>
      %ne3A_1014 = arith.cmpi ne, %rem3A_1011, %ne3A_1013 : vector<16xi32>
      %lt3A_1015 = arith.constant 0 : i32
      %lt3A_1016 = vector.broadcast %lt3A_1015 : i32 to vector<16xi32>
      %lt3A_1017 = arith.cmpi slt, %rem3A_1011, %lt3A_1016 : vector<16xi32>
      %lt3A_1018 = arith.constant 0 : i32
      %lt3A_1019 = arith.cmpi slt, %select_n3A_1009, %lt3A_1018 : i32
      %ne3A_1020 = vector.broadcast %lt3A_1019 : i1 to vector<16xi1>
      %ne3A_1021 = vector.broadcast %ne3A_1020 : vector<16xi1> to vector<16xi1>
      %ne3A_1022 = arith.xori %lt3A_1017, %ne3A_1021 : vector<16xi1>
      %and3A_1023 = arith.andi %ne3A_1022, %ne3A_1014 : vector<16xi1>
      %add3A_1024 = vector.broadcast %select_n3A_1009 : i32 to vector<16xi32>
      %add3A_1025 = arith.addi %rem3A_1011, %add3A_1024 : vector<16xi32>
      %select_n3A_1026 = arith.select %and3A_1023, %add3A_1025, %rem3A_1011 : vector<16xi1>, vector<16xi32>
      tpu.vector_store_idx %arg19[%select_n3A_1004, %select_n3A_1026], %gather3A_146 : memref<26x128xi32, #tpu.memory_space<vmem>>[vector<16xi32>, vector<16xi32>], vector<16xi32>,
    } else {
    }
    %not3A_28 = arith.constant true
    %not3A_29 = arith.xori %eq3A_3, %not3A_28 : i1
    %convert_element_type3A_30 = arith.extui %not3A_29 : i1 to i32
    %cond3A_31 = arith.constant 0 : i32
    %cond3A_32 = arith.cmpi ne, %convert_element_type3A_30, %cond3A_31 : i32
    scf.if %cond3A_32 {
      "tpu.region"() ({
        %run_scoped3A = tpu.sem_alloc : memref<!tpu.dma_semaphore, #tpu.memory_space<semaphore_mem>>
        %dma_start3A = arith.constant 0 : i32
        %dma_start3A_44 = tpu.memref_slice %arg17[%dma_start3A] : memref<3136xi32, #tpu.memory_space<vmem>> -> memref<3128xi32, #tpu.memory_space<vmem>>
        %dma_start3A_45 = tpu.memref_slice %arg5[%mul3A_2] : memref<100000xi32, #tpu.memory_space<hbm>> -> memref<3128xi32, #tpu.memory_space<hbm>>
        %dma_start3A_46 = tpu.memref_slice %arg5[%mul3A_2] : memref<100000xi32, #tpu.memory_space<hbm>> -> memref<3128xi32, #tpu.memory_space<hbm>>
        %dma_start3A_47 = arith.constant 0 : i32
        %dma_start3A_48 = tpu.memref_slice %arg17[%dma_start3A_47] : memref<3136xi32, #tpu.memory_space<vmem>> -> memref<3128xi32, #tpu.memory_space<vmem>>
        tpu.enqueue_dma source(%dma_start3A_48 : memref<3128xi32, #tpu.memory_space<vmem>>) target(%dma_start3A_46 : memref<3128xi32, #tpu.memory_space<hbm>>) target_semaphore(%run_scoped3A : memref<!tpu.dma_semaphore, #tpu.memory_space<semaphore_mem>>)
        %dma_wait3A = arith.constant 0 : i32
        %dma_wait3A_49 = tpu.memref_slice %arg17[%dma_wait3A] : memref<3136xi32, #tpu.memory_space<vmem>> -> memref<3128xi32, #tpu.memory_space<vmem>>
        %dma_wait3A_50 = tpu.memref_slice %arg5[%mul3A_2] : memref<100000xi32, #tpu.memory_space<hbm>> -> memref<3128xi32, #tpu.memory_space<hbm>>
        %dma_wait3A_51 = tpu.memref_slice %arg5[%mul3A_2] : memref<100000xi32, #tpu.memory_space<hbm>> -> memref<3128xi32, #tpu.memory_space<hbm>>
        %dma_wait3A_52 = arith.constant 0 : i32
        %dma_wait3A_53 = tpu.memref_slice %arg17[%dma_wait3A_52] : memref<3136xi32, #tpu.memory_space<vmem>> -> memref<3128xi32, #tpu.memory_space<vmem>>
        tpu.wait_dma2 semaphore(%run_scoped3A : memref<!tpu.dma_semaphore, #tpu.memory_space<semaphore_mem>>) src(%dma_wait3A_53 : memref<3128xi32, #tpu.memory_space<vmem>>) dst(%dma_wait3A_51 : memref<3128xi32, #tpu.memory_space<hbm>>)
        tpu.yield
      }) : () -> ()
    } else {
    }
    %convert_element_type3A_33 = arith.extui %eq3A_3 : i1 to i32
    %cond3A_34 = arith.constant 0 : i32
    %cond3A_35 = arith.cmpi ne, %convert_element_type3A_33, %cond3A_34 : i32
    scf.if %cond3A_35 {
      "tpu.region"() ({
        %run_scoped3A = tpu.sem_alloc : memref<!tpu.dma_semaphore, #tpu.memory_space<semaphore_mem>>
        %dma_start3A = arith.constant 0 : i32
        %dma_start3A_44 = tpu.memref_slice %arg17[%dma_start3A] : memref<3136xi32, #tpu.memory_space<vmem>> -> memref<3032xi32, #tpu.memory_space<vmem>>
        %dma_start3A_45 = tpu.memref_slice %arg5[%mul3A_2] : memref<100000xi32, #tpu.memory_space<hbm>> -> memref<3032xi32, #tpu.memory_space<hbm>>
        %dma_start3A_46 = tpu.memref_slice %arg5[%mul3A_2] : memref<100000xi32, #tpu.memory_space<hbm>> -> memref<3032xi32, #tpu.memory_space<hbm>>
        %dma_start3A_47 = arith.constant 0 : i32
        %dma_start3A_48 = tpu.memref_slice %arg17[%dma_start3A_47] : memref<3136xi32, #tpu.memory_space<vmem>> -> memref<3032xi32, #tpu.memory_space<vmem>>
        tpu.enqueue_dma source(%dma_start3A_48 : memref<3032xi32, #tpu.memory_space<vmem>>) target(%dma_start3A_46 : memref<3032xi32, #tpu.memory_space<hbm>>) target_semaphore(%run_scoped3A : memref<!tpu.dma_semaphore, #tpu.memory_space<semaphore_mem>>)
        %dma_wait3A = arith.constant 0 : i32
        %dma_wait3A_49 = tpu.memref_slice %arg17[%dma_wait3A] : memref<3136xi32, #tpu.memory_space<vmem>> -> memref<3032xi32, #tpu.memory_space<vmem>>
        %dma_wait3A_50 = tpu.memref_slice %arg5[%mul3A_2] : memref<100000xi32, #tpu.memory_space<hbm>> -> memref<3032xi32, #tpu.memory_space<hbm>>
        %dma_wait3A_51 = tpu.memref_slice %arg5[%mul3A_2] : memref<100000xi32, #tpu.memory_space<hbm>> -> memref<3032xi32, #tpu.memory_space<hbm>>
        %dma_wait3A_52 = arith.constant 0 : i32
        %dma_wait3A_53 = tpu.memref_slice %arg17[%dma_wait3A_52] : memref<3136xi32, #tpu.memory_space<vmem>> -> memref<3032xi32, #tpu.memory_space<vmem>>
        tpu.wait_dma2 semaphore(%run_scoped3A : memref<!tpu.dma_semaphore, #tpu.memory_space<semaphore_mem>>) src(%dma_wait3A_53 : memref<3032xi32, #tpu.memory_space<vmem>>) dst(%dma_wait3A_51 : memref<3032xi32, #tpu.memory_space<hbm>>)
        tpu.yield
      }) : () -> ()
    } else {
    }
    "tpu.region"() ({
      %run_scoped3A = tpu.sem_alloc : memref<!tpu.dma_semaphore, #tpu.memory_space<semaphore_mem>>
      %dma_start3A = arith.constant 0 : i32
      %dma_start3A_44 = arith.constant 0 : i32
      %dma_start3A_45 = tpu.memref_slice %arg6[%add3A, %dma_start3A, %dma_start3A_44] : memref<32x26x128xi32, #tpu.memory_space<hbm>> -> memref<1x26x128xi32, #tpu.memory_space<hbm>>
      %dma_start3A_46 = tpu.memref_squeeze %dma_start3A_45 : memref<1x26x128xi32, #tpu.memory_space<hbm>> -> memref<26x128xi32, #tpu.memory_space<hbm>>
      %dma_start3A_47 = arith.constant 0 : i32
      %dma_start3A_48 = arith.constant 0 : i32
      %dma_start3A_49 = tpu.memref_slice %arg6[%add3A, %dma_start3A_47, %dma_start3A_48] : memref<32x26x128xi32, #tpu.memory_space<hbm>> -> memref<1x26x128xi32, #tpu.memory_space<hbm>>
      %dma_start3A_50 = tpu.memref_squeeze %dma_start3A_49 : memref<1x26x128xi32, #tpu.memory_space<hbm>> -> memref<26x128xi32, #tpu.memory_space<hbm>>
      tpu.enqueue_dma source(%arg18 : memref<26x128xi32, #tpu.memory_space<vmem>>) target(%dma_start3A_50 : memref<26x128xi32, #tpu.memory_space<hbm>>) target_semaphore(%run_scoped3A : memref<!tpu.dma_semaphore, #tpu.memory_space<semaphore_mem>>)
      %dma_wait3A = arith.constant 0 : i32
      %dma_wait3A_51 = arith.constant 0 : i32
      %dma_wait3A_52 = tpu.memref_slice %arg6[%add3A, %dma_wait3A, %dma_wait3A_51] : memref<32x26x128xi32, #tpu.memory_space<hbm>> -> memref<1x26x128xi32, #tpu.memory_space<hbm>>
      %dma_wait3A_53 = tpu.memref_squeeze %dma_wait3A_52 : memref<1x26x128xi32, #tpu.memory_space<hbm>> -> memref<26x128xi32, #tpu.memory_space<hbm>>
      %dma_wait3A_54 = arith.constant 0 : i32
      %dma_wait3A_55 = arith.constant 0 : i32
      %dma_wait3A_56 = tpu.memref_slice %arg6[%add3A, %dma_wait3A_54, %dma_wait3A_55] : memref<32x26x128xi32, #tpu.memory_space<hbm>> -> memref<1x26x128xi32, #tpu.memory_space<hbm>>
      %dma_wait3A_57 = tpu.memref_squeeze %dma_wait3A_56 : memref<1x26x128xi32, #tpu.memory_space<hbm>> -> memref<26x128xi32, #tpu.memory_space<hbm>>
      tpu.wait_dma2 semaphore(%run_scoped3A : memref<!tpu.dma_semaphore, #tpu.memory_space<semaphore_mem>>) src(%arg18 : memref<26x128xi32, #tpu.memory_space<vmem>>) dst(%dma_wait3A_57 : memref<26x128xi32, #tpu.memory_space<hbm>>)
      tpu.yield
    }) : () -> ()
    "tpu.region"() ({
      %run_scoped3A = tpu.sem_alloc : memref<!tpu.dma_semaphore, #tpu.memory_space<semaphore_mem>>
      %dma_start3A = arith.constant 0 : i32
      %dma_start3A_44 = arith.constant 0 : i32
      %dma_start3A_45 = tpu.memref_slice %arg7[%add3A, %dma_start3A, %dma_start3A_44] : memref<32x26x128xi32, #tpu.memory_space<hbm>> -> memref<1x26x128xi32, #tpu.memory_space<hbm>>
      %dma_start3A_46 = tpu.memref_squeeze %dma_start3A_45 : memref<1x26x128xi32, #tpu.memory_space<hbm>> -> memref<26x128xi32, #tpu.memory_space<hbm>>
      %dma_start3A_47 = arith.constant 0 : i32
      %dma_start3A_48 = arith.constant 0 : i32
      %dma_start3A_49 = tpu.memref_slice %arg7[%add3A, %dma_start3A_47, %dma_start3A_48] : memref<32x26x128xi32, #tpu.memory_space<hbm>> -> memref<1x26x128xi32, #tpu.memory_space<hbm>>
      %dma_start3A_50 = tpu.memref_squeeze %dma_start3A_49 : memref<1x26x128xi32, #tpu.memory_space<hbm>> -> memref<26x128xi32, #tpu.memory_space<hbm>>
      tpu.enqueue_dma source(%arg19 : memref<26x128xi32, #tpu.memory_space<vmem>>) target(%dma_start3A_50 : memref<26x128xi32, #tpu.memory_space<hbm>>) target_semaphore(%run_scoped3A : memref<!tpu.dma_semaphore, #tpu.memory_space<semaphore_mem>>)
      %dma_wait3A = arith.constant 0 : i32
      %dma_wait3A_51 = arith.constant 0 : i32
      %dma_wait3A_52 = tpu.memref_slice %arg7[%add3A, %dma_wait3A, %dma_wait3A_51] : memref<32x26x128xi32, #tpu.memory_space<hbm>> -> memref<1x26x128xi32, #tpu.memory_space<hbm>>
      %dma_wait3A_53 = tpu.memref_squeeze %dma_wait3A_52 : memref<1x26x128xi32, #tpu.memory_space<hbm>> -> memref<26x128xi32, #tpu.memory_space<hbm>>
      %dma_wait3A_54 = arith.constant 0 : i32
      %dma_wait3A_55 = arith.constant 0 : i32
      %dma_wait3A_56 = tpu.memref_slice %arg7[%add3A, %dma_wait3A_54, %dma_wait3A_55] : memref<32x26x128xi32, #tpu.memory_space<hbm>> -> memref<1x26x128xi32, #tpu.memory_space<hbm>>
      %dma_wait3A_57 = tpu.memref_squeeze %dma_wait3A_56 : memref<1x26x128xi32, #tpu.memory_space<hbm>> -> memref<26x128xi32, #tpu.memory_space<hbm>>
      tpu.wait_dma2 semaphore(%run_scoped3A : memref<!tpu.dma_semaphore, #tpu.memory_space<semaphore_mem>>) src(%arg19 : memref<26x128xi32, #tpu.memory_space<vmem>>) dst(%dma_wait3A_57 : memref<26x128xi32, #tpu.memory_space<hbm>>)
      tpu.yield
    }) : () -> ()
    %eq3A_36 = arith.constant 0 : i32
    %eq3A_37 = vector.broadcast %eq3A_36 : i32 to vector<16xi32>
    %eq3A_38 = arith.cmpi eq, %iota3A, %eq3A_37 : vector<16xi32>
    %jit3A_39 = arith.constant 0 : i32
    %broadcast_in_dim3A_40 = vector.broadcast %scan3A_22 : i32 to vector<16xi32>
    %broadcast_in_dim3A_41 = vector.broadcast %jit3A_39 : i32 to vector<16xi32>
    %select_n3A_42 = arith.select %eq3A_38, %broadcast_in_dim3A_40, %broadcast_in_dim3A_41 : vector<16xi1>, vector<16xi32>
    %swap3A = arith.constant 0 : index
    %swap3A_43 = tpu.vector_load %arg13[%swap3A] {strides = array<i32>} : memref<16xi32, #tpu.memory_space<vmem>>, vector<16xi32>,
    tpu.vector_store %arg13[%swap3A], %select_n3A_42 {strides = array<i32>} : memref<16xi32, #tpu.memory_space<vmem>>, vector<16xi32>,
    "tpu.region"() ({
      %run_scoped3A = tpu.sem_alloc : memref<!tpu.dma_semaphore, #tpu.memory_space<semaphore_mem>>
      %dma_start3A = arith.constant 0 : i32
      %dma_start3A_44 = tpu.memref_slice %arg8[%add3A, %dma_start3A] : memref<32x16xi32, #tpu.memory_space<hbm>> -> memref<1x16xi32, #tpu.memory_space<hbm>>
      %dma_start3A_45 = tpu.memref_squeeze %dma_start3A_44 : memref<1x16xi32, #tpu.memory_space<hbm>> -> memref<16xi32, #tpu.memory_space<hbm>>
      %dma_start3A_46 = arith.constant 0 : i32
      %dma_start3A_47 = tpu.memref_slice %arg8[%add3A, %dma_start3A_46] : memref<32x16xi32, #tpu.memory_space<hbm>> -> memref<1x16xi32, #tpu.memory_space<hbm>>
      %dma_start3A_48 = tpu.memref_squeeze %dma_start3A_47 : memref<1x16xi32, #tpu.memory_space<hbm>> -> memref<16xi32, #tpu.memory_space<hbm>>
      tpu.enqueue_dma source(%arg13 : memref<16xi32, #tpu.memory_space<vmem>>) target(%dma_start3A_48 : memref<16xi32, #tpu.memory_space<hbm>>) target_semaphore(%run_scoped3A : memref<!tpu.dma_semaphore, #tpu.memory_space<semaphore_mem>>)
      %dma_wait3A = arith.constant 0 : i32
      %dma_wait3A_49 = tpu.memref_slice %arg8[%add3A, %dma_wait3A] : memref<32x16xi32, #tpu.memory_space<hbm>> -> memref<1x16xi32, #tpu.memory_space<hbm>>
      %dma_wait3A_50 = tpu.memref_squeeze %dma_wait3A_49 : memref<1x16xi32, #tpu.memory_space<hbm>> -> memref<16xi32, #tpu.memory_space<hbm>>
      %dma_wait3A_51 = arith.constant 0 : i32
      %dma_wait3A_52 = tpu.memref_slice %arg8[%add3A, %dma_wait3A_51] : memref<32x16xi32, #tpu.memory_space<hbm>> -> memref<1x16xi32, #tpu.memory_space<hbm>>
      %dma_wait3A_53 = tpu.memref_squeeze %dma_wait3A_52 : memref<1x16xi32, #tpu.memory_space<hbm>> -> memref<16xi32, #tpu.memory_space<hbm>>
      tpu.wait_dma2 semaphore(%run_scoped3A : memref<!tpu.dma_semaphore, #tpu.memory_space<semaphore_mem>>) src(%arg13 : memref<16xi32, #tpu.memory_space<vmem>>) dst(%dma_wait3A_53 : memref<16xi32, #tpu.memory_space<hbm>>)
      tpu.yield
    }) : () -> ()
    return
  }
}

#map = affine_map<(d0, d1) -> (0, 0)>
module attributes {stable_mosaic.version = 14 : i64} {
  func.func @_gather_rows(%arg0: i32, %arg1: i32, %arg2: memref<128x128xi32, #tpu.memory_space<hbm>>, %arg3: memref<100000x128xf32, #tpu.memory_space<hbm>>, %arg4: memref<16384x128xf32, #tpu.memory_space<hbm>>, %arg5: memref<4x128xi32, #tpu.memory_space<vmem>>, %arg6: memref<512x128xf32, #tpu.memory_space<vmem>>, %arg7: memref<!tpu.dma_semaphore, #tpu.memory_space<semaphore_mem>>) attributes {dimension_semantics = [#tpu.dimension_semantics<core_parallel>, #tpu.dimension_semantics<subcore_parallel>], iteration_bounds = array<i64: 2, 16>, scalar_prefetch = 0 : i64, scratch_operands = 3 : i64, tpu.core_type = #tpu.core_type<sc_vector_subcore>, window_params = [{transform_indices = #map}, {transform_indices = #map}, {transform_indices = #map}]} {
    %mul3A = arith.constant 2 : i32
    %mul3A_0 = arith.muli %arg1, %mul3A : i32
    %add3A = arith.addi %mul3A_0, %arg0 : i32
    %mul3A_1 = arith.constant 4 : i32
    %mul3A_2 = arith.muli %add3A, %mul3A_1 : i32
    "tpu.region"() ({
      %run_scoped3A = tpu.sem_alloc : memref<!tpu.dma_semaphore, #tpu.memory_space<semaphore_mem>>
      %dma_start3A_83 = arith.constant 0 : i32
      %dma_start3A_84 = tpu.memref_slice %arg2[%mul3A_2, %dma_start3A_83] : memref<128x128xi32, #tpu.memory_space<hbm>> -> memref<4x128xi32, #tpu.memory_space<hbm>>
      %dma_start3A_85 = arith.constant 0 : i32
      %dma_start3A_86 = tpu.memref_slice %arg2[%mul3A_2, %dma_start3A_85] : memref<128x128xi32, #tpu.memory_space<hbm>> -> memref<4x128xi32, #tpu.memory_space<hbm>>
      tpu.enqueue_dma source(%dma_start3A_86 : memref<4x128xi32, #tpu.memory_space<hbm>>) target(%arg5 : memref<4x128xi32, #tpu.memory_space<vmem>>) target_semaphore(%run_scoped3A : memref<!tpu.dma_semaphore, #tpu.memory_space<semaphore_mem>>)
      %dma_wait3A_87 = arith.constant 0 : i32
      %dma_wait3A_88 = tpu.memref_slice %arg2[%mul3A_2, %dma_wait3A_87] : memref<128x128xi32, #tpu.memory_space<hbm>> -> memref<4x128xi32, #tpu.memory_space<hbm>>
      %dma_wait3A_89 = arith.constant 0 : i32
      %dma_wait3A_90 = tpu.memref_slice %arg2[%mul3A_2, %dma_wait3A_89] : memref<128x128xi32, #tpu.memory_space<hbm>> -> memref<4x128xi32, #tpu.memory_space<hbm>>
      tpu.wait_dma2 semaphore(%run_scoped3A : memref<!tpu.dma_semaphore, #tpu.memory_space<semaphore_mem>>) src(%dma_wait3A_90 : memref<4x128xi32, #tpu.memory_space<hbm>>) dst(%arg5 : memref<4x128xi32, #tpu.memory_space<vmem>>)
      tpu.yield
    }) : () -> ()
    %dma_start3A = arith.constant 0 : i32
    %dma_start3A_3 = arith.constant 0 : i32
    %dma_start3A_4 = arith.constant 0 : i32
    %dma_start3A_5 = tpu.memref_slice %arg6[%dma_start3A_3, %dma_start3A_4] : memref<512x128xf32, #tpu.memory_space<vmem>> -> memref<128x128xf32, #tpu.memory_space<vmem>>
    %dma_start3A_6 = arith.constant 0 : i32
    %dma_start3A_7 = tpu.memref_slice %arg5[%dma_start3A, %dma_start3A_6] : memref<4x128xi32, #tpu.memory_space<vmem>> -> memref<1x128xi32, #tpu.memory_space<vmem>>
    %dma_start3A_8 = tpu.memref_squeeze %dma_start3A_7 : memref<1x128xi32, #tpu.memory_space<vmem>> -> memref<128xi32, #tpu.memory_space<vmem>>
    %dma_start3A_9 = arith.constant 0 : i32
    %dma_start3A_10 = arith.constant 0 : i32
    %dma_start3A_11 = tpu.memref_slice %arg3[%dma_start3A_9, %dma_start3A_10] : memref<100000x128xf32, #tpu.memory_space<hbm>> -> memref<100000x128xf32, #tpu.memory_space<hbm>>
    tpu.enqueue_indirect_dma source(%dma_start3A_11 : memref<100000x128xf32, #tpu.memory_space<hbm>>) target(%dma_start3A_5 : memref<128x128xf32, #tpu.memory_space<vmem>>) offsets(%dma_start3A_8 : memref<128xi32, #tpu.memory_space<vmem>>) semaphore(%arg7 : memref<!tpu.dma_semaphore, #tpu.memory_space<semaphore_mem>>)
    %dma_start3A_12 = arith.constant 1 : i32
    %dma_start3A_13 = arith.constant 128 : i32
    %dma_start3A_14 = arith.constant 0 : i32
    %dma_start3A_15 = tpu.memref_slice %arg6[%dma_start3A_13, %dma_start3A_14] : memref<512x128xf32, #tpu.memory_space<vmem>> -> memref<128x128xf32, #tpu.memory_space<vmem>>
    %dma_start3A_16 = arith.constant 0 : i32
    %dma_start3A_17 = tpu.memref_slice %arg5[%dma_start3A_12, %dma_start3A_16] : memref<4x128xi32, #tpu.memory_space<vmem>> -> memref<1x128xi32, #tpu.memory_space<vmem>>
    %dma_start3A_18 = tpu.memref_squeeze %dma_start3A_17 : memref<1x128xi32, #tpu.memory_space<vmem>> -> memref<128xi32, #tpu.memory_space<vmem>>
    %dma_start3A_19 = arith.constant 0 : i32
    %dma_start3A_20 = arith.constant 0 : i32
    %dma_start3A_21 = tpu.memref_slice %arg3[%dma_start3A_19, %dma_start3A_20] : memref<100000x128xf32, #tpu.memory_space<hbm>> -> memref<100000x128xf32, #tpu.memory_space<hbm>>
    tpu.enqueue_indirect_dma source(%dma_start3A_21 : memref<100000x128xf32, #tpu.memory_space<hbm>>) target(%dma_start3A_15 : memref<128x128xf32, #tpu.memory_space<vmem>>) offsets(%dma_start3A_18 : memref<128xi32, #tpu.memory_space<vmem>>) semaphore(%arg7 : memref<!tpu.dma_semaphore, #tpu.memory_space<semaphore_mem>>)
    %dma_start3A_22 = arith.constant 2 : i32
    %dma_start3A_23 = arith.constant 256 : i32
    %dma_start3A_24 = arith.constant 0 : i32
    %dma_start3A_25 = tpu.memref_slice %arg6[%dma_start3A_23, %dma_start3A_24] : memref<512x128xf32, #tpu.memory_space<vmem>> -> memref<128x128xf32, #tpu.memory_space<vmem>>
    %dma_start3A_26 = arith.constant 0 : i32
    %dma_start3A_27 = tpu.memref_slice %arg5[%dma_start3A_22, %dma_start3A_26] : memref<4x128xi32, #tpu.memory_space<vmem>> -> memref<1x128xi32, #tpu.memory_space<vmem>>
    %dma_start3A_28 = tpu.memref_squeeze %dma_start3A_27 : memref<1x128xi32, #tpu.memory_space<vmem>> -> memref<128xi32, #tpu.memory_space<vmem>>
    %dma_start3A_29 = arith.constant 0 : i32
    %dma_start3A_30 = arith.constant 0 : i32
    %dma_start3A_31 = tpu.memref_slice %arg3[%dma_start3A_29, %dma_start3A_30] : memref<100000x128xf32, #tpu.memory_space<hbm>> -> memref<100000x128xf32, #tpu.memory_space<hbm>>
    tpu.enqueue_indirect_dma source(%dma_start3A_31 : memref<100000x128xf32, #tpu.memory_space<hbm>>) target(%dma_start3A_25 : memref<128x128xf32, #tpu.memory_space<vmem>>) offsets(%dma_start3A_28 : memref<128xi32, #tpu.memory_space<vmem>>) semaphore(%arg7 : memref<!tpu.dma_semaphore, #tpu.memory_space<semaphore_mem>>)
    %dma_start3A_32 = arith.constant 3 : i32
    %dma_start3A_33 = arith.constant 384 : i32
    %dma_start3A_34 = arith.constant 0 : i32
    %dma_start3A_35 = tpu.memref_slice %arg6[%dma_start3A_33, %dma_start3A_34] : memref<512x128xf32, #tpu.memory_space<vmem>> -> memref<128x128xf32, #tpu.memory_space<vmem>>
    %dma_start3A_36 = arith.constant 0 : i32
    %dma_start3A_37 = tpu.memref_slice %arg5[%dma_start3A_32, %dma_start3A_36] : memref<4x128xi32, #tpu.memory_space<vmem>> -> memref<1x128xi32, #tpu.memory_space<vmem>>
    %dma_start3A_38 = tpu.memref_squeeze %dma_start3A_37 : memref<1x128xi32, #tpu.memory_space<vmem>> -> memref<128xi32, #tpu.memory_space<vmem>>
    %dma_start3A_39 = arith.constant 0 : i32
    %dma_start3A_40 = arith.constant 0 : i32
    %dma_start3A_41 = tpu.memref_slice %arg3[%dma_start3A_39, %dma_start3A_40] : memref<100000x128xf32, #tpu.memory_space<hbm>> -> memref<100000x128xf32, #tpu.memory_space<hbm>>
    tpu.enqueue_indirect_dma source(%dma_start3A_41 : memref<100000x128xf32, #tpu.memory_space<hbm>>) target(%dma_start3A_35 : memref<128x128xf32, #tpu.memory_space<vmem>>) offsets(%dma_start3A_38 : memref<128xi32, #tpu.memory_space<vmem>>) semaphore(%arg7 : memref<!tpu.dma_semaphore, #tpu.memory_space<semaphore_mem>>)
    %dma_wait3A = arith.constant 0 : i32
    %dma_wait3A_42 = arith.constant 0 : i32
    %dma_wait3A_43 = arith.constant 0 : i32
    %dma_wait3A_44 = tpu.memref_slice %arg6[%dma_wait3A_42, %dma_wait3A_43] : memref<512x128xf32, #tpu.memory_space<vmem>> -> memref<128x128xf32, #tpu.memory_space<vmem>>
    %dma_wait3A_45 = arith.constant 0 : i32
    %dma_wait3A_46 = tpu.memref_slice %arg5[%dma_wait3A, %dma_wait3A_45] : memref<4x128xi32, #tpu.memory_space<vmem>> -> memref<1x128xi32, #tpu.memory_space<vmem>>
    %dma_wait3A_47 = tpu.memref_squeeze %dma_wait3A_46 : memref<1x128xi32, #tpu.memory_space<vmem>> -> memref<128xi32, #tpu.memory_space<vmem>>
    %dma_wait3A_48 = arith.constant 0 : i32
    %dma_wait3A_49 = arith.constant 0 : i32
    %dma_wait3A_50 = tpu.memref_slice %arg3[%dma_wait3A_48, %dma_wait3A_49] : memref<100000x128xf32, #tpu.memory_space<hbm>> -> memref<100000x128xf32, #tpu.memory_space<hbm>>
    tpu.wait_indirect_dma semaphore(%arg7 : memref<!tpu.dma_semaphore, #tpu.memory_space<semaphore_mem>>) src(%dma_wait3A_50 : memref<100000x128xf32, #tpu.memory_space<hbm>>) dst(%dma_wait3A_44 : memref<128x128xf32, #tpu.memory_space<vmem>>)
    %dma_wait3A_51 = arith.constant 1 : i32
    %dma_wait3A_52 = arith.constant 128 : i32
    %dma_wait3A_53 = arith.constant 0 : i32
    %dma_wait3A_54 = tpu.memref_slice %arg6[%dma_wait3A_52, %dma_wait3A_53] : memref<512x128xf32, #tpu.memory_space<vmem>> -> memref<128x128xf32, #tpu.memory_space<vmem>>
    %dma_wait3A_55 = arith.constant 0 : i32
    %dma_wait3A_56 = tpu.memref_slice %arg5[%dma_wait3A_51, %dma_wait3A_55] : memref<4x128xi32, #tpu.memory_space<vmem>> -> memref<1x128xi32, #tpu.memory_space<vmem>>
    %dma_wait3A_57 = tpu.memref_squeeze %dma_wait3A_56 : memref<1x128xi32, #tpu.memory_space<vmem>> -> memref<128xi32, #tpu.memory_space<vmem>>
    %dma_wait3A_58 = arith.constant 0 : i32
    %dma_wait3A_59 = arith.constant 0 : i32
    %dma_wait3A_60 = tpu.memref_slice %arg3[%dma_wait3A_58, %dma_wait3A_59] : memref<100000x128xf32, #tpu.memory_space<hbm>> -> memref<100000x128xf32, #tpu.memory_space<hbm>>
    tpu.wait_indirect_dma semaphore(%arg7 : memref<!tpu.dma_semaphore, #tpu.memory_space<semaphore_mem>>) src(%dma_wait3A_60 : memref<100000x128xf32, #tpu.memory_space<hbm>>) dst(%dma_wait3A_54 : memref<128x128xf32, #tpu.memory_space<vmem>>)
    %dma_wait3A_61 = arith.constant 2 : i32
    %dma_wait3A_62 = arith.constant 256 : i32
    %dma_wait3A_63 = arith.constant 0 : i32
    %dma_wait3A_64 = tpu.memref_slice %arg6[%dma_wait3A_62, %dma_wait3A_63] : memref<512x128xf32, #tpu.memory_space<vmem>> -> memref<128x128xf32, #tpu.memory_space<vmem>>
    %dma_wait3A_65 = arith.constant 0 : i32
    %dma_wait3A_66 = tpu.memref_slice %arg5[%dma_wait3A_61, %dma_wait3A_65] : memref<4x128xi32, #tpu.memory_space<vmem>> -> memref<1x128xi32, #tpu.memory_space<vmem>>
    %dma_wait3A_67 = tpu.memref_squeeze %dma_wait3A_66 : memref<1x128xi32, #tpu.memory_space<vmem>> -> memref<128xi32, #tpu.memory_space<vmem>>
    %dma_wait3A_68 = arith.constant 0 : i32
    %dma_wait3A_69 = arith.constant 0 : i32
    %dma_wait3A_70 = tpu.memref_slice %arg3[%dma_wait3A_68, %dma_wait3A_69] : memref<100000x128xf32, #tpu.memory_space<hbm>> -> memref<100000x128xf32, #tpu.memory_space<hbm>>
    tpu.wait_indirect_dma semaphore(%arg7 : memref<!tpu.dma_semaphore, #tpu.memory_space<semaphore_mem>>) src(%dma_wait3A_70 : memref<100000x128xf32, #tpu.memory_space<hbm>>) dst(%dma_wait3A_64 : memref<128x128xf32, #tpu.memory_space<vmem>>)
    %dma_wait3A_71 = arith.constant 3 : i32
    %dma_wait3A_72 = arith.constant 384 : i32
    %dma_wait3A_73 = arith.constant 0 : i32
    %dma_wait3A_74 = tpu.memref_slice %arg6[%dma_wait3A_72, %dma_wait3A_73] : memref<512x128xf32, #tpu.memory_space<vmem>> -> memref<128x128xf32, #tpu.memory_space<vmem>>
    %dma_wait3A_75 = arith.constant 0 : i32
    %dma_wait3A_76 = tpu.memref_slice %arg5[%dma_wait3A_71, %dma_wait3A_75] : memref<4x128xi32, #tpu.memory_space<vmem>> -> memref<1x128xi32, #tpu.memory_space<vmem>>
    %dma_wait3A_77 = tpu.memref_squeeze %dma_wait3A_76 : memref<1x128xi32, #tpu.memory_space<vmem>> -> memref<128xi32, #tpu.memory_space<vmem>>
    %dma_wait3A_78 = arith.constant 0 : i32
    %dma_wait3A_79 = arith.constant 0 : i32
    %dma_wait3A_80 = tpu.memref_slice %arg3[%dma_wait3A_78, %dma_wait3A_79] : memref<100000x128xf32, #tpu.memory_space<hbm>> -> memref<100000x128xf32, #tpu.memory_space<hbm>>
    tpu.wait_indirect_dma semaphore(%arg7 : memref<!tpu.dma_semaphore, #tpu.memory_space<semaphore_mem>>) src(%dma_wait3A_80 : memref<100000x128xf32, #tpu.memory_space<hbm>>) dst(%dma_wait3A_74 : memref<128x128xf32, #tpu.memory_space<vmem>>)
    %mul3A_81 = arith.constant 512 : i32
    %mul3A_82 = arith.muli %add3A, %mul3A_81 : i32
    "tpu.region"() ({
      %run_scoped3A = tpu.sem_alloc : memref<!tpu.dma_semaphore, #tpu.memory_space<semaphore_mem>>
      %dma_start3A_83 = arith.constant 0 : i32
      %dma_start3A_84 = tpu.memref_slice %arg4[%mul3A_82, %dma_start3A_83] : memref<16384x128xf32, #tpu.memory_space<hbm>> -> memref<512x128xf32, #tpu.memory_space<hbm>>
      %dma_start3A_85 = arith.constant 0 : i32
      %dma_start3A_86 = tpu.memref_slice %arg4[%mul3A_82, %dma_start3A_85] : memref<16384x128xf32, #tpu.memory_space<hbm>> -> memref<512x128xf32, #tpu.memory_space<hbm>>
      tpu.enqueue_dma source(%arg6 : memref<512x128xf32, #tpu.memory_space<vmem>>) target(%dma_start3A_86 : memref<512x128xf32, #tpu.memory_space<hbm>>) target_semaphore(%run_scoped3A : memref<!tpu.dma_semaphore, #tpu.memory_space<semaphore_mem>>)
      %dma_wait3A_87 = arith.constant 0 : i32
      %dma_wait3A_88 = tpu.memref_slice %arg4[%mul3A_82, %dma_wait3A_87] : memref<16384x128xf32, #tpu.memory_space<hbm>> -> memref<512x128xf32, #tpu.memory_space<hbm>>
      %dma_wait3A_89 = arith.constant 0 : i32
      %dma_wait3A_90 = tpu.memref_slice %arg4[%mul3A_82, %dma_wait3A_89] : memref<16384x128xf32, #tpu.memory_space<hbm>> -> memref<512x128xf32, #tpu.memory_space<hbm>>
      tpu.wait_dma2 semaphore(%run_scoped3A : memref<!tpu.dma_semaphore, #tpu.memory_space<semaphore_mem>>) src(%arg6 : memref<512x128xf32, #tpu.memory_space<vmem>>) dst(%dma_wait3A_90 : memref<512x128xf32, #tpu.memory_space<hbm>>)
      tpu.yield
    }) : () -> ()
    return
  }
}

module attributes {stable_mosaic.version = 14 : i64} {
  func.func @_copy_body(%arg0: i32, %arg1: memref<4000x128xf32, #tpu.memory_space<vmem>>, %arg2: memref<4000x128xf32, #tpu.memory_space<vmem>>) attributes {dimension_semantics = [#tpu.dimension_semantics<arbitrary>], iteration_bounds = array<i64: 25>, scalar_prefetch = 0 : i64, scratch_operands = 0 : i64, tpu.core_type = #tpu.core_type<tc>, window_params = [{transform_indices = @transform_0, window_bounds = array<i64: 4000, 128>}, {transform_indices = @transform_1, window_bounds = array<i64: 4000, 128>}]} {
    %get3A = arith.constant 0 : index
    %get3A_0 = arith.constant 0 : index
    %get3A_1 = vector.load %arg1[%get3A, %get3A_0] : memref<4000x128xf32, #tpu.memory_space<vmem>>, vector<4000x128xf32>
    %swap3A = arith.constant 0 : index
    %swap3A_2 = arith.constant 0 : index
    %swap3A_3 = vector.load %arg2[%swap3A, %swap3A_2] : memref<4000x128xf32, #tpu.memory_space<vmem>>, vector<4000x128xf32>
    tpu.vector_store %arg2[%swap3A, %swap3A_2], %get3A_1 {strides = array<i32>} : memref<4000x128xf32, #tpu.memory_space<vmem>>, vector<4000x128xf32>,
    return
  }
  func.func @transform_0(%arg0: i32) -> (i32, i32) {
    %c0_i32 = arith.constant 0 : i32
    %c0_i32_0 = arith.constant 0 : i32
    return %arg0, %c0_i32 : i32, i32
  }
  func.func @transform_1(%arg0: i32) -> (i32, i32) {
    %c0_i32 = arith.constant 0 : i32
    %c0_i32_0 = arith.constant 0 : i32
    return %arg0, %c0_i32 : i32, i32
  }
}

module attributes {stable_mosaic.version = 14 : i64} {
  func.func @_gru_body(%arg0: i32, %arg1: memref<1024x256xf32, #tpu.memory_space<vmem>>, %arg2: memref<1024x128xf32, #tpu.memory_space<vmem>>, %arg3: memref<384x256xf32, #tpu.memory_space<vmem>>, %arg4: memref<384x128xf32, #tpu.memory_space<vmem>>, %arg5: memref<8x384xf32, #tpu.memory_space<vmem>>, %arg6: memref<8x384xf32, #tpu.memory_space<vmem>>, %arg7: memref<1024x128xf32, #tpu.memory_space<vmem>>) attributes {dimension_semantics = [#tpu.dimension_semantics<arbitrary>], iteration_bounds = array<i64: 16>, scalar_prefetch = 0 : i64, scratch_operands = 0 : i64, tpu.core_type = #tpu.core_type<tc>, window_params = [{transform_indices = @transform_0, window_bounds = array<i64: 1024, 256>}, {transform_indices = @transform_1, window_bounds = array<i64: 1024, 128>}, {pipeline_mode = #tpu.pipeline_mode<synchronous>, transform_indices = @transform_2, window_bounds = array<i64: 384, 256>}, {pipeline_mode = #tpu.pipeline_mode<synchronous>, transform_indices = @transform_3, window_bounds = array<i64: 384, 128>}, {pipeline_mode = #tpu.pipeline_mode<synchronous>, transform_indices = @transform_4, window_bounds = array<i64: 8, 384>}, {pipeline_mode = #tpu.pipeline_mode<synchronous>, transform_indices = @transform_5, window_bounds = array<i64: 8, 384>}, {transform_indices = @transform_6, window_bounds = array<i64: 1024, 128>}]} {
    %get3A = arith.constant 0 : index
    %get3A_0 = arith.constant 0 : index
    %get3A_1 = vector.load %arg2[%get3A, %get3A_0] : memref<1024x128xf32, #tpu.memory_space<vmem>>, vector<1024x128xf32>
    %get3A_2 = arith.constant 0 : index
    %get3A_3 = arith.constant 0 : index
    %get3A_4 = vector.load %arg1[%get3A_2, %get3A_3] : memref<1024x256xf32, #tpu.memory_space<vmem>>, vector<1024x256xf32>
    %get3A_5 = arith.constant 0 : index
    %get3A_6 = arith.constant 0 : index
    %get3A_7 = vector.load %arg3[%get3A_5, %get3A_6] : memref<384x256xf32, #tpu.memory_space<vmem>>, vector<384x256xf32>
    %dot_general3A = arith.constant dense<0.000000e+00> : vector<1024x384xf32>
    %dot_general3A_8 = tpu.matmul %get3A_4, %get3A_7, %dot_general3A {dimension_numbers = #tpu.dot_dimension_numbers<[1], [1], [0], [0], [0, 0, 1, 0], [], []>, transpose_lhs_hint = false} : vector<1024x256xf32>, vector<384x256xf32>, vector<1024x384xf32> -> vector<1024x384xf32>
    %get3A_9 = arith.constant 0 : index
    %get3A_10 = arith.constant 0 : index
    %get3A_11 = vector.load %arg4[%get3A_9, %get3A_10] : memref<384x128xf32, #tpu.memory_space<vmem>>, vector<384x128xf32>
    %dot_general3A_12 = arith.constant dense<0.000000e+00> : vector<1024x384xf32>
    %dot_general3A_13 = tpu.matmul %get3A_1, %get3A_11, %dot_general3A_12 {dimension_numbers = #tpu.dot_dimension_numbers<[1], [1], [0], [0], [0, 0, 1, 0], [], []>, transpose_lhs_hint = false} : vector<1024x128xf32>, vector<384x128xf32>, vector<1024x384xf32> -> vector<1024x384xf32>
    %get3A_14 = arith.constant 0 : index
    %get3A_15 = arith.constant 0 : index
    %get3A_16 = vector.load %arg5[%get3A_14, %get3A_15] : memref<8x384xf32, #tpu.memory_space<vmem>>, vector<1x384xf32>
    %add3A = vector.broadcast %get3A_16 : vector<1x384xf32> to vector<1024x384xf32>
    %add3A_17 = arith.addf %dot_general3A_8, %add3A : vector<1024x384xf32>
    %get3A_18 = arith.constant 0 : index
    %get3A_19 = arith.constant 0 : index
    %get3A_20 = vector.load %arg6[%get3A_18, %get3A_19] : memref<8x384xf32, #tpu.memory_space<vmem>>, vector<1x384xf32>
    %add3A_21 = vector.broadcast %get3A_20 : vector<1x384xf32> to vector<1024x384xf32>
    %add3A_22 = arith.addf %dot_general3A_13, %add3A_21 : vector<1024x384xf32>
    %slice3A = vector.extract_strided_slice %add3A_17 {offsets = [0, 0], sizes = [1024, 128], strides = [1, 1]} : vector<1024x384xf32> to vector<1024x128xf32>
    %slice3A_23 = vector.extract_strided_slice %add3A_22 {offsets = [0, 0], sizes = [1024, 128], strides = [1, 1]} : vector<1024x384xf32> to vector<1024x128xf32>
    %add3A_24 = arith.addf %slice3A, %slice3A_23 : vector<1024x128xf32>
    %logistic3A = arith.negf %add3A_24 : vector<1024x128xf32>
    %logistic3A_25 = math.exp %logistic3A : vector<1024x128xf32>
    %logistic3A_26 = arith.constant 1.000000e+00 : f32
    %logistic3A_27 = vector.broadcast %logistic3A_26 : f32 to vector<1024x128xf32>
    %logistic3A_28 = arith.addf %logistic3A_27, %logistic3A_25 : vector<1024x128xf32>
    %logistic3A_29 = arith.divf %logistic3A_27, %logistic3A_28 : vector<1024x128xf32>
    %slice3A_30 = vector.extract_strided_slice %add3A_17 {offsets = [0, 128], sizes = [1024, 128], strides = [1, 1]} : vector<1024x384xf32> to vector<1024x128xf32>
    %slice3A_31 = vector.extract_strided_slice %add3A_22 {offsets = [0, 128], sizes = [1024, 128], strides = [1, 1]} : vector<1024x384xf32> to vector<1024x128xf32>
    %add3A_32 = arith.addf %slice3A_30, %slice3A_31 : vector<1024x128xf32>
    %logistic3A_33 = arith.negf %add3A_32 : vector<1024x128xf32>
    %logistic3A_34 = math.exp %logistic3A_33 : vector<1024x128xf32>
    %logistic3A_35 = arith.constant 1.000000e+00 : f32
    %logistic3A_36 = vector.broadcast %logistic3A_35 : f32 to vector<1024x128xf32>
    %logistic3A_37 = arith.addf %logistic3A_36, %logistic3A_34 : vector<1024x128xf32>
    %logistic3A_38 = arith.divf %logistic3A_36, %logistic3A_37 : vector<1024x128xf32>
    %slice3A_39 = vector.extract_strided_slice %add3A_17 {offsets = [0, 256], sizes = [1024, 128], strides = [1, 1]} : vector<1024x384xf32> to vector<1024x128xf32>
    %slice3A_40 = vector.extract_strided_slice %add3A_22 {offsets = [0, 256], sizes = [1024, 128], strides = [1, 1]} : vector<1024x384xf32> to vector<1024x128xf32>
    %mul3A = arith.mulf %logistic3A_29, %slice3A_40 : vector<1024x128xf32>
    %add3A_41 = arith.addf %slice3A_39, %mul3A : vector<1024x128xf32>
    %tanh3A = math.tanh %add3A_41 : vector<1024x128xf32>
    %sub3A = arith.constant 1.000000e+00 : f32
    %sub3A_42 = vector.broadcast %sub3A : f32 to vector<1024x128xf32>
    %sub3A_43 = arith.subf %sub3A_42, %logistic3A_38 : vector<1024x128xf32>
    %mul3A_44 = arith.mulf %sub3A_43, %tanh3A : vector<1024x128xf32>
    %mul3A_45 = arith.mulf %logistic3A_38, %get3A_1 : vector<1024x128xf32>
    %add3A_46 = arith.addf %mul3A_44, %mul3A_45 : vector<1024x128xf32>
    %swap3A = arith.constant 0 : index
    %swap3A_47 = arith.constant 0 : index
    %swap3A_48 = vector.load %arg7[%swap3A, %swap3A_47] : memref<1024x128xf32, #tpu.memory_space<vmem>>, vector<1024x128xf32>
    tpu.vector_store %arg7[%swap3A, %swap3A_47], %add3A_46 {strides = array<i32>} : memref<1024x128xf32, #tpu.memory_space<vmem>>, vector<1024x128xf32>,
    return
  }
  func.func @transform_0(%arg0: i32) -> (i32, i32) {
    %c0_i32 = arith.constant 0 : i32
    %c0_i32_0 = arith.constant 0 : i32
    return %arg0, %c0_i32 : i32, i32
  }
  func.func @transform_1(%arg0: i32) -> (i32, i32) {
    %c0_i32 = arith.constant 0 : i32
    %c0_i32_0 = arith.constant 0 : i32
    return %arg0, %c0_i32 : i32, i32
  }
  func.func @transform_2(%arg0: i32) -> (i32, i32) {
    %c0_i32 = arith.constant 0 : i32
    %c0_i32_0 = arith.constant 0 : i32
    %c0_i32_1 = arith.constant 0 : i32
    return %c0_i32, %c0_i32_0 : i32, i32
  }
  func.func @transform_3(%arg0: i32) -> (i32, i32) {
    %c0_i32 = arith.constant 0 : i32
    %c0_i32_0 = arith.constant 0 : i32
    %c0_i32_1 = arith.constant 0 : i32
    return %c0_i32, %c0_i32_0 : i32, i32
  }
  func.func @transform_4(%arg0: i32) -> (i32, i32) {
    %c0_i32 = arith.constant 0 : i32
    %c0_i32_0 = arith.constant 0 : i32
    %c0_i32_1 = arith.constant 0 : i32
    return %c0_i32, %c0_i32_0 : i32, i32
  }
  func.func @transform_5(%arg0: i32) -> (i32, i32) {
    %c0_i32 = arith.constant 0 : i32
    %c0_i32_0 = arith.constant 0 : i32
    %c0_i32_1 = arith.constant 0 : i32
    return %c0_i32, %c0_i32_0 : i32, i32
  }
  func.func @transform_6(%arg0: i32) -> (i32, i32) {
    %c0_i32 = arith.constant 0 : i32
    %c0_i32_0 = arith.constant 0 : i32
    return %arg0, %c0_i32 : i32, i32
  }
}

</mosaic_0001>

<sc_bundles>
// kernel: kernel.10.cloned.1.call-start
scs
__scs_entry_jumppad:
0x0: {  	(pc) =	sbr.rel $0x88, $3  }
0x1: {  	(tag) =	ssettag $0x0;
	lr =	simm.s32 $0x1  }
0x2: {  	[smem:$0x3F98] =	sst lr;
	_ =	strace $0xD0000000  }
0x3: {  	_ = 	snop  }
0x4: {  	_ = 	snop  }
0x5: {  	_ = 	snop  }
0x6: {  	_ = 	snop  }
0x7: {  	_ = 	snop  }
__scs_overlays_trampoline_lowered:
0x8: {  	[smem:$0x3FA7] =	sst s0  }
0x9: {  	[smem:$0x3FA8] =	sst s1  }
0xa: {  	[smem:$0x3FA9] =	sst s2  }
0xb: {  	[smem:$0x3FAA] =	sst s3  }
0xc: {  	[smem:$0x3FAB] =	sst s4  }
0xd: {  	[smem:$0x3FAC] =	sst s5  }
0xe: {  	[smem:$0x3FAD] =	sst s6  }
0xf: {  	[smem:$0x3FAE] =	sst s7  }
0x10: {  	[smem:$0x3FAF] =	sst s8  }
0x11: {  	[smem:$0x3FB0] =	sst s9;
	s0 =	simm.s32 @!p0 $0x0  }
0x12: {  	s1 =	sld [smem:$0x3F96];
	s0 =	simm.s32 @p0 $0x1  }
0x13: {  	[smem:$0x3FB1] =	sst s0;
	s0 =	simm.s32 @!p1 $0x0  }
0x14: {  	s2 =	sld [smem:$0x3F95];
	s0 =	simm.s32 @p1 $0x1  }
0x15: {  	[smem:$0x3FB2] =	sst s0;
	s0 =	simm.s32 @!p2 $0x0  }
0x16: {  	s3 =	sld [smem:$0x3FDB];
	s0 =	simm.s32 @p2 $0x1  }
0x17: {  	s4 =	simm.s32 $0x1BF5;
	[smem:$0x3FB4] =	sst s0  }
0x18: {  	s0 =	sld [smem:$0x3F97];
	_ =	swait.ge [sflag:s4], $0x0  }
0x19: {  	s7 =	sld [smem:$0x3F98]  }
0x1a: {  	s8 =	sadd.s32 $0xFFFFE003, lr  }
0x1b: {  	s9 =	sadd.s32 $0xFFFFFEF7, lr;
	s5 =	simm.s32 $0xFFFFFFFF;
	p2 =	slt.u32 s8, $0xFFFFF086  }
0x1c: {  	p1 =	slt.u32 s9, $0xF7A;
	s5 =	simm.s32 @!p2 $0x0  }
0x1d: {  	s5 =	simm.s32 @p1 $0x1;
	p0 =	seq.s32 s7, s2  }
0x1e: {  	s7 =	smul.u32 @!p0 $0xF7A, s2;
	p2 =	seq.s32 @!p0 s5, $0x0  }
0x1f: {  	s9 =	smul.u32 $0xF7A, s1;
	s8 =	simm.s32 @!p0 $0x1BF5;
	p2 =	por !p2, p0  }
0x20: {  	[sflag:s8] =	ssyncset.s32 @!p0 $0xFFFFF086;
	s6 =	sadd.s32 @!p0 s3, s7;
	s7 =	simm.s32 @!p0 $0x108  }
0x21: {  	s3 =	sadd.s32 s3, s9;
	s6 =	sadd.s32 @!p0 $0x88, s6;
	s7 =	simm.s32 @p2 $0x1082  }
0x22: {  	[simem:s7], [sflag:s8] =	dma.local @!p0 [hbm:s6], $0xF7A  }
0x23: {  	s9 =	sor.u32 $0xD0000000, s2;
	s6 =	simm.s32 $0x108;
	_ =	swait.ge @!p0 [sflag:s8], $0x0  }
0x24: {  	s3 =	sadd.s32 $0x88, s3;
	s6 =	simm.s32 @!p1 $0x1082;
	[sflag:s4] =	ssyncset.s32 $0xFFFFF086  }
0x25: {  	[simem:s6], [sflag:s4] =	dma.local [hbm:s3], $0xF7A  }
0x26: {  	[smem:$0x3F98] =	sst s1;
	(tag) =	ssettag s2;
	_ =	strace s9  }
0x27: {  	s1 =	sld [smem:$0x3FA8]  }
0x28: {  	s2 =	sld [smem:$0x3FA9]  }
0x29: {  	s4 =	sld [smem:$0x3FAB]  }
0x2a: {  	p0 =	seq.s32 s5, $0x0;
	s5 =	sld [smem:$0x3FAC]  }
0x2b: {  	s6 =	sld [smem:$0x3FAD]  }
0x2c: {  	s7 =	sld [smem:$0x3FAE]  }
0x2d: {  	s3 =	simm.s32 $0x108;
	s8 =	sld [smem:$0x3FAF]  }
0x2e: {  	s3 =	simm.s32 @!p0 $0x1082;
	s9 =	sld [smem:$0x3FB0]  }
0x2f: {  	lr =	sadd.s32 s0, s3;
	s0 =	sld [smem:$0x3FA7]  }
0x30: {  	s3 =	sld [smem:$0x3FAA]  }
0x31: {  	[smem:$0x3FB3] =	sst s10  }
0x32: {  	s10 =	sld [smem:$0x3FB1];
	_ =	sdelay $0x3  }
0x33: {  	p0 =	seq.s32 s10, $0x1;
	s10 =	sld [smem:$0x3FB3];
	_ =	sdelay $0x3  }
0x34: {  	[smem:$0x3FB3] =	sst s10  }
0x35: {  	s10 =	sld [smem:$0x3FB2];
	_ =	sdelay $0x3  }
0x36: {  	p1 =	seq.s32 s10, $0x1;
	s10 =	sld [smem:$0x3FB3];
	_ =	sdelay $0x3  }
0x37: {  	[smem:$0x3FB3] =	sst s10  }
0x38: {  	s10 =	sld [smem:$0x3FB4]  }
0x39: {  	_ = 	snop;
	(pc) =	sbr.ind lr, $3  }
0x3a: {  	_ = 	snop  }
0x3b: {  	_ = 	snop  }
0x3c: {  	p2 =	seq.s32 s10, $0x1;
	s10 =	sld [smem:$0x3FB3]  }
0x3d: {  	_ =	shalt  }
0x3e: {  	_ =	shalt  }
0x3f: {  	_ =	shalt  }
0x40: {  	_ =	shalt  }
0x41: {  	_ =	shalt  }
0x42: {  	_ =	shalt  }
0x43: {  	_ =	shalt  }
0x44: {  	_ =	shalt  }
0x45: {  	_ =	shalt  }
0x46: {  	_ =	shalt  }
0x47: {  	_ =	shalt  }
0x48: {  	_ =	shalt  }
0x49: {  	_ =	shalt  }
0x4a: {  	_ =	shalt  }
0x4b: {  	_ =	shalt  }
0x4c: {  	_ =	shalt  }
0x4d: {  	_ =	shalt  }
0x4e: {  	_ =	shalt  }
0x4f: {  	_ =	shalt  }
0x50: {  	_ =	shalt  }
0x51: {  	_ =	shalt  }
0x52: {  	_ =	shalt  }
0x53: {  	_ =	shalt  }
0x54: {  	_ =	shalt  }
0x55: {  	_ =	shalt  }
0x56: {  	_ =	shalt  }
0x57: {  	_ =	shalt  }
0x58: {  	_ =	shalt  }
0x59: {  	_ =	shalt  }
0x5a: {  	_ =	shalt  }
0x5b: {  	_ =	shalt  }
0x5c: {  	_ =	shalt  }
0x5d: {  	_ =	shalt  }
0x5e: {  	_ =	shalt  }
0x5f: {  	_ =	shalt  }
0x60: {  	_ =	shalt  }
0x61: {  	_ =	shalt  }
0x62: {  	_ =	shalt  }
0x63: {  	_ =	shalt  }
0x64: {  	_ =	shalt  }
0x65: {  	_ =	shalt  }
0x66: {  	_ =	shalt  }
0x67: {  	_ =	shalt  }
0x68: {  	_ =	shalt  }
0x69: {  	_ =	shalt  }
0x6a: {  	_ =	shalt  }
0x6b: {  	_ =	shalt  }
0x6c: {  	_ =	shalt  }
0x6d: {  	_ =	shalt  }
0x6e: {  	_ =	shalt  }
0x6f: {  	_ =	shalt  }
0x70: {  	_ =	shalt  }
0x71: {  	_ =	shalt  }
0x72: {  	_ =	shalt  }
0x73: {  	_ =	shalt  }
0x74: {  	_ =	shalt  }
0x75: {  	_ =	shalt  }
0x76: {  	_ =	shalt  }
0x77: {  	_ =	shalt  }
0x78: {  	_ =	shalt  }
0x79: {  	_ =	shalt  }
0x7a: {  	_ =	shalt  }
0x7b: {  	_ =	shalt  }
0x7c: {  	_ =	shalt  }
0x7d: {  	_ =	shalt  }
0x7e: {  	_ =	shalt  }
0x7f: {  	_ =	shalt  }
0x80: {  	_ =	shalt  }
0x81: {  	_ =	shalt  }
0x82: {  	_ =	shalt  }
0x83: {  	_ =	shalt  }
0x84: {  	_ =	shalt  }
0x85: {  	_ =	shalt  }
0x86: {  	_ =	shalt  }
0x87: {  	_ =	shalt  }
.Lfunc_end0:
.L_simem_size_0:
called_computation.1_lowered:
.L_overlay_start_0:
0x88: {  	s2 =	sld [smem:$0x3FD9]  }
0x89: {  	s3 =	sld [smem:$0x3FFE];
	_ =	sdelay $0x1  }
0x8a: {  	s1 =	srdreg.scid  }
0x8b: {  	s0 =	sand.u32 $0x1, s1  }
0x8c: {  	s15 =	sshll.u32 s0, $0xA;
	s2 =	sadd.s32 s3, s2  }
0x8d: {  	s2 =	sadd.s32 s2, s15  }
0x8e: {  	[smem:$0x3FBF] =	sst s2  }
0x8f: {  	_ = 	snop  }
0x90: {  	s5 =	sld [smem:$0x3FD0]  }
0x91: {  	s2 =	sld [smem:$0x3FC9]  }
0x92: {  	s16 =	sld [smem:$0x3FC7]  }
0x93: {  	s6 =	simm.s32 $0xB;
	s7 =	simm.s32 $0x10;
	s4 =	sld [smem:$0x3FC5]  }
0x94: {  	[smem:s7], [sflag:s6] =	dma.local [hbm:s5], $0x1  }
0x95: {  	_ =	swait.eq [sflag:s6], $0x1  }
0x96: {  	[sflag:s6] =	ssyncset.done $0x0  }
0x97: {  	[sflag:s6] =	ssyncadd.s32 $0xFFFFFFFF  }
0x98: {  	s17 =	sld [smem:$0x11];
	(tm) =	ssettm $0x1  }
0x99: {  	s18 =	sld [smem:$0x3FFB];
	_ =	sdelay $0x3  }
0x9a: {  	_ =	strace s18  }
0x9b: {  	s5 =	sld [smem:$0x3FFC];
	_ =	sdelay $0x3  }
0x9c: {  	_ =	strace s5  }
0x9d: {  	s5 =	sld [smem:$0x3FFD];
	_ =	sdelay $0x3  }
0x9e: {  	_ =	strace s5  }
0x9f: {  	_ =	strace $0x8FFFFFFF  }
0xa0: {  	s19 =	sld [smem:$0x3FDB];
	_ =	sdelay $0x1  }
0xa1: {  	s20 =	simm.s32 $_scs_section_size  }
0xa2: {  	s8 =	simm.s32 $_size__tile_overlayer_lowered;
	s9 =	simm.s32 $_tile_overlayer_lowered  }
0xa3: {  	s10 =	simm.s32 $0x1BFF;
	s21 =	sshll.u32 s9, $0x1;
	s7 =	sadd.s32 s20, s19  }
0xa4: {  	s22 =	simm.s32 $0x0;
	s8 =	sshll.u32 s8, $0x1;
	s9 =	sadd.s32 s21, s7  }
0xa5: {  	[timem:s22], [sflag:s10] =	dma.local [hbm:s9], s8  }
0xa6: {  	_ =	swait.ge [sflag:s10], s8  }
0xa7: {  	s8 =	ssub.s32 $0x0, s8;
	[sflag:s10] =	ssyncset.done $0x0  }
0xa8: {  	[sflag:s10] =	ssyncadd.s32 s8;
	_ =	sdelay $0x1  }
0xa9: {  	s23 =	simm.s32 $0x1B8B  }
0xaa: {  	_ =	swait.ge [sflag:s23], $0x1  }
0xab: {  	[sflag:s23] =	ssyncset.done $0x0  }
0xac: {  	[sflag:s23] =	ssyncadd.s32 $0xFFFFFFFF  }
0xad: {  	s8 =	sld [smem:$0x0]  }
0xae: {  	s9 =	sand.u32 $0xFFFFFFFE, s1  }
0xaf: {  	p0 =	sne.s32 s1, s9  }
0xb0: {  	s9 =	sshll.u32 @p0 s9, $0xE  }
0xb1: {  	s9 =	sadd.s32 @p0 $0x11B8D, s9;
	s10 =	sshll.u32 @p0 s8, $0x11  }
0xb2: {  	s9 =	sor.u32 @p0 s10, s9  }
0xb3: {  	[sflag:s9] =	ssyncadd.remote.s32 @p0 $0x1;
	_ =	sdelay $0x1  }
0xb4: {  	s9 =	simm.s32 @p0 $0x1B8D  }
0xb5: {  	_ =	swait.eq @p0 [sflag:s9], $0x1  }
0xb6: {  	[sflag:s9] =	ssyncadd.s32 @p0 $0xFFFFFFFF  }
0xb7: {  	s10 =	sshll.u32 @!p0 s1, $0xE  }
0xb8: {  	s10 =	sor.u32 @!p0 $0x4000, s10;
	s9 =	simm.s32 @!p0 $0x1B8D  }
0xb9: {  	s8 =	sshll.u32 @!p0 s8, $0x11;
	s10 =	sadd.s32 @!p0 $0x11B8D, s10;
	_ =	swait.eq @!p0 [sflag:s9], $0x1  }
0xba: {  	s8 =	sor.u32 @!p0 s8, s10;
	[sflag:s9] =	ssyncadd.s32 @!p0 $0xFFFFFFFF  }
0xbb: {  	s25 =	simm.s32 $0x1B8E;
	s24 =	sld [smem:$0x3FFE];
	[sflag:s8] =	ssyncadd.remote.s32 @!p0 $0x1  }
0xbc: {  	s26 =	simm.s32 $execute0_lowered;
	[smem:$0x3FD2] =	sst s25  }
0xbd: {  	s9 =	sshll.u32 s26, $0x1;
	_ =	strace $0x80000049;
	[dreg:$0x1] =	wrdreg $0xFFFFFFFF  }
0xbe: {  	s28 =	simm.s32 $_size_execute0_lowered;
	s7 =	sadd.s32 s7, s9;
	[dreg:$0x0] =	wrdreg $0x0  }
0xbf: {  	s9 =	sshll.u32 s28, $0x1;
	[dreg:$0x2] =	wrdreg s7  }
0xc0: {  	[dreg:$0x3] =	wrdreg s9  }
0xc1: {  	[dreg:$0x4] =	wrdreg $0xC0  }
0xc2: {  	_ =	task [dreg:s22], $0x5FFFF  }
0xc3: {  	[dreg:$0x1] =	wrdreg $0xFFFFFFFF  }
0xc4: {  	[dreg:$0x0] =	wrdreg $0x60  }
0xc5: {  	[dreg:$0x2] =	wrdreg s2  }
0xc6: {  	[dreg:$0x3] =	wrdreg s16  }
0xc7: {  	[dreg:$0x4] =	wrdreg s4  }
0xc8: {  	[dreg:$0x5] =	wrdreg s17  }
0xc9: {  	[dreg:$0x6] =	wrdreg s24  }
0xca: {  	[dreg:$0x7] =	wrdreg $0xA  }
0xcb: {  	_ =	task.clear_ibuf [dreg:s22], $0x8FFFF;
	_ =	strace $0x90000049  }
0xcc: {  	s29 =	simm.s32 $0xA;
	_ =	strace $0x8000004B  }
0xcd: {  	_ =	swait.ge [sflag:s29], $0x1  }
0xce: {  	[sflag:s29] =	ssyncadd.s32 $0xFFFFFFFF  }
0xcf: {  	_ =	strace $0x9000004B  }
0xd0: {  	_ =	sfence  }
0xd1: {  	s30 =	sld [smem:$0x0];
	_ =	sdelay $0x2  }
0xd2: {  	s31 =	sshll.u32 s1, $0xD;
	s1 =	sshrl.u32 s1, $0x2  }
0xd3: {  	s3 =	sand.u32 $0x4000, s31;
	s1 =	sadd.s32 s1, s30  }
0xd4: {  	s0 =	sor.u32 s3, s0;
	s1 =	sshll.u32 s1, $0x11  }
0xd5: {  	s0 =	sor.u32 s1, s0  }
0xd6: {  	s0 =	sadd.s32 $0x8F2B, s0  }
0xd7: {  	[sflag:s0] =	ssyncadd.remote.s32 $0x1  }
0xd8: {  	_ =	sfence.sel $0xFFFF  }
0xd9: {  	[dreg:$0x0] =	wrdreg $0xFFFFFFFF;
	(pc) =	sbr.abs _section_cstart, $3  }
0xda: {  	[dreg:$0x1] =	wrdreg $0xFFFFFFFF  }
0xdb: {  	_ =	task.clear_ibuf [dreg:s22], $0x2FFFF;
	_ =	strace $0x9FFFFFFF  }
0xdc: {  	(tm) =	ssettm $0x7FFFFFFF  }
0xdd: {  	_ =	shalt  }
tec
execute0_lowered:
.L_overlay_start_1:
0x0: {  	(tag) =	ssettag $0x1  }
0x1: {  	s1 =	rddreg [dreg:$0x0]  }
0x2: {  	s2 =	rddreg [dreg:$0x1]  }
0x3: {  	s0 =	rddreg [dreg:$0x2]  }
0x4: {  	s9 =	rddreg [dreg:$0x3]  }
0x5: {  	s6 =	rddreg [dreg:$0x4]  }
0x6: {  	s5 =	srdreg.scid;
	s3 =	stileid.u32  }
0x7: {  	s4 =	simm.s32 $0x0;
	s14 =	simm.s32 $0x8D00;
	s16 =	simm.s32 $0x4080  }
0x8: {  	s17 =	simm.s32 $0x1;
	s18 =	simm.s32 $0x8080;
	s19 =	simm.s32 $0x2  }
0x9: {  	s20 =	simm.s32 $0x9980;
	s21 =	simm.s32 $0xA980;
	s22 =	simm.s32 $0x3  }
0xa: {  	s23 =	simm.s32 $0x0;
	s5 =	sand.u32 $0x1, s5;
	s7 =	sshll.u32 s3, $0x1  }
0xb: {  	s28 =	simm.s32 $0x0;
	[smem:$0x7FF] =	sst s4;
	s7 =	sor.u32 s5, s7  }
0xc: {  	_ =	strace $0x8000004A;
	s10 =	ssub.s32 $0x2, s5;
	s8 =	sshll.u32 s7, $0x9  }
0xd: {  	s29 =	sshll.u32 s7, $0x4;
	s5 =	smul.u32 $0xC38, s7;
	p0 =	seq.s32 s7, $0x1F  }
0xe: {  	v0 =	vimm.s32 $0xFFEDCBA9;
	v1 =	vimm.s32 $0x87654321;
	s7 =	simm.s32 $0xBD8;
	s30 =	sshrl.u32 s10, $0x1;
	s11 =	sadd.s32 s8, s6  }
.Ltmp0:
0xf: {  	v0 =	vunpack.c.l.s4.s8 v0;
	v1 =	vunpack.c.l.s4.s8 v1;
	s12 =	sadd.s32 s29, s6;
	s7 =	simm.s32 @!p0 $0xC38;
	(pc) =	sbr.rel .LBB2_1-.Ltmp0, $4  }
0x10: {  	v2 =	vimm.s32 $0xFFFFFFFF;
	s13 =	ssub.s32 s10, s30;
	s15 =	sadd.s32 s5, s7;
	s31 =	sshrl.u32 s5, $0x3  }
0x11: {  	v3 =	vlaneseq.u32;
	v4 =	vunpack.c.0.s8.s32 v0;
	v5 =	vunpack.c.0.s8.s32 v1;
	s7 =	sadd.s32 $0x2F59, s0;
	s10 =	sadd.s32 $0x46200, s11;
	s11 =	sadd.s32 $0x42200, s11  }
0x12: {  	vm0 =	vcmask $0x3F3C;
	vm1 =	vcmask $0x300;
	s12 =	sadd.s32 $0x42000, s12;
	s13 =	smax.u32 s13, $0x1;
	v0 =	vmov s5;
	s6 =	sadd.s32 s0, s31  }
0x13: {  	v4 =	vcombine.low v5, v4;
	v5 =	vimm.s32 $0x0;
	s8 =	sadd.s32 s9, s31;
	s9 =	sadd.s32 $0x2F59, s9;
	v1 =	vmov s15;
	s15 =	simm.s32 $0x80  }
.LBB2_18:
0x14: {  	s0 =	simm.s32 @p0 $0x0;
	s25 =	simm.s32 @p0 $0x8D00  }
0x15: {  	[hbm4b:s9+s0] =	stream.linear.scatter @p0 [tilespmem:s25], [sflag:$0x3], $0xBD8, $0x38;
	[tilespmem:$0xB980] =	vst v63  }
0x16: {  	s0 =	simm.s32 @p0 $0x3  }
0x17: {  	_ =	swait.ge @p0 [sflag:s0], $0xBD8  }
0x18: {  	[sflag:s0] =	ssyncset.done @p0 $0x0  }
0x19: {  	s25 =	simm.s32 @!p0 $0x8D00;
	[sflag:s0] =	ssyncadd.s32 @p0 $0xFFFFF428;
	s0 =	simm.s32 @!p0 $0x0  }
0x1a: {  	[hbm4b:s8+s0] =	stream.linear.scatter @!p0 [tilespmem:s25], [sflag:$0x3], $0xC38, $0x38;
	[tilespmem:$0xB980] =	vst v63  }
0x1b: {  	s0 =	simm.s32 @!p0 $0x3  }
0x1c: {  	_ =	swait.ge @!p0 [sflag:s0], $0xC38  }
0x1d: {  	[sflag:s0] =	ssyncset.done @!p0 $0x0  }
0x1e: {  	[sflag:s0] =	ssyncadd.s32 @!p0 $0xFFFFF3C8  }
0x1f: {  	[hbm4b:s10+s4] =	stream.linear.scatter [tilespmem:s20], [sflag:$0x3], $0xD00, $0x38;
	[tilespmem:$0xB980] =	vst v63  }
0x20: {  	_ =	swait.ge [sflag:s22], $0xD00  }
0x21: {  	[sflag:s22] =	ssyncset.done $0x0  }
0x22: {  	[sflag:s22] =	ssyncadd.s32 $0xFFFFF300  }
0x23: {  	[hbm4b:s11+s4] =	stream.linear.scatter [tilespmem:s21], [sflag:$0x3], $0xD00, $0x38;
	[tilespmem:$0xB980] =	vst v63  }
0x24: {  	_ =	swait.ge [sflag:s22], $0xD00  }
0x25: {  	v6 =	vmov s24;
	s23 =	sadd.s32 $0x1, s23;
	[sflag:s22] =	ssyncset.done $0x0  }
0x26: {  	v6 =	vnsel vm1, $0x0, v6;
	p1 =	sne.s32 s23, s13;
	[sflag:s22] =	ssyncadd.s32 $0xFFFFF300  }
.Ltmp1:
0x27: {  	[tilespmem:$0x0] =	vst v6;
	(pc) =	sbr.rel @!p1 .LBB2_19-.Ltmp1, $4  }
0x28: {  	[hbm4b:s12+s4] =	stream.linear.scatter [tilespmem:s4], [sflag:$0x3], $0x80, $0x38;
	[tilespmem:$0xB980] =	vst v63  }
0x29: {  	_ =	swait.ge [sflag:s22], $0x80  }
0x2a: {  	[sflag:s22] =	ssyncset.done $0x0  }
0x2b: {  	[sflag:s22] =	ssyncadd.s32 $0xFFFFFF80  }
.LBB2_1:
.Ltmp2:
0x2c: {  	(pc) =	sbr.rel @!p0 .LBB2_2-.Ltmp2, $2  }
0x2d: {  	_ =	sdelay $0x2  }
0x2e: {  	s0 =	simm.s32 $0x0  }
0x2f: {  	[tilespmem:s14], [sflag:$0x2] =	stream.linear.gather [hbm4b:s7+s0], $0xBD8, $0x38;
	[tilespmem:$0xB980] =	vst v63  }
0x30: {  	_ = 	snop  }
0x31: {  	[tilespmem:s15], [sflag:$0x1] =	stream.linear.gather [hbm4b:s1+s0], $0x4000, $0x38;
	[tilespmem:$0xB980] =	vst v63  }
0x32: {  	_ = 	snop  }
0x33: {  	[tilespmem:s16], [sflag:$0x1] =	stream.linear.gather [hbm4b:s2+s0], $0x4000, $0x38;
	[tilespmem:$0xB980] =	vst v63  }
0x34: {  	s24 =	simm.s32 $0x0;
	s0 =	simm.s32 $0x40  }
.LBB2_8:
0x35: {  	p1 =	sne.s32 s0, $0x30C0;
	[tilespmem:s24+$0x8080] =	vst v2;
	s24 =	smov.u32 s0;
	s0 =	sadd.s32 $0x40, s0  }
.Ltmp3:
0x36: {  	(pc) =	sbr.rel @p1 .LBB2_8-.Ltmp3, $2  }
0x37: {  	_ =	sdelay $0x2  }
0x38: {  	s24 =	sshra.s32 s24, $0x2  }
0x39: {  	[tilespmem:s24+$0x8080] =	vst v2  }
0x3a: {  	_ =	swait.ge [sflag:s17], $0x4000  }
0x3b: {  	[sflag:s17] =	ssyncset.done $0x0  }
0x3c: {  	s24 =	simm.s32 $0x80;
	[sflag:s17] =	ssyncadd.s32 $0xFFFFC000  }
0x3d: {  	s25 =	simm.s32 $0x0;
	s26 =	simm.s32 $0x10;
	v6 =	vld [tilespmem:s24+$0x0]  }
.LBB2_10:
0x3e: {  	p1 =	sne.s32 s26, $0x3FF0;
	_ =	sdelay $0x3  }
0x3f: {  	v7 =	vor.u32 s25, v3;
	s25 =	smov.u32 s26;
	v6 =	vshll.u32 v6, $0xE  }
0x40: {  	v6 =	vadd.s32 v7, v6  }
0x41: {  	v6 =	vxor.u32 $0x80000000, v6  }
0x42: {  	(xrf1) =	vsort.ascd.msk.u32 $0xffff, v6, v7;
	_ =	sdelay $0xd  }
0x43: {  	v6, v7, _ =	vpop (xrf1)  }
0x44: {  	v6 =	vshrl.u32 v6, $0xE  }
0x45: {  	v6 =	vxor.u32 $0x20000, v6  }
0x46: {  	v8 =	vperm.xlane v6, v4;
	_ =	sdelay $0x1  }
0x47: {  	vm2 =	vne.s32 v6, v8  }
0x48: {  	vm3 =	vge.u32 v6, v0;
	vm2 =	vmor vm2, vm0  }
0x49: {  	vm2 =	vmand vm3, vm2;
	vm3 =	vlt.u32 v6, v1  }
0x4a: {  	v6 =	vsub.s32 v6, v0;
	vm2 =	vmand vm3, vm2  }
0x4b: {  	v6 =	vnsel vm2, $0x0, v6;
	_ =	sdelay $0x1  }
.Ltmp4:
0x4c: {  	(pc) =	sbr.rel @p1 .LBB2_10-.Ltmp4, $3  }
0x4d: {  	_ =	sdelay $0x1  }
0x4e: {  	s24 =	sadd.s32 $0x10, s24;
	[tilespmem:v6+s18+$0x0] =	vst.idx.msk vm2, v7  }
0x4f: {  	s26 =	sadd.s32 $0x10, s26;
	v6 =	vld [tilespmem:s24+$0x0]  }
0x50: {  	_ =	sdelay $0x3  }
0x51: {  	v7 =	vor.u32 s25, v3;
	v6 =	vshll.u32 v6, $0xE  }
0x52: {  	v6 =	vadd.s32 v7, v6  }
0x53: {  	v6 =	vxor.u32 $0x80000000, v6  }
0x54: {  	(xrf1) =	vsort.ascd.msk.u32 $0xffff, v6, v7;
	_ =	sdelay $0xd  }
0x55: {  	v6, v7, _ =	vpop (xrf1)  }
0x56: {  	v6 =	vshrl.u32 v6, $0xE  }
0x57: {  	v6 =	vxor.u32 $0x20000, v6  }
0x58: {  	v8 =	vperm.xlane v6, v4;
	_ =	sdelay $0x1  }
0x59: {  	vm2 =	vne.s32 v6, v8  }
0x5a: {  	vm3 =	vge.u32 v6, v0;
	vm2 =	vmor vm2, vm0  }
0x5b: {  	vm2 =	vmand vm3, vm2;
	vm3 =	vlt.u32 v6, v1  }
0x5c: {  	v6 =	vsub.s32 v6, v0;
	vm2 =	vmand vm3, vm2  }
0x5d: {  	v6 =	vnsel vm2, $0x0, v6;
	_ =	sdelay $0x4  }
0x5e: {  	[tilespmem:v6+s18+$0x0] =	vst.idx.msk vm2, v7  }
0x5f: {  	_ =	swait.ge [sflag:s17], $0x4000  }
.Ltmp5:
0x60: {  	[sflag:s17] =	ssyncset.done $0x0;
	(pc) =	sbr.rel .LBB2_12-.Ltmp5, $4  }
0x61: {  	[sflag:s17] =	ssyncadd.s32 $0xFFFFC000  }
0x62: {  	_ =	swait.ge [sflag:s19], $0xBD8  }
0x63: {  	[sflag:s19] =	ssyncset.done $0x0  }
0x64: {  	[sflag:s19] =	ssyncadd.s32 $0xFFFFF428  }
.LBB2_2:
0x65: {  	[tilespmem:s14], [sflag:$0x2] =	stream.linear.gather [hbm4b:s6+s0], $0xC38, $0x38;
	[tilespmem:$0xB980] =	vst v63  }
0x66: {  	_ = 	snop  }
0x67: {  	[tilespmem:s15], [sflag:$0x1] =	stream.linear.gather [hbm4b:s1+s0], $0x4000, $0x38;
	[tilespmem:$0xB980] =	vst v63  }
0x68: {  	_ = 	snop  }
0x69: {  	[tilespmem:s16], [sflag:$0x1] =	stream.linear.gather [hbm4b:s2+s0], $0x4000, $0x38;
	[tilespmem:$0xB980] =	vst v63  }
0x6a: {  	s24 =	simm.s32 $0x0;
	s0 =	simm.s32 $0x40  }
.LBB2_3:
0x6b: {  	p1 =	sne.s32 s0, $0x30C0;
	[tilespmem:s24+$0x8080] =	vst v2;
	s24 =	smov.u32 s0;
	s0 =	sadd.s32 $0x40, s0  }
.Ltmp6:
0x6c: {  	(pc) =	sbr.rel @p1 .LBB2_3-.Ltmp6, $2  }
0x6d: {  	_ =	sdelay $0x2  }
0x6e: {  	s24 =	sshra.s32 s24, $0x2  }
0x6f: {  	[tilespmem:s24+$0x8080] =	vst v2  }
0x70: {  	_ =	swait.ge [sflag:s17], $0x4000  }
0x71: {  	[sflag:s17] =	ssyncset.done $0x0  }
0x72: {  	s24 =	simm.s32 $0x80;
	[sflag:s17] =	ssyncadd.s32 $0xFFFFC000  }
0x73: {  	s25 =	simm.s32 $0x0;
	s26 =	simm.s32 $0x10;
	v6 =	vld [tilespmem:s24+$0x0]  }
.LBB2_5:
0x74: {  	p1 =	sne.s32 s26, $0x3FF0;
	_ =	sdelay $0x3  }
0x75: {  	v7 =	vor.u32 s25, v3;
	s25 =	smov.u32 s26;
	v6 =	vshll.u32 v6, $0xE  }
0x76: {  	v6 =	vadd.s32 v7, v6  }
0x77: {  	v6 =	vxor.u32 $0x80000000, v6  }
0x78: {  	(xrf1) =	vsort.ascd.msk.u32 $0xffff, v6, v7;
	_ =	sdelay $0xd  }
0x79: {  	v6, v7, _ =	vpop (xrf1)  }
0x7a: {  	v6 =	vshrl.u32 v6, $0xE  }
0x7b: {  	v6 =	vxor.u32 $0x20000, v6  }
0x7c: {  	v8 =	vperm.xlane v6, v4;
	_ =	sdelay $0x1  }
0x7d: {  	vm2 =	vne.s32 v6, v8  }
0x7e: {  	vm3 =	vge.u32 v6, v0;
	vm2 =	vmor vm2, vm0  }
0x7f: {  	vm2 =	vmand vm3, vm2;
	vm3 =	vlt.u32 v6, v1  }
0x80: {  	v6 =	vsub.s32 v6, v0;
	vm2 =	vmand vm3, vm2  }
0x81: {  	v6 =	vnsel vm2, $0x0, v6;
	_ =	sdelay $0x1  }
.Ltmp7:
0x82: {  	(pc) =	sbr.rel @p1 .LBB2_5-.Ltmp7, $3  }
0x83: {  	_ =	sdelay $0x1  }
0x84: {  	s24 =	sadd.s32 $0x10, s24;
	[tilespmem:v6+s18+$0x0] =	vst.idx.msk vm2, v7  }
0x85: {  	s26 =	sadd.s32 $0x10, s26;
	v6 =	vld [tilespmem:s24+$0x0]  }
0x86: {  	_ =	sdelay $0x3  }
0x87: {  	v7 =	vor.u32 s25, v3;
	v6 =	vshll.u32 v6, $0xE  }
0x88: {  	v6 =	vadd.s32 v7, v6  }
0x89: {  	v6 =	vxor.u32 $0x80000000, v6  }
0x8a: {  	(xrf1) =	vsort.ascd.msk.u32 $0xffff, v6, v7;
	_ =	sdelay $0xd  }
0x8b: {  	v6, v7, _ =	vpop (xrf1)  }
0x8c: {  	v6 =	vshrl.u32 v6, $0xE  }
0x8d: {  	v6 =	vxor.u32 $0x20000, v6  }
0x8e: {  	v8 =	vperm.xlane v6, v4;
	_ =	sdelay $0x1  }
0x8f: {  	vm2 =	vne.s32 v6, v8  }
0x90: {  	vm3 =	vge.u32 v6, v0;
	vm2 =	vmor vm2, vm0  }
0x91: {  	vm2 =	vmand vm3, vm2;
	vm3 =	vlt.u32 v6, v1  }
0x92: {  	v6 =	vsub.s32 v6, v0;
	vm2 =	vmand vm3, vm2  }
0x93: {  	v6 =	vnsel vm2, $0x0, v6;
	_ =	sdelay $0x4  }
0x94: {  	[tilespmem:v6+s18+$0x0] =	vst.idx.msk vm2, v7  }
0x95: {  	_ =	swait.ge [sflag:s17], $0x4000  }
0x96: {  	[sflag:s17] =	ssyncset.done $0x0  }
0x97: {  	[sflag:s17] =	ssyncadd.s32 $0xFFFFC000  }
0x98: {  	_ =	swait.ge [sflag:s19], $0xC38  }
0x99: {  	[sflag:s19] =	ssyncset.done $0x0  }
0x9a: {  	[sflag:s19] =	ssyncadd.s32 $0xFFFFF3C8  }
.LBB2_12:
0x9b: {  	s25 =	simm.s32 $0x0  }
0x9c: {  	v6 =	vld [tilespmem:s25+$0x8080];
	_ =	sdelay $0x4  }
0x9d: {  	vm2 =	vgt.s32 v6, $0xFFFFFFFF;
	vm3 =	vgt.s32 v6, $0x0  }
0x9e: {  	s26 =	simm.s32 $0x10;
	v6 =	vnsel vm3, $0x0, v6  }
0x9f: {  	v7 =	vld [tilespmem:s26+$0x8080];
	_ =	sdelay $0x2  }
0xa0: {  	v8 =	vld [tilespmem:s25+$0x8D00]  }
0xa1: {  	v6 =	vld.idx.msk [tilespmem:v6+s16+$0x0], vm2  }
0xa2: {  	vm4 =	vgt.s32 v7, $0x0  }
0xa3: {  	s24 =	simm.s32 $0x80;
	s29 =	simm.s32 $0x20;
	vm3 =	vmmov vm2;
	vm2 =	vgt.s32 v7, $0xFFFFFFFF;
	v7 =	vnsel vm4, $0x0, v7  }
0xa4: {  	s0 =	simm.s32 $0xC0;
	s31 =	simm.s32 $0x0;
	s30 =	simm.s32 $0x10  }
.LBB2_13:
0xa5: {  	p1 =	sne.s32 s0, $0x30C0;
	v9 =	vld [tilespmem:s29+$0x8080]  }
0xa6: {  	v6 =	vsel vm3, v6, v8;
	vm3 =	vmmov vm2  }
0xa7: {  	[tilespmem:s31+$0x8D00] =	vst v6;
	s31 =	smov.u32 s30;
	s30 =	smov.u32 s29  }
.Ltmp8:
0xa8: {  	v6 =	vld.idx.msk [tilespmem:v7+s16+$0x0], vm2;
	(pc) =	sbr.rel @p1 .LBB2_13-.Ltmp8, $4  }
0xa9: {  	v8 =	vld [tilespmem:s31+$0x8D00]  }
0xaa: {  	vm2 =	vgt.s32 v9, $0xFFFFFFFF;
	vm4 =	vgt.s32 v9, $0x0  }
0xab: {  	v7 =	vnsel vm4, $0x0, v9  }
0xac: {  	s29 =	sshra.s32 s0, $0x2;
	s0 =	sadd.s32 $0x40, s0  }
0xad: {  	_ =	sdelay $0x2  }
0xae: {  	v9 =	vld [tilespmem:s29+$0x8080];
	v6 =	vsel vm3, v6, v8  }
0xaf: {  	[tilespmem:s31+$0x8D00] =	vst v6  }
0xb0: {  	v6 =	vld.idx.msk [tilespmem:v7+s16+$0x0], vm2  }
0xb1: {  	v7 =	vld [tilespmem:s30+$0x8D00];
	_ =	sdelay $0x1  }
0xb2: {  	vm3 =	vgt.s32 v9, $0xFFFFFFFF;
	vm4 =	vgt.s32 v9, $0x0  }
0xb3: {  	v8 =	vnsel vm4, $0x0, v9  }
0xb4: {  	vm2 =	vmmov vm2  }
0xb5: {  	v6 =	vsel vm2, v6, v7  }
0xb6: {  	[tilespmem:s30+$0x8D00] =	vst v6  }
0xb7: {  	v7 =	vld [tilespmem:s29+$0x8D00]  }
0xb8: {  	v6 =	vld.idx.msk [tilespmem:v8+s16+$0x0], vm3;
	_ =	sdelay $0x3  }
0xb9: {  	vm2 =	vmmov vm3  }
0xba: {  	v6 =	vsel vm2, v6, v7  }
0xbb: {  	[tilespmem:s29+$0x8D00] =	vst v6  }
0xbc: {  	v6 =	vld [tilespmem:s25+$0x8080];
	_ =	sdelay $0x4  }
0xbd: {  	vm2 =	vgt.s32 v6, $0xFFFFFFFF  }
0xbe: {  	v7 =	vsel vm2, $0x1, v5  }
0xbf: {  	(xrf0) =	vadd.scan.msk.s32 $0xffff, v7;
	_ =	sdelay $0x5  }
0xc0: {  	v8, _, _ =	vpop (xrf0)  }
0xc1: {  	v62 =	vadd.s32 s28, v8  }
0xc2: {  	v10 =	vsub.s32 v62, v7  }
0xc3: {  	v11 =	vshra.s32 v10, $0x1F  }
0xc4: {  	(v2sf) =	vpush v8, $0xF;
	v8 =	vshrl.u32 v11, $0x19  }
0xc5: {  	vm3 =	vne.s32 v62, v7;
	v8 =	vadd.s32 v8, v10  }
0xc6: {  	v7 =	vshra.s32 v8, $0x7;
	v8 =	vsel vm3, $0x1, v5  }
0xc7: {  	v8 =	vor.u32 v8, v11;
	v63 =	vshll.u32 v7, $0x7  }
0xc8: {  	vm3 =	vne.s32 v8, $0x1;
	vm15 =	vne.s32 v10, v63  }
0xc9: {  	vm3 =	vmand vm15, vm3  }
0xca: {  	v8 =	vsel vm3, $0xFFFFFFFF, v5  }
0xcb: {  	v7 =	vadd.s32 v8, v7  }
0xcc: {  	v8 =	vand.u32 $0x7F, v10;
	v7 =	vshll.u32 v7, $0x7  }
0xcd: {  	v7 =	vor.u32 v8, v7;
	_ =	sdelay $0x3  }
0xce: {  	v8 =	vadd.s32 s5, v3  }
0xcf: {  	[tilespmem:v7+s20+$0x0] =	vst.idx.msk vm2, v8  }
0xd0: {  	s0 =	spop (v2sf);
	[tilespmem:v7+s21+$0x0] =	vst.idx.msk vm2, v6  }
0xd1: {  	s25 =	sadd.s32 $0x0, s0;
	v6 =	vld [tilespmem:s26+$0x8080];
	s26 =	smov.u32 s5  }
.LBB2_15:
0xd2: {  	p1 =	sne.s32 s24, $0x30C0;
	_ =	sdelay $0x3  }
0xd3: {  	vm2 =	vgt.s32 v6, $0xFFFFFFFF  }
0xd4: {  	v7 =	vsel vm2, $0x1, v5  }
0xd5: {  	(xrf0) =	vadd.scan.msk.s32 $0xffff, v7;
	_ =	sdelay $0x5  }
0xd6: {  	v8, _, _ =	vpop (xrf0)  }
0xd7: {  	v9 =	vadd.s32 s25, v8;
	(v2sf) =	vpush v8, $0xF  }
0xd8: {  	v8 =	vsub.s32 v9, v7  }
0xd9: {  	v10 =	vshra.s32 v8, $0x1F  }
0xda: {  	v11 =	vshrl.u32 v10, $0x19  }
0xdb: {  	vm3 =	vne.s32 v9, v7;
	v11 =	vadd.s32 v11, v8  }
0xdc: {  	v9 =	vsel vm3, $0x1, v5;
	v7 =	vshra.s32 v11, $0x7  }
0xdd: {  	v9 =	vor.u32 v9, v10;
	v10 =	vshll.u32 v7, $0x7  }
0xde: {  	vm3 =	vne.s32 v9, $0x1;
	vm4 =	vne.s32 v8, v10  }
0xdf: {  	vm3 =	vmand vm4, vm3  }
0xe0: {  	v9 =	vsel vm3, $0xFFFFFFFF, v5  }
0xe1: {  	v7 =	vadd.s32 v9, v7  }
0xe2: {  	v8 =	vand.u32 $0x7F, v8;
	v7 =	vshll.u32 v7, $0x7  }
0xe3: {  	v7 =	vor.u32 v8, v7;
	_ =	sdelay $0x2  }
.Ltmp9:
0xe4: {  	s26 =	sadd.s32 $0x10, s26;
	s0 =	spop (v2sf);
	(pc) =	sbr.rel @p1 .LBB2_15-.Ltmp9, $4  }
0xe5: {  	v8 =	vadd.s32 s26, v3;
	s25 =	sadd.s32 s25, s0  }
0xe6: {  	[tilespmem:v7+s20+$0x0] =	vst.idx.msk vm2, v8  }
0xe7: {  	s0 =	sshra.s32 s24, $0x2;
	[tilespmem:v7+s21+$0x0] =	vst.idx.msk vm2, v6  }
0xe8: {  	s24 =	sadd.s32 $0x40, s24;
	v6 =	vld [tilespmem:s0+$0x8080]  }
0xe9: {  	_ =	sdelay $0x3  }
0xea: {  	vm2 =	vgt.s32 v6, $0xFFFFFFFF  }
0xeb: {  	v7 =	vsel vm2, $0x1, v5  }
0xec: {  	(xrf0) =	vadd.scan.msk.s32 $0xffff, v7;
	_ =	sdelay $0x5  }
0xed: {  	v8, _, _ =	vpop (xrf0)  }
0xee: {  	(v2sf) =	vpush v8, $0xF;
	_ =	sdelay $0x3  }
0xef: {  	v9 =	vadd.s32 s25, v8  }
0xf0: {  	v60 =	vsub.s32 v9, v7  }
0xf1: {  	v10 =	vshra.s32 v60, $0x1F  }
0xf2: {  	v11 =	vshrl.u32 v10, $0x19  }
0xf3: {  	vm3 =	vne.s32 v9, v7;
	v11 =	vadd.s32 v11, v60  }
0xf4: {  	v9 =	vsel vm3, $0x1, v5;
	v7 =	vshra.s32 v11, $0x7  }
0xf5: {  	v9 =	vor.u32 v9, v10;
	v61 =	vshll.u32 v7, $0x7  }
0xf6: {  	vm3 =	vne.s32 v9, $0x1;
	vm4 =	vne.s32 v60, v61  }
0xf7: {  	vm3 =	vmand vm4, vm3  }
0xf8: {  	v62 =	vsel vm3, $0xFFFFFFFF, v5  }
0xf9: {  	v7 =	vadd.s32 v62, v7  }
0xfa: {  	s24 =	sadd.s32 $0x10, s26;
	v8 =	vand.u32 $0x7F, v60;
	v7 =	vshll.u32 v7, $0x7;
	s0 =	spop (v2sf)  }
0xfb: {  	v63 =	vadd.s32 s24, v3;
	v7 =	vor.u32 v8, v7;
	s24 =	sadd.s32 s25, s0  }
0xfc: {  	p1 =	slt.s32 s24, $0x1  }
.Ltmp10:
0xfd: {  	_ = 	snop;
	(pc) =	sbr.rel @p1 .LBB2_18-.Ltmp10, $3  }
0xfe: {  	_ =	sdelay $0x1  }
0xff: {  	[tilespmem:v7+s20+$0x0] =	vst.idx.msk vm2, v63  }
0x100: {  	[tilespmem:v7+s21+$0x0] =	vst.idx.msk vm2, v6  }
0x101: {  	s0 =	sadd.s32 $0xFFFFFFFF, s24;
	v26 =	vadd.s32 s24, v3;
	s30 =	sadd.s32 $0x10, s24  }
0x102: {  	s31 =	sadd.s32 $0x20, s24;
	s25 =	sadd.s32 $0x30, s24;
	v6 =	vmov s0;
	v10 =	vshra.s32 v26, $0x1F;
	v28 =	vmov s30  }
0x103: {  	s26 =	sadd.s32 $0x40, s24;
	s29 =	sadd.s32 $0x50, s24;
	v29 =	vmov s31;
	v14 =	vmov s25;
	v6 =	vbroadcast v6, $0x0  }
0x104: {  	v38 =	vmov s26;
	v15 =	vmov s29;
	v27 =	vshrl.u32 v10, $0x19  }
0x105: {  	v10 =	vbroadcast v28, $0x0;
	v35 =	vbroadcast v14, $0x0;
	v7 =	vshra.s32 v6, $0x1F  }
0x106: {  	s30 =	sadd.s32 $0x60, s24;
	s31 =	sadd.s32 $0x70, s24;
	v14 =	vbroadcast v38, $0x0;
	v44 =	vbroadcast v15, $0x0;
	v7 =	vshrl.u32 v7, $0x19  }
0x107: {  	v16 =	vmov s30;
	v50 =	vmov s31;
	v7 =	vadd.s32 v7, v6  }
0x108: {  	v49 =	vbroadcast v16, $0x0;
	v16 =	vbroadcast v50, $0x0;
	v7 =	vshra.s32 v7, $0x7  }
0x109: {  	vm2 =	vlt.s32 v6, $0x1;
	v40 =	vadd.s32 v3, v14;
	v8 =	vshll.u32 v7, $0x7  }
0x10a: {  	v14 =	vadd.s32 v3, v44;
	v42 =	vshra.s32 v40, $0x1F;
	vm3 =	vne.s32 v6, v8  }
0x10b: {  	v46 =	vshra.s32 v14, $0x1F;
	v15 =	vadd.s32 v3, v49;
	vm2 =	vmand vm2, vm3  }
0x10c: {  	v16 =	vadd.s32 v3, v16;
	v52 =	vshra.s32 v15, $0x1F;
	v9 =	vsel vm2, $0xFFFFFFFF, v5  }
0x10d: {  	v53 =	vshra.s32 v16, $0x1F;
	v60 =	vand.u32 $0x7F, v15;
	v7 =	vadd.s32 v9, v7  }
0x10e: {  	v6 =	vand.u32 $0x7F, v6;
	v9 =	vadd.s32 v27, v26;
	v7 =	vshll.u32 v7, $0x7  }
0x10f: {  	vm2 =	vlt.s32 v26, $0x0;
	v6 =	vor.u32 v6, v7;
	v7 =	vand.u32 $0xFFFFFF80, v9  }
0x110: {  	vm3 =	vne.s32 v26, v7;
	v7 =	vadd.s32 v3, v10;
	v10 =	vbroadcast v29, $0x0  }
0x111: {  	v8 =	vand.u32 $0x7F, v26;
	v9 =	vshrl.u32 v9, $0x7;
	vm2 =	vmand vm2, vm3  }
0x112: {  	v12 =	vshra.s32 v7, $0x1F;
	v11 =	vsel vm2, $0xFFFFFFFF, v5;
	v10 =	vadd.s32 v3, v10  }
0x113: {  	v30 =	vshrl.u32 v12, $0x19;
	v9 =	vadd.s32 v11, v9;
	v32 =	vshra.s32 v10, $0x1F  }
0x114: {  	v11 =	vadd.s32 v30, v7;
	v9 =	vshll.u32 v9, $0x7;
	v33 =	vshrl.u32 v32, $0x19  }
0x115: {  	v31 =	vand.u32 $0xFFFFFF80, v11;
	v8 =	vor.u32 v8, v9;
	v9 =	vadd.s32 v33, v10  }
0x116: {  	vm2 =	vlt.s32 v7, $0x1;
	vm3 =	vne.s32 v7, v31;
	v13 =	vand.u32 $0xFFFFFF80, v9  }
0x117: {  	vm2 =	vmand vm2, vm3;
	vm3 =	vne.s32 v10, v13;
	v13 =	vadd.s32 v3, v35  }
0x118: {  	v56 =	vshrl.u32 v53, $0x19;
	v11 =	vshrl.u32 v11, $0x7;
	v37 =	vshra.s32 v13, $0x1F  }
0x119: {  	v7 =	vand.u32 $0x7F, v7;
	v9 =	vshrl.u32 v9, $0x7;
	v12 =	vshrl.u32 v37, $0x19  }
0x11a: {  	v34 =	vsel vm2, $0xFFFFFFFF, v5;
	vm2 =	vlt.s32 v10, $0x1;
	v12 =	vadd.s32 v12, v13  }
0x11b: {  	v11 =	vadd.s32 v34, v11;
	vm2 =	vmand vm2, vm3;
	v39 =	vand.u32 $0xFFFFFF80, v12  }
0x11c: {  	v36 =	vsel vm2, $0xFFFFFFFF, v5;
	vm2 =	vlt.s32 v13, $0x1;
	vm3 =	vne.s32 v13, v39  }
0x11d: {  	v10 =	vand.u32 $0x7F, v10;
	v11 =	vshll.u32 v11, $0x7;
	vm2 =	vmand vm2, vm3  }
0x11e: {  	v9 =	vadd.s32 v36, v9;
	v41 =	vshrl.u32 v12, $0x7;
	v43 =	vsel vm2, $0xFFFFFFFF, v5  }
0x11f: {  	v7 =	vor.u32 v7, v11;
	v12 =	vshrl.u32 v42, $0x19;
	v11 =	vadd.s32 v43, v41  }
0x120: {  	v12 =	vadd.s32 v12, v40;
	v13 =	vand.u32 $0x7F, v13;
	v11 =	vshll.u32 v11, $0x7  }
0x121: {  	v45 =	vand.u32 $0xFFFFFF80, v12;
	v11 =	vor.u32 v13, v11;
	v13 =	vshrl.u32 v46, $0x19  }
0x122: {  	vm2 =	vlt.s32 v40, $0x1;
	vm3 =	vne.s32 v40, v45;
	v13 =	vadd.s32 v13, v14  }
0x123: {  	v17 =	vld.idx.msk [tilespmem:v6+s20+$0x0], $0xffff;
	v9 =	vshll.u32 v9, $0x7;
	vm2 =	vmand vm2, vm3;
	v48 =	vand.u32 $0xFFFFFF80, v13  }
0x124: {  	v6 =	vld.idx.msk [tilespmem:v6+s21+$0x0], $0xffff;
	v47 =	vsel vm2, $0xFFFFFFFF, v5;
	vm2 =	vlt.s32 v14, $0x1;
	vm3 =	vne.s32 v14, v48  }
0x125: {  	v57 =	vadd.s32 v56, v16;
	v9 =	vor.u32 v10, v9;
	vm2 =	vmand vm2, vm3  }
0x126: {  	v12 =	vshrl.u32 v12, $0x7;
	v13 =	vshrl.u32 v13, $0x7;
	v18 =	vsel vm2, $0xFFFFFFFF, v5  }
0x127: {  	v12 =	vadd.s32 v47, v12;
	v51 =	vadd.s32 v18, v13;
	v13 =	vshrl.u32 v52, $0x19  }
0x128: {  	[tilespmem:v8+s20+$0x0] =	vst.idx.msk $0xffff, v17;
	v10 =	vand.u32 $0x7F, v40;
	v12 =	vshll.u32 v12, $0x7;
	v13 =	vadd.s32 v13, v15  }
0x129: {  	v58 =	vand.u32 $0xFFFFFF80, v57;
	[tilespmem:v8+s21+$0x0] =	vst.idx.msk $0xffff, v6;
	v10 =	vor.u32 v10, v12;
	v55 =	vand.u32 $0xFFFFFF80, v13  }
0x12a: {  	[tilespmem:v7+s20+$0x0] =	vst.idx.msk $0xffff, v17;
	v14 =	vand.u32 $0x7F, v14;
	vm3 =	vlt.s32 v15, $0x1;
	vm2 =	vne.s32 v15, v55  }
0x12b: {  	[tilespmem:v7+s21+$0x0] =	vst.idx.msk $0xffff, v6;
	v12 =	vshll.u32 v51, $0x7;
	v7 =	vshrl.u32 v13, $0x7;
	vm2 =	vmand vm3, vm2  }
0x12c: {  	[tilespmem:v9+s20+$0x0] =	vst.idx.msk $0xffff, v17;
	vm3 =	vne.s32 v16, v58;
	v59 =	vsel vm2, $0xFFFFFFFF, v5;
	vm2 =	vlt.s32 v16, $0x1  }
0x12d: {  	[tilespmem:v9+s21+$0x0] =	vst.idx.msk $0xffff, v6;
	v54 =	vor.u32 v14, v12;
	v7 =	vadd.s32 v59, v7;
	vm2 =	vmand vm2, vm3  }
0x12e: {  	[tilespmem:v11+s20+$0x0] =	vst.idx.msk $0xffff, v17;
	v12 =	vshrl.u32 v57, $0x7;
	v7 =	vshll.u32 v7, $0x7;
	v61 =	vsel vm2, $0xFFFFFFFF, v5  }
0x12f: {  	[tilespmem:v11+s21+$0x0] =	vst.idx.msk $0xffff, v6;
	v7 =	vor.u32 v60, v7;
	v62 =	vadd.s32 v61, v12  }
0x130: {  	v63 =	vand.u32 $0x7F, v16;
	[tilespmem:v10+s20+$0x0] =	vst.idx.msk $0xffff, v17;
	v9 =	vshll.u32 v62, $0x7  }
0x131: {  	[tilespmem:v10+s21+$0x0] =	vst.idx.msk $0xffff, v6;
	v9 =	vor.u32 v63, v9  }
0x132: {  	[tilespmem:v54+s20+$0x0] =	vst.idx.msk $0xffff, v17  }
.Ltmp11:
0x133: {  	[tilespmem:v54+s21+$0x0] =	vst.idx.msk $0xffff, v6;
	(pc) =	sbr.rel .LBB2_18-.Ltmp11, $4  }
0x134: {  	[tilespmem:v7+s20+$0x0] =	vst.idx.msk $0xffff, v17  }
0x135: {  	[tilespmem:v7+s21+$0x0] =	vst.idx.msk $0xffff, v6  }
0x136: {  	[tilespmem:v9+s20+$0x0] =	vst.idx.msk $0xffff, v17  }
0x137: {  	[tilespmem:v9+s21+$0x0] =	vst.idx.msk $0xffff, v6  }
.LBB2_19:
0x138: {  	_ =	sfence.sel $0x180000  }
0x139: {  	[bflag:$0x0] =	sbarrier.arrive $0xFFFF  }
0x13a: {  	_ =	strace $0x9000004A  }
0x13b: {  	[bflag:$0x2] =	sbarrier.arrive $0xFFFF  }
0x13c: {  	p0 =	sne.s32 s3, $0x0;
	s0 =	rddreg [dreg:$0x5]  }
0x13d: {  	s0 =	sadd.s32 @!p0 $0x100000, s0  }
0x13e: {  	[sflag:s0] =	ssyncadd.tile.s32 @!p0 $0x1;
	_ =	shalt  }
.Lfunc_end2:
_tile_overlayer_lowered:
.L_overlay_start_2:
0x13f: {  	(tag) =	ssettag $0x2  }
0x140: {  	s0 =	rddreg [dreg:$0x0];
	s2 =	stileid.u32  }
0x141: {  	s1 =	rddreg [dreg:$0x1];
	p0 =	sne.s32 s2, $0x0  }
0x142: {  	s3 =	rddreg [dreg:$0x2];
	[bflag:$0x3] =	sbarrier.arrive $0xFFFF;
	s2 =	simm.s32 @!p0 $0x1C03  }
0x143: {  	[timem:s3], [sflag:s2] =	dma.local @!p0 [hbm:s0], s1  }
0x144: {  	s0 =	simm.s32 @!p0 $0x3  }
0x145: {  	_ =	swait.ge @!p0 [sflag:s0], s1  }
0x146: {  	s1 =	ssub.s32 @!p0 $0x0, s1;
	[sflag:s0] =	ssyncset.done @!p0 $0x0  }
0x147: {  	[sflag:s0] =	ssyncadd.s32 @!p0 s1  }
0x148: {  	[bflag:$0x3] =	sbarrier.arrive $0xFFFF  }
0x149: {  	_ =	shalt  }

// kernel: kernel.13.cloned.1.call-start
scs
__scs_entry_jumppad:
0x0: {  	(pc) =	sbr.rel $0x88, $3  }
0x1: {  	(tag) =	ssettag $0x0;
	lr =	simm.s32 $0x1  }
0x2: {  	[smem:$0x3F98] =	sst lr;
	_ =	strace $0xD0000000  }
0x3: {  	_ = 	snop  }
0x4: {  	_ = 	snop  }
0x5: {  	_ = 	snop  }
0x6: {  	_ = 	snop  }
0x7: {  	_ = 	snop  }
__scs_overlays_trampoline_lowered:
0x8: {  	[smem:$0x3FA7] =	sst s0  }
0x9: {  	[smem:$0x3FA8] =	sst s1  }
0xa: {  	[smem:$0x3FA9] =	sst s2  }
0xb: {  	[smem:$0x3FAA] =	sst s3  }
0xc: {  	[smem:$0x3FAB] =	sst s4  }
0xd: {  	[smem:$0x3FAC] =	sst s5  }
0xe: {  	[smem:$0x3FAD] =	sst s6  }
0xf: {  	[smem:$0x3FAE] =	sst s7  }
0x10: {  	[smem:$0x3FAF] =	sst s8  }
0x11: {  	[smem:$0x3FB0] =	sst s9;
	s0 =	simm.s32 @!p0 $0x0  }
0x12: {  	s1 =	sld [smem:$0x3F96];
	s0 =	simm.s32 @p0 $0x1  }
0x13: {  	[smem:$0x3FB1] =	sst s0;
	s0 =	simm.s32 @!p1 $0x0  }
0x14: {  	s2 =	sld [smem:$0x3F95];
	s0 =	simm.s32 @p1 $0x1  }
0x15: {  	[smem:$0x3FB2] =	sst s0;
	s0 =	simm.s32 @!p2 $0x0  }
0x16: {  	s3 =	sld [smem:$0x3FDB];
	s0 =	simm.s32 @p2 $0x1  }
0x17: {  	s4 =	simm.s32 $0x1BF5;
	[smem:$0x3FB4] =	sst s0  }
0x18: {  	s0 =	sld [smem:$0x3F97];
	_ =	swait.ge [sflag:s4], $0x0  }
0x19: {  	s7 =	sld [smem:$0x3F98]  }
0x1a: {  	s8 =	sadd.s32 $0xFFFFE003, lr  }
0x1b: {  	s9 =	sadd.s32 $0xFFFFFEF7, lr;
	s5 =	simm.s32 $0xFFFFFFFF;
	p2 =	slt.u32 s8, $0xFFFFF086  }
0x1c: {  	p1 =	slt.u32 s9, $0xF7A;
	s5 =	simm.s32 @!p2 $0x0  }
0x1d: {  	s5 =	simm.s32 @p1 $0x1;
	p0 =	seq.s32 s7, s2  }
0x1e: {  	s7 =	smul.u32 @!p0 $0xF7A, s2;
	p2 =	seq.s32 @!p0 s5, $0x0  }
0x1f: {  	s9 =	smul.u32 $0xF7A, s1;
	s8 =	simm.s32 @!p0 $0x1BF5;
	p2 =	por !p2, p0  }
0x20: {  	[sflag:s8] =	ssyncset.s32 @!p0 $0xFFFFF086;
	s6 =	sadd.s32 @!p0 s3, s7;
	s7 =	simm.s32 @!p0 $0x108  }
0x21: {  	s3 =	sadd.s32 s3, s9;
	s6 =	sadd.s32 @!p0 $0x88, s6;
	s7 =	simm.s32 @p2 $0x1082  }
0x22: {  	[simem:s7], [sflag:s8] =	dma.local @!p0 [hbm:s6], $0xF7A  }
0x23: {  	s9 =	sor.u32 $0xD0000000, s2;
	s6 =	simm.s32 $0x108;
	_ =	swait.ge @!p0 [sflag:s8], $0x0  }
0x24: {  	s3 =	sadd.s32 $0x88, s3;
	s6 =	simm.s32 @!p1 $0x1082;
	[sflag:s4] =	ssyncset.s32 $0xFFFFF086  }
0x25: {  	[simem:s6], [sflag:s4] =	dma.local [hbm:s3], $0xF7A  }
0x26: {  	[smem:$0x3F98] =	sst s1;
	(tag) =	ssettag s2;
	_ =	strace s9  }
0x27: {  	s1 =	sld [smem:$0x3FA8]  }
0x28: {  	s2 =	sld [smem:$0x3FA9]  }
0x29: {  	s4 =	sld [smem:$0x3FAB]  }
0x2a: {  	p0 =	seq.s32 s5, $0x0;
	s5 =	sld [smem:$0x3FAC]  }
0x2b: {  	s6 =	sld [smem:$0x3FAD]  }
0x2c: {  	s7 =	sld [smem:$0x3FAE]  }
0x2d: {  	s3 =	simm.s32 $0x108;
	s8 =	sld [smem:$0x3FAF]  }
0x2e: {  	s3 =	simm.s32 @!p0 $0x1082;
	s9 =	sld [smem:$0x3FB0]  }
0x2f: {  	lr =	sadd.s32 s0, s3;
	s0 =	sld [smem:$0x3FA7]  }
0x30: {  	s3 =	sld [smem:$0x3FAA]  }
0x31: {  	[smem:$0x3FB3] =	sst s10  }
0x32: {  	s10 =	sld [smem:$0x3FB1];
	_ =	sdelay $0x3  }
0x33: {  	p0 =	seq.s32 s10, $0x1;
	s10 =	sld [smem:$0x3FB3];
	_ =	sdelay $0x3  }
0x34: {  	[smem:$0x3FB3] =	sst s10  }
0x35: {  	s10 =	sld [smem:$0x3FB2];
	_ =	sdelay $0x3  }
0x36: {  	p1 =	seq.s32 s10, $0x1;
	s10 =	sld [smem:$0x3FB3];
	_ =	sdelay $0x3  }
0x37: {  	[smem:$0x3FB3] =	sst s10  }
0x38: {  	s10 =	sld [smem:$0x3FB4]  }
0x39: {  	_ = 	snop;
	(pc) =	sbr.ind lr, $3  }
0x3a: {  	_ = 	snop  }
0x3b: {  	_ = 	snop  }
0x3c: {  	p2 =	seq.s32 s10, $0x1;
	s10 =	sld [smem:$0x3FB3]  }
0x3d: {  	_ =	shalt  }
0x3e: {  	_ =	shalt  }
0x3f: {  	_ =	shalt  }
0x40: {  	_ =	shalt  }
0x41: {  	_ =	shalt  }
0x42: {  	_ =	shalt  }
0x43: {  	_ =	shalt  }
0x44: {  	_ =	shalt  }
0x45: {  	_ =	shalt  }
0x46: {  	_ =	shalt  }
0x47: {  	_ =	shalt  }
0x48: {  	_ =	shalt  }
0x49: {  	_ =	shalt  }
0x4a: {  	_ =	shalt  }
0x4b: {  	_ =	shalt  }
0x4c: {  	_ =	shalt  }
0x4d: {  	_ =	shalt  }
0x4e: {  	_ =	shalt  }
0x4f: {  	_ =	shalt  }
0x50: {  	_ =	shalt  }
0x51: {  	_ =	shalt  }
0x52: {  	_ =	shalt  }
0x53: {  	_ =	shalt  }
0x54: {  	_ =	shalt  }
0x55: {  	_ =	shalt  }
0x56: {  	_ =	shalt  }
0x57: {  	_ =	shalt  }
0x58: {  	_ =	shalt  }
0x59: {  	_ =	shalt  }
0x5a: {  	_ =	shalt  }
0x5b: {  	_ =	shalt  }
0x5c: {  	_ =	shalt  }
0x5d: {  	_ =	shalt  }
0x5e: {  	_ =	shalt  }
0x5f: {  	_ =	shalt  }
0x60: {  	_ =	shalt  }
0x61: {  	_ =	shalt  }
0x62: {  	_ =	shalt  }
0x63: {  	_ =	shalt  }
0x64: {  	_ =	shalt  }
0x65: {  	_ =	shalt  }
0x66: {  	_ =	shalt  }
0x67: {  	_ =	shalt  }
0x68: {  	_ =	shalt  }
0x69: {  	_ =	shalt  }
0x6a: {  	_ =	shalt  }
0x6b: {  	_ =	shalt  }
0x6c: {  	_ =	shalt  }
0x6d: {  	_ =	shalt  }
0x6e: {  	_ =	shalt  }
0x6f: {  	_ =	shalt  }
0x70: {  	_ =	shalt  }
0x71: {  	_ =	shalt  }
0x72: {  	_ =	shalt  }
0x73: {  	_ =	shalt  }
0x74: {  	_ =	shalt  }
0x75: {  	_ =	shalt  }
0x76: {  	_ =	shalt  }
0x77: {  	_ =	shalt  }
0x78: {  	_ =	shalt  }
0x79: {  	_ =	shalt  }
0x7a: {  	_ =	shalt  }
0x7b: {  	_ =	shalt  }
0x7c: {  	_ =	shalt  }
0x7d: {  	_ =	shalt  }
0x7e: {  	_ =	shalt  }
0x7f: {  	_ =	shalt  }
0x80: {  	_ =	shalt  }
0x81: {  	_ =	shalt  }
0x82: {  	_ =	shalt  }
0x83: {  	_ =	shalt  }
0x84: {  	_ =	shalt  }
0x85: {  	_ =	shalt  }
0x86: {  	_ =	shalt  }
0x87: {  	_ =	shalt  }
.Lfunc_end0:
.L_simem_size_0:
called_computation.2_lowered:
.L_overlay_start_0:
0x88: {  	s2 =	sld [smem:$0x3FD9]  }
0x89: {  	s3 =	sld [smem:$0x3FFE];
	_ =	sdelay $0x1  }
0x8a: {  	s1 =	srdreg.scid  }
0x8b: {  	s0 =	sand.u32 $0x1, s1  }
0x8c: {  	s14 =	sshll.u32 s0, $0xA;
	s2 =	sadd.s32 s3, s2  }
0x8d: {  	s2 =	sadd.s32 s2, s14  }
0x8e: {  	[smem:$0x3FBF] =	sst s2  }
0x8f: {  	_ = 	snop  }
0x90: {  	s2 =	sld [smem:$0x3FD0];
	_ =	sdelay $0x2  }
0x91: {  	s15 =	simm.s32 $0xB;
	s4 =	simm.s32 $0x10  }
0x92: {  	[smem:s4], [sflag:s15] =	dma.local [hbm:s2], $0x1  }
0x93: {  	_ =	swait.eq [sflag:s15], $0x1  }
0x94: {  	[sflag:s15] =	ssyncset.done $0x0  }
0x95: {  	[sflag:s15] =	ssyncadd.s32 $0xFFFFFFFF  }
0x96: {  	s16 =	sld [smem:$0x10];
	(tm) =	ssettm $0x1  }
0x97: {  	s17 =	sld [smem:$0x3FFB];
	_ =	sdelay $0x3  }
0x98: {  	_ =	strace s17  }
0x99: {  	s3 =	sld [smem:$0x3FFC];
	_ =	sdelay $0x3  }
0x9a: {  	_ =	strace s3  }
0x9b: {  	s3 =	sld [smem:$0x3FFD];
	_ =	sdelay $0x3  }
0x9c: {  	_ =	strace s3  }
0x9d: {  	_ =	strace $0x8FFFFFFF  }
0x9e: {  	s18 =	sld [smem:$0x3FDB];
	_ =	sdelay $0x1  }
0x9f: {  	s19 =	simm.s32 $_scs_section_size  }
0xa0: {  	s5 =	simm.s32 $_size__tile_overlayer_lowered;
	s6 =	simm.s32 $_tile_overlayer_lowered  }
0xa1: {  	s22 =	simm.s32 $0x1BFF;
	s21 =	sshll.u32 s6, $0x1;
	s3 =	sadd.s32 s19, s18  }
0xa2: {  	s7 =	simm.s32 $0x0;
	s20 =	sshll.u32 s5, $0x1;
	s5 =	sadd.s32 s21, s3  }
0xa3: {  	[timem:s7], [sflag:s22] =	dma.local [hbm:s5], s20  }
0xa4: {  	_ =	swait.ge [sflag:s22], s20  }
0xa5: {  	s4 =	ssub.s32 $0x0, s20;
	[sflag:s22] =	ssyncset.done $0x0  }
0xa6: {  	[sflag:s22] =	ssyncadd.s32 s4;
	_ =	sdelay $0x1  }
0xa7: {  	s23 =	simm.s32 $0x1B8B  }
0xa8: {  	_ =	swait.ge [sflag:s23], $0x1  }
0xa9: {  	[sflag:s23] =	ssyncset.done $0x0  }
0xaa: {  	s25 =	simm.s32 $0x1B8E;
	s24 =	sld [smem:$0x3FFE];
	[sflag:s23] =	ssyncadd.s32 $0xFFFFFFFF  }
0xab: {  	s26 =	simm.s32 $execute0_lowered;
	[smem:$0x3FD2] =	sst s25  }
0xac: {  	s5 =	sshll.u32 s26, $0x1;
	_ =	strace $0x8000004C;
	[dreg:$0x1] =	wrdreg $0xFFFFFFFF  }
0xad: {  	s28 =	simm.s32 $_size_execute0_lowered;
	s3 =	sadd.s32 s3, s5;
	[dreg:$0x0] =	wrdreg $0x0  }
0xae: {  	s5 =	sshll.u32 s28, $0x1;
	[dreg:$0x2] =	wrdreg s3  }
0xaf: {  	[dreg:$0x3] =	wrdreg s5  }
0xb0: {  	[dreg:$0x4] =	wrdreg $0xC0  }
0xb1: {  	_ =	task [dreg:s7], $0x5FFFF  }
0xb2: {  	[dreg:$0x1] =	wrdreg $0xFFFFFFFF  }
0xb3: {  	[dreg:$0x0] =	wrdreg $0x60  }
0xb4: {  	[dreg:$0x2] =	wrdreg s24  }
0xb5: {  	[dreg:$0x3] =	wrdreg s16  }
0xb6: {  	[dreg:$0x4] =	wrdreg $0x9  }
0xb7: {  	_ =	task.clear_ibuf [dreg:s7], $0x5FFFF;
	_ =	strace $0x9000004C  }
0xb8: {  	s29 =	simm.s32 $0x9;
	_ =	strace $0x8000004E  }
0xb9: {  	_ =	swait.ge [sflag:s29], $0x1  }
0xba: {  	[sflag:s29] =	ssyncadd.s32 $0xFFFFFFFF  }
0xbb: {  	_ =	strace $0x9000004E  }
0xbc: {  	_ =	sfence  }
0xbd: {  	s30 =	sld [smem:$0x0];
	_ =	sdelay $0x2  }
0xbe: {  	s31 =	sshll.u32 s1, $0xD;
	s1 =	sshrl.u32 s1, $0x2  }
0xbf: {  	s3 =	sand.u32 $0x4000, s31;
	s1 =	sadd.s32 s1, s30  }
0xc0: {  	s0 =	sor.u32 s3, s0;
	s1 =	sshll.u32 s1, $0x11  }
0xc1: {  	s0 =	sor.u32 s1, s0  }
0xc2: {  	s0 =	sadd.s32 $0x8F2B, s0  }
0xc3: {  	[sflag:s0] =	ssyncadd.remote.s32 $0x1  }
0xc4: {  	_ =	sfence.sel $0xFFFF  }
0xc5: {  	[dreg:$0x0] =	wrdreg $0xFFFFFFFF;
	(pc) =	sbr.abs _section_cstart, $3  }
0xc6: {  	[dreg:$0x1] =	wrdreg $0xFFFFFFFF  }
0xc7: {  	_ =	task.clear_ibuf [dreg:s7], $0x2FFFF;
	_ =	strace $0x9FFFFFFF  }
0xc8: {  	(tm) =	ssettm $0x7FFFFFFF  }
0xc9: {  	_ =	shalt  }
tec
execute0_lowered:
.L_overlay_start_1:
0x0: {  	(tag) =	ssettag $0x1  }
0x1: {  	s5 =	rddreg [dreg:$0x0]  }
0x2: {  	s2 =	rddreg [dreg:$0x1]  }
0x3: {  	s0 =	rddreg [dreg:$0x2];
	s3 =	simm.s32 $0x0;
	s4 =	srdreg.scid  }
0x4: {  	s1 =	stileid.u32;
	s10 =	simm.s32 $0x6;
	s11 =	simm.s32 $0x1080  }
0x5: {  	s12 =	simm.s32 $0x5;
	s13 =	simm.s32 $0x1;
	s14 =	simm.s32 $0x2080  }
0x6: {  	s15 =	simm.s32 $0x1100;
	s16 =	simm.s32 $0x6080;
	s17 =	simm.s32 $0x3  }
0x7: {  	s18 =	simm.s32 $0x1180;
	s19 =	simm.s32 $0x2;
	s20 =	simm.s32 $0x100  }
0x8: {  	s21 =	simm.s32 $0x4;
	s22 =	simm.s32 $0x180;
	s23 =	simm.s32 $0x1200  }
0x9: {  	s24 =	simm.s32 $0x1280;
	s25 =	simm.s32 $0x200;
	s26 =	simm.s32 $0x280  }
0xa: {  	s28 =	simm.s32 $0x1300;
	s30 =	simm.s32 $0x300;
	[smem:$0x7FF] =	sst s3  }
0xb: {  	s6 =	sand.u32 $0x1, s4;
	s31 =	sshll.u32 s1, $0x1;
	s4 =	sadd.s32 $0x2000, s5  }
.Ltmp0:
0xc: {  	_ =	strace $0x8000004D;
	s7 =	sor.u32 s6, s31;
	(pc) =	sbr.rel .LBB2_1-.Ltmp0, $4  }
0xd: {  	s6 =	ssub.s32 $0x2, s6;
	s8 =	sshll.u32 s7, $0x4;
	s7 =	sshll.u32 s7, $0x9  }
0xe: {  	s9 =	sshrl.u32 s6, $0x1;
	s8 =	sadd.s32 s8, s5;
	s7 =	sadd.s32 s7, s5  }
0xf: {  	s9 =	ssub.s32 s6, s9;
	s5 =	sadd.s32 $0x42000, s8;
	s6 =	sadd.s32 $0x46200, s7  }
0x10: {  	s7 =	sadd.s32 $0x42200, s7;
	s8 =	smax.u32 s9, $0x1;
	s9 =	simm.s32 $0x80  }
.LBB2_29:
0x11: {  	_ =	swait.ge [sflag:s13], $0x4000  }
0x12: {  	[sflag:s13] =	ssyncset.done $0x0  }
0x13: {  	s29 =	simm.s32 $0x3;
	[sflag:s13] =	ssyncadd.s32 $0xFFFFC000  }
0x14: {  	[hbm4b:s2+s9] =	stream.indirect.scatter [tilespmem:s14], [sflag:$0x3], $0x80, s9, s9, $0xb8;
	[tilespmem:$0xA080] =	vst v63  }
.LBB2_54:
0x15: {  	_ =	swait.ge [sflag:s29], $0x4000  }
0x16: {  	[sflag:s29] =	ssyncset.done $0x0  }
0x17: {  	[sflag:s29] =	ssyncadd.s32 $0xFFFFC000  }
.LBB2_55:
0x18: {  	s8 =	sadd.s32 $0xFFFFFFFF, s8  }
0x19: {  	p0 =	sne.s32 s8, $0x0  }
.Ltmp1:
0x1a: {  	_ = 	snop;
	(pc) =	sbr.rel @!p0 .LBB2_56-.Ltmp1, $1  }
0x1b: {  	_ =	sdelay $0x3  }
.LBB2_1:
0x1c: {  	[tilespmem:s3], [sflag:$0x5] =	stream.linear.gather [hbm4b:s5+s3], $0x80, $0x38;
	[tilespmem:$0xA080] =	vst v63  }
0x1d: {  	_ = 	snop  }
0x1e: {  	[tilespmem:s9], [sflag:$0x6] =	stream.linear.gather [hbm4b:s6+s3], $0xD00, $0x38;
	[tilespmem:$0xA080] =	vst v63  }
0x1f: {  	_ =	swait.ge [sflag:s10], $0xD00  }
0x20: {  	[sflag:s10] =	ssyncset.done $0x0  }
0x21: {  	[sflag:s10] =	ssyncadd.s32 $0xFFFFF300  }
0x22: {  	[tilespmem:s11], [sflag:$0x6] =	stream.linear.gather [hbm4b:s7+s3], $0xD00, $0x38;
	[tilespmem:$0xA080] =	vst v63  }
0x23: {  	_ =	swait.ge [sflag:s10], $0xD00  }
0x24: {  	[sflag:s10] =	ssyncset.done $0x0  }
0x25: {  	[sflag:s10] =	ssyncadd.s32 $0xFFFFF300  }
0x26: {  	_ =	swait.ge [sflag:s12], $0x80  }
0x27: {  	[sflag:s12] =	ssyncset.done $0x0  }
0x28: {  	[sflag:s12] =	ssyncadd.s32 $0xFFFFFF80  }
0x29: {  	v0 =	vld [tilespmem:$0x0];
	_ =	sdelay $0x4  }
0x2a: {  	(xrf0) =	vadd.scan.msk.s32 $0xffff, v0;
	_ =	sdelay $0x5  }
0x2b: {  	v0, _, _ =	vpop (xrf0)  }
0x2c: {  	(v2sf) =	vpush v0, $0xF;
	_ =	sdelay $0xe  }
0x2d: {  	s29 =	spop (v2sf)  }
0x2e: {  	s29 =	sadd.s32 $0x7F, s29  }
0x2f: {  	s31 =	sand.u32 $0x7F, s29  }
0x30: {  	p1 =	slt.s32 s29, $0x1;
	p0 =	sne.s32 s31, $0x0;
	s31 =	sshra.s32 s29, $0x1F  }
0x31: {  	s31 =	sshrl.u32 s31, $0x19;
	p0 =	por !p1, !p0  }
0x32: {  	s29 =	sadd.s32 s31, s29;
	p0 =	por !p0, !p0;
	s31 =	simm.s32 $0x1  }
0x33: {  	s29 =	sshra.s32 s29, $0x7;
	s31 =	simm.s32 @!p0 $0x0  }
0x34: {  	s29 =	ssub.s32 s29, s31  }
0x35: {  	p0 =	slt.s32 s29, $0x1  }
.Ltmp2:
0x36: {  	_ = 	snop;
	(pc) =	sbr.rel @p0 .LBB2_55-.Ltmp2, $1  }
0x37: {  	_ =	sdelay $0x3  }
0x38: {  	p0 =	seq.s32 s29, $0x1  }
.Ltmp3:
0x39: {  	_ = 	snop;
	(pc) =	sbr.rel @p0 .LBB2_29-.Ltmp3, $2  }
0x3a: {  	_ =	sdelay $0x2  }
0x3b: {  	[tilespmem:s14], [sflag:$0x1] =	stream.indirect.gather [hbm4b:s4+s9], $0x80, s11, s9, $0xb8;
	[tilespmem:$0xA080] =	vst v63  }
0x3c: {  	[tilespmem:s16], [sflag:$0x2] =	stream.indirect.gather [hbm4b:s4+s9], $0x80, s15, s9, $0xb8;
	[tilespmem:$0xA080] =	vst v63  }
0x3d: {  	_ =	swait.ge [sflag:s13], $0x4000  }
0x3e: {  	p0 =	slt.u32 s29, $0x3;
	[sflag:s13] =	ssyncset.done $0x0  }
.Ltmp4:
0x3f: {  	[sflag:s13] =	ssyncadd.s32 $0xFFFFC000;
	(pc) =	sbr.rel @p0 .LBB2_30-.Ltmp4, $4  }
0x40: {  	[hbm4b:s2+s9] =	stream.indirect.scatter [tilespmem:s14], [sflag:$0x3], $0x80, s9, s9, $0xb8;
	[tilespmem:$0xA080] =	vst v63  }
0x41: {  	_ =	swait.ge [sflag:s17], $0x4000  }
0x42: {  	[sflag:s17] =	ssyncset.done $0x0  }
0x43: {  	[sflag:s17] =	ssyncadd.s32 $0xFFFFC000  }
0x44: {  	[tilespmem:s14], [sflag:$0x1] =	stream.indirect.gather [hbm4b:s4+s9], $0x80, s18, s9, $0xb8;
	[tilespmem:$0xA080] =	vst v63  }
0x45: {  	_ =	swait.ge [sflag:s19], $0x4000  }
0x46: {  	p0 =	seq.s32 s29, $0x3;
	[sflag:s19] =	ssyncset.done $0x0  }
.Ltmp5:
0x47: {  	[sflag:s19] =	ssyncadd.s32 $0xFFFFC000;
	(pc) =	sbr.rel @!p0 .LBB2_5-.Ltmp5, $4  }
0x48: {  	[hbm4b:s2+s9] =	stream.indirect.scatter [tilespmem:s16], [sflag:$0x4], $0x80, s20, s9, $0xb8;
	[tilespmem:$0xA080] =	vst v63  }
0x49: {  	_ =	swait.ge [sflag:s21], $0x4000  }
0x4a: {  	[sflag:s21] =	ssyncset.done $0x0  }
0x4b: {  	[sflag:s21] =	ssyncadd.s32 $0xFFFFC000  }
.Ltmp6:
0x4c: {  	(pc) =	sbr.rel .LBB2_54-.Ltmp6, $4  }
0x4d: {  	_ =	swait.ge [sflag:s13], $0x4000  }
0x4e: {  	[sflag:s13] =	ssyncset.done $0x0  }
0x4f: {  	s29 =	simm.s32 $0x3;
	[sflag:s13] =	ssyncadd.s32 $0xFFFFC000  }
0x50: {  	[hbm4b:s2+s9] =	stream.indirect.scatter [tilespmem:s14], [sflag:$0x3], $0x80, s22, s9, $0xb8;
	[tilespmem:$0xA080] =	vst v63  }
.LBB2_30:
.Ltmp7:
0x51: {  	(pc) =	sbr.rel .LBB2_54-.Ltmp7, $4  }
0x52: {  	_ =	swait.ge [sflag:s19], $0x4000  }
0x53: {  	[sflag:s19] =	ssyncset.done $0x0  }
0x54: {  	s29 =	simm.s32 $0x4;
	[sflag:s19] =	ssyncadd.s32 $0xFFFFC000  }
0x55: {  	[hbm4b:s2+s9] =	stream.indirect.scatter [tilespmem:s16], [sflag:$0x4], $0x80, s20, s9, $0xb8;
	[tilespmem:$0xA080] =	vst v63  }
.LBB2_5:
0x56: {  	[tilespmem:s16], [sflag:$0x2] =	stream.indirect.gather [hbm4b:s4+s9], $0x80, s23, s9, $0xb8;
	[tilespmem:$0xA080] =	vst v63  }
0x57: {  	_ =	swait.ge [sflag:s13], $0x4000  }
0x58: {  	p0 =	slt.u32 s29, $0x5;
	[sflag:s13] =	ssyncset.done $0x0  }
.Ltmp8:
0x59: {  	[sflag:s13] =	ssyncadd.s32 $0xFFFFC000;
	(pc) =	sbr.rel @p0 .LBB2_32-.Ltmp8, $4  }
0x5a: {  	[hbm4b:s2+s9] =	stream.indirect.scatter [tilespmem:s14], [sflag:$0x3], $0x80, s22, s9, $0xb8;
	[tilespmem:$0xA080] =	vst v63  }
0x5b: {  	_ =	swait.ge [sflag:s17], $0x4000  }
0x5c: {  	[sflag:s17] =	ssyncset.done $0x0  }
0x5d: {  	[sflag:s17] =	ssyncadd.s32 $0xFFFFC000  }
0x5e: {  	[tilespmem:s14], [sflag:$0x1] =	stream.indirect.gather [hbm4b:s4+s9], $0x80, s24, s9, $0xb8;
	[tilespmem:$0xA080] =	vst v63  }
0x5f: {  	_ =	swait.ge [sflag:s19], $0x4000  }
0x60: {  	p0 =	seq.s32 s29, $0x5;
	[sflag:s19] =	ssyncset.done $0x0  }
.Ltmp9:
0x61: {  	[sflag:s19] =	ssyncadd.s32 $0xFFFFC000;
	(pc) =	sbr.rel @!p0 .LBB2_7-.Ltmp9, $4  }
0x62: {  	[hbm4b:s2+s9] =	stream.indirect.scatter [tilespmem:s16], [sflag:$0x4], $0x80, s25, s9, $0xb8;
	[tilespmem:$0xA080] =	vst v63  }
0x63: {  	_ =	swait.ge [sflag:s21], $0x4000  }
0x64: {  	[sflag:s21] =	ssyncset.done $0x0  }
0x65: {  	[sflag:s21] =	ssyncadd.s32 $0xFFFFC000  }
.Ltmp10:
0x66: {  	(pc) =	sbr.rel .LBB2_54-.Ltmp10, $4  }
0x67: {  	_ =	swait.ge [sflag:s13], $0x4000  }
0x68: {  	[sflag:s13] =	ssyncset.done $0x0  }
0x69: {  	s29 =	simm.s32 $0x3;
	[sflag:s13] =	ssyncadd.s32 $0xFFFFC000  }
0x6a: {  	[hbm4b:s2+s9] =	stream.indirect.scatter [tilespmem:s14], [sflag:$0x3], $0x80, s26, s9, $0xb8;
	[tilespmem:$0xA080] =	vst v63  }
.LBB2_32:
.Ltmp11:
0x6b: {  	(pc) =	sbr.rel .LBB2_54-.Ltmp11, $4  }
0x6c: {  	_ =	swait.ge [sflag:s19], $0x4000  }
0x6d: {  	[sflag:s19] =	ssyncset.done $0x0  }
0x6e: {  	s29 =	simm.s32 $0x4;
	[sflag:s19] =	ssyncadd.s32 $0xFFFFC000  }
0x6f: {  	[hbm4b:s2+s9] =	stream.indirect.scatter [tilespmem:s16], [sflag:$0x4], $0x80, s25, s9, $0xb8;
	[tilespmem:$0xA080] =	vst v63  }
.LBB2_7:
0x70: {  	[tilespmem:s16], [sflag:$0x2] =	stream.indirect.gather [hbm4b:s4+s9], $0x80, s28, s9, $0xb8;
	[tilespmem:$0xA080] =	vst v63  }
0x71: {  	_ =	swait.ge [sflag:s13], $0x4000  }
0x72: {  	p0 =	slt.u32 s29, $0x7;
	[sflag:s13] =	ssyncset.done $0x0  }
.Ltmp12:
0x73: {  	[sflag:s13] =	ssyncadd.s32 $0xFFFFC000;
	(pc) =	sbr.rel @p0 .LBB2_34-.Ltmp12, $4  }
0x74: {  	[hbm4b:s2+s9] =	stream.indirect.scatter [tilespmem:s14], [sflag:$0x3], $0x80, s26, s9, $0xb8;
	[tilespmem:$0xA080] =	vst v63  }
0x75: {  	_ =	swait.ge [sflag:s17], $0x4000  }
0x76: {  	[sflag:s17] =	ssyncset.done $0x0  }
0x77: {  	[sflag:s17] =	ssyncadd.s32 $0xFFFFC000  }
0x78: {  	s31 =	simm.s32 $0x1380  }
0x79: {  	[tilespmem:s14], [sflag:$0x1] =	stream.indirect.gather [hbm4b:s4+s9], $0x80, s31, s9, $0xb8;
	[tilespmem:$0xA080] =	vst v63  }
0x7a: {  	_ =	swait.ge [sflag:s19], $0x4000  }
0x7b: {  	p0 =	seq.s32 s29, $0x7;
	[sflag:s19] =	ssyncset.done $0x0  }
.Ltmp13:
0x7c: {  	[sflag:s19] =	ssyncadd.s32 $0xFFFFC000;
	(pc) =	sbr.rel @!p0 .LBB2_9-.Ltmp13, $4  }
0x7d: {  	[hbm4b:s2+s9] =	stream.indirect.scatter [tilespmem:s16], [sflag:$0x4], $0x80, s30, s9, $0xb8;
	[tilespmem:$0xA080] =	vst v63  }
0x7e: {  	_ =	swait.ge [sflag:s21], $0x4000  }
0x7f: {  	[sflag:s21] =	ssyncset.done $0x0  }
0x80: {  	[sflag:s21] =	ssyncadd.s32 $0xFFFFC000  }
.Ltmp14:
0x81: {  	_ =	swait.ge [sflag:s13], $0x4000;
	(pc) =	sbr.rel .LBB2_54-.Ltmp14, $4  }
0x82: {  	[sflag:s13] =	ssyncset.done $0x0  }
0x83: {  	s29 =	simm.s32 $0x380;
	[sflag:s13] =	ssyncadd.s32 $0xFFFFC000  }
0x84: {  	[hbm4b:s2+s9] =	stream.indirect.scatter [tilespmem:s14], [sflag:$0x3], $0x80, s29, s9, $0xb8;
	[tilespmem:$0xA080] =	vst v63  }
0x85: {  	s29 =	simm.s32 $0x3  }
.LBB2_34:
.Ltmp15:
0x86: {  	(pc) =	sbr.rel .LBB2_54-.Ltmp15, $4  }
0x87: {  	_ =	swait.ge [sflag:s19], $0x4000  }
0x88: {  	[sflag:s19] =	ssyncset.done $0x0  }
0x89: {  	s29 =	simm.s32 $0x4;
	[sflag:s19] =	ssyncadd.s32 $0xFFFFC000  }
0x8a: {  	[hbm4b:s2+s9] =	stream.indirect.scatter [tilespmem:s16], [sflag:$0x4], $0x80, s30, s9, $0xb8;
	[tilespmem:$0xA080] =	vst v63  }
.LBB2_9:
0x8b: {  	s31 =	simm.s32 $0x1400  }
0x8c: {  	[tilespmem:s16], [sflag:$0x2] =	stream.indirect.gather [hbm4b:s4+s9], $0x80, s31, s9, $0xb8;
	[tilespmem:$0xA080] =	vst v63  }
0x8d: {  	_ =	swait.ge [sflag:s13], $0x4000  }
0x8e: {  	p0 =	slt.u32 s29, $0x9;
	[sflag:s13] =	ssyncset.done $0x0  }
.Ltmp16:
0x8f: {  	s31 =	simm.s32 $0x380;
	[sflag:s13] =	ssyncadd.s32 $0xFFFFC000;
	(pc) =	sbr.rel @p0 .LBB2_36-.Ltmp16, $4  }
0x90: {  	[hbm4b:s2+s9] =	stream.indirect.scatter [tilespmem:s14], [sflag:$0x3], $0x80, s31, s9, $0xb8;
	[tilespmem:$0xA080] =	vst v63  }
0x91: {  	_ =	swait.ge [sflag:s17], $0x4000  }
0x92: {  	[sflag:s17] =	ssyncset.done $0x0  }
0x93: {  	[sflag:s17] =	ssyncadd.s32 $0xFFFFC000  }
0x94: {  	s31 =	simm.s32 $0x1480  }
0x95: {  	[tilespmem:s14], [sflag:$0x1] =	stream.indirect.gather [hbm4b:s4+s9], $0x80, s31, s9, $0xb8;
	[tilespmem:$0xA080] =	vst v63  }
0x96: {  	_ =	swait.ge [sflag:s19], $0x4000  }
0x97: {  	p0 =	seq.s32 s29, $0x9;
	[sflag:s19] =	ssyncset.done $0x0  }
.Ltmp17:
0x98: {  	s31 =	simm.s32 $0x400;
	[sflag:s19] =	ssyncadd.s32 $0xFFFFC000;
	(pc) =	sbr.rel @!p0 .LBB2_11-.Ltmp17, $4  }
0x99: {  	[hbm4b:s2+s9] =	stream.indirect.scatter [tilespmem:s16], [sflag:$0x4], $0x80, s31, s9, $0xb8;
	[tilespmem:$0xA080] =	vst v63  }
0x9a: {  	_ =	swait.ge [sflag:s21], $0x4000  }
0x9b: {  	[sflag:s21] =	ssyncset.done $0x0  }
0x9c: {  	[sflag:s21] =	ssyncadd.s32 $0xFFFFC000  }
.Ltmp18:
0x9d: {  	_ =	swait.ge [sflag:s13], $0x4000;
	(pc) =	sbr.rel .LBB2_54-.Ltmp18, $4  }
0x9e: {  	[sflag:s13] =	ssyncset.done $0x0  }
0x9f: {  	s29 =	simm.s32 $0x480;
	[sflag:s13] =	ssyncadd.s32 $0xFFFFC000  }
0xa0: {  	[hbm4b:s2+s9] =	stream.indirect.scatter [tilespmem:s14], [sflag:$0x3], $0x80, s29, s9, $0xb8;
	[tilespmem:$0xA080] =	vst v63  }
0xa1: {  	s29 =	simm.s32 $0x3  }
.LBB2_36:
.Ltmp19:
0xa2: {  	_ =	swait.ge [sflag:s19], $0x4000;
	(pc) =	sbr.rel .LBB2_54-.Ltmp19, $4  }
0xa3: {  	[sflag:s19] =	ssyncset.done $0x0  }
0xa4: {  	s29 =	simm.s32 $0x400;
	[sflag:s19] =	ssyncadd.s32 $0xFFFFC000  }
0xa5: {  	[hbm4b:s2+s9] =	stream.indirect.scatter [tilespmem:s16], [sflag:$0x4], $0x80, s29, s9, $0xb8;
	[tilespmem:$0xA080] =	vst v63  }
0xa6: {  	s29 =	simm.s32 $0x4  }
.LBB2_11:
0xa7: {  	s31 =	simm.s32 $0x1500  }
0xa8: {  	[tilespmem:s16], [sflag:$0x2] =	stream.indirect.gather [hbm4b:s4+s9], $0x80, s31, s9, $0xb8;
	[tilespmem:$0xA080] =	vst v63  }
0xa9: {  	_ =	swait.ge [sflag:s13], $0x4000  }
0xaa: {  	p0 =	slt.u32 s29, $0xB;
	[sflag:s13] =	ssyncset.done $0x0  }
.Ltmp20:
0xab: {  	s31 =	simm.s32 $0x480;
	[sflag:s13] =	ssyncadd.s32 $0xFFFFC000;
	(pc) =	sbr.rel @p0 .LBB2_38-.Ltmp20, $4  }
0xac: {  	[hbm4b:s2+s9] =	stream.indirect.scatter [tilespmem:s14], [sflag:$0x3], $0x80, s31, s9, $0xb8;
	[tilespmem:$0xA080] =	vst v63  }
0xad: {  	_ =	swait.ge [sflag:s17], $0x4000  }
0xae: {  	[sflag:s17] =	ssyncset.done $0x0  }
0xaf: {  	[sflag:s17] =	ssyncadd.s32 $0xFFFFC000  }
0xb0: {  	s31 =	simm.s32 $0x1580  }
0xb1: {  	[tilespmem:s14], [sflag:$0x1] =	stream.indirect.gather [hbm4b:s4+s9], $0x80, s31, s9, $0xb8;
	[tilespmem:$0xA080] =	vst v63  }
0xb2: {  	_ =	swait.ge [sflag:s19], $0x4000  }
0xb3: {  	p0 =	seq.s32 s29, $0xB;
	[sflag:s19] =	ssyncset.done $0x0  }
.Ltmp21:
0xb4: {  	s31 =	simm.s32 $0x500;
	[sflag:s19] =	ssyncadd.s32 $0xFFFFC000;
	(pc) =	sbr.rel @!p0 .LBB2_13-.Ltmp21, $4  }
0xb5: {  	[hbm4b:s2+s9] =	stream.indirect.scatter [tilespmem:s16], [sflag:$0x4], $0x80, s31, s9, $0xb8;
	[tilespmem:$0xA080] =	vst v63  }
0xb6: {  	_ =	swait.ge [sflag:s21], $0x4000  }
0xb7: {  	[sflag:s21] =	ssyncset.done $0x0  }
0xb8: {  	[sflag:s21] =	ssyncadd.s32 $0xFFFFC000  }
.Ltmp22:
0xb9: {  	_ =	swait.ge [sflag:s13], $0x4000;
	(pc) =	sbr.rel .LBB2_54-.Ltmp22, $4  }
0xba: {  	[sflag:s13] =	ssyncset.done $0x0  }
0xbb: {  	s29 =	simm.s32 $0x580;
	[sflag:s13] =	ssyncadd.s32 $0xFFFFC000  }
0xbc: {  	[hbm4b:s2+s9] =	stream.indirect.scatter [tilespmem:s14], [sflag:$0x3], $0x80, s29, s9, $0xb8;
	[tilespmem:$0xA080] =	vst v63  }
0xbd: {  	s29 =	simm.s32 $0x3  }
.LBB2_38:
.Ltmp23:
0xbe: {  	_ =	swait.ge [sflag:s19], $0x4000;
	(pc) =	sbr.rel .LBB2_54-.Ltmp23, $4  }
0xbf: {  	[sflag:s19] =	ssyncset.done $0x0  }
0xc0: {  	s29 =	simm.s32 $0x500;
	[sflag:s19] =	ssyncadd.s32 $0xFFFFC000  }
0xc1: {  	[hbm4b:s2+s9] =	stream.indirect.scatter [tilespmem:s16], [sflag:$0x4], $0x80, s29, s9, $0xb8;
	[tilespmem:$0xA080] =	vst v63  }
0xc2: {  	s29 =	simm.s32 $0x4  }
.LBB2_13:
0xc3: {  	s31 =	simm.s32 $0x1600  }
0xc4: {  	[tilespmem:s16], [sflag:$0x2] =	stream.indirect.gather [hbm4b:s4+s9], $0x80, s31, s9, $0xb8;
	[tilespmem:$0xA080] =	vst v63  }
0xc5: {  	_ =	swait.ge [sflag:s13], $0x4000  }
0xc6: {  	p0 =	slt.u32 s29, $0xD;
	[sflag:s13] =	ssyncset.done $0x0  }
.Ltmp24:
0xc7: {  	s31 =	simm.s32 $0x580;
	[sflag:s13] =	ssyncadd.s32 $0xFFFFC000;
	(pc) =	sbr.rel @p0 .LBB2_40-.Ltmp24, $4  }
0xc8: {  	[hbm4b:s2+s9] =	stream.indirect.scatter [tilespmem:s14], [sflag:$0x3], $0x80, s31, s9, $0xb8;
	[tilespmem:$0xA080] =	vst v63  }
0xc9: {  	_ =	swait.ge [sflag:s17], $0x4000  }
0xca: {  	[sflag:s17] =	ssyncset.done $0x0  }
0xcb: {  	[sflag:s17] =	ssyncadd.s32 $0xFFFFC000  }
0xcc: {  	s31 =	simm.s32 $0x1680  }
0xcd: {  	[tilespmem:s14], [sflag:$0x1] =	stream.indirect.gather [hbm4b:s4+s9], $0x80, s31, s9, $0xb8;
	[tilespmem:$0xA080] =	vst v63  }
0xce: {  	_ =	swait.ge [sflag:s19], $0x4000  }
0xcf: {  	p0 =	seq.s32 s29, $0xD;
	[sflag:s19] =	ssyncset.done $0x0  }
.Ltmp25:
0xd0: {  	s31 =	simm.s32 $0x600;
	[sflag:s19] =	ssyncadd.s32 $0xFFFFC000;
	(pc) =	sbr.rel @!p0 .LBB2_15-.Ltmp25, $4  }
0xd1: {  	[hbm4b:s2+s9] =	stream.indirect.scatter [tilespmem:s16], [sflag:$0x4], $0x80, s31, s9, $0xb8;
	[tilespmem:$0xA080] =	vst v63  }
0xd2: {  	_ =	swait.ge [sflag:s21], $0x4000  }
0xd3: {  	[sflag:s21] =	ssyncset.done $0x0  }
0xd4: {  	[sflag:s21] =	ssyncadd.s32 $0xFFFFC000  }
.Ltmp26:
0xd5: {  	_ =	swait.ge [sflag:s13], $0x4000;
	(pc) =	sbr.rel .LBB2_54-.Ltmp26, $4  }
0xd6: {  	[sflag:s13] =	ssyncset.done $0x0  }
0xd7: {  	s29 =	simm.s32 $0x680;
	[sflag:s13] =	ssyncadd.s32 $0xFFFFC000  }
0xd8: {  	[hbm4b:s2+s9] =	stream.indirect.scatter [tilespmem:s14], [sflag:$0x3], $0x80, s29, s9, $0xb8;
	[tilespmem:$0xA080] =	vst v63  }
0xd9: {  	s29 =	simm.s32 $0x3  }
.LBB2_40:
.Ltmp27:
0xda: {  	_ =	swait.ge [sflag:s19], $0x4000;
	(pc) =	sbr.rel .LBB2_54-.Ltmp27, $4  }
0xdb: {  	[sflag:s19] =	ssyncset.done $0x0  }
0xdc: {  	s29 =	simm.s32 $0x600;
	[sflag:s19] =	ssyncadd.s32 $0xFFFFC000  }
0xdd: {  	[hbm4b:s2+s9] =	stream.indirect.scatter [tilespmem:s16], [sflag:$0x4], $0x80, s29, s9, $0xb8;
	[tilespmem:$0xA080] =	vst v63  }
0xde: {  	s29 =	simm.s32 $0x4  }
.LBB2_15:
0xdf: {  	s31 =	simm.s32 $0x1700  }
0xe0: {  	[tilespmem:s16], [sflag:$0x2] =	stream.indirect.gather [hbm4b:s4+s9], $0x80, s31, s9, $0xb8;
	[tilespmem:$0xA080] =	vst v63  }
0xe1: {  	_ =	swait.ge [sflag:s13], $0x4000  }
0xe2: {  	p0 =	slt.u32 s29, $0xF;
	[sflag:s13] =	ssyncset.done $0x0  }
.Ltmp28:
0xe3: {  	s31 =	simm.s32 $0x680;
	[sflag:s13] =	ssyncadd.s32 $0xFFFFC000;
	(pc) =	sbr.rel @p0 .LBB2_42-.Ltmp28, $4  }
0xe4: {  	[hbm4b:s2+s9] =	stream.indirect.scatter [tilespmem:s14], [sflag:$0x3], $0x80, s31, s9, $0xb8;
	[tilespmem:$0xA080] =	vst v63  }
0xe5: {  	_ =	swait.ge [sflag:s17], $0x4000  }
0xe6: {  	[sflag:s17] =	ssyncset.done $0x0  }
0xe7: {  	[sflag:s17] =	ssyncadd.s32 $0xFFFFC000  }
0xe8: {  	s31 =	simm.s32 $0x1780  }
0xe9: {  	[tilespmem:s14], [sflag:$0x1] =	stream.indirect.gather [hbm4b:s4+s9], $0x80, s31, s9, $0xb8;
	[tilespmem:$0xA080] =	vst v63  }
0xea: {  	_ =	swait.ge [sflag:s19], $0x4000  }
0xeb: {  	p0 =	seq.s32 s29, $0xF;
	[sflag:s19] =	ssyncset.done $0x0  }
.Ltmp29:
0xec: {  	s31 =	simm.s32 $0x700;
	[sflag:s19] =	ssyncadd.s32 $0xFFFFC000;
	(pc) =	sbr.rel @!p0 .LBB2_17-.Ltmp29, $4  }
0xed: {  	[hbm4b:s2+s9] =	stream.indirect.scatter [tilespmem:s16], [sflag:$0x4], $0x80, s31, s9, $0xb8;
	[tilespmem:$0xA080] =	vst v63  }
0xee: {  	_ =	swait.ge [sflag:s21], $0x4000  }
0xef: {  	[sflag:s21] =	ssyncset.done $0x0  }
0xf0: {  	[sflag:s21] =	ssyncadd.s32 $0xFFFFC000  }
.Ltmp30:
0xf1: {  	_ =	swait.ge [sflag:s13], $0x4000;
	(pc) =	sbr.rel .LBB2_54-.Ltmp30, $4  }
0xf2: {  	[sflag:s13] =	ssyncset.done $0x0  }
0xf3: {  	s29 =	simm.s32 $0x780;
	[sflag:s13] =	ssyncadd.s32 $0xFFFFC000  }
0xf4: {  	[hbm4b:s2+s9] =	stream.indirect.scatter [tilespmem:s14], [sflag:$0x3], $0x80, s29, s9, $0xb8;
	[tilespmem:$0xA080] =	vst v63  }
0xf5: {  	s29 =	simm.s32 $0x3  }
.LBB2_42:
.Ltmp31:
0xf6: {  	_ =	swait.ge [sflag:s19], $0x4000;
	(pc) =	sbr.rel .LBB2_54-.Ltmp31, $4  }
0xf7: {  	[sflag:s19] =	ssyncset.done $0x0  }
0xf8: {  	s29 =	simm.s32 $0x700;
	[sflag:s19] =	ssyncadd.s32 $0xFFFFC000  }
0xf9: {  	[hbm4b:s2+s9] =	stream.indirect.scatter [tilespmem:s16], [sflag:$0x4], $0x80, s29, s9, $0xb8;
	[tilespmem:$0xA080] =	vst v63  }
0xfa: {  	s29 =	simm.s32 $0x4  }
.LBB2_17:
0xfb: {  	s31 =	simm.s32 $0x1800  }
0xfc: {  	[tilespmem:s16], [sflag:$0x2] =	stream.indirect.gather [hbm4b:s4+s9], $0x80, s31, s9, $0xb8;
	[tilespmem:$0xA080] =	vst v63  }
0xfd: {  	_ =	swait.ge [sflag:s13], $0x4000  }
0xfe: {  	p0 =	slt.u32 s29, $0x11;
	[sflag:s13] =	ssyncset.done $0x0  }
.Ltmp32:
0xff: {  	s31 =	simm.s32 $0x780;
	[sflag:s13] =	ssyncadd.s32 $0xFFFFC000;
	(pc) =	sbr.rel @p0 .LBB2_44-.Ltmp32, $4  }
0x100: {  	[hbm4b:s2+s9] =	stream.indirect.scatter [tilespmem:s14], [sflag:$0x3], $0x80, s31, s9, $0xb8;
	[tilespmem:$0xA080] =	vst v63  }
0x101: {  	_ =	swait.ge [sflag:s17], $0x4000  }
0x102: {  	[sflag:s17] =	ssyncset.done $0x0  }
0x103: {  	[sflag:s17] =	ssyncadd.s32 $0xFFFFC000  }
0x104: {  	s31 =	simm.s32 $0x1880  }
0x105: {  	[tilespmem:s14], [sflag:$0x1] =	stream.indirect.gather [hbm4b:s4+s9], $0x80, s31, s9, $0xb8;
	[tilespmem:$0xA080] =	vst v63  }
0x106: {  	_ =	swait.ge [sflag:s19], $0x4000  }
0x107: {  	p0 =	seq.s32 s29, $0x11;
	[sflag:s19] =	ssyncset.done $0x0  }
.Ltmp33:
0x108: {  	s31 =	simm.s32 $0x800;
	[sflag:s19] =	ssyncadd.s32 $0xFFFFC000;
	(pc) =	sbr.rel @!p0 .LBB2_19-.Ltmp33, $4  }
0x109: {  	[hbm4b:s2+s9] =	stream.indirect.scatter [tilespmem:s16], [sflag:$0x4], $0x80, s31, s9, $0xb8;
	[tilespmem:$0xA080] =	vst v63  }
0x10a: {  	_ =	swait.ge [sflag:s21], $0x4000  }
0x10b: {  	[sflag:s21] =	ssyncset.done $0x0  }
0x10c: {  	[sflag:s21] =	ssyncadd.s32 $0xFFFFC000  }
.Ltmp34:
0x10d: {  	_ =	swait.ge [sflag:s13], $0x4000;
	(pc) =	sbr.rel .LBB2_54-.Ltmp34, $4  }
0x10e: {  	[sflag:s13] =	ssyncset.done $0x0  }
0x10f: {  	s29 =	simm.s32 $0x880;
	[sflag:s13] =	ssyncadd.s32 $0xFFFFC000  }
0x110: {  	[hbm4b:s2+s9] =	stream.indirect.scatter [tilespmem:s14], [sflag:$0x3], $0x80, s29, s9, $0xb8;
	[tilespmem:$0xA080] =	vst v63  }
0x111: {  	s29 =	simm.s32 $0x3  }
.LBB2_44:
.Ltmp35:
0x112: {  	_ =	swait.ge [sflag:s19], $0x4000;
	(pc) =	sbr.rel .LBB2_54-.Ltmp35, $4  }
0x113: {  	[sflag:s19] =	ssyncset.done $0x0  }
0x114: {  	s29 =	simm.s32 $0x800;
	[sflag:s19] =	ssyncadd.s32 $0xFFFFC000  }
0x115: {  	[hbm4b:s2+s9] =	stream.indirect.scatter [tilespmem:s16], [sflag:$0x4], $0x80, s29, s9, $0xb8;
	[tilespmem:$0xA080] =	vst v63  }
0x116: {  	s29 =	simm.s32 $0x4  }
.LBB2_19:
0x117: {  	s31 =	simm.s32 $0x1900  }
0x118: {  	[tilespmem:s16], [sflag:$0x2] =	stream.indirect.gather [hbm4b:s4+s9], $0x80, s31, s9, $0xb8;
	[tilespmem:$0xA080] =	vst v63  }
0x119: {  	_ =	swait.ge [sflag:s13], $0x4000  }
0x11a: {  	p0 =	slt.u32 s29, $0x13;
	[sflag:s13] =	ssyncset.done $0x0  }
.Ltmp36:
0x11b: {  	s31 =	simm.s32 $0x880;
	[sflag:s13] =	ssyncadd.s32 $0xFFFFC000;
	(pc) =	sbr.rel @p0 .LBB2_46-.Ltmp36, $4  }
0x11c: {  	[hbm4b:s2+s9] =	stream.indirect.scatter [tilespmem:s14], [sflag:$0x3], $0x80, s31, s9, $0xb8;
	[tilespmem:$0xA080] =	vst v63  }
0x11d: {  	_ =	swait.ge [sflag:s17], $0x4000  }
0x11e: {  	[sflag:s17] =	ssyncset.done $0x0  }
0x11f: {  	[sflag:s17] =	ssyncadd.s32 $0xFFFFC000  }
0x120: {  	s31 =	simm.s32 $0x1980  }
0x121: {  	[tilespmem:s14], [sflag:$0x1] =	stream.indirect.gather [hbm4b:s4+s9], $0x80, s31, s9, $0xb8;
	[tilespmem:$0xA080] =	vst v63  }
0x122: {  	_ =	swait.ge [sflag:s19], $0x4000  }
0x123: {  	p0 =	seq.s32 s29, $0x13;
	[sflag:s19] =	ssyncset.done $0x0  }
.Ltmp37:
0x124: {  	s31 =	simm.s32 $0x900;
	[sflag:s19] =	ssyncadd.s32 $0xFFFFC000;
	(pc) =	sbr.rel @!p0 .LBB2_21-.Ltmp37, $4  }
0x125: {  	[hbm4b:s2+s9] =	stream.indirect.scatter [tilespmem:s16], [sflag:$0x4], $0x80, s31, s9, $0xb8;
	[tilespmem:$0xA080] =	vst v63  }
0x126: {  	_ =	swait.ge [sflag:s21], $0x4000  }
0x127: {  	[sflag:s21] =	ssyncset.done $0x0  }
0x128: {  	[sflag:s21] =	ssyncadd.s32 $0xFFFFC000  }
.Ltmp38:
0x129: {  	_ =	swait.ge [sflag:s13], $0x4000;
	(pc) =	sbr.rel .LBB2_54-.Ltmp38, $4  }
0x12a: {  	[sflag:s13] =	ssyncset.done $0x0  }
0x12b: {  	s29 =	simm.s32 $0x980;
	[sflag:s13] =	ssyncadd.s32 $0xFFFFC000  }
0x12c: {  	[hbm4b:s2+s9] =	stream.indirect.scatter [tilespmem:s14], [sflag:$0x3], $0x80, s29, s9, $0xb8;
	[tilespmem:$0xA080] =	vst v63  }
0x12d: {  	s29 =	simm.s32 $0x3  }
.LBB2_46:
.Ltmp39:
0x12e: {  	_ =	swait.ge [sflag:s19], $0x4000;
	(pc) =	sbr.rel .LBB2_54-.Ltmp39, $4  }
0x12f: {  	[sflag:s19] =	ssyncset.done $0x0  }
0x130: {  	s29 =	simm.s32 $0x900;
	[sflag:s19] =	ssyncadd.s32 $0xFFFFC000  }
0x131: {  	[hbm4b:s2+s9] =	stream.indirect.scatter [tilespmem:s16], [sflag:$0x4], $0x80, s29, s9, $0xb8;
	[tilespmem:$0xA080] =	vst v63  }
0x132: {  	s29 =	simm.s32 $0x4  }
.LBB2_21:
0x133: {  	s31 =	simm.s32 $0x1A00  }
0x134: {  	[tilespmem:s16], [sflag:$0x2] =	stream.indirect.gather [hbm4b:s4+s9], $0x80, s31, s9, $0xb8;
	[tilespmem:$0xA080] =	vst v63  }
0x135: {  	_ =	swait.ge [sflag:s13], $0x4000  }
0x136: {  	p0 =	slt.u32 s29, $0x15;
	[sflag:s13] =	ssyncset.done $0x0  }
.Ltmp40:
0x137: {  	s31 =	simm.s32 $0x980;
	[sflag:s13] =	ssyncadd.s32 $0xFFFFC000;
	(pc) =	sbr.rel @p0 .LBB2_48-.Ltmp40, $4  }
0x138: {  	[hbm4b:s2+s9] =	stream.indirect.scatter [tilespmem:s14], [sflag:$0x3], $0x80, s31, s9, $0xb8;
	[tilespmem:$0xA080] =	vst v63  }
0x139: {  	_ =	swait.ge [sflag:s17], $0x4000  }
0x13a: {  	[sflag:s17] =	ssyncset.done $0x0  }
0x13b: {  	[sflag:s17] =	ssyncadd.s32 $0xFFFFC000  }
0x13c: {  	s31 =	simm.s32 $0x1A80  }
0x13d: {  	[tilespmem:s14], [sflag:$0x1] =	stream.indirect.gather [hbm4b:s4+s9], $0x80, s31, s9, $0xb8;
	[tilespmem:$0xA080] =	vst v63  }
0x13e: {  	_ =	swait.ge [sflag:s19], $0x4000  }
0x13f: {  	p0 =	seq.s32 s29, $0x15;
	[sflag:s19] =	ssyncset.done $0x0  }
.Ltmp41:
0x140: {  	s31 =	simm.s32 $0xA00;
	[sflag:s19] =	ssyncadd.s32 $0xFFFFC000;
	(pc) =	sbr.rel @!p0 .LBB2_23-.Ltmp41, $4  }
0x141: {  	[hbm4b:s2+s9] =	stream.indirect.scatter [tilespmem:s16], [sflag:$0x4], $0x80, s31, s9, $0xb8;
	[tilespmem:$0xA080] =	vst v63  }
0x142: {  	_ =	swait.ge [sflag:s21], $0x4000  }
0x143: {  	[sflag:s21] =	ssyncset.done $0x0  }
0x144: {  	[sflag:s21] =	ssyncadd.s32 $0xFFFFC000  }
.Ltmp42:
0x145: {  	_ =	swait.ge [sflag:s13], $0x4000;
	(pc) =	sbr.rel .LBB2_54-.Ltmp42, $4  }
0x146: {  	[sflag:s13] =	ssyncset.done $0x0  }
0x147: {  	s29 =	simm.s32 $0xA80;
	[sflag:s13] =	ssyncadd.s32 $0xFFFFC000  }
0x148: {  	[hbm4b:s2+s9] =	stream.indirect.scatter [tilespmem:s14], [sflag:$0x3], $0x80, s29, s9, $0xb8;
	[tilespmem:$0xA080] =	vst v63  }
0x149: {  	s29 =	simm.s32 $0x3  }
.LBB2_48:
.Ltmp43:
0x14a: {  	_ =	swait.ge [sflag:s19], $0x4000;
	(pc) =	sbr.rel .LBB2_54-.Ltmp43, $4  }
0x14b: {  	[sflag:s19] =	ssyncset.done $0x0  }
0x14c: {  	s29 =	simm.s32 $0xA00;
	[sflag:s19] =	ssyncadd.s32 $0xFFFFC000  }
0x14d: {  	[hbm4b:s2+s9] =	stream.indirect.scatter [tilespmem:s16], [sflag:$0x4], $0x80, s29, s9, $0xb8;
	[tilespmem:$0xA080] =	vst v63  }
0x14e: {  	s29 =	simm.s32 $0x4  }
.LBB2_23:
0x14f: {  	s31 =	simm.s32 $0x1B00  }
0x150: {  	[tilespmem:s16], [sflag:$0x2] =	stream.indirect.gather [hbm4b:s4+s9], $0x80, s31, s9, $0xb8;
	[tilespmem:$0xA080] =	vst v63  }
0x151: {  	_ =	swait.ge [sflag:s13], $0x4000  }
0x152: {  	p0 =	slt.u32 s29, $0x17;
	[sflag:s13] =	ssyncset.done $0x0  }
.Ltmp44:
0x153: {  	s31 =	simm.s32 $0xA80;
	[sflag:s13] =	ssyncadd.s32 $0xFFFFC000;
	(pc) =	sbr.rel @p0 .LBB2_50-.Ltmp44, $4  }
0x154: {  	[hbm4b:s2+s9] =	stream.indirect.scatter [tilespmem:s14], [sflag:$0x3], $0x80, s31, s9, $0xb8;
	[tilespmem:$0xA080] =	vst v63  }
0x155: {  	_ =	swait.ge [sflag:s17], $0x4000  }
0x156: {  	[sflag:s17] =	ssyncset.done $0x0  }
0x157: {  	[sflag:s17] =	ssyncadd.s32 $0xFFFFC000  }
0x158: {  	s31 =	simm.s32 $0x1B80  }
0x159: {  	[tilespmem:s14], [sflag:$0x1] =	stream.indirect.gather [hbm4b:s4+s9], $0x80, s31, s9, $0xb8;
	[tilespmem:$0xA080] =	vst v63  }
0x15a: {  	_ =	swait.ge [sflag:s19], $0x4000  }
0x15b: {  	p0 =	seq.s32 s29, $0x17;
	[sflag:s19] =	ssyncset.done $0x0  }
.Ltmp45:
0x15c: {  	s31 =	simm.s32 $0xB00;
	[sflag:s19] =	ssyncadd.s32 $0xFFFFC000;
	(pc) =	sbr.rel @!p0 .LBB2_25-.Ltmp45, $4  }
0x15d: {  	[hbm4b:s2+s9] =	stream.indirect.scatter [tilespmem:s16], [sflag:$0x4], $0x80, s31, s9, $0xb8;
	[tilespmem:$0xA080] =	vst v63  }
0x15e: {  	_ =	swait.ge [sflag:s21], $0x4000  }
0x15f: {  	[sflag:s21] =	ssyncset.done $0x0  }
0x160: {  	[sflag:s21] =	ssyncadd.s32 $0xFFFFC000  }
.Ltmp46:
0x161: {  	_ =	swait.ge [sflag:s13], $0x4000;
	(pc) =	sbr.rel .LBB2_54-.Ltmp46, $4  }
0x162: {  	[sflag:s13] =	ssyncset.done $0x0  }
0x163: {  	s29 =	simm.s32 $0xB80;
	[sflag:s13] =	ssyncadd.s32 $0xFFFFC000  }
0x164: {  	[hbm4b:s2+s9] =	stream.indirect.scatter [tilespmem:s14], [sflag:$0x3], $0x80, s29, s9, $0xb8;
	[tilespmem:$0xA080] =	vst v63  }
0x165: {  	s29 =	simm.s32 $0x3  }
.LBB2_50:
.Ltmp47:
0x166: {  	_ =	swait.ge [sflag:s19], $0x4000;
	(pc) =	sbr.rel .LBB2_54-.Ltmp47, $4  }
0x167: {  	[sflag:s19] =	ssyncset.done $0x0  }
0x168: {  	s29 =	simm.s32 $0xB00;
	[sflag:s19] =	ssyncadd.s32 $0xFFFFC000  }
0x169: {  	[hbm4b:s2+s9] =	stream.indirect.scatter [tilespmem:s16], [sflag:$0x4], $0x80, s29, s9, $0xb8;
	[tilespmem:$0xA080] =	vst v63  }
0x16a: {  	s29 =	simm.s32 $0x4  }
.LBB2_25:
0x16b: {  	s31 =	simm.s32 $0x1C00  }
0x16c: {  	[tilespmem:s16], [sflag:$0x2] =	stream.indirect.gather [hbm4b:s4+s9], $0x80, s31, s9, $0xb8;
	[tilespmem:$0xA080] =	vst v63  }
0x16d: {  	_ =	swait.ge [sflag:s13], $0x4000  }
0x16e: {  	p0 =	slt.u32 s29, $0x19;
	[sflag:s13] =	ssyncset.done $0x0  }
.Ltmp48:
0x16f: {  	s31 =	simm.s32 $0xB80;
	[sflag:s13] =	ssyncadd.s32 $0xFFFFC000;
	(pc) =	sbr.rel @p0 .LBB2_52-.Ltmp48, $4  }
0x170: {  	[hbm4b:s2+s9] =	stream.indirect.scatter [tilespmem:s14], [sflag:$0x3], $0x80, s31, s9, $0xb8;
	[tilespmem:$0xA080] =	vst v63  }
0x171: {  	_ =	swait.ge [sflag:s17], $0x4000  }
0x172: {  	[sflag:s17] =	ssyncset.done $0x0  }
0x173: {  	[sflag:s17] =	ssyncadd.s32 $0xFFFFC000  }
0x174: {  	s31 =	simm.s32 $0x1C80  }
0x175: {  	[tilespmem:s14], [sflag:$0x1] =	stream.indirect.gather [hbm4b:s4+s9], $0x80, s31, s9, $0xb8;
	[tilespmem:$0xA080] =	vst v63  }
0x176: {  	_ =	swait.ge [sflag:s19], $0x4000  }
0x177: {  	p0 =	seq.s32 s29, $0x19;
	[sflag:s19] =	ssyncset.done $0x0  }
.Ltmp49:
0x178: {  	s31 =	simm.s32 $0xC00;
	[sflag:s19] =	ssyncadd.s32 $0xFFFFC000;
	(pc) =	sbr.rel @!p0 .LBB2_27-.Ltmp49, $4  }
0x179: {  	[hbm4b:s2+s9] =	stream.indirect.scatter [tilespmem:s16], [sflag:$0x4], $0x80, s31, s9, $0xb8;
	[tilespmem:$0xA080] =	vst v63  }
0x17a: {  	_ =	swait.ge [sflag:s21], $0x4000  }
0x17b: {  	[sflag:s21] =	ssyncset.done $0x0  }
0x17c: {  	[sflag:s21] =	ssyncadd.s32 $0xFFFFC000  }
.Ltmp50:
0x17d: {  	_ =	swait.ge [sflag:s13], $0x4000;
	(pc) =	sbr.rel .LBB2_54-.Ltmp50, $4  }
0x17e: {  	[sflag:s13] =	ssyncset.done $0x0  }
0x17f: {  	s29 =	simm.s32 $0xC80;
	[sflag:s13] =	ssyncadd.s32 $0xFFFFC000  }
0x180: {  	[hbm4b:s2+s9] =	stream.indirect.scatter [tilespmem:s14], [sflag:$0x3], $0x80, s29, s9, $0xb8;
	[tilespmem:$0xA080] =	vst v63  }
0x181: {  	s29 =	simm.s32 $0x3  }
.LBB2_52:
.Ltmp51:
0x182: {  	_ =	swait.ge [sflag:s19], $0x4000;
	(pc) =	sbr.rel .LBB2_54-.Ltmp51, $4  }
0x183: {  	[sflag:s19] =	ssyncset.done $0x0  }
0x184: {  	s29 =	simm.s32 $0xC00;
	[sflag:s19] =	ssyncadd.s32 $0xFFFFC000  }
0x185: {  	[hbm4b:s2+s9] =	stream.indirect.scatter [tilespmem:s16], [sflag:$0x4], $0x80, s29, s9, $0xb8;
	[tilespmem:$0xA080] =	vst v63  }
0x186: {  	s29 =	simm.s32 $0x4  }
.LBB2_27:
0x187: {  	s31 =	simm.s32 $0x1D00;
	p0 =	seq.s32 s29, $0x1A  }
0x188: {  	[tilespmem:s16], [sflag:$0x2] =	stream.indirect.gather [hbm4b:s4+s9], $0x80, s31, s9, $0xb8;
	[tilespmem:$0xA080] =	vst v63  }
.Ltmp52:
0x189: {  	_ = 	snop;
	(pc) =	sbr.rel @!p0 .LBB2_55-.Ltmp52, $4  }
0x18a: {  	_ =	swait.ge [sflag:s13], $0x4000  }
0x18b: {  	[sflag:s13] =	ssyncset.done $0x0  }
0x18c: {  	s31 =	simm.s32 $0xC80;
	[sflag:s13] =	ssyncadd.s32 $0xFFFFC000  }
0x18d: {  	[hbm4b:s2+s9] =	stream.indirect.scatter [tilespmem:s14], [sflag:$0x3], $0x80, s31, s9, $0xb8;
	[tilespmem:$0xA080] =	vst v63  }
0x18e: {  	_ =	swait.ge [sflag:s17], $0x4000  }
0x18f: {  	[sflag:s17] =	ssyncset.done $0x0  }
0x190: {  	[sflag:s17] =	ssyncadd.s32 $0xFFFFC000  }
.Ltmp53:
0x191: {  	_ =	swait.ge [sflag:s19], $0x4000;
	(pc) =	sbr.rel .LBB2_54-.Ltmp53, $4  }
0x192: {  	[sflag:s19] =	ssyncset.done $0x0  }
0x193: {  	s29 =	simm.s32 $0xD00;
	[sflag:s19] =	ssyncadd.s32 $0xFFFFC000  }
0x194: {  	[hbm4b:s2+s9] =	stream.indirect.scatter [tilespmem:s16], [sflag:$0x4], $0x80, s29, s9, $0xb8;
	[tilespmem:$0xA080] =	vst v63  }
0x195: {  	s29 =	simm.s32 $0x4  }
.LBB2_56:
0x196: {  	_ =	sfence.sel $0x180000  }
0x197: {  	[bflag:$0x0] =	sbarrier.arrive $0xFFFF  }
0x198: {  	p0 =	sne.s32 s1, $0x0;
	_ =	strace $0x9000004D  }
0x199: {  	s0 =	sadd.s32 @!p0 $0x100000, s0;
	[bflag:$0x2] =	sbarrier.arrive $0xFFFF  }
0x19a: {  	[sflag:s0] =	ssyncadd.tile.s32 @!p0 $0x1;
	_ =	shalt  }
.Lfunc_end2:
_tile_overlayer_lowered:
.L_overlay_start_2:
0x19b: {  	(tag) =	ssettag $0x2  }
0x19c: {  	s0 =	rddreg [dreg:$0x0];
	s2 =	stileid.u32  }
0x19d: {  	s1 =	rddreg [dreg:$0x1];
	p0 =	sne.s32 s2, $0x0  }
0x19e: {  	s3 =	rddreg [dreg:$0x2];
	[bflag:$0x3] =	sbarrier.arrive $0xFFFF;
	s2 =	simm.s32 @!p0 $0x1C06  }
0x19f: {  	[timem:s3], [sflag:s2] =	dma.local @!p0 [hbm:s0], s1  }
0x1a0: {  	s0 =	simm.s32 @!p0 $0x6  }
0x1a1: {  	_ =	swait.ge @!p0 [sflag:s0], s1  }
0x1a2: {  	s1 =	ssub.s32 @!p0 $0x0, s1;
	[sflag:s0] =	ssyncset.done @!p0 $0x0  }
0x1a3: {  	[sflag:s0] =	ssyncadd.s32 @!p0 s1  }
0x1a4: {  	[bflag:$0x3] =	sbarrier.arrive $0xFFFF  }
0x1a5: {  	_ =	shalt  }

// kernel: kernel.7.cloned.1.call-start
scs
__scs_entry_jumppad:
0x0: {  	(pc) =	sbr.rel $0x88, $3  }
0x1: {  	(tag) =	ssettag $0x0;
	lr =	simm.s32 $0x1  }
0x2: {  	[smem:$0x3F98] =	sst lr;
	_ =	strace $0xD0000000  }
0x3: {  	_ = 	snop  }
0x4: {  	_ = 	snop  }
0x5: {  	_ = 	snop  }
0x6: {  	_ = 	snop  }
0x7: {  	_ = 	snop  }
__scs_overlays_trampoline_lowered:
0x8: {  	[smem:$0x3FA7] =	sst s0  }
0x9: {  	[smem:$0x3FA8] =	sst s1  }
0xa: {  	[smem:$0x3FA9] =	sst s2  }
0xb: {  	[smem:$0x3FAA] =	sst s3  }
0xc: {  	[smem:$0x3FAB] =	sst s4  }
0xd: {  	[smem:$0x3FAC] =	sst s5  }
0xe: {  	[smem:$0x3FAD] =	sst s6  }
0xf: {  	[smem:$0x3FAE] =	sst s7  }
0x10: {  	[smem:$0x3FAF] =	sst s8  }
0x11: {  	[smem:$0x3FB0] =	sst s9;
	s0 =	simm.s32 @!p0 $0x0  }
0x12: {  	s1 =	sld [smem:$0x3F96];
	s0 =	simm.s32 @p0 $0x1  }
0x13: {  	[smem:$0x3FB1] =	sst s0;
	s0 =	simm.s32 @!p1 $0x0  }
0x14: {  	s2 =	sld [smem:$0x3F95];
	s0 =	simm.s32 @p1 $0x1  }
0x15: {  	[smem:$0x3FB2] =	sst s0;
	s0 =	simm.s32 @!p2 $0x0  }
0x16: {  	s3 =	sld [smem:$0x3FDB];
	s0 =	simm.s32 @p2 $0x1  }
0x17: {  	s4 =	simm.s32 $0x1BF5;
	[smem:$0x3FB4] =	sst s0  }
0x18: {  	s0 =	sld [smem:$0x3F97];
	_ =	swait.ge [sflag:s4], $0x0  }
0x19: {  	s7 =	sld [smem:$0x3F98]  }
0x1a: {  	s8 =	sadd.s32 $0xFFFFE003, lr  }
0x1b: {  	s9 =	sadd.s32 $0xFFFFFEF7, lr;
	s5 =	simm.s32 $0xFFFFFFFF;
	p2 =	slt.u32 s8, $0xFFFFF086  }
0x1c: {  	p1 =	slt.u32 s9, $0xF7A;
	s5 =	simm.s32 @!p2 $0x0  }
0x1d: {  	s5 =	simm.s32 @p1 $0x1;
	p0 =	seq.s32 s7, s2  }
0x1e: {  	s7 =	smul.u32 @!p0 $0xF7A, s2;
	p2 =	seq.s32 @!p0 s5, $0x0  }
0x1f: {  	s9 =	smul.u32 $0xF7A, s1;
	s8 =	simm.s32 @!p0 $0x1BF5;
	p2 =	por !p2, p0  }
0x20: {  	[sflag:s8] =	ssyncset.s32 @!p0 $0xFFFFF086;
	s6 =	sadd.s32 @!p0 s3, s7;
	s7 =	simm.s32 @!p0 $0x108  }
0x21: {  	s3 =	sadd.s32 s3, s9;
	s6 =	sadd.s32 @!p0 $0x88, s6;
	s7 =	simm.s32 @p2 $0x1082  }
0x22: {  	[simem:s7], [sflag:s8] =	dma.local @!p0 [hbm:s6], $0xF7A  }
0x23: {  	s9 =	sor.u32 $0xD0000000, s2;
	s6 =	simm.s32 $0x108;
	_ =	swait.ge @!p0 [sflag:s8], $0x0  }
0x24: {  	s3 =	sadd.s32 $0x88, s3;
	s6 =	simm.s32 @!p1 $0x1082;
	[sflag:s4] =	ssyncset.s32 $0xFFFFF086  }
0x25: {  	[simem:s6], [sflag:s4] =	dma.local [hbm:s3], $0xF7A  }
0x26: {  	[smem:$0x3F98] =	sst s1;
	(tag) =	ssettag s2;
	_ =	strace s9  }
0x27: {  	s1 =	sld [smem:$0x3FA8]  }
0x28: {  	s2 =	sld [smem:$0x3FA9]  }
0x29: {  	s4 =	sld [smem:$0x3FAB]  }
0x2a: {  	p0 =	seq.s32 s5, $0x0;
	s5 =	sld [smem:$0x3FAC]  }
0x2b: {  	s6 =	sld [smem:$0x3FAD]  }
0x2c: {  	s7 =	sld [smem:$0x3FAE]  }
0x2d: {  	s3 =	simm.s32 $0x108;
	s8 =	sld [smem:$0x3FAF]  }
0x2e: {  	s3 =	simm.s32 @!p0 $0x1082;
	s9 =	sld [smem:$0x3FB0]  }
0x2f: {  	lr =	sadd.s32 s0, s3;
	s0 =	sld [smem:$0x3FA7]  }
0x30: {  	s3 =	sld [smem:$0x3FAA]  }
0x31: {  	[smem:$0x3FB3] =	sst s10  }
0x32: {  	s10 =	sld [smem:$0x3FB1];
	_ =	sdelay $0x3  }
0x33: {  	p0 =	seq.s32 s10, $0x1;
	s10 =	sld [smem:$0x3FB3];
	_ =	sdelay $0x3  }
0x34: {  	[smem:$0x3FB3] =	sst s10  }
0x35: {  	s10 =	sld [smem:$0x3FB2];
	_ =	sdelay $0x3  }
0x36: {  	p1 =	seq.s32 s10, $0x1;
	s10 =	sld [smem:$0x3FB3];
	_ =	sdelay $0x3  }
0x37: {  	[smem:$0x3FB3] =	sst s10  }
0x38: {  	s10 =	sld [smem:$0x3FB4]  }
0x39: {  	_ = 	snop;
	(pc) =	sbr.ind lr, $3  }
0x3a: {  	_ = 	snop  }
0x3b: {  	_ = 	snop  }
0x3c: {  	p2 =	seq.s32 s10, $0x1;
	s10 =	sld [smem:$0x3FB3]  }
0x3d: {  	_ =	shalt  }
0x3e: {  	_ =	shalt  }
0x3f: {  	_ =	shalt  }
0x40: {  	_ =	shalt  }
0x41: {  	_ =	shalt  }
0x42: {  	_ =	shalt  }
0x43: {  	_ =	shalt  }
0x44: {  	_ =	shalt  }
0x45: {  	_ =	shalt  }
0x46: {  	_ =	shalt  }
0x47: {  	_ =	shalt  }
0x48: {  	_ =	shalt  }
0x49: {  	_ =	shalt  }
0x4a: {  	_ =	shalt  }
0x4b: {  	_ =	shalt  }
0x4c: {  	_ =	shalt  }
0x4d: {  	_ =	shalt  }
0x4e: {  	_ =	shalt  }
0x4f: {  	_ =	shalt  }
0x50: {  	_ =	shalt  }
0x51: {  	_ =	shalt  }
0x52: {  	_ =	shalt  }
0x53: {  	_ =	shalt  }
0x54: {  	_ =	shalt  }
0x55: {  	_ =	shalt  }
0x56: {  	_ =	shalt  }
0x57: {  	_ =	shalt  }
0x58: {  	_ =	shalt  }
0x59: {  	_ =	shalt  }
0x5a: {  	_ =	shalt  }
0x5b: {  	_ =	shalt  }
0x5c: {  	_ =	shalt  }
0x5d: {  	_ =	shalt  }
0x5e: {  	_ =	shalt  }
0x5f: {  	_ =	shalt  }
0x60: {  	_ =	shalt  }
0x61: {  	_ =	shalt  }
0x62: {  	_ =	shalt  }
0x63: {  	_ =	shalt  }
0x64: {  	_ =	shalt  }
0x65: {  	_ =	shalt  }
0x66: {  	_ =	shalt  }
0x67: {  	_ =	shalt  }
0x68: {  	_ =	shalt  }
0x69: {  	_ =	shalt  }
0x6a: {  	_ =	shalt  }
0x6b: {  	_ =	shalt  }
0x6c: {  	_ =	shalt  }
0x6d: {  	_ =	shalt  }
0x6e: {  	_ =	shalt  }
0x6f: {  	_ =	shalt  }
0x70: {  	_ =	shalt  }
0x71: {  	_ =	shalt  }
0x72: {  	_ =	shalt  }
0x73: {  	_ =	shalt  }
0x74: {  	_ =	shalt  }
0x75: {  	_ =	shalt  }
0x76: {  	_ =	shalt  }
0x77: {  	_ =	shalt  }
0x78: {  	_ =	shalt  }
0x79: {  	_ =	shalt  }
0x7a: {  	_ =	shalt  }
0x7b: {  	_ =	shalt  }
0x7c: {  	_ =	shalt  }
0x7d: {  	_ =	shalt  }
0x7e: {  	_ =	shalt  }
0x7f: {  	_ =	shalt  }
0x80: {  	_ =	shalt  }
0x81: {  	_ =	shalt  }
0x82: {  	_ =	shalt  }
0x83: {  	_ =	shalt  }
0x84: {  	_ =	shalt  }
0x85: {  	_ =	shalt  }
0x86: {  	_ =	shalt  }
0x87: {  	_ =	shalt  }
.Lfunc_end0:
.L_simem_size_0:
called_computation_lowered:
.L_overlay_start_0:
0x88: {  	s2 =	sld [smem:$0x3FD9]  }
0x89: {  	s3 =	sld [smem:$0x3FFE];
	_ =	sdelay $0x1  }
0x8a: {  	s1 =	srdreg.scid  }
0x8b: {  	s0 =	sand.u32 $0x1, s1  }
0x8c: {  	s17 =	sshll.u32 s0, $0xA;
	s2 =	sadd.s32 s3, s2  }
0x8d: {  	s2 =	sadd.s32 s2, s17  }
0x8e: {  	[smem:$0x3FBF] =	sst s2  }
0x8f: {  	_ = 	snop  }
0x90: {  	s2 =	sld [smem:$0x3FC9]  }
0x91: {  	s18 =	sld [smem:$0x3FC6];
	(tm) =	ssettm $0x1  }
0x92: {  	s4 =	sld [smem:$0x3FFB];
	_ =	sdelay $0x3  }
0x93: {  	_ =	strace s4  }
0x94: {  	s4 =	sld [smem:$0x3FFC];
	_ =	sdelay $0x3  }
0x95: {  	_ =	strace s4  }
0x96: {  	s4 =	sld [smem:$0x3FFD];
	_ =	sdelay $0x3  }
0x97: {  	_ =	strace s4  }
0x98: {  	_ =	strace $0x8FFFFFFF  }
0x99: {  	s19 =	sld [smem:$0x3FDB];
	_ =	sdelay $0x1  }
0x9a: {  	s5 =	simm.s32 $_scs_section_size  }
0x9b: {  	s6 =	simm.s32 $_size__tile_overlayer_lowered;
	s7 =	simm.s32 $_tile_overlayer_lowered  }
0x9c: {  	s22 =	simm.s32 $0x1BFF;
	s21 =	sshll.u32 s7, $0x1;
	s4 =	sadd.s32 s5, s19  }
0x9d: {  	s8 =	simm.s32 $0x0;
	s20 =	sshll.u32 s6, $0x1;
	s6 =	sadd.s32 s21, s4  }
0x9e: {  	[timem:s8], [sflag:s22] =	dma.local [hbm:s6], s20  }
0x9f: {  	_ =	swait.ge [sflag:s22], s20  }
0xa0: {  	s5 =	ssub.s32 $0x0, s20;
	[sflag:s22] =	ssyncset.done $0x0  }
0xa1: {  	[sflag:s22] =	ssyncadd.s32 s5;
	_ =	sdelay $0x1  }
0xa2: {  	s23 =	simm.s32 $0x1B8B  }
0xa3: {  	_ =	swait.ge [sflag:s23], $0x1  }
0xa4: {  	[sflag:s23] =	ssyncset.done $0x0  }
0xa5: {  	s25 =	simm.s32 $0x1B8E;
	s24 =	sld [smem:$0x3FFE];
	[sflag:s23] =	ssyncadd.s32 $0xFFFFFFFF  }
0xa6: {  	s26 =	simm.s32 $execute0_lowered;
	[smem:$0x3FD2] =	sst s25  }
0xa7: {  	s6 =	sshll.u32 s26, $0x1;
	_ =	strace $0x80000046;
	[dreg:$0x1] =	wrdreg $0xFFFFFFFF  }
0xa8: {  	s28 =	simm.s32 $_size_execute0_lowered;
	s4 =	sadd.s32 s4, s6;
	[dreg:$0x0] =	wrdreg $0x0  }
0xa9: {  	s6 =	sshll.u32 s28, $0x1;
	[dreg:$0x2] =	wrdreg s4  }
0xaa: {  	[dreg:$0x3] =	wrdreg s6  }
0xab: {  	[dreg:$0x4] =	wrdreg $0xC0  }
0xac: {  	_ =	task [dreg:s8], $0x5FFFF  }
0xad: {  	[dreg:$0x1] =	wrdreg $0xFFFFFFFF  }
0xae: {  	[dreg:$0x0] =	wrdreg $0x60  }
0xaf: {  	[dreg:$0x2] =	wrdreg s2  }
0xb0: {  	[dreg:$0x3] =	wrdreg s18  }
0xb1: {  	[dreg:$0x4] =	wrdreg s24  }
0xb2: {  	[dreg:$0x5] =	wrdreg $0x9  }
0xb3: {  	_ =	task.clear_ibuf [dreg:s8], $0x6FFFF;
	_ =	strace $0x90000046  }
0xb4: {  	s29 =	simm.s32 $0x9;
	_ =	strace $0x80000048  }
0xb5: {  	_ =	swait.ge [sflag:s29], $0x1  }
0xb6: {  	[sflag:s29] =	ssyncadd.s32 $0xFFFFFFFF  }
0xb7: {  	_ =	strace $0x90000048  }
0xb8: {  	_ =	sfence  }
0xb9: {  	s30 =	sld [smem:$0x0];
	_ =	sdelay $0x2  }
0xba: {  	s31 =	sshll.u32 s1, $0xD;
	s1 =	sshrl.u32 s1, $0x2  }
0xbb: {  	s3 =	sand.u32 $0x4000, s31;
	s1 =	sadd.s32 s1, s30  }
0xbc: {  	s0 =	sor.u32 s3, s0;
	s1 =	sshll.u32 s1, $0x11  }
0xbd: {  	s0 =	sor.u32 s1, s0  }
0xbe: {  	s0 =	sadd.s32 $0x8F2B, s0  }
0xbf: {  	[sflag:s0] =	ssyncadd.remote.s32 $0x1  }
0xc0: {  	_ =	sfence.sel $0xFFFF  }
0xc1: {  	[dreg:$0x0] =	wrdreg $0xFFFFFFFF;
	(pc) =	sbr.abs _section_cstart, $3  }
0xc2: {  	[dreg:$0x1] =	wrdreg $0xFFFFFFFF  }
0xc3: {  	_ =	task.clear_ibuf [dreg:s8], $0x2FFFF;
	_ =	strace $0x9FFFFFFF  }
0xc4: {  	(tm) =	ssettm $0x7FFFFFFF  }
0xc5: {  	_ =	shalt  }
tec
execute0_lowered:
.L_overlay_start_1:
0x0: {  	(tag) =	ssettag $0x1  }
0x1: {  	s4 =	rddreg [dreg:$0x0]  }
0x2: {  	s1 =	rddreg [dreg:$0x1]  }
0x3: {  	s14 =	rddreg [dreg:$0x2];
	s2 =	srdreg.scid  }
0x4: {  	s0 =	rddreg [dreg:$0x3];
	s15 =	sand.u32 $0x1, s2  }
0x5: {  	s3 =	simm.s32 $0x0;
	s2 =	stileid.u32;
	s5 =	sshll.u32 s15, $0x6  }
0x6: {  	[smem:$0x7FF] =	sst s3;
	s6 =	sshll.u32 s2, $0x7;
	s4 =	sadd.s32 s4, s5  }
0x7: {  	_ =	strace $0x80000047;
	s5 =	sadd.s32 s6, s4;
	s4 =	simm.s32 $0x2  }
0x8: {  	[tilespmem:s3], [sflag:$0x2] =	stream.linear.gather [hbm4b:s5+s3], $0x200, $0x38;
	[tilespmem:$0x10200] =	vst v63  }
0x9: {  	_ =	swait.ge [sflag:s4], $0x200  }
0xa: {  	[sflag:s4] =	ssyncset.done $0x0  }
0xb: {  	s7 =	simm.s32 $0x200;
	s6 =	simm.s32 $0x80;
	[sflag:s4] =	ssyncadd.s32 $0xFFFFFE00  }
0xc: {  	[tilespmem:s7], [sflag:$0x1] =	stream.indirect.gather [hbm4b:s1+s6], $0x80, s3, s6, $0xb8;
	[tilespmem:$0x10200] =	vst v63  }
0xd: {  	s8 =	simm.s32 $0x4200  }
0xe: {  	[tilespmem:s8], [sflag:$0x1] =	stream.indirect.gather [hbm4b:s1+s6], $0x80, s6, s6, $0xb8;
	[tilespmem:$0x10200] =	vst v63  }
0xf: {  	s9 =	simm.s32 $0x100;
	s10 =	simm.s32 $0x8200  }
0x10: {  	[tilespmem:s10], [sflag:$0x1] =	stream.indirect.gather [hbm4b:s1+s6], $0x80, s9, s6, $0xb8;
	[tilespmem:$0x10200] =	vst v63  }
0x11: {  	s11 =	simm.s32 $0x180;
	s12 =	simm.s32 $0xC200;
	s13 =	simm.s32 $0x1  }
0x12: {  	[tilespmem:s12], [sflag:$0x1] =	stream.indirect.gather [hbm4b:s1+s6], $0x80, s11, s6, $0xb8;
	[tilespmem:$0x10200] =	vst v63  }
0x13: {  	_ =	swait.ge [sflag:s13], $0x4000  }
0x14: {  	[sflag:s13] =	ssyncset.done $0x0  }
0x15: {  	[sflag:s13] =	ssyncadd.s32 $0xFFFFC000  }
0x16: {  	_ =	swait.ge [sflag:s13], $0x4000  }
0x17: {  	[sflag:s13] =	ssyncset.done $0x0  }
0x18: {  	s16 =	sshll.u32 s15, $0xD;
	s15 =	ssub.s32 $0x2, s15;
	[sflag:s13] =	ssyncadd.s32 $0xFFFFC000  }
0x19: {  	s31 =	sshrl.u32 s15, $0x1;
	_ =	swait.ge [sflag:s13], $0x4000  }
0x1a: {  	s15 =	ssub.s32 s15, s31;
	[sflag:s13] =	ssyncset.done $0x0  }
0x1b: {  	s17 =	sshll.u32 s2, $0xE;
	s15 =	smax.u32 s15, $0x1;
	[sflag:s13] =	ssyncadd.s32 $0xFFFFC000  }
0x1c: {  	s14 =	sadd.s32 s16, s14;
	p0 =	sne.s32 s15, $0x1;
	_ =	swait.ge [sflag:s13], $0x4000  }
.Ltmp0:
0x1d: {  	s14 =	sadd.s32 s17, s14;
	[sflag:s13] =	ssyncset.done $0x0;
	(pc) =	sbr.rel @!p0 .LBB2_2-.Ltmp0, $4  }
0x1e: {  	s14 =	sadd.s32 $0x2000, s14;
	[sflag:s13] =	ssyncadd.s32 $0xFFFFC000  }
0x1f: {  	[hbm4b:s14+s3] =	stream.linear.scatter [tilespmem:s7], [sflag:$0x2], $0x10000, $0x38;
	[tilespmem:$0x10200] =	vst v63  }
0x20: {  	_ =	swait.ge [sflag:s4], $0x10000  }
0x21: {  	s15 =	sadd.s32 $0xFFFFFFFF, s15;
	[sflag:s4] =	ssyncset.done $0x0  }
.LBB2_1:
0x22: {  	p0 =	sne.s32 s15, $0x1;
	s15 =	sadd.s32 $0xFFFFFFFF, s15;
	[sflag:s4] =	ssyncadd.s32 $0xFFFF0000  }
0x23: {  	[tilespmem:s3], [sflag:$0x2] =	stream.linear.gather [hbm4b:s5+s3], $0x200, $0x38;
	[tilespmem:$0x10200] =	vst v63  }
0x24: {  	_ =	swait.ge [sflag:s4], $0x200  }
0x25: {  	[sflag:s4] =	ssyncset.done $0x0  }
0x26: {  	[sflag:s4] =	ssyncadd.s32 $0xFFFFFE00  }
0x27: {  	[tilespmem:s7], [sflag:$0x1] =	stream.indirect.gather [hbm4b:s1+s6], $0x80, s3, s6, $0xb8;
	[tilespmem:$0x10200] =	vst v63  }
0x28: {  	_ = 	snop  }
0x29: {  	[tilespmem:s8], [sflag:$0x1] =	stream.indirect.gather [hbm4b:s1+s6], $0x80, s6, s6, $0xb8;
	[tilespmem:$0x10200] =	vst v63  }
0x2a: {  	_ = 	snop  }
0x2b: {  	[tilespmem:s10], [sflag:$0x1] =	stream.indirect.gather [hbm4b:s1+s6], $0x80, s9, s6, $0xb8;
	[tilespmem:$0x10200] =	vst v63  }
0x2c: {  	_ = 	snop  }
0x2d: {  	[tilespmem:s12], [sflag:$0x1] =	stream.indirect.gather [hbm4b:s1+s6], $0x80, s11, s6, $0xb8;
	[tilespmem:$0x10200] =	vst v63  }
0x2e: {  	_ =	swait.ge [sflag:s13], $0x4000  }
0x2f: {  	[sflag:s13] =	ssyncset.done $0x0  }
0x30: {  	[sflag:s13] =	ssyncadd.s32 $0xFFFFC000  }
0x31: {  	_ =	swait.ge [sflag:s13], $0x4000  }
0x32: {  	[sflag:s13] =	ssyncset.done $0x0  }
0x33: {  	[sflag:s13] =	ssyncadd.s32 $0xFFFFC000  }
0x34: {  	_ =	swait.ge [sflag:s13], $0x4000  }
0x35: {  	[sflag:s13] =	ssyncset.done $0x0  }
0x36: {  	[sflag:s13] =	ssyncadd.s32 $0xFFFFC000  }
0x37: {  	_ =	swait.ge [sflag:s13], $0x4000  }
.Ltmp1:
0x38: {  	[sflag:s13] =	ssyncset.done $0x0;
	(pc) =	sbr.rel @p0 .LBB2_1-.Ltmp1, $4  }
0x39: {  	[sflag:s13] =	ssyncadd.s32 $0xFFFFC000  }
0x3a: {  	[hbm4b:s14+s3] =	stream.linear.scatter [tilespmem:s7], [sflag:$0x2], $0x10000, $0x38;
	[tilespmem:$0x10200] =	vst v63  }
0x3b: {  	_ =	swait.ge [sflag:s4], $0x10000  }
0x3c: {  	[sflag:s4] =	ssyncset.done $0x0  }
.LBB2_2:
0x3d: {  	[sflag:s4] =	ssyncadd.s32 $0xFFFF0000  }
0x3e: {  	_ =	sfence.sel $0x180000  }
0x3f: {  	[bflag:$0x0] =	sbarrier.arrive $0xFFFF  }
0x40: {  	p0 =	sne.s32 s2, $0x0;
	_ =	strace $0x90000047  }
0x41: {  	s0 =	sadd.s32 @!p0 $0x100000, s0;
	[bflag:$0x2] =	sbarrier.arrive $0xFFFF  }
0x42: {  	[sflag:s0] =	ssyncadd.tile.s32 @!p0 $0x1;
	_ =	shalt  }
.Lfunc_end2:
_tile_overlayer_lowered:
.L_overlay_start_2:
0x43: {  	(tag) =	ssettag $0x2  }
0x44: {  	s0 =	rddreg [dreg:$0x0];
	s2 =	stileid.u32  }
0x45: {  	s1 =	rddreg [dreg:$0x1];
	p0 =	sne.s32 s2, $0x0  }
0x46: {  	s3 =	rddreg [dreg:$0x2];
	[bflag:$0x3] =	sbarrier.arrive $0xFFFF;
	s2 =	simm.s32 @!p0 $0x1C02  }
0x47: {  	[timem:s3], [sflag:s2] =	dma.local @!p0 [hbm:s0], s1  }
0x48: {  	s0 =	simm.s32 @!p0 $0x2  }
0x49: {  	_ =	swait.ge @!p0 [sflag:s0], s1  }
0x4a: {  	s1 =	ssub.s32 @!p0 $0x0, s1;
	[sflag:s0] =	ssyncset.done @!p0 $0x0  }
0x4b: {  	[sflag:s0] =	ssyncadd.s32 @!p0 s1  }
0x4c: {  	[bflag:$0x3] =	sbarrier.arrive $0xFFFF  }
0x4d: {  	_ =	shalt  }

</sc_bundles>
